<compile_context>
chip_gen: v7x
topology: tpu7x:2x2x1
jax: 0.10.2.dev20260603
libtpu: 0.0.44.dev20260713+nightly
codegen_flags: <defaults>
</compile_context>

<pallas_src>
import functools

import jax
import jax.numpy as jnp
from jax import lax
from jax.experimental import pallas as pl
from jax.experimental.pallas import tpu as pltpu
from jax.experimental.pallas import tpu_sc as plsc

N_MESH = 128
N_CH = 16
N_ATOMS_PAD = 100352
SHARE = N_ATOMS_PAD // 16
CHUNKS = SHARE // 16
XW = 2
N_PASS = N_MESH // (2 * XW)
PLANE = N_MESH * N_MESH
WROWS = XW * PLANE
TSH = WROWS // 16
ZROWS = 128
TROWS = 1024
RC = float(2 ** 23)

_GDN = lax.GatherDimensionNumbers(
    offset_dims=(), collapsed_slice_dims=(0,), start_index_map=(0,))


def _permute(v, idx):
  return lax.gather(v, idx[:, None], dimension_numbers=_GDN,
                    slice_sizes=(1,),
                    mode=lax.GatherScatterMode.PROMISE_IN_BOUNDS)


def _bcast_lane(v, a):
  return _permute(v, jnp.full((16,), a, jnp.int32))


def _prefix_sum(x):
  lane = lax.iota(jnp.int32, 16)
  for k in (1, 2, 4, 8):
    sh = _permute(x, jnp.maximum(lane - k, 0))
    x = x + jnp.where(lane >= k, sh, 0)
  return x


@functools.partial(
    pl.kernel,
    mesh=plsc.VectorSubcoreMesh(core_axis_name="c", subcore_axis_name="s"),
    out_type=jax.ShapeDtypeStruct((N_CH * N_MESH ** 3,), jnp.float32),
    compiler_params=pltpu.CompilerParams(use_tc_tiling_on_sc=False,
                                         needs_layout_passes=False),
    scratch_types=[
        pltpu.VMEM_SHARED((WROWS, N_CH), jnp.float32),
        pltpu.VMEM((SHARE * 3,), jnp.float32),
        pltpu.VMEM((16,), jnp.float32),
        pltpu.VMEM((SHARE,), jnp.int32),
        pltpu.VMEM((SHARE,), jnp.int32),
        pltpu.VMEM((SHARE,), jnp.float32),
        pltpu.VMEM((SHARE,), jnp.float32),
        pltpu.VMEM((SHARE,), jnp.float32),
        pltpu.VMEM((SHARE + 16,), jnp.int32),
        pltpu.VMEM((128,), jnp.int32),
        pltpu.VMEM((128, N_CH), jnp.float32),
        pltpu.VMEM((128, N_CH), jnp.float32),
        pltpu.VMEM((128,), jnp.int32),
        pltpu.VMEM((ZROWS, N_CH), jnp.float32),
        pltpu.VMEM((TROWS, N_CH), jnp.float32),
        pltpu.VMEM((N_CH, TROWS), jnp.float32),
        pltpu.SemaphoreType.DMA,
    ],
)
def _deposit(pos_hbm, emb_hbm, sp_hbm, out_hbm,
             window, pv, spv, pkv, widv, lxv, lyv, lzv, lidv,
             gidxb, embb, stage, idx_buf, zbuf, wbuf, tbuf, sem):
  c = lax.axis_index("c")
  s = lax.axis_index("s")
  a0 = s * SHARE

  pltpu.sync_copy(pos_hbm.at[pl.ds(a0 * 3, SHARE * 3)], pv)
  pltpu.sync_copy(sp_hbm, spv)

  def zrow(i, carry):
    zbuf[i] = jnp.zeros((N_CH,), jnp.float32)
    return carry
  lax.fori_loop(0, ZROWS, zrow, 0)

  spacing = spv[...]
  lane = lax.iota(jnp.int32, 16)

  def pre_chunk(i, carry):
    b = i * 16
    r3 = (b + lane) * 3
    pcx = plsc.load_gather(pv, [r3]) / spacing
    pcy = plsc.load_gather(pv, [r3 + 1]) / spacing
    pcz = plsc.load_gather(pv, [r3 + 2]) / spacing
    fx = (pcx + RC) - RC
    fy = (pcy + RC) - RC
    fz = (pcz + RC) - RC
    ix = fx.astype(jnp.int32) & (N_MESH - 1)
    iy = fy.astype(jnp.int32) & (N_MESH - 1)
    iz = fz.astype(jnp.int32) & (N_MESH - 1)
    lxv[pl.ds(b, 16)] = pcx - fx
    lyv[pl.ds(b, 16)] = pcy - fy
    lzv[pl.ds(b, 16)] = pcz - fz
    pkv[pl.ds(b, 16)] = ix | (iy << 7) | (iz << 14)
    w1 = ix >> 1
    w2 = (w1 + 1) & 63
    cand = jnp.where((w1 & 1) == c, w1, w2)
    widv[pl.ds(b, 16)] = jnp.where(
        (ix & 1) == 1, cand >> 1,
        jnp.where((w1 & 1) == c, w1 >> 1, 63))
    return carry
  lax.fori_loop(0, CHUNKS, pre_chunk, 0)

  def one_pass(p, carry):
    x0 = (2 * p + c) * XW

    for k in range(TSH // ZROWS):
      pltpu.sync_copy(zbuf, window.at[pl.ds(s * TSH + k * ZROWS, ZROWS)])
    plsc.subcore_barrier()

    def scan_chunk(i, cnt):
      b = i * 16
      m = widv[pl.ds(b, 16)] == p
      incl = _prefix_sum(m.astype(jnp.int32))
      pos = jnp.where(m, jnp.maximum(cnt + incl - 1, 0), SHARE)
      plsc.store_scatter(lidv, [pos], b + lane)
      return cnt + _bcast_lane(incl, 15)

    cnt = lax.fori_loop(0, CHUNKS, scan_chunk,
                        jnp.zeros((16,), jnp.int32))

    def dep_group(g):
      b = g * 16
      valid = (b + lane) < cnt
      lid = jnp.where(valid, lidv[pl.ds(b, 16)], 0)
      pk = plsc.load_gather(pkv, [lid])
      lx = plsc.load_gather(lxv, [lid])
      ly = plsc.load_gather(lyv, [lid])
      lz = plsc.load_gather(lzv, [lid])
      gidxb[pl.ds(0, 16)] = a0 + lid
      pltpu.async_copy(emb_hbm.at[gidxb.at[pl.ds(0, 16)]],
                       embb.at[pl.ds(0, 16)], sem).wait()
      ix = pk & (N_MESH - 1)
      y0 = (pk >> 7) & (N_MESH - 1)
      z0 = (pk >> 14) & (N_MESH - 1)
      d = (ix - x0 + 1) & (N_MESH - 1)
      vmask = valid.astype(jnp.float32)
      wxs = (jnp.where(d >= 1, lx, 0.0) * vmask,
             jnp.where(d <= XW - 1, 1.0 - lx, 0.0) * vmask)
      wys = (ly, 1.0 - ly)
      wzs = (lz, 1.0 - lz)
      ys = (y0 * N_MESH, ((y0 + 1) & (N_MESH - 1)) * N_MESH)
      zs = (z0, (z0 + 1) & (N_MESH - 1))
      rs = (jnp.clip(d - 1, 0, XW - 1) * PLANE,
            jnp.clip(d, 0, XW - 1) * PLANE)
      j = 0
      for dx in range(2):
        for dy in range(2):
          for dz in range(2):
            wj = (wxs[dx] * wys[dy]) * wzs[dz]
            idx_buf[pl.ds(j * 16, 16)] = rs[dx] + ys[dy] + zs[dz]
            for a in range(16):
              stage[j * 16 + a] = embb[a] * _bcast_lane(wj, a)
            j += 1
      pltpu.sync_copy(stage, window.at[idx_buf], add=True)
      return g + 1

    lax.while_loop(lambda g: jnp.any((g * 16 + lane) < cnt),
                   dep_group, jnp.int32(0))
    plsc.subcore_barrier()

    for k in range(TSH // TROWS):
      pltpu.sync_copy(window.at[pl.ds(s * TSH + k * TROWS, TROWS)], wbuf)

      def trow(r, carry):
        plsc.store_scatter(tbuf, [lane, lane * 0 + r], wbuf[r])
        return carry

      lax.fori_loop(0, TROWS, trow, 0)
      base = x0 * PLANE + s * TSH + k * TROWS
      hs = [pltpu.async_copy(tbuf.at[cc],
                             out_hbm.at[pl.ds(cc * N_MESH ** 3 + base,
                                              TROWS)],
                             sem) for cc in range(N_CH)]
      for h in hs:
        h.wait()
    plsc.subcore_barrier()
    return carry

  lax.fori_loop(0, N_PASS, one_pass, 0)


def kernel(positions, embeddings, cell, species):
  box_size = jnp.trace(cell) / 3.0
  spacing = (box_size / N_MESH).astype(jnp.float32)
  sp_v = jnp.full((16,), spacing, jnp.float32)
  pad = N_ATOMS_PAD - positions.shape[0]
  pos = jnp.pad(positions, ((0, pad), (0, 0)))
  emb = jnp.pad(embeddings, ((0, pad), (0, 0)))
  mesh = _deposit(pos.reshape(-1), emb, sp_v)
  return mesh.reshape(N_CH, N_MESH, N_MESH, N_MESH)

# --- scband reference (transcript-rebuilt; emitter-appended) ---
"""Pipeline reference for scband-field-builder-6502580486147 (READ-ONLY COPY).

The authoritative reference and input builder live on the scoring server;
editing this copy changes nothing except your own understanding.
"""

import jax, jax.numpy as jnp
import numpy as np

MESH_RESOLUTION = 0.1
BOX = 12.8
N_ATOMS = 100000
N_CHANNELS = 16


def setup_inputs(seed: int = 0) -> dict:
    key = jax.random.key(seed)
    k1, k2, k3 = jax.random.split(key, 3)
    positions = jax.random.uniform(k1, (N_ATOMS, 3), dtype=jnp.float32) * BOX
    embeddings = jax.random.normal(k2, (N_ATOMS, N_CHANNELS), dtype=jnp.float32)
    species = jax.random.randint(k3, (N_ATOMS,), 0, 16, dtype=jnp.int32)
    cell = jnp.eye(3, dtype=jnp.float32) * BOX  # cubic box required by Mesh
    return {"positions": positions, "embeddings": embeddings, "cell": cell, "species": species}


def reference(positions, embeddings, cell, species):
    # Mesh setup (cubic box)
    box_size = jnp.trace(cell) / 3.0
    n_mesh = 2 * int(round(BOX / (2 * MESH_RESOLUTION)))
    spacing = box_size / n_mesh
    n_channels = embeddings.shape[1]

    # FieldBuilder.compute, mesh_interpolation_order == 2 (CIC / trilinear deposit)
    positions_cell = positions / spacing
    positions_cell_idx = jnp.round(positions_cell).astype(jnp.int32)
    l_dist = positions_cell - positions_cell_idx
    r_dist = 1.0 - l_dist

    ix = positions_cell_idx[:, 0]
    iy = positions_cell_idx[:, 1]
    iz = positions_cell_idx[:, 2]
    eT = embeddings.T  # (C, N_atoms)

    w = jnp.zeros((n_channels, n_mesh, n_mesh, n_mesh), dtype=positions.dtype)
    # offset 0 -> l_dist weight, offset 1 -> r_dist weight (matches torch frac_000..frac_111)
    for dx, wx in ((0, l_dist[:, 0]), (1, r_dist[:, 0])):
        for dy, wy in ((0, l_dist[:, 1]), (1, r_dist[:, 1])):
            for dz, wz in ((0, l_dist[:, 2]), (1, r_dist[:, 2])):
                frac = wx * wy * wz  # (N_atoms,)
                w = w.at[:, (ix + dx) % n_mesh, (iy + dy) % n_mesh, (iz + dz) % n_mesh].add(frac * eT)
    return w

if __name__ == "__main__":
    import jax
    _d = setup_inputs()
    print(jax.jit(kernel)(*tuple(_d.values())))

</pallas_src>

<mosaic_0001>
#map = affine_map<(d0, d1) -> (0)>
#map1 = affine_map<(d0, d1) -> (0, 0)>
module attributes {stable_mosaic.version = 14 : i64} {
  func.func @_deposit(%arg0: i32, %arg1: i32, %arg2: memref<301056xf32, #tpu.memory_space<hbm>>, %arg3: memref<100352x16xf32, #tpu.memory_space<hbm>>, %arg4: memref<16xf32, #tpu.memory_space<hbm>>, %arg5: memref<33554432xf32, #tpu.memory_space<hbm>>, %arg6: memref<32768x16xf32, #tpu.memory_space<vmem_shared>>, %arg7: memref<18816xf32, #tpu.memory_space<vmem>>, %arg8: memref<16xf32, #tpu.memory_space<vmem>>, %arg9: memref<6272xi32, #tpu.memory_space<vmem>>, %arg10: memref<6272xi32, #tpu.memory_space<vmem>>, %arg11: memref<6272xf32, #tpu.memory_space<vmem>>, %arg12: memref<6272xf32, #tpu.memory_space<vmem>>, %arg13: memref<6272xf32, #tpu.memory_space<vmem>>, %arg14: memref<6288xi32, #tpu.memory_space<vmem>>, %arg15: memref<128xi32, #tpu.memory_space<vmem>>, %arg16: memref<128x16xf32, #tpu.memory_space<vmem>>, %arg17: memref<128x16xf32, #tpu.memory_space<vmem>>, %arg18: memref<128xi32, #tpu.memory_space<vmem>>, %arg19: memref<128x16xf32, #tpu.memory_space<vmem>>, %arg20: memref<1024x16xf32, #tpu.memory_space<vmem>>, %arg21: memref<16x1024xf32, #tpu.memory_space<vmem>>, %arg22: memref<!tpu.dma_semaphore, #tpu.memory_space<semaphore_mem>>) attributes {dimension_semantics = [#tpu.dimension_semantics<core_parallel>, #tpu.dimension_semantics<subcore_parallel>], iteration_bounds = array<i64: 2, 16>, scalar_prefetch = 0 : i64, scratch_operands = 17 : i64, tpu.core_type = #tpu.core_type<sc_vector_subcore>, window_params = [{transform_indices = #map}, {transform_indices = #map1}, {transform_indices = #map}, {transform_indices = #map}]} {
    %mul3A = arith.constant 6272 : i32
    %mul3A_0 = arith.muli %arg1, %mul3A : i32
    %mul3A_1 = arith.constant 3 : i32
    %mul3A_2 = arith.muli %mul3A_0, %mul3A_1 : i32
    "tpu.region"() ({
      %run_scoped3A = tpu.sem_alloc : memref<!tpu.dma_semaphore, #tpu.memory_space<semaphore_mem>>
      %dma_start3A = tpu.memref_slice %arg2[%mul3A_2] : memref<301056xf32, #tpu.memory_space<hbm>> -> memref<18816xf32, #tpu.memory_space<hbm>>
      %dma_start3A_21 = tpu.memref_slice %arg2[%mul3A_2] : memref<301056xf32, #tpu.memory_space<hbm>> -> memref<18816xf32, #tpu.memory_space<hbm>>
      tpu.enqueue_dma source(%dma_start3A_21 : memref<18816xf32, #tpu.memory_space<hbm>>) target(%arg7 : memref<18816xf32, #tpu.memory_space<vmem>>) target_semaphore(%run_scoped3A : memref<!tpu.dma_semaphore, #tpu.memory_space<semaphore_mem>>)
      %dma_wait3A = tpu.memref_slice %arg2[%mul3A_2] : memref<301056xf32, #tpu.memory_space<hbm>> -> memref<18816xf32, #tpu.memory_space<hbm>>
      %dma_wait3A_22 = tpu.memref_slice %arg2[%mul3A_2] : memref<301056xf32, #tpu.memory_space<hbm>> -> memref<18816xf32, #tpu.memory_space<hbm>>
      tpu.wait_dma2 semaphore(%run_scoped3A : memref<!tpu.dma_semaphore, #tpu.memory_space<semaphore_mem>>) src(%dma_wait3A_22 : memref<18816xf32, #tpu.memory_space<hbm>>) dst(%arg7 : memref<18816xf32, #tpu.memory_space<vmem>>)
      tpu.yield
    }) : () -> ()
    "tpu.region"() ({
      %run_scoped3A = tpu.sem_alloc : memref<!tpu.dma_semaphore, #tpu.memory_space<semaphore_mem>>
      tpu.enqueue_dma source(%arg4 : memref<16xf32, #tpu.memory_space<hbm>>) target(%arg8 : memref<16xf32, #tpu.memory_space<vmem>>) target_semaphore(%run_scoped3A : memref<!tpu.dma_semaphore, #tpu.memory_space<semaphore_mem>>)
      tpu.wait_dma2 semaphore(%run_scoped3A : memref<!tpu.dma_semaphore, #tpu.memory_space<semaphore_mem>>) src(%arg4 : memref<16xf32, #tpu.memory_space<hbm>>) dst(%arg8 : memref<16xf32, #tpu.memory_space<vmem>>)
      tpu.yield
    }) : () -> ()
    %scan3A = arith.constant 0 : i32
    %scan3A_3 = arith.constant 0 : i32
    %scan3A_4 = arith.constant 128 : i32
    %scan3A_5 = arith.addi %scan3A_3, %scan3A_4 : i32
    %scan3A_6 = arith.constant 1 : i32
    scf.for %scan3A_21 = %scan3A_3 to %scan3A_5 step %scan3A_6  : i32 {
      %broadcast_in_dim3A = arith.constant 0.000000e+00 : f32
      %broadcast_in_dim3A_22 = vector.broadcast %broadcast_in_dim3A : f32 to vector<16xf32>
      %swap3A = arith.index_cast %scan3A_21 : i32 to index
      %swap3A_23 = arith.constant 0 : index
      %swap3A_24 = tpu.vector_load %arg19[%swap3A, %swap3A_23] {strides = array<i32>} : memref<128x16xf32, #tpu.memory_space<vmem>>, vector<16xf32>,
      tpu.vector_store %arg19[%swap3A, %swap3A_23], %broadcast_in_dim3A_22 {strides = array<i32>} : memref<128x16xf32, #tpu.memory_space<vmem>>, vector<16xf32>,
    }
    %scan3A_7 = arith.constant 128 : i32
    %get3A = arith.constant 0 : index
    %get3A_8 = tpu.vector_load %arg8[%get3A] {strides = array<i32>} : memref<16xf32, #tpu.memory_space<vmem>>, vector<16xf32>,
    %iota3A = tpu.iota {dimensions = array<i32: 0>} : vector<16xi32>
    %scan3A_9 = arith.constant 0 : i32
    %scan3A_10 = arith.constant 0 : i32
    %scan3A_11 = arith.constant 392 : i32
    %scan3A_12 = arith.addi %scan3A_10, %scan3A_11 : i32
    %scan3A_13 = arith.constant 1 : i32
    scf.for %scan3A_21 = %scan3A_10 to %scan3A_12 step %scan3A_13  : i32 {
      %mul3A_22 = arith.constant 16 : i32
      %mul3A_23 = arith.muli %scan3A_21, %mul3A_22 : i32
      %add3A = vector.broadcast %mul3A_23 : i32 to vector<16xi32>
      %add3A_24 = arith.addi %add3A, %iota3A : vector<16xi32>
      %mul3A_25 = arith.constant 3 : i32
      %mul3A_26 = vector.broadcast %mul3A_25 : i32 to vector<16xi32>
      %mul3A_27 = arith.muli %add3A_24, %mul3A_26 : vector<16xi32>
      %gather3A = tpu.vector_load_idx %arg7[%mul3A_27] : memref<18816xf32, #tpu.memory_space<vmem>>[vector<16xi32>], vector<16xf32>,
      %div3A = arith.divf %gather3A, %get3A_8 : vector<16xf32>
      %add3A_28 = arith.constant 1 : i32
      %add3A_29 = vector.broadcast %add3A_28 : i32 to vector<16xi32>
      %add3A_30 = arith.addi %mul3A_27, %add3A_29 : vector<16xi32>
      %gather3A_31 = tpu.vector_load_idx %arg7[%add3A_30] : memref<18816xf32, #tpu.memory_space<vmem>>[vector<16xi32>], vector<16xf32>,
      %div3A_32 = arith.divf %gather3A_31, %get3A_8 : vector<16xf32>
      %add3A_33 = arith.constant 2 : i32
      %add3A_34 = vector.broadcast %add3A_33 : i32 to vector<16xi32>
      %add3A_35 = arith.addi %mul3A_27, %add3A_34 : vector<16xi32>
      %gather3A_36 = tpu.vector_load_idx %arg7[%add3A_35] : memref<18816xf32, #tpu.memory_space<vmem>>[vector<16xi32>], vector<16xf32>,
      %div3A_37 = arith.divf %gather3A_36, %get3A_8 : vector<16xf32>
      %add3A_38 = arith.constant 0x4B000000 : f32
      %add3A_39 = vector.broadcast %add3A_38 : f32 to vector<16xf32>
      %add3A_40 = arith.addf %div3A, %add3A_39 : vector<16xf32>
      %sub3A = arith.constant 0x4B000000 : f32
      %sub3A_41 = vector.broadcast %sub3A : f32 to vector<16xf32>
      %sub3A_42 = arith.subf %add3A_40, %sub3A_41 : vector<16xf32>
      %add3A_43 = arith.constant 0x4B000000 : f32
      %add3A_44 = vector.broadcast %add3A_43 : f32 to vector<16xf32>
      %add3A_45 = arith.addf %div3A_32, %add3A_44 : vector<16xf32>
      %sub3A_46 = arith.constant 0x4B000000 : f32
      %sub3A_47 = vector.broadcast %sub3A_46 : f32 to vector<16xf32>
      %sub3A_48 = arith.subf %add3A_45, %sub3A_47 : vector<16xf32>
      %add3A_49 = arith.constant 0x4B000000 : f32
      %add3A_50 = vector.broadcast %add3A_49 : f32 to vector<16xf32>
      %add3A_51 = arith.addf %div3A_37, %add3A_50 : vector<16xf32>
      %sub3A_52 = arith.constant 0x4B000000 : f32
      %sub3A_53 = vector.broadcast %sub3A_52 : f32 to vector<16xf32>
      %sub3A_54 = arith.subf %add3A_51, %sub3A_53 : vector<16xf32>
      %convert_element_type3A = arith.fptosi %sub3A_42 : vector<16xf32> to vector<16xi32>
      %and3A = arith.constant 127 : i32
      %and3A_55 = vector.broadcast %and3A : i32 to vector<16xi32>
      %and3A_56 = arith.andi %convert_element_type3A, %and3A_55 : vector<16xi32>
      %convert_element_type3A_57 = arith.fptosi %sub3A_48 : vector<16xf32> to vector<16xi32>
      %and3A_58 = arith.constant 127 : i32
      %and3A_59 = vector.broadcast %and3A_58 : i32 to vector<16xi32>
      %and3A_60 = arith.andi %convert_element_type3A_57, %and3A_59 : vector<16xi32>
      %convert_element_type3A_61 = arith.fptosi %sub3A_54 : vector<16xf32> to vector<16xi32>
      %and3A_62 = arith.constant 127 : i32
      %and3A_63 = vector.broadcast %and3A_62 : i32 to vector<16xi32>
      %and3A_64 = arith.andi %convert_element_type3A_61, %and3A_63 : vector<16xi32>
      %sub3A_65 = arith.subf %div3A, %sub3A_42 : vector<16xf32>
      %swap3A = arith.index_cast %mul3A_23 : i32 to index
      %swap3A_66 = tpu.vector_load %arg11[%swap3A] {strides = array<i32>} : memref<6272xf32, #tpu.memory_space<vmem>>, vector<16xf32>,
      tpu.vector_store %arg11[%swap3A], %sub3A_65 {strides = array<i32>} : memref<6272xf32, #tpu.memory_space<vmem>>, vector<16xf32>,
      %sub3A_67 = arith.subf %div3A_32, %sub3A_48 : vector<16xf32>
      %swap3A_68 = arith.index_cast %mul3A_23 : i32 to index
      %swap3A_69 = tpu.vector_load %arg12[%swap3A_68] {strides = array<i32>} : memref<6272xf32, #tpu.memory_space<vmem>>, vector<16xf32>,
      tpu.vector_store %arg12[%swap3A_68], %sub3A_67 {strides = array<i32>} : memref<6272xf32, #tpu.memory_space<vmem>>, vector<16xf32>,
      %sub3A_70 = arith.subf %div3A_37, %sub3A_54 : vector<16xf32>
      %swap3A_71 = arith.index_cast %mul3A_23 : i32 to index
      %swap3A_72 = tpu.vector_load %arg13[%swap3A_71] {strides = array<i32>} : memref<6272xf32, #tpu.memory_space<vmem>>, vector<16xf32>,
      tpu.vector_store %arg13[%swap3A_71], %sub3A_70 {strides = array<i32>} : memref<6272xf32, #tpu.memory_space<vmem>>, vector<16xf32>,
      %shift_left3A = arith.constant 7 : i32
      %shift_left3A_73 = vector.broadcast %shift_left3A : i32 to vector<16xi32>
      %shift_left3A_74 = arith.shli %and3A_60, %shift_left3A_73 : vector<16xi32>
      %or3A = arith.ori %and3A_56, %shift_left3A_74 : vector<16xi32>
      %shift_left3A_75 = arith.constant 14 : i32
      %shift_left3A_76 = vector.broadcast %shift_left3A_75 : i32 to vector<16xi32>
      %shift_left3A_77 = arith.shli %and3A_64, %shift_left3A_76 : vector<16xi32>
      %or3A_78 = arith.ori %or3A, %shift_left3A_77 : vector<16xi32>
      %swap3A_79 = arith.index_cast %mul3A_23 : i32 to index
      %swap3A_80 = tpu.vector_load %arg9[%swap3A_79] {strides = array<i32>} : memref<6272xi32, #tpu.memory_space<vmem>>, vector<16xi32>,
      tpu.vector_store %arg9[%swap3A_79], %or3A_78 {strides = array<i32>} : memref<6272xi32, #tpu.memory_space<vmem>>, vector<16xi32>,
      %shift_right_arithmetic3A = arith.constant 1 : i32
      %shift_right_arithmetic3A_81 = vector.broadcast %shift_right_arithmetic3A : i32 to vector<16xi32>
      %shift_right_arithmetic3A_82 = arith.shrsi %and3A_56, %shift_right_arithmetic3A_81 : vector<16xi32>
      %add3A_83 = arith.constant 1 : i32
      %add3A_84 = vector.broadcast %add3A_83 : i32 to vector<16xi32>
      %add3A_85 = arith.addi %shift_right_arithmetic3A_82, %add3A_84 : vector<16xi32>
      %and3A_86 = arith.constant 63 : i32
      %and3A_87 = vector.broadcast %and3A_86 : i32 to vector<16xi32>
      %and3A_88 = arith.andi %add3A_85, %and3A_87 : vector<16xi32>
      %and3A_89 = arith.constant 1 : i32
      %and3A_90 = vector.broadcast %and3A_89 : i32 to vector<16xi32>
      %and3A_91 = arith.andi %shift_right_arithmetic3A_82, %and3A_90 : vector<16xi32>
      %eq3A = vector.broadcast %arg0 : i32 to vector<16xi32>
      %eq3A_92 = arith.cmpi eq, %and3A_91, %eq3A : vector<16xi32>
      %select_n3A = arith.select %eq3A_92, %shift_right_arithmetic3A_82, %and3A_88 : vector<16xi1>, vector<16xi32>
      %and3A_93 = arith.constant 1 : i32
      %and3A_94 = vector.broadcast %and3A_93 : i32 to vector<16xi32>
      %and3A_95 = arith.andi %and3A_56, %and3A_94 : vector<16xi32>
      %eq3A_96 = arith.constant 1 : i32
      %eq3A_97 = vector.broadcast %eq3A_96 : i32 to vector<16xi32>
      %eq3A_98 = arith.cmpi eq, %and3A_95, %eq3A_97 : vector<16xi32>
      %shift_right_arithmetic3A_99 = arith.constant 1 : i32
      %shift_right_arithmetic3A_100 = vector.broadcast %shift_right_arithmetic3A_99 : i32 to vector<16xi32>
      %shift_right_arithmetic3A_101 = arith.shrsi %select_n3A, %shift_right_arithmetic3A_100 : vector<16xi32>
      %and3A_102 = arith.constant 1 : i32
      %and3A_103 = vector.broadcast %and3A_102 : i32 to vector<16xi32>
      %and3A_104 = arith.andi %shift_right_arithmetic3A_82, %and3A_103 : vector<16xi32>
      %eq3A_105 = vector.broadcast %arg0 : i32 to vector<16xi32>
      %eq3A_106 = arith.cmpi eq, %and3A_104, %eq3A_105 : vector<16xi32>
      %shift_right_arithmetic3A_107 = arith.constant 1 : i32
      %shift_right_arithmetic3A_108 = vector.broadcast %shift_right_arithmetic3A_107 : i32 to vector<16xi32>
      %shift_right_arithmetic3A_109 = arith.shrsi %shift_right_arithmetic3A_82, %shift_right_arithmetic3A_108 : vector<16xi32>
      %jit3A = arith.constant 63 : i32
      %broadcast_in_dim3A = vector.broadcast %jit3A : i32 to vector<16xi32>
      %select_n3A_110 = arith.select %eq3A_106, %shift_right_arithmetic3A_109, %broadcast_in_dim3A : vector<16xi1>, vector<16xi32>
      %select_n3A_111 = arith.select %eq3A_98, %shift_right_arithmetic3A_101, %select_n3A_110 : vector<16xi1>, vector<16xi32>
      %swap3A_112 = arith.index_cast %mul3A_23 : i32 to index
      %swap3A_113 = tpu.vector_load %arg10[%swap3A_112] {strides = array<i32>} : memref<6272xi32, #tpu.memory_space<vmem>>, vector<16xi32>,
      tpu.vector_store %arg10[%swap3A_112], %select_n3A_111 {strides = array<i32>} : memref<6272xi32, #tpu.memory_space<vmem>>, vector<16xi32>,
    }
    %scan3A_14 = arith.constant 392 : i32
    %scan3A_15 = arith.constant 0 : i32
    %scan3A_16 = arith.constant 0 : i32
    %scan3A_17 = arith.constant 32 : i32
    %scan3A_18 = arith.addi %scan3A_16, %scan3A_17 : i32
    %scan3A_19 = arith.constant 1 : i32
    scf.for %scan3A_21 = %scan3A_16 to %scan3A_18 step %scan3A_19  : i32 {
      %mul3A_22 = arith.constant 2 : i32
      %mul3A_23 = arith.muli %mul3A_22, %scan3A_21 : i32
      %add3A = arith.addi %mul3A_23, %arg0 : i32
      %mul3A_24 = arith.constant 2 : i32
      %mul3A_25 = arith.muli %add3A, %mul3A_24 : i32
      %mul3A_26 = arith.constant 2048 : i32
      %mul3A_27 = arith.muli %arg1, %mul3A_26 : i32
      %add3A_28 = arith.constant 0 : i32
      %add3A_29 = arith.addi %mul3A_27, %add3A_28 : i32
      "tpu.region"() ({
        %run_scoped3A = tpu.sem_alloc : memref<!tpu.dma_semaphore, #tpu.memory_space<semaphore_mem>>
        %dma_start3A_772 = arith.constant 0 : i32
        %dma_start3A_773 = tpu.memref_slice %arg6[%add3A_29, %dma_start3A_772] : memref<32768x16xf32, #tpu.memory_space<vmem_shared>> -> memref<128x16xf32, #tpu.memory_space<vmem_shared>>
        %dma_start3A_774 = arith.constant 0 : i32
        %dma_start3A_775 = tpu.memref_slice %arg6[%add3A_29, %dma_start3A_774] : memref<32768x16xf32, #tpu.memory_space<vmem_shared>> -> memref<128x16xf32, #tpu.memory_space<vmem_shared>>
        tpu.enqueue_dma source(%arg19 : memref<128x16xf32, #tpu.memory_space<vmem>>) target(%dma_start3A_775 : memref<128x16xf32, #tpu.memory_space<vmem_shared>>) target_semaphore(%run_scoped3A : memref<!tpu.dma_semaphore, #tpu.memory_space<semaphore_mem>>)
        %dma_wait3A_776 = arith.constant 0 : i32
        %dma_wait3A_777 = tpu.memref_slice %arg6[%add3A_29, %dma_wait3A_776] : memref<32768x16xf32, #tpu.memory_space<vmem_shared>> -> memref<128x16xf32, #tpu.memory_space<vmem_shared>>
        %dma_wait3A_778 = arith.constant 0 : i32
        %dma_wait3A_779 = tpu.memref_slice %arg6[%add3A_29, %dma_wait3A_778] : memref<32768x16xf32, #tpu.memory_space<vmem_shared>> -> memref<128x16xf32, #tpu.memory_space<vmem_shared>>
        tpu.wait_dma2 semaphore(%run_scoped3A : memref<!tpu.dma_semaphore, #tpu.memory_space<semaphore_mem>>) src(%arg19 : memref<128x16xf32, #tpu.memory_space<vmem>>) dst(%dma_wait3A_779 : memref<128x16xf32, #tpu.memory_space<vmem_shared>>)
        tpu.yield
      }) : () -> ()
      %mul3A_30 = arith.constant 2048 : i32
      %mul3A_31 = arith.muli %arg1, %mul3A_30 : i32
      %add3A_32 = arith.constant 128 : i32
      %add3A_33 = arith.addi %mul3A_31, %add3A_32 : i32
      "tpu.region"() ({
        %run_scoped3A = tpu.sem_alloc : memref<!tpu.dma_semaphore, #tpu.memory_space<semaphore_mem>>
        %dma_start3A_772 = arith.constant 0 : i32
        %dma_start3A_773 = tpu.memref_slice %arg6[%add3A_33, %dma_start3A_772] : memref<32768x16xf32, #tpu.memory_space<vmem_shared>> -> memref<128x16xf32, #tpu.memory_space<vmem_shared>>
        %dma_start3A_774 = arith.constant 0 : i32
        %dma_start3A_775 = tpu.memref_slice %arg6[%add3A_33, %dma_start3A_774] : memref<32768x16xf32, #tpu.memory_space<vmem_shared>> -> memref<128x16xf32, #tpu.memory_space<vmem_shared>>
        tpu.enqueue_dma source(%arg19 : memref<128x16xf32, #tpu.memory_space<vmem>>) target(%dma_start3A_775 : memref<128x16xf32, #tpu.memory_space<vmem_shared>>) target_semaphore(%run_scoped3A : memref<!tpu.dma_semaphore, #tpu.memory_space<semaphore_mem>>)
        %dma_wait3A_776 = arith.constant 0 : i32
        %dma_wait3A_777 = tpu.memref_slice %arg6[%add3A_33, %dma_wait3A_776] : memref<32768x16xf32, #tpu.memory_space<vmem_shared>> -> memref<128x16xf32, #tpu.memory_space<vmem_shared>>
        %dma_wait3A_778 = arith.constant 0 : i32
        %dma_wait3A_779 = tpu.memref_slice %arg6[%add3A_33, %dma_wait3A_778] : memref<32768x16xf32, #tpu.memory_space<vmem_shared>> -> memref<128x16xf32, #tpu.memory_space<vmem_shared>>
        tpu.wait_dma2 semaphore(%run_scoped3A : memref<!tpu.dma_semaphore, #tpu.memory_space<semaphore_mem>>) src(%arg19 : memref<128x16xf32, #tpu.memory_space<vmem>>) dst(%dma_wait3A_779 : memref<128x16xf32, #tpu.memory_space<vmem_shared>>)
        tpu.yield
      }) : () -> ()
      %mul3A_34 = arith.constant 2048 : i32
      %mul3A_35 = arith.muli %arg1, %mul3A_34 : i32
      %add3A_36 = arith.constant 256 : i32
      %add3A_37 = arith.addi %mul3A_35, %add3A_36 : i32
      "tpu.region"() ({
        %run_scoped3A = tpu.sem_alloc : memref<!tpu.dma_semaphore, #tpu.memory_space<semaphore_mem>>
        %dma_start3A_772 = arith.constant 0 : i32
        %dma_start3A_773 = tpu.memref_slice %arg6[%add3A_37, %dma_start3A_772] : memref<32768x16xf32, #tpu.memory_space<vmem_shared>> -> memref<128x16xf32, #tpu.memory_space<vmem_shared>>
        %dma_start3A_774 = arith.constant 0 : i32
        %dma_start3A_775 = tpu.memref_slice %arg6[%add3A_37, %dma_start3A_774] : memref<32768x16xf32, #tpu.memory_space<vmem_shared>> -> memref<128x16xf32, #tpu.memory_space<vmem_shared>>
        tpu.enqueue_dma source(%arg19 : memref<128x16xf32, #tpu.memory_space<vmem>>) target(%dma_start3A_775 : memref<128x16xf32, #tpu.memory_space<vmem_shared>>) target_semaphore(%run_scoped3A : memref<!tpu.dma_semaphore, #tpu.memory_space<semaphore_mem>>)
        %dma_wait3A_776 = arith.constant 0 : i32
        %dma_wait3A_777 = tpu.memref_slice %arg6[%add3A_37, %dma_wait3A_776] : memref<32768x16xf32, #tpu.memory_space<vmem_shared>> -> memref<128x16xf32, #tpu.memory_space<vmem_shared>>
        %dma_wait3A_778 = arith.constant 0 : i32
        %dma_wait3A_779 = tpu.memref_slice %arg6[%add3A_37, %dma_wait3A_778] : memref<32768x16xf32, #tpu.memory_space<vmem_shared>> -> memref<128x16xf32, #tpu.memory_space<vmem_shared>>
        tpu.wait_dma2 semaphore(%run_scoped3A : memref<!tpu.dma_semaphore, #tpu.memory_space<semaphore_mem>>) src(%arg19 : memref<128x16xf32, #tpu.memory_space<vmem>>) dst(%dma_wait3A_779 : memref<128x16xf32, #tpu.memory_space<vmem_shared>>)
        tpu.yield
      }) : () -> ()
      %mul3A_38 = arith.constant 2048 : i32
      %mul3A_39 = arith.muli %arg1, %mul3A_38 : i32
      %add3A_40 = arith.constant 384 : i32
      %add3A_41 = arith.addi %mul3A_39, %add3A_40 : i32
      "tpu.region"() ({
        %run_scoped3A = tpu.sem_alloc : memref<!tpu.dma_semaphore, #tpu.memory_space<semaphore_mem>>
        %dma_start3A_772 = arith.constant 0 : i32
        %dma_start3A_773 = tpu.memref_slice %arg6[%add3A_41, %dma_start3A_772] : memref<32768x16xf32, #tpu.memory_space<vmem_shared>> -> memref<128x16xf32, #tpu.memory_space<vmem_shared>>
        %dma_start3A_774 = arith.constant 0 : i32
        %dma_start3A_775 = tpu.memref_slice %arg6[%add3A_41, %dma_start3A_774] : memref<32768x16xf32, #tpu.memory_space<vmem_shared>> -> memref<128x16xf32, #tpu.memory_space<vmem_shared>>
        tpu.enqueue_dma source(%arg19 : memref<128x16xf32, #tpu.memory_space<vmem>>) target(%dma_start3A_775 : memref<128x16xf32, #tpu.memory_space<vmem_shared>>) target_semaphore(%run_scoped3A : memref<!tpu.dma_semaphore, #tpu.memory_space<semaphore_mem>>)
        %dma_wait3A_776 = arith.constant 0 : i32
        %dma_wait3A_777 = tpu.memref_slice %arg6[%add3A_41, %dma_wait3A_776] : memref<32768x16xf32, #tpu.memory_space<vmem_shared>> -> memref<128x16xf32, #tpu.memory_space<vmem_shared>>
        %dma_wait3A_778 = arith.constant 0 : i32
        %dma_wait3A_779 = tpu.memref_slice %arg6[%add3A_41, %dma_wait3A_778] : memref<32768x16xf32, #tpu.memory_space<vmem_shared>> -> memref<128x16xf32, #tpu.memory_space<vmem_shared>>
        tpu.wait_dma2 semaphore(%run_scoped3A : memref<!tpu.dma_semaphore, #tpu.memory_space<semaphore_mem>>) src(%arg19 : memref<128x16xf32, #tpu.memory_space<vmem>>) dst(%dma_wait3A_779 : memref<128x16xf32, #tpu.memory_space<vmem_shared>>)
        tpu.yield
      }) : () -> ()
      %mul3A_42 = arith.constant 2048 : i32
      %mul3A_43 = arith.muli %arg1, %mul3A_42 : i32
      %add3A_44 = arith.constant 512 : i32
      %add3A_45 = arith.addi %mul3A_43, %add3A_44 : i32
      "tpu.region"() ({
        %run_scoped3A = tpu.sem_alloc : memref<!tpu.dma_semaphore, #tpu.memory_space<semaphore_mem>>
        %dma_start3A_772 = arith.constant 0 : i32
        %dma_start3A_773 = tpu.memref_slice %arg6[%add3A_45, %dma_start3A_772] : memref<32768x16xf32, #tpu.memory_space<vmem_shared>> -> memref<128x16xf32, #tpu.memory_space<vmem_shared>>
        %dma_start3A_774 = arith.constant 0 : i32
        %dma_start3A_775 = tpu.memref_slice %arg6[%add3A_45, %dma_start3A_774] : memref<32768x16xf32, #tpu.memory_space<vmem_shared>> -> memref<128x16xf32, #tpu.memory_space<vmem_shared>>
        tpu.enqueue_dma source(%arg19 : memref<128x16xf32, #tpu.memory_space<vmem>>) target(%dma_start3A_775 : memref<128x16xf32, #tpu.memory_space<vmem_shared>>) target_semaphore(%run_scoped3A : memref<!tpu.dma_semaphore, #tpu.memory_space<semaphore_mem>>)
        %dma_wait3A_776 = arith.constant 0 : i32
        %dma_wait3A_777 = tpu.memref_slice %arg6[%add3A_45, %dma_wait3A_776] : memref<32768x16xf32, #tpu.memory_space<vmem_shared>> -> memref<128x16xf32, #tpu.memory_space<vmem_shared>>
        %dma_wait3A_778 = arith.constant 0 : i32
        %dma_wait3A_779 = tpu.memref_slice %arg6[%add3A_45, %dma_wait3A_778] : memref<32768x16xf32, #tpu.memory_space<vmem_shared>> -> memref<128x16xf32, #tpu.memory_space<vmem_shared>>
        tpu.wait_dma2 semaphore(%run_scoped3A : memref<!tpu.dma_semaphore, #tpu.memory_space<semaphore_mem>>) src(%arg19 : memref<128x16xf32, #tpu.memory_space<vmem>>) dst(%dma_wait3A_779 : memref<128x16xf32, #tpu.memory_space<vmem_shared>>)
        tpu.yield
      }) : () -> ()
      %mul3A_46 = arith.constant 2048 : i32
      %mul3A_47 = arith.muli %arg1, %mul3A_46 : i32
      %add3A_48 = arith.constant 640 : i32
      %add3A_49 = arith.addi %mul3A_47, %add3A_48 : i32
      "tpu.region"() ({
        %run_scoped3A = tpu.sem_alloc : memref<!tpu.dma_semaphore, #tpu.memory_space<semaphore_mem>>
        %dma_start3A_772 = arith.constant 0 : i32
        %dma_start3A_773 = tpu.memref_slice %arg6[%add3A_49, %dma_start3A_772] : memref<32768x16xf32, #tpu.memory_space<vmem_shared>> -> memref<128x16xf32, #tpu.memory_space<vmem_shared>>
        %dma_start3A_774 = arith.constant 0 : i32
        %dma_start3A_775 = tpu.memref_slice %arg6[%add3A_49, %dma_start3A_774] : memref<32768x16xf32, #tpu.memory_space<vmem_shared>> -> memref<128x16xf32, #tpu.memory_space<vmem_shared>>
        tpu.enqueue_dma source(%arg19 : memref<128x16xf32, #tpu.memory_space<vmem>>) target(%dma_start3A_775 : memref<128x16xf32, #tpu.memory_space<vmem_shared>>) target_semaphore(%run_scoped3A : memref<!tpu.dma_semaphore, #tpu.memory_space<semaphore_mem>>)
        %dma_wait3A_776 = arith.constant 0 : i32
        %dma_wait3A_777 = tpu.memref_slice %arg6[%add3A_49, %dma_wait3A_776] : memref<32768x16xf32, #tpu.memory_space<vmem_shared>> -> memref<128x16xf32, #tpu.memory_space<vmem_shared>>
        %dma_wait3A_778 = arith.constant 0 : i32
        %dma_wait3A_779 = tpu.memref_slice %arg6[%add3A_49, %dma_wait3A_778] : memref<32768x16xf32, #tpu.memory_space<vmem_shared>> -> memref<128x16xf32, #tpu.memory_space<vmem_shared>>
        tpu.wait_dma2 semaphore(%run_scoped3A : memref<!tpu.dma_semaphore, #tpu.memory_space<semaphore_mem>>) src(%arg19 : memref<128x16xf32, #tpu.memory_space<vmem>>) dst(%dma_wait3A_779 : memref<128x16xf32, #tpu.memory_space<vmem_shared>>)
        tpu.yield
      }) : () -> ()
      %mul3A_50 = arith.constant 2048 : i32
      %mul3A_51 = arith.muli %arg1, %mul3A_50 : i32
      %add3A_52 = arith.constant 768 : i32
      %add3A_53 = arith.addi %mul3A_51, %add3A_52 : i32
      "tpu.region"() ({
        %run_scoped3A = tpu.sem_alloc : memref<!tpu.dma_semaphore, #tpu.memory_space<semaphore_mem>>
        %dma_start3A_772 = arith.constant 0 : i32
        %dma_start3A_773 = tpu.memref_slice %arg6[%add3A_53, %dma_start3A_772] : memref<32768x16xf32, #tpu.memory_space<vmem_shared>> -> memref<128x16xf32, #tpu.memory_space<vmem_shared>>
        %dma_start3A_774 = arith.constant 0 : i32
        %dma_start3A_775 = tpu.memref_slice %arg6[%add3A_53, %dma_start3A_774] : memref<32768x16xf32, #tpu.memory_space<vmem_shared>> -> memref<128x16xf32, #tpu.memory_space<vmem_shared>>
        tpu.enqueue_dma source(%arg19 : memref<128x16xf32, #tpu.memory_space<vmem>>) target(%dma_start3A_775 : memref<128x16xf32, #tpu.memory_space<vmem_shared>>) target_semaphore(%run_scoped3A : memref<!tpu.dma_semaphore, #tpu.memory_space<semaphore_mem>>)
        %dma_wait3A_776 = arith.constant 0 : i32
        %dma_wait3A_777 = tpu.memref_slice %arg6[%add3A_53, %dma_wait3A_776] : memref<32768x16xf32, #tpu.memory_space<vmem_shared>> -> memref<128x16xf32, #tpu.memory_space<vmem_shared>>
        %dma_wait3A_778 = arith.constant 0 : i32
        %dma_wait3A_779 = tpu.memref_slice %arg6[%add3A_53, %dma_wait3A_778] : memref<32768x16xf32, #tpu.memory_space<vmem_shared>> -> memref<128x16xf32, #tpu.memory_space<vmem_shared>>
        tpu.wait_dma2 semaphore(%run_scoped3A : memref<!tpu.dma_semaphore, #tpu.memory_space<semaphore_mem>>) src(%arg19 : memref<128x16xf32, #tpu.memory_space<vmem>>) dst(%dma_wait3A_779 : memref<128x16xf32, #tpu.memory_space<vmem_shared>>)
        tpu.yield
      }) : () -> ()
      %mul3A_54 = arith.constant 2048 : i32
      %mul3A_55 = arith.muli %arg1, %mul3A_54 : i32
      %add3A_56 = arith.constant 896 : i32
      %add3A_57 = arith.addi %mul3A_55, %add3A_56 : i32
      "tpu.region"() ({
        %run_scoped3A = tpu.sem_alloc : memref<!tpu.dma_semaphore, #tpu.memory_space<semaphore_mem>>
        %dma_start3A_772 = arith.constant 0 : i32
        %dma_start3A_773 = tpu.memref_slice %arg6[%add3A_57, %dma_start3A_772] : memref<32768x16xf32, #tpu.memory_space<vmem_shared>> -> memref<128x16xf32, #tpu.memory_space<vmem_shared>>
        %dma_start3A_774 = arith.constant 0 : i32
        %dma_start3A_775 = tpu.memref_slice %arg6[%add3A_57, %dma_start3A_774] : memref<32768x16xf32, #tpu.memory_space<vmem_shared>> -> memref<128x16xf32, #tpu.memory_space<vmem_shared>>
        tpu.enqueue_dma source(%arg19 : memref<128x16xf32, #tpu.memory_space<vmem>>) target(%dma_start3A_775 : memref<128x16xf32, #tpu.memory_space<vmem_shared>>) target_semaphore(%run_scoped3A : memref<!tpu.dma_semaphore, #tpu.memory_space<semaphore_mem>>)
        %dma_wait3A_776 = arith.constant 0 : i32
        %dma_wait3A_777 = tpu.memref_slice %arg6[%add3A_57, %dma_wait3A_776] : memref<32768x16xf32, #tpu.memory_space<vmem_shared>> -> memref<128x16xf32, #tpu.memory_space<vmem_shared>>
        %dma_wait3A_778 = arith.constant 0 : i32
        %dma_wait3A_779 = tpu.memref_slice %arg6[%add3A_57, %dma_wait3A_778] : memref<32768x16xf32, #tpu.memory_space<vmem_shared>> -> memref<128x16xf32, #tpu.memory_space<vmem_shared>>
        tpu.wait_dma2 semaphore(%run_scoped3A : memref<!tpu.dma_semaphore, #tpu.memory_space<semaphore_mem>>) src(%arg19 : memref<128x16xf32, #tpu.memory_space<vmem>>) dst(%dma_wait3A_779 : memref<128x16xf32, #tpu.memory_space<vmem_shared>>)
        tpu.yield
      }) : () -> ()
      %mul3A_58 = arith.constant 2048 : i32
      %mul3A_59 = arith.muli %arg1, %mul3A_58 : i32
      %add3A_60 = arith.constant 1024 : i32
      %add3A_61 = arith.addi %mul3A_59, %add3A_60 : i32
      "tpu.region"() ({
        %run_scoped3A = tpu.sem_alloc : memref<!tpu.dma_semaphore, #tpu.memory_space<semaphore_mem>>
        %dma_start3A_772 = arith.constant 0 : i32
        %dma_start3A_773 = tpu.memref_slice %arg6[%add3A_61, %dma_start3A_772] : memref<32768x16xf32, #tpu.memory_space<vmem_shared>> -> memref<128x16xf32, #tpu.memory_space<vmem_shared>>
        %dma_start3A_774 = arith.constant 0 : i32
        %dma_start3A_775 = tpu.memref_slice %arg6[%add3A_61, %dma_start3A_774] : memref<32768x16xf32, #tpu.memory_space<vmem_shared>> -> memref<128x16xf32, #tpu.memory_space<vmem_shared>>
        tpu.enqueue_dma source(%arg19 : memref<128x16xf32, #tpu.memory_space<vmem>>) target(%dma_start3A_775 : memref<128x16xf32, #tpu.memory_space<vmem_shared>>) target_semaphore(%run_scoped3A : memref<!tpu.dma_semaphore, #tpu.memory_space<semaphore_mem>>)
        %dma_wait3A_776 = arith.constant 0 : i32
        %dma_wait3A_777 = tpu.memref_slice %arg6[%add3A_61, %dma_wait3A_776] : memref<32768x16xf32, #tpu.memory_space<vmem_shared>> -> memref<128x16xf32, #tpu.memory_space<vmem_shared>>
        %dma_wait3A_778 = arith.constant 0 : i32
        %dma_wait3A_779 = tpu.memref_slice %arg6[%add3A_61, %dma_wait3A_778] : memref<32768x16xf32, #tpu.memory_space<vmem_shared>> -> memref<128x16xf32, #tpu.memory_space<vmem_shared>>
        tpu.wait_dma2 semaphore(%run_scoped3A : memref<!tpu.dma_semaphore, #tpu.memory_space<semaphore_mem>>) src(%arg19 : memref<128x16xf32, #tpu.memory_space<vmem>>) dst(%dma_wait3A_779 : memref<128x16xf32, #tpu.memory_space<vmem_shared>>)
        tpu.yield
      }) : () -> ()
      %mul3A_62 = arith.constant 2048 : i32
      %mul3A_63 = arith.muli %arg1, %mul3A_62 : i32
      %add3A_64 = arith.constant 1152 : i32
      %add3A_65 = arith.addi %mul3A_63, %add3A_64 : i32
      "tpu.region"() ({
        %run_scoped3A = tpu.sem_alloc : memref<!tpu.dma_semaphore, #tpu.memory_space<semaphore_mem>>
        %dma_start3A_772 = arith.constant 0 : i32
        %dma_start3A_773 = tpu.memref_slice %arg6[%add3A_65, %dma_start3A_772] : memref<32768x16xf32, #tpu.memory_space<vmem_shared>> -> memref<128x16xf32, #tpu.memory_space<vmem_shared>>
        %dma_start3A_774 = arith.constant 0 : i32
        %dma_start3A_775 = tpu.memref_slice %arg6[%add3A_65, %dma_start3A_774] : memref<32768x16xf32, #tpu.memory_space<vmem_shared>> -> memref<128x16xf32, #tpu.memory_space<vmem_shared>>
        tpu.enqueue_dma source(%arg19 : memref<128x16xf32, #tpu.memory_space<vmem>>) target(%dma_start3A_775 : memref<128x16xf32, #tpu.memory_space<vmem_shared>>) target_semaphore(%run_scoped3A : memref<!tpu.dma_semaphore, #tpu.memory_space<semaphore_mem>>)
        %dma_wait3A_776 = arith.constant 0 : i32
        %dma_wait3A_777 = tpu.memref_slice %arg6[%add3A_65, %dma_wait3A_776] : memref<32768x16xf32, #tpu.memory_space<vmem_shared>> -> memref<128x16xf32, #tpu.memory_space<vmem_shared>>
        %dma_wait3A_778 = arith.constant 0 : i32
        %dma_wait3A_779 = tpu.memref_slice %arg6[%add3A_65, %dma_wait3A_778] : memref<32768x16xf32, #tpu.memory_space<vmem_shared>> -> memref<128x16xf32, #tpu.memory_space<vmem_shared>>
        tpu.wait_dma2 semaphore(%run_scoped3A : memref<!tpu.dma_semaphore, #tpu.memory_space<semaphore_mem>>) src(%arg19 : memref<128x16xf32, #tpu.memory_space<vmem>>) dst(%dma_wait3A_779 : memref<128x16xf32, #tpu.memory_space<vmem_shared>>)
        tpu.yield
      }) : () -> ()
      %mul3A_66 = arith.constant 2048 : i32
      %mul3A_67 = arith.muli %arg1, %mul3A_66 : i32
      %add3A_68 = arith.constant 1280 : i32
      %add3A_69 = arith.addi %mul3A_67, %add3A_68 : i32
      "tpu.region"() ({
        %run_scoped3A = tpu.sem_alloc : memref<!tpu.dma_semaphore, #tpu.memory_space<semaphore_mem>>
        %dma_start3A_772 = arith.constant 0 : i32
        %dma_start3A_773 = tpu.memref_slice %arg6[%add3A_69, %dma_start3A_772] : memref<32768x16xf32, #tpu.memory_space<vmem_shared>> -> memref<128x16xf32, #tpu.memory_space<vmem_shared>>
        %dma_start3A_774 = arith.constant 0 : i32
        %dma_start3A_775 = tpu.memref_slice %arg6[%add3A_69, %dma_start3A_774] : memref<32768x16xf32, #tpu.memory_space<vmem_shared>> -> memref<128x16xf32, #tpu.memory_space<vmem_shared>>
        tpu.enqueue_dma source(%arg19 : memref<128x16xf32, #tpu.memory_space<vmem>>) target(%dma_start3A_775 : memref<128x16xf32, #tpu.memory_space<vmem_shared>>) target_semaphore(%run_scoped3A : memref<!tpu.dma_semaphore, #tpu.memory_space<semaphore_mem>>)
        %dma_wait3A_776 = arith.constant 0 : i32
        %dma_wait3A_777 = tpu.memref_slice %arg6[%add3A_69, %dma_wait3A_776] : memref<32768x16xf32, #tpu.memory_space<vmem_shared>> -> memref<128x16xf32, #tpu.memory_space<vmem_shared>>
        %dma_wait3A_778 = arith.constant 0 : i32
        %dma_wait3A_779 = tpu.memref_slice %arg6[%add3A_69, %dma_wait3A_778] : memref<32768x16xf32, #tpu.memory_space<vmem_shared>> -> memref<128x16xf32, #tpu.memory_space<vmem_shared>>
        tpu.wait_dma2 semaphore(%run_scoped3A : memref<!tpu.dma_semaphore, #tpu.memory_space<semaphore_mem>>) src(%arg19 : memref<128x16xf32, #tpu.memory_space<vmem>>) dst(%dma_wait3A_779 : memref<128x16xf32, #tpu.memory_space<vmem_shared>>)
        tpu.yield
      }) : () -> ()
      %mul3A_70 = arith.constant 2048 : i32
      %mul3A_71 = arith.muli %arg1, %mul3A_70 : i32
      %add3A_72 = arith.constant 1408 : i32
      %add3A_73 = arith.addi %mul3A_71, %add3A_72 : i32
      "tpu.region"() ({
        %run_scoped3A = tpu.sem_alloc : memref<!tpu.dma_semaphore, #tpu.memory_space<semaphore_mem>>
        %dma_start3A_772 = arith.constant 0 : i32
        %dma_start3A_773 = tpu.memref_slice %arg6[%add3A_73, %dma_start3A_772] : memref<32768x16xf32, #tpu.memory_space<vmem_shared>> -> memref<128x16xf32, #tpu.memory_space<vmem_shared>>
        %dma_start3A_774 = arith.constant 0 : i32
        %dma_start3A_775 = tpu.memref_slice %arg6[%add3A_73, %dma_start3A_774] : memref<32768x16xf32, #tpu.memory_space<vmem_shared>> -> memref<128x16xf32, #tpu.memory_space<vmem_shared>>
        tpu.enqueue_dma source(%arg19 : memref<128x16xf32, #tpu.memory_space<vmem>>) target(%dma_start3A_775 : memref<128x16xf32, #tpu.memory_space<vmem_shared>>) target_semaphore(%run_scoped3A : memref<!tpu.dma_semaphore, #tpu.memory_space<semaphore_mem>>)
        %dma_wait3A_776 = arith.constant 0 : i32
        %dma_wait3A_777 = tpu.memref_slice %arg6[%add3A_73, %dma_wait3A_776] : memref<32768x16xf32, #tpu.memory_space<vmem_shared>> -> memref<128x16xf32, #tpu.memory_space<vmem_shared>>
        %dma_wait3A_778 = arith.constant 0 : i32
        %dma_wait3A_779 = tpu.memref_slice %arg6[%add3A_73, %dma_wait3A_778] : memref<32768x16xf32, #tpu.memory_space<vmem_shared>> -> memref<128x16xf32, #tpu.memory_space<vmem_shared>>
        tpu.wait_dma2 semaphore(%run_scoped3A : memref<!tpu.dma_semaphore, #tpu.memory_space<semaphore_mem>>) src(%arg19 : memref<128x16xf32, #tpu.memory_space<vmem>>) dst(%dma_wait3A_779 : memref<128x16xf32, #tpu.memory_space<vmem_shared>>)
        tpu.yield
      }) : () -> ()
      %mul3A_74 = arith.constant 2048 : i32
      %mul3A_75 = arith.muli %arg1, %mul3A_74 : i32
      %add3A_76 = arith.constant 1536 : i32
      %add3A_77 = arith.addi %mul3A_75, %add3A_76 : i32
      "tpu.region"() ({
        %run_scoped3A = tpu.sem_alloc : memref<!tpu.dma_semaphore, #tpu.memory_space<semaphore_mem>>
        %dma_start3A_772 = arith.constant 0 : i32
        %dma_start3A_773 = tpu.memref_slice %arg6[%add3A_77, %dma_start3A_772] : memref<32768x16xf32, #tpu.memory_space<vmem_shared>> -> memref<128x16xf32, #tpu.memory_space<vmem_shared>>
        %dma_start3A_774 = arith.constant 0 : i32
        %dma_start3A_775 = tpu.memref_slice %arg6[%add3A_77, %dma_start3A_774] : memref<32768x16xf32, #tpu.memory_space<vmem_shared>> -> memref<128x16xf32, #tpu.memory_space<vmem_shared>>
        tpu.enqueue_dma source(%arg19 : memref<128x16xf32, #tpu.memory_space<vmem>>) target(%dma_start3A_775 : memref<128x16xf32, #tpu.memory_space<vmem_shared>>) target_semaphore(%run_scoped3A : memref<!tpu.dma_semaphore, #tpu.memory_space<semaphore_mem>>)
        %dma_wait3A_776 = arith.constant 0 : i32
        %dma_wait3A_777 = tpu.memref_slice %arg6[%add3A_77, %dma_wait3A_776] : memref<32768x16xf32, #tpu.memory_space<vmem_shared>> -> memref<128x16xf32, #tpu.memory_space<vmem_shared>>
        %dma_wait3A_778 = arith.constant 0 : i32
        %dma_wait3A_779 = tpu.memref_slice %arg6[%add3A_77, %dma_wait3A_778] : memref<32768x16xf32, #tpu.memory_space<vmem_shared>> -> memref<128x16xf32, #tpu.memory_space<vmem_shared>>
        tpu.wait_dma2 semaphore(%run_scoped3A : memref<!tpu.dma_semaphore, #tpu.memory_space<semaphore_mem>>) src(%arg19 : memref<128x16xf32, #tpu.memory_space<vmem>>) dst(%dma_wait3A_779 : memref<128x16xf32, #tpu.memory_space<vmem_shared>>)
        tpu.yield
      }) : () -> ()
      %mul3A_78 = arith.constant 2048 : i32
      %mul3A_79 = arith.muli %arg1, %mul3A_78 : i32
      %add3A_80 = arith.constant 1664 : i32
      %add3A_81 = arith.addi %mul3A_79, %add3A_80 : i32
      "tpu.region"() ({
        %run_scoped3A = tpu.sem_alloc : memref<!tpu.dma_semaphore, #tpu.memory_space<semaphore_mem>>
        %dma_start3A_772 = arith.constant 0 : i32
        %dma_start3A_773 = tpu.memref_slice %arg6[%add3A_81, %dma_start3A_772] : memref<32768x16xf32, #tpu.memory_space<vmem_shared>> -> memref<128x16xf32, #tpu.memory_space<vmem_shared>>
        %dma_start3A_774 = arith.constant 0 : i32
        %dma_start3A_775 = tpu.memref_slice %arg6[%add3A_81, %dma_start3A_774] : memref<32768x16xf32, #tpu.memory_space<vmem_shared>> -> memref<128x16xf32, #tpu.memory_space<vmem_shared>>
        tpu.enqueue_dma source(%arg19 : memref<128x16xf32, #tpu.memory_space<vmem>>) target(%dma_start3A_775 : memref<128x16xf32, #tpu.memory_space<vmem_shared>>) target_semaphore(%run_scoped3A : memref<!tpu.dma_semaphore, #tpu.memory_space<semaphore_mem>>)
        %dma_wait3A_776 = arith.constant 0 : i32
        %dma_wait3A_777 = tpu.memref_slice %arg6[%add3A_81, %dma_wait3A_776] : memref<32768x16xf32, #tpu.memory_space<vmem_shared>> -> memref<128x16xf32, #tpu.memory_space<vmem_shared>>
        %dma_wait3A_778 = arith.constant 0 : i32
        %dma_wait3A_779 = tpu.memref_slice %arg6[%add3A_81, %dma_wait3A_778] : memref<32768x16xf32, #tpu.memory_space<vmem_shared>> -> memref<128x16xf32, #tpu.memory_space<vmem_shared>>
        tpu.wait_dma2 semaphore(%run_scoped3A : memref<!tpu.dma_semaphore, #tpu.memory_space<semaphore_mem>>) src(%arg19 : memref<128x16xf32, #tpu.memory_space<vmem>>) dst(%dma_wait3A_779 : memref<128x16xf32, #tpu.memory_space<vmem_shared>>)
        tpu.yield
      }) : () -> ()
      %mul3A_82 = arith.constant 2048 : i32
      %mul3A_83 = arith.muli %arg1, %mul3A_82 : i32
      %add3A_84 = arith.constant 1792 : i32
      %add3A_85 = arith.addi %mul3A_83, %add3A_84 : i32
      "tpu.region"() ({
        %run_scoped3A = tpu.sem_alloc : memref<!tpu.dma_semaphore, #tpu.memory_space<semaphore_mem>>
        %dma_start3A_772 = arith.constant 0 : i32
        %dma_start3A_773 = tpu.memref_slice %arg6[%add3A_85, %dma_start3A_772] : memref<32768x16xf32, #tpu.memory_space<vmem_shared>> -> memref<128x16xf32, #tpu.memory_space<vmem_shared>>
        %dma_start3A_774 = arith.constant 0 : i32
        %dma_start3A_775 = tpu.memref_slice %arg6[%add3A_85, %dma_start3A_774] : memref<32768x16xf32, #tpu.memory_space<vmem_shared>> -> memref<128x16xf32, #tpu.memory_space<vmem_shared>>
        tpu.enqueue_dma source(%arg19 : memref<128x16xf32, #tpu.memory_space<vmem>>) target(%dma_start3A_775 : memref<128x16xf32, #tpu.memory_space<vmem_shared>>) target_semaphore(%run_scoped3A : memref<!tpu.dma_semaphore, #tpu.memory_space<semaphore_mem>>)
        %dma_wait3A_776 = arith.constant 0 : i32
        %dma_wait3A_777 = tpu.memref_slice %arg6[%add3A_85, %dma_wait3A_776] : memref<32768x16xf32, #tpu.memory_space<vmem_shared>> -> memref<128x16xf32, #tpu.memory_space<vmem_shared>>
        %dma_wait3A_778 = arith.constant 0 : i32
        %dma_wait3A_779 = tpu.memref_slice %arg6[%add3A_85, %dma_wait3A_778] : memref<32768x16xf32, #tpu.memory_space<vmem_shared>> -> memref<128x16xf32, #tpu.memory_space<vmem_shared>>
        tpu.wait_dma2 semaphore(%run_scoped3A : memref<!tpu.dma_semaphore, #tpu.memory_space<semaphore_mem>>) src(%arg19 : memref<128x16xf32, #tpu.memory_space<vmem>>) dst(%dma_wait3A_779 : memref<128x16xf32, #tpu.memory_space<vmem_shared>>)
        tpu.yield
      }) : () -> ()
      %mul3A_86 = arith.constant 2048 : i32
      %mul3A_87 = arith.muli %arg1, %mul3A_86 : i32
      %add3A_88 = arith.constant 1920 : i32
      %add3A_89 = arith.addi %mul3A_87, %add3A_88 : i32
      "tpu.region"() ({
        %run_scoped3A = tpu.sem_alloc : memref<!tpu.dma_semaphore, #tpu.memory_space<semaphore_mem>>
        %dma_start3A_772 = arith.constant 0 : i32
        %dma_start3A_773 = tpu.memref_slice %arg6[%add3A_89, %dma_start3A_772] : memref<32768x16xf32, #tpu.memory_space<vmem_shared>> -> memref<128x16xf32, #tpu.memory_space<vmem_shared>>
        %dma_start3A_774 = arith.constant 0 : i32
        %dma_start3A_775 = tpu.memref_slice %arg6[%add3A_89, %dma_start3A_774] : memref<32768x16xf32, #tpu.memory_space<vmem_shared>> -> memref<128x16xf32, #tpu.memory_space<vmem_shared>>
        tpu.enqueue_dma source(%arg19 : memref<128x16xf32, #tpu.memory_space<vmem>>) target(%dma_start3A_775 : memref<128x16xf32, #tpu.memory_space<vmem_shared>>) target_semaphore(%run_scoped3A : memref<!tpu.dma_semaphore, #tpu.memory_space<semaphore_mem>>)
        %dma_wait3A_776 = arith.constant 0 : i32
        %dma_wait3A_777 = tpu.memref_slice %arg6[%add3A_89, %dma_wait3A_776] : memref<32768x16xf32, #tpu.memory_space<vmem_shared>> -> memref<128x16xf32, #tpu.memory_space<vmem_shared>>
        %dma_wait3A_778 = arith.constant 0 : i32
        %dma_wait3A_779 = tpu.memref_slice %arg6[%add3A_89, %dma_wait3A_778] : memref<32768x16xf32, #tpu.memory_space<vmem_shared>> -> memref<128x16xf32, #tpu.memory_space<vmem_shared>>
        tpu.wait_dma2 semaphore(%run_scoped3A : memref<!tpu.dma_semaphore, #tpu.memory_space<semaphore_mem>>) src(%arg19 : memref<128x16xf32, #tpu.memory_space<vmem>>) dst(%dma_wait3A_779 : memref<128x16xf32, #tpu.memory_space<vmem_shared>>)
        tpu.yield
      }) : () -> ()
      %barrier3A = arith.constant 0 : index
      tpu.barrier barrier_id(%barrier3A)
      %broadcast_in_dim3A = arith.constant 0 : i32
      %broadcast_in_dim3A_90 = vector.broadcast %broadcast_in_dim3A : i32 to vector<16xi32>
      %scan3A_91 = arith.constant 0 : i32
      %scan3A_92 = arith.constant 392 : i32
      %scan3A_93 = arith.addi %scan3A_91, %scan3A_92 : i32
      %scan3A_94 = arith.constant 1 : i32
      %scan3A_95 = scf.for %scan3A_772 = %scan3A_91 to %scan3A_93 step %scan3A_94 iter_args(%scan3A_773 = %broadcast_in_dim3A_90) -> (vector<16xi32>)  : i32 {
        %mul3A_774 = arith.constant 16 : i32
        %mul3A_775 = arith.muli %scan3A_772, %mul3A_774 : i32
        %get3A_776 = arith.index_cast %mul3A_775 : i32 to index
        %get3A_777 = tpu.vector_load %arg10[%get3A_776] {strides = array<i32>} : memref<6272xi32, #tpu.memory_space<vmem>>, vector<16xi32>,
        %eq3A = vector.broadcast %scan3A_21 : i32 to vector<16xi32>
        %eq3A_778 = arith.cmpi eq, %get3A_777, %eq3A : vector<16xi32>
        %convert_element_type3A = arith.extui %eq3A_778 : vector<16xi1> to vector<16xi32>
        %iota3A_779 = tpu.iota {dimensions = array<i32: 0>} : vector<16xi32>
        %sub3A = arith.constant 1 : i32
        %sub3A_780 = vector.broadcast %sub3A : i32 to vector<16xi32>
        %sub3A_781 = arith.subi %iota3A_779, %sub3A_780 : vector<16xi32>
        %max3A = arith.constant 0 : i32
        %max3A_782 = vector.broadcast %max3A : i32 to vector<16xi32>
        %max3A_783 = arith.maxsi %sub3A_781, %max3A_782 : vector<16xi32>
        %broadcast_in_dim3A_784 = vector.shape_cast %max3A_783 : vector<16xi32> to vector<16x1xi32>
        %gather3A = vector.shape_cast %broadcast_in_dim3A_784 : vector<16x1xi32> to vector<16xi32>
        %gather3A_785 = tpu.dynamic_gather %convert_element_type3A[%gather3A] in [0] : vector<16xi32>, vector<16xi32> -> vector<16xi32>
        %ge3A = arith.constant 1 : i32
        %ge3A_786 = vector.broadcast %ge3A : i32 to vector<16xi32>
        %ge3A_787 = arith.cmpi sge, %iota3A_779, %ge3A_786 : vector<16xi32>
        %jit3A = arith.constant 0 : i32
        %broadcast_in_dim3A_788 = vector.broadcast %jit3A : i32 to vector<16xi32>
        %select_n3A = arith.select %ge3A_787, %gather3A_785, %broadcast_in_dim3A_788 : vector<16xi1>, vector<16xi32>
        %add3A_789 = arith.addi %convert_element_type3A, %select_n3A : vector<16xi32>
        %sub3A_790 = arith.constant 2 : i32
        %sub3A_791 = vector.broadcast %sub3A_790 : i32 to vector<16xi32>
        %sub3A_792 = arith.subi %iota3A_779, %sub3A_791 : vector<16xi32>
        %max3A_793 = arith.constant 0 : i32
        %max3A_794 = vector.broadcast %max3A_793 : i32 to vector<16xi32>
        %max3A_795 = arith.maxsi %sub3A_792, %max3A_794 : vector<16xi32>
        %broadcast_in_dim3A_796 = vector.shape_cast %max3A_795 : vector<16xi32> to vector<16x1xi32>
        %gather3A_797 = vector.shape_cast %broadcast_in_dim3A_796 : vector<16x1xi32> to vector<16xi32>
        %gather3A_798 = tpu.dynamic_gather %add3A_789[%gather3A_797] in [0] : vector<16xi32>, vector<16xi32> -> vector<16xi32>
        %ge3A_799 = arith.constant 2 : i32
        %ge3A_800 = vector.broadcast %ge3A_799 : i32 to vector<16xi32>
        %ge3A_801 = arith.cmpi sge, %iota3A_779, %ge3A_800 : vector<16xi32>
        %jit3A_802 = arith.constant 0 : i32
        %broadcast_in_dim3A_803 = vector.broadcast %jit3A_802 : i32 to vector<16xi32>
        %select_n3A_804 = arith.select %ge3A_801, %gather3A_798, %broadcast_in_dim3A_803 : vector<16xi1>, vector<16xi32>
        %add3A_805 = arith.addi %add3A_789, %select_n3A_804 : vector<16xi32>
        %sub3A_806 = arith.constant 4 : i32
        %sub3A_807 = vector.broadcast %sub3A_806 : i32 to vector<16xi32>
        %sub3A_808 = arith.subi %iota3A_779, %sub3A_807 : vector<16xi32>
        %max3A_809 = arith.constant 0 : i32
        %max3A_810 = vector.broadcast %max3A_809 : i32 to vector<16xi32>
        %max3A_811 = arith.maxsi %sub3A_808, %max3A_810 : vector<16xi32>
        %broadcast_in_dim3A_812 = vector.shape_cast %max3A_811 : vector<16xi32> to vector<16x1xi32>
        %gather3A_813 = vector.shape_cast %broadcast_in_dim3A_812 : vector<16x1xi32> to vector<16xi32>
        %gather3A_814 = tpu.dynamic_gather %add3A_805[%gather3A_813] in [0] : vector<16xi32>, vector<16xi32> -> vector<16xi32>
        %ge3A_815 = arith.constant 4 : i32
        %ge3A_816 = vector.broadcast %ge3A_815 : i32 to vector<16xi32>
        %ge3A_817 = arith.cmpi sge, %iota3A_779, %ge3A_816 : vector<16xi32>
        %jit3A_818 = arith.constant 0 : i32
        %broadcast_in_dim3A_819 = vector.broadcast %jit3A_818 : i32 to vector<16xi32>
        %select_n3A_820 = arith.select %ge3A_817, %gather3A_814, %broadcast_in_dim3A_819 : vector<16xi1>, vector<16xi32>
        %add3A_821 = arith.addi %add3A_805, %select_n3A_820 : vector<16xi32>
        %sub3A_822 = arith.constant 8 : i32
        %sub3A_823 = vector.broadcast %sub3A_822 : i32 to vector<16xi32>
        %sub3A_824 = arith.subi %iota3A_779, %sub3A_823 : vector<16xi32>
        %max3A_825 = arith.constant 0 : i32
        %max3A_826 = vector.broadcast %max3A_825 : i32 to vector<16xi32>
        %max3A_827 = arith.maxsi %sub3A_824, %max3A_826 : vector<16xi32>
        %broadcast_in_dim3A_828 = vector.shape_cast %max3A_827 : vector<16xi32> to vector<16x1xi32>
        %gather3A_829 = vector.shape_cast %broadcast_in_dim3A_828 : vector<16x1xi32> to vector<16xi32>
        %gather3A_830 = tpu.dynamic_gather %add3A_821[%gather3A_829] in [0] : vector<16xi32>, vector<16xi32> -> vector<16xi32>
        %ge3A_831 = arith.constant 8 : i32
        %ge3A_832 = vector.broadcast %ge3A_831 : i32 to vector<16xi32>
        %ge3A_833 = arith.cmpi sge, %iota3A_779, %ge3A_832 : vector<16xi32>
        %jit3A_834 = arith.constant 0 : i32
        %broadcast_in_dim3A_835 = vector.broadcast %jit3A_834 : i32 to vector<16xi32>
        %select_n3A_836 = arith.select %ge3A_833, %gather3A_830, %broadcast_in_dim3A_835 : vector<16xi1>, vector<16xi32>
        %add3A_837 = arith.addi %add3A_821, %select_n3A_836 : vector<16xi32>
        %add3A_838 = arith.addi %scan3A_773, %add3A_837 : vector<16xi32>
        %sub3A_839 = arith.constant 1 : i32
        %sub3A_840 = vector.broadcast %sub3A_839 : i32 to vector<16xi32>
        %sub3A_841 = arith.subi %add3A_838, %sub3A_840 : vector<16xi32>
        %max3A_842 = arith.constant 0 : i32
        %max3A_843 = vector.broadcast %max3A_842 : i32 to vector<16xi32>
        %max3A_844 = arith.maxsi %sub3A_841, %max3A_843 : vector<16xi32>
        %jit3A_845 = arith.constant 6272 : i32
        %broadcast_in_dim3A_846 = vector.broadcast %jit3A_845 : i32 to vector<16xi32>
        %select_n3A_847 = arith.select %eq3A_778, %max3A_844, %broadcast_in_dim3A_846 : vector<16xi1>, vector<16xi32>
        %add3A_848 = vector.broadcast %mul3A_775 : i32 to vector<16xi32>
        %add3A_849 = arith.addi %add3A_848, %iota3A : vector<16xi32>
        tpu.vector_store_idx %arg14[%select_n3A_847], %add3A_849 : memref<6288xi32, #tpu.memory_space<vmem>>[vector<16xi32>], vector<16xi32>,
        %broadcast_in_dim3A_850 = arith.constant 15 : i32
        %broadcast_in_dim3A_851 = vector.broadcast %broadcast_in_dim3A_850 : i32 to vector<16xi32>
        %broadcast_in_dim3A_852 = vector.shape_cast %broadcast_in_dim3A_851 : vector<16xi32> to vector<16x1xi32>
        %gather3A_853 = vector.shape_cast %broadcast_in_dim3A_852 : vector<16x1xi32> to vector<16xi32>
        %gather3A_854 = tpu.dynamic_gather %add3A_837[%gather3A_853] in [0] : vector<16xi32>, vector<16xi32> -> vector<16xi32>
        %add3A_855 = arith.addi %scan3A_773, %gather3A_854 : vector<16xi32>
        scf.yield %add3A_855 : vector<16xi32>
      }
      %scan3A_96 = arith.constant 392 : i32
      %while3A = arith.constant 0 : i32
      %while3A_97 = scf.while (%while3A_772 = %while3A) : (i32) -> i32 {
        %mul3A_773 = arith.constant 16 : i32
        %mul3A_774 = arith.muli %while3A_772, %mul3A_773 : i32
        %add3A_775 = vector.broadcast %mul3A_774 : i32 to vector<16xi32>
        %add3A_776 = arith.addi %add3A_775, %iota3A : vector<16xi32>
        %lt3A = arith.cmpi slt, %add3A_776, %scan3A_95 : vector<16xi32>
        %reduce_or3A = arith.constant 1.000000e+00 : f32
        %reduce_or3A_777 = arith.constant 0.000000e+00 : f32
        %reduce_or3A_778 = vector.broadcast %reduce_or3A : f32 to vector<16xf32>
        %reduce_or3A_779 = vector.broadcast %reduce_or3A_777 : f32 to vector<16xf32>
        %reduce_or3A_780 = arith.select %lt3A, %reduce_or3A_778, %reduce_or3A_779 : vector<16xi1>, vector<16xf32>
        %reduce_or3A_781 = arith.constant true
        %reduce_or3A_782 = vector.broadcast %reduce_or3A_781 : i1 to vector<16xi1>
        %reduce_or3A_783 = tpu.scan <max>, %reduce_or3A_780 masked %reduce_or3A_782 : vector<16xf32>, vector<16xi1> -> vector<16xf32>
        %reduce_or3A_784 = vector.extract %reduce_or3A_783[15] : f32 from vector<16xf32>
        %reduce_or3A_785 = arith.constant 0.000000e+00 : f32
        %reduce_or3A_786 = arith.cmpf ogt, %reduce_or3A_784, %reduce_or3A_785 : f32
        scf.condition(%reduce_or3A_786) %while3A_772 : i32
      } do {
      ^bb0(%while3A_772: i32):
        %mul3A_773 = arith.constant 16 : i32
        %mul3A_774 = arith.muli %while3A_772, %mul3A_773 : i32
        %add3A_775 = vector.broadcast %mul3A_774 : i32 to vector<16xi32>
        %add3A_776 = arith.addi %add3A_775, %iota3A : vector<16xi32>
        %lt3A = arith.cmpi slt, %add3A_776, %scan3A_95 : vector<16xi32>
        %get3A_777 = arith.index_cast %mul3A_774 : i32 to index
        %get3A_778 = tpu.vector_load %arg14[%get3A_777] {strides = array<i32>} : memref<6288xi32, #tpu.memory_space<vmem>>, vector<16xi32>,
        %jit3A = arith.constant 0 : i32
        %broadcast_in_dim3A_779 = vector.broadcast %jit3A : i32 to vector<16xi32>
        %select_n3A = arith.select %lt3A, %get3A_778, %broadcast_in_dim3A_779 : vector<16xi1>, vector<16xi32>
        %gather3A = tpu.vector_load_idx %arg9[%select_n3A] : memref<6272xi32, #tpu.memory_space<vmem>>[vector<16xi32>], vector<16xi32>,
        %gather3A_780 = tpu.vector_load_idx %arg11[%select_n3A] : memref<6272xf32, #tpu.memory_space<vmem>>[vector<16xi32>], vector<16xf32>,
        %gather3A_781 = tpu.vector_load_idx %arg12[%select_n3A] : memref<6272xf32, #tpu.memory_space<vmem>>[vector<16xi32>], vector<16xf32>,
        %gather3A_782 = tpu.vector_load_idx %arg13[%select_n3A] : memref<6272xf32, #tpu.memory_space<vmem>>[vector<16xi32>], vector<16xf32>,
        %add3A_783 = vector.broadcast %mul3A_0 : i32 to vector<16xi32>
        %add3A_784 = arith.addi %add3A_783, %select_n3A : vector<16xi32>
        %swap3A = arith.constant 0 : index
        %swap3A_785 = tpu.vector_load %arg15[%swap3A] {strides = array<i32>} : memref<128xi32, #tpu.memory_space<vmem>>, vector<16xi32>,
        tpu.vector_store %arg15[%swap3A], %add3A_784 {strides = array<i32>} : memref<128xi32, #tpu.memory_space<vmem>>, vector<16xi32>,
        %dma_start3A_786 = arith.constant 0 : i32
        %dma_start3A_787 = arith.constant 0 : i32
        %dma_start3A_788 = tpu.memref_slice %arg16[%dma_start3A_786, %dma_start3A_787] : memref<128x16xf32, #tpu.memory_space<vmem>> -> memref<16x16xf32, #tpu.memory_space<vmem>>
        %dma_start3A_789 = arith.constant 0 : i32
        %dma_start3A_790 = tpu.memref_slice %arg15[%dma_start3A_789] : memref<128xi32, #tpu.memory_space<vmem>> -> memref<16xi32, #tpu.memory_space<vmem>>
        %dma_start3A_791 = arith.constant 0 : i32
        %dma_start3A_792 = arith.constant 0 : i32
        %dma_start3A_793 = tpu.memref_slice %arg3[%dma_start3A_791, %dma_start3A_792] : memref<100352x16xf32, #tpu.memory_space<hbm>> -> memref<100352x16xf32, #tpu.memory_space<hbm>>
        tpu.enqueue_indirect_dma source(%dma_start3A_793 : memref<100352x16xf32, #tpu.memory_space<hbm>>) target(%dma_start3A_788 : memref<16x16xf32, #tpu.memory_space<vmem>>) offsets(%dma_start3A_790 : memref<16xi32, #tpu.memory_space<vmem>>) semaphore(%arg22 : memref<!tpu.dma_semaphore, #tpu.memory_space<semaphore_mem>>)
        %dma_wait3A_794 = arith.constant 0 : i32
        %dma_wait3A_795 = arith.constant 0 : i32
        %dma_wait3A_796 = tpu.memref_slice %arg16[%dma_wait3A_794, %dma_wait3A_795] : memref<128x16xf32, #tpu.memory_space<vmem>> -> memref<16x16xf32, #tpu.memory_space<vmem>>
        %dma_wait3A_797 = arith.constant 0 : i32
        %dma_wait3A_798 = tpu.memref_slice %arg15[%dma_wait3A_797] : memref<128xi32, #tpu.memory_space<vmem>> -> memref<16xi32, #tpu.memory_space<vmem>>
        %dma_wait3A_799 = arith.constant 0 : i32
        %dma_wait3A_800 = arith.constant 0 : i32
        %dma_wait3A_801 = tpu.memref_slice %arg3[%dma_wait3A_799, %dma_wait3A_800] : memref<100352x16xf32, #tpu.memory_space<hbm>> -> memref<100352x16xf32, #tpu.memory_space<hbm>>
        tpu.wait_indirect_dma semaphore(%arg22 : memref<!tpu.dma_semaphore, #tpu.memory_space<semaphore_mem>>) src(%dma_wait3A_801 : memref<100352x16xf32, #tpu.memory_space<hbm>>) dst(%dma_wait3A_796 : memref<16x16xf32, #tpu.memory_space<vmem>>)
        %and3A = arith.constant 127 : i32
        %and3A_802 = vector.broadcast %and3A : i32 to vector<16xi32>
        %and3A_803 = arith.andi %gather3A, %and3A_802 : vector<16xi32>
        %shift_right_arithmetic3A = arith.constant 7 : i32
        %shift_right_arithmetic3A_804 = vector.broadcast %shift_right_arithmetic3A : i32 to vector<16xi32>
        %shift_right_arithmetic3A_805 = arith.shrsi %gather3A, %shift_right_arithmetic3A_804 : vector<16xi32>
        %and3A_806 = arith.constant 127 : i32
        %and3A_807 = vector.broadcast %and3A_806 : i32 to vector<16xi32>
        %and3A_808 = arith.andi %shift_right_arithmetic3A_805, %and3A_807 : vector<16xi32>
        %shift_right_arithmetic3A_809 = arith.constant 14 : i32
        %shift_right_arithmetic3A_810 = vector.broadcast %shift_right_arithmetic3A_809 : i32 to vector<16xi32>
        %shift_right_arithmetic3A_811 = arith.shrsi %gather3A, %shift_right_arithmetic3A_810 : vector<16xi32>
        %and3A_812 = arith.constant 127 : i32
        %and3A_813 = vector.broadcast %and3A_812 : i32 to vector<16xi32>
        %and3A_814 = arith.andi %shift_right_arithmetic3A_811, %and3A_813 : vector<16xi32>
        %sub3A = vector.broadcast %mul3A_25 : i32 to vector<16xi32>
        %sub3A_815 = arith.subi %and3A_803, %sub3A : vector<16xi32>
        %add3A_816 = arith.constant 1 : i32
        %add3A_817 = vector.broadcast %add3A_816 : i32 to vector<16xi32>
        %add3A_818 = arith.addi %sub3A_815, %add3A_817 : vector<16xi32>
        %and3A_819 = arith.constant 127 : i32
        %and3A_820 = vector.broadcast %and3A_819 : i32 to vector<16xi32>
        %and3A_821 = arith.andi %add3A_818, %and3A_820 : vector<16xi32>
        %convert_element_type3A = arith.extui %lt3A : vector<16xi1> to vector<16xi32>
        %convert_element_type3A_822 = arith.sitofp %convert_element_type3A : vector<16xi32> to vector<16xf32>
        %ge3A = arith.constant 1 : i32
        %ge3A_823 = vector.broadcast %ge3A : i32 to vector<16xi32>
        %ge3A_824 = arith.cmpi sge, %and3A_821, %ge3A_823 : vector<16xi32>
        %jit3A_825 = arith.constant 0.000000e+00 : f32
        %broadcast_in_dim3A_826 = vector.broadcast %jit3A_825 : f32 to vector<16xf32>
        %select_n3A_827 = arith.select %ge3A_824, %gather3A_780, %broadcast_in_dim3A_826 : vector<16xi1>, vector<16xf32>
        %mul3A_828 = arith.mulf %select_n3A_827, %convert_element_type3A_822 : vector<16xf32>
        %le3A = arith.constant 1 : i32
        %le3A_829 = vector.broadcast %le3A : i32 to vector<16xi32>
        %le3A_830 = arith.cmpi sle, %and3A_821, %le3A_829 : vector<16xi32>
        %sub3A_831 = arith.constant 1.000000e+00 : f32
        %sub3A_832 = vector.broadcast %sub3A_831 : f32 to vector<16xf32>
        %sub3A_833 = arith.subf %sub3A_832, %gather3A_780 : vector<16xf32>
        %jit3A_834 = arith.constant 0.000000e+00 : f32
        %broadcast_in_dim3A_835 = vector.broadcast %jit3A_834 : f32 to vector<16xf32>
        %select_n3A_836 = arith.select %le3A_830, %sub3A_833, %broadcast_in_dim3A_835 : vector<16xi1>, vector<16xf32>
        %mul3A_837 = arith.mulf %select_n3A_836, %convert_element_type3A_822 : vector<16xf32>
        %sub3A_838 = arith.constant 1.000000e+00 : f32
        %sub3A_839 = vector.broadcast %sub3A_838 : f32 to vector<16xf32>
        %sub3A_840 = arith.subf %sub3A_839, %gather3A_781 : vector<16xf32>
        %sub3A_841 = arith.constant 1.000000e+00 : f32
        %sub3A_842 = vector.broadcast %sub3A_841 : f32 to vector<16xf32>
        %sub3A_843 = arith.subf %sub3A_842, %gather3A_782 : vector<16xf32>
        %mul3A_844 = arith.constant 128 : i32
        %mul3A_845 = vector.broadcast %mul3A_844 : i32 to vector<16xi32>
        %mul3A_846 = arith.muli %and3A_808, %mul3A_845 : vector<16xi32>
        %add3A_847 = arith.constant 1 : i32
        %add3A_848 = vector.broadcast %add3A_847 : i32 to vector<16xi32>
        %add3A_849 = arith.addi %and3A_808, %add3A_848 : vector<16xi32>
        %and3A_850 = arith.constant 127 : i32
        %and3A_851 = vector.broadcast %and3A_850 : i32 to vector<16xi32>
        %and3A_852 = arith.andi %add3A_849, %and3A_851 : vector<16xi32>
        %mul3A_853 = arith.constant 128 : i32
        %mul3A_854 = vector.broadcast %mul3A_853 : i32 to vector<16xi32>
        %mul3A_855 = arith.muli %and3A_852, %mul3A_854 : vector<16xi32>
        %add3A_856 = arith.constant 1 : i32
        %add3A_857 = vector.broadcast %add3A_856 : i32 to vector<16xi32>
        %add3A_858 = arith.addi %and3A_814, %add3A_857 : vector<16xi32>
        %and3A_859 = arith.constant 127 : i32
        %and3A_860 = vector.broadcast %and3A_859 : i32 to vector<16xi32>
        %and3A_861 = arith.andi %add3A_858, %and3A_860 : vector<16xi32>
        %sub3A_862 = arith.constant 1 : i32
        %sub3A_863 = vector.broadcast %sub3A_862 : i32 to vector<16xi32>
        %sub3A_864 = arith.subi %and3A_821, %sub3A_863 : vector<16xi32>
        %jit3A_865 = arith.constant 0 : i32
        %jit3A_866 = arith.constant 1 : i32
        %max3A = vector.broadcast %jit3A_865 : i32 to vector<16xi32>
        %max3A_867 = arith.maxsi %max3A, %sub3A_864 : vector<16xi32>
        %min3A = vector.broadcast %jit3A_866 : i32 to vector<16xi32>
        %min3A_868 = arith.minsi %min3A, %max3A_867 : vector<16xi32>
        %mul3A_869 = arith.constant 16384 : i32
        %mul3A_870 = vector.broadcast %mul3A_869 : i32 to vector<16xi32>
        %mul3A_871 = arith.muli %min3A_868, %mul3A_870 : vector<16xi32>
        %jit3A_872 = arith.constant 0 : i32
        %jit3A_873 = arith.constant 1 : i32
        %max3A_874 = vector.broadcast %jit3A_872 : i32 to vector<16xi32>
        %max3A_875 = arith.maxsi %max3A_874, %and3A_821 : vector<16xi32>
        %min3A_876 = vector.broadcast %jit3A_873 : i32 to vector<16xi32>
        %min3A_877 = arith.minsi %min3A_876, %max3A_875 : vector<16xi32>
        %mul3A_878 = arith.constant 16384 : i32
        %mul3A_879 = vector.broadcast %mul3A_878 : i32 to vector<16xi32>
        %mul3A_880 = arith.muli %min3A_877, %mul3A_879 : vector<16xi32>
        %mul3A_881 = arith.mulf %mul3A_828, %gather3A_781 : vector<16xf32>
        %mul3A_882 = arith.mulf %mul3A_881, %gather3A_782 : vector<16xf32>
        %add3A_883 = arith.addi %mul3A_871, %mul3A_846 : vector<16xi32>
        %add3A_884 = arith.addi %add3A_883, %and3A_814 : vector<16xi32>
        %swap3A_885 = arith.constant 0 : index
        %swap3A_886 = tpu.vector_load %arg18[%swap3A_885] {strides = array<i32>} : memref<128xi32, #tpu.memory_space<vmem>>, vector<16xi32>,
        tpu.vector_store %arg18[%swap3A_885], %add3A_884 {strides = array<i32>} : memref<128xi32, #tpu.memory_space<vmem>>, vector<16xi32>,
        %get3A_887 = arith.constant 0 : i32
        %get3A_888 = arith.index_cast %get3A_887 : i32 to index
        %get3A_889 = arith.constant 0 : index
        %get3A_890 = tpu.vector_load %arg16[%get3A_888, %get3A_889] {strides = array<i32>} : memref<128x16xf32, #tpu.memory_space<vmem>>, vector<16xf32>,
        %broadcast_in_dim3A_891 = arith.constant 0 : i32
        %broadcast_in_dim3A_892 = vector.broadcast %broadcast_in_dim3A_891 : i32 to vector<16xi32>
        %broadcast_in_dim3A_893 = vector.shape_cast %broadcast_in_dim3A_892 : vector<16xi32> to vector<16x1xi32>
        %gather3A_894 = vector.shape_cast %broadcast_in_dim3A_893 : vector<16x1xi32> to vector<16xi32>
        %gather3A_895 = tpu.dynamic_gather %mul3A_882[%gather3A_894] in [0] : vector<16xf32>, vector<16xi32> -> vector<16xf32>
        %mul3A_896 = arith.mulf %get3A_890, %gather3A_895 : vector<16xf32>
        %swap3A_897 = arith.constant 0 : i32
        %swap3A_898 = arith.index_cast %swap3A_897 : i32 to index
        %swap3A_899 = arith.constant 0 : index
        %swap3A_900 = tpu.vector_load %arg17[%swap3A_898, %swap3A_899] {strides = array<i32>} : memref<128x16xf32, #tpu.memory_space<vmem>>, vector<16xf32>,
        tpu.vector_store %arg17[%swap3A_898, %swap3A_899], %mul3A_896 {strides = array<i32>} : memref<128x16xf32, #tpu.memory_space<vmem>>, vector<16xf32>,
        %get3A_901 = arith.constant 1 : i32
        %get3A_902 = arith.index_cast %get3A_901 : i32 to index
        %get3A_903 = arith.constant 0 : index
        %get3A_904 = tpu.vector_load %arg16[%get3A_902, %get3A_903] {strides = array<i32>} : memref<128x16xf32, #tpu.memory_space<vmem>>, vector<16xf32>,
        %broadcast_in_dim3A_905 = arith.constant 1 : i32
        %broadcast_in_dim3A_906 = vector.broadcast %broadcast_in_dim3A_905 : i32 to vector<16xi32>
        %broadcast_in_dim3A_907 = vector.shape_cast %broadcast_in_dim3A_906 : vector<16xi32> to vector<16x1xi32>
        %gather3A_908 = vector.shape_cast %broadcast_in_dim3A_907 : vector<16x1xi32> to vector<16xi32>
        %gather3A_909 = tpu.dynamic_gather %mul3A_882[%gather3A_908] in [0] : vector<16xf32>, vector<16xi32> -> vector<16xf32>
        %mul3A_910 = arith.mulf %get3A_904, %gather3A_909 : vector<16xf32>
        %swap3A_911 = arith.constant 1 : i32
        %swap3A_912 = arith.index_cast %swap3A_911 : i32 to index
        %swap3A_913 = arith.constant 0 : index
        %swap3A_914 = tpu.vector_load %arg17[%swap3A_912, %swap3A_913] {strides = array<i32>} : memref<128x16xf32, #tpu.memory_space<vmem>>, vector<16xf32>,
        tpu.vector_store %arg17[%swap3A_912, %swap3A_913], %mul3A_910 {strides = array<i32>} : memref<128x16xf32, #tpu.memory_space<vmem>>, vector<16xf32>,
        %get3A_915 = arith.constant 2 : i32
        %get3A_916 = arith.index_cast %get3A_915 : i32 to index
        %get3A_917 = arith.constant 0 : index
        %get3A_918 = tpu.vector_load %arg16[%get3A_916, %get3A_917] {strides = array<i32>} : memref<128x16xf32, #tpu.memory_space<vmem>>, vector<16xf32>,
        %broadcast_in_dim3A_919 = arith.constant 2 : i32
        %broadcast_in_dim3A_920 = vector.broadcast %broadcast_in_dim3A_919 : i32 to vector<16xi32>
        %broadcast_in_dim3A_921 = vector.shape_cast %broadcast_in_dim3A_920 : vector<16xi32> to vector<16x1xi32>
        %gather3A_922 = vector.shape_cast %broadcast_in_dim3A_921 : vector<16x1xi32> to vector<16xi32>
        %gather3A_923 = tpu.dynamic_gather %mul3A_882[%gather3A_922] in [0] : vector<16xf32>, vector<16xi32> -> vector<16xf32>
        %mul3A_924 = arith.mulf %get3A_918, %gather3A_923 : vector<16xf32>
        %swap3A_925 = arith.constant 2 : i32
        %swap3A_926 = arith.index_cast %swap3A_925 : i32 to index
        %swap3A_927 = arith.constant 0 : index
        %swap3A_928 = tpu.vector_load %arg17[%swap3A_926, %swap3A_927] {strides = array<i32>} : memref<128x16xf32, #tpu.memory_space<vmem>>, vector<16xf32>,
        tpu.vector_store %arg17[%swap3A_926, %swap3A_927], %mul3A_924 {strides = array<i32>} : memref<128x16xf32, #tpu.memory_space<vmem>>, vector<16xf32>,
        %get3A_929 = arith.constant 3 : i32
        %get3A_930 = arith.index_cast %get3A_929 : i32 to index
        %get3A_931 = arith.constant 0 : index
        %get3A_932 = tpu.vector_load %arg16[%get3A_930, %get3A_931] {strides = array<i32>} : memref<128x16xf32, #tpu.memory_space<vmem>>, vector<16xf32>,
        %broadcast_in_dim3A_933 = arith.constant 3 : i32
        %broadcast_in_dim3A_934 = vector.broadcast %broadcast_in_dim3A_933 : i32 to vector<16xi32>
        %broadcast_in_dim3A_935 = vector.shape_cast %broadcast_in_dim3A_934 : vector<16xi32> to vector<16x1xi32>
        %gather3A_936 = vector.shape_cast %broadcast_in_dim3A_935 : vector<16x1xi32> to vector<16xi32>
        %gather3A_937 = tpu.dynamic_gather %mul3A_882[%gather3A_936] in [0] : vector<16xf32>, vector<16xi32> -> vector<16xf32>
        %mul3A_938 = arith.mulf %get3A_932, %gather3A_937 : vector<16xf32>
        %swap3A_939 = arith.constant 3 : i32
        %swap3A_940 = arith.index_cast %swap3A_939 : i32 to index
        %swap3A_941 = arith.constant 0 : index
        %swap3A_942 = tpu.vector_load %arg17[%swap3A_940, %swap3A_941] {strides = array<i32>} : memref<128x16xf32, #tpu.memory_space<vmem>>, vector<16xf32>,
        tpu.vector_store %arg17[%swap3A_940, %swap3A_941], %mul3A_938 {strides = array<i32>} : memref<128x16xf32, #tpu.memory_space<vmem>>, vector<16xf32>,
        %get3A_943 = arith.constant 4 : i32
        %get3A_944 = arith.index_cast %get3A_943 : i32 to index
        %get3A_945 = arith.constant 0 : index
        %get3A_946 = tpu.vector_load %arg16[%get3A_944, %get3A_945] {strides = array<i32>} : memref<128x16xf32, #tpu.memory_space<vmem>>, vector<16xf32>,
        %broadcast_in_dim3A_947 = arith.constant 4 : i32
        %broadcast_in_dim3A_948 = vector.broadcast %broadcast_in_dim3A_947 : i32 to vector<16xi32>
        %broadcast_in_dim3A_949 = vector.shape_cast %broadcast_in_dim3A_948 : vector<16xi32> to vector<16x1xi32>
        %gather3A_950 = vector.shape_cast %broadcast_in_dim3A_949 : vector<16x1xi32> to vector<16xi32>
        %gather3A_951 = tpu.dynamic_gather %mul3A_882[%gather3A_950] in [0] : vector<16xf32>, vector<16xi32> -> vector<16xf32>
        %mul3A_952 = arith.mulf %get3A_946, %gather3A_951 : vector<16xf32>
        %swap3A_953 = arith.constant 4 : i32
        %swap3A_954 = arith.index_cast %swap3A_953 : i32 to index
        %swap3A_955 = arith.constant 0 : index
        %swap3A_956 = tpu.vector_load %arg17[%swap3A_954, %swap3A_955] {strides = array<i32>} : memref<128x16xf32, #tpu.memory_space<vmem>>, vector<16xf32>,
        tpu.vector_store %arg17[%swap3A_954, %swap3A_955], %mul3A_952 {strides = array<i32>} : memref<128x16xf32, #tpu.memory_space<vmem>>, vector<16xf32>,
        %get3A_957 = arith.constant 5 : i32
        %get3A_958 = arith.index_cast %get3A_957 : i32 to index
        %get3A_959 = arith.constant 0 : index
        %get3A_960 = tpu.vector_load %arg16[%get3A_958, %get3A_959] {strides = array<i32>} : memref<128x16xf32, #tpu.memory_space<vmem>>, vector<16xf32>,
        %broadcast_in_dim3A_961 = arith.constant 5 : i32
        %broadcast_in_dim3A_962 = vector.broadcast %broadcast_in_dim3A_961 : i32 to vector<16xi32>
        %broadcast_in_dim3A_963 = vector.shape_cast %broadcast_in_dim3A_962 : vector<16xi32> to vector<16x1xi32>
        %gather3A_964 = vector.shape_cast %broadcast_in_dim3A_963 : vector<16x1xi32> to vector<16xi32>
        %gather3A_965 = tpu.dynamic_gather %mul3A_882[%gather3A_964] in [0] : vector<16xf32>, vector<16xi32> -> vector<16xf32>
        %mul3A_966 = arith.mulf %get3A_960, %gather3A_965 : vector<16xf32>
        %swap3A_967 = arith.constant 5 : i32
        %swap3A_968 = arith.index_cast %swap3A_967 : i32 to index
        %swap3A_969 = arith.constant 0 : index
        %swap3A_970 = tpu.vector_load %arg17[%swap3A_968, %swap3A_969] {strides = array<i32>} : memref<128x16xf32, #tpu.memory_space<vmem>>, vector<16xf32>,
        tpu.vector_store %arg17[%swap3A_968, %swap3A_969], %mul3A_966 {strides = array<i32>} : memref<128x16xf32, #tpu.memory_space<vmem>>, vector<16xf32>,
        %get3A_971 = arith.constant 6 : i32
        %get3A_972 = arith.index_cast %get3A_971 : i32 to index
        %get3A_973 = arith.constant 0 : index
        %get3A_974 = tpu.vector_load %arg16[%get3A_972, %get3A_973] {strides = array<i32>} : memref<128x16xf32, #tpu.memory_space<vmem>>, vector<16xf32>,
        %broadcast_in_dim3A_975 = arith.constant 6 : i32
        %broadcast_in_dim3A_976 = vector.broadcast %broadcast_in_dim3A_975 : i32 to vector<16xi32>
        %broadcast_in_dim3A_977 = vector.shape_cast %broadcast_in_dim3A_976 : vector<16xi32> to vector<16x1xi32>
        %gather3A_978 = vector.shape_cast %broadcast_in_dim3A_977 : vector<16x1xi32> to vector<16xi32>
        %gather3A_979 = tpu.dynamic_gather %mul3A_882[%gather3A_978] in [0] : vector<16xf32>, vector<16xi32> -> vector<16xf32>
        %mul3A_980 = arith.mulf %get3A_974, %gather3A_979 : vector<16xf32>
        %swap3A_981 = arith.constant 6 : i32
        %swap3A_982 = arith.index_cast %swap3A_981 : i32 to index
        %swap3A_983 = arith.constant 0 : index
        %swap3A_984 = tpu.vector_load %arg17[%swap3A_982, %swap3A_983] {strides = array<i32>} : memref<128x16xf32, #tpu.memory_space<vmem>>, vector<16xf32>,
        tpu.vector_store %arg17[%swap3A_982, %swap3A_983], %mul3A_980 {strides = array<i32>} : memref<128x16xf32, #tpu.memory_space<vmem>>, vector<16xf32>,
        %get3A_985 = arith.constant 7 : i32
        %get3A_986 = arith.index_cast %get3A_985 : i32 to index
        %get3A_987 = arith.constant 0 : index
        %get3A_988 = tpu.vector_load %arg16[%get3A_986, %get3A_987] {strides = array<i32>} : memref<128x16xf32, #tpu.memory_space<vmem>>, vector<16xf32>,
        %broadcast_in_dim3A_989 = arith.constant 7 : i32
        %broadcast_in_dim3A_990 = vector.broadcast %broadcast_in_dim3A_989 : i32 to vector<16xi32>
        %broadcast_in_dim3A_991 = vector.shape_cast %broadcast_in_dim3A_990 : vector<16xi32> to vector<16x1xi32>
        %gather3A_992 = vector.shape_cast %broadcast_in_dim3A_991 : vector<16x1xi32> to vector<16xi32>
        %gather3A_993 = tpu.dynamic_gather %mul3A_882[%gather3A_992] in [0] : vector<16xf32>, vector<16xi32> -> vector<16xf32>
        %mul3A_994 = arith.mulf %get3A_988, %gather3A_993 : vector<16xf32>
        %swap3A_995 = arith.constant 7 : i32
        %swap3A_996 = arith.index_cast %swap3A_995 : i32 to index
        %swap3A_997 = arith.constant 0 : index
        %swap3A_998 = tpu.vector_load %arg17[%swap3A_996, %swap3A_997] {strides = array<i32>} : memref<128x16xf32, #tpu.memory_space<vmem>>, vector<16xf32>,
        tpu.vector_store %arg17[%swap3A_996, %swap3A_997], %mul3A_994 {strides = array<i32>} : memref<128x16xf32, #tpu.memory_space<vmem>>, vector<16xf32>,
        %get3A_999 = arith.constant 8 : i32
        %get3A_1000 = arith.index_cast %get3A_999 : i32 to index
        %get3A_1001 = arith.constant 0 : index
        %get3A_1002 = tpu.vector_load %arg16[%get3A_1000, %get3A_1001] {strides = array<i32>} : memref<128x16xf32, #tpu.memory_space<vmem>>, vector<16xf32>,
        %broadcast_in_dim3A_1003 = arith.constant 8 : i32
        %broadcast_in_dim3A_1004 = vector.broadcast %broadcast_in_dim3A_1003 : i32 to vector<16xi32>
        %broadcast_in_dim3A_1005 = vector.shape_cast %broadcast_in_dim3A_1004 : vector<16xi32> to vector<16x1xi32>
        %gather3A_1006 = vector.shape_cast %broadcast_in_dim3A_1005 : vector<16x1xi32> to vector<16xi32>
        %gather3A_1007 = tpu.dynamic_gather %mul3A_882[%gather3A_1006] in [0] : vector<16xf32>, vector<16xi32> -> vector<16xf32>
        %mul3A_1008 = arith.mulf %get3A_1002, %gather3A_1007 : vector<16xf32>
        %swap3A_1009 = arith.constant 8 : i32
        %swap3A_1010 = arith.index_cast %swap3A_1009 : i32 to index
        %swap3A_1011 = arith.constant 0 : index
        %swap3A_1012 = tpu.vector_load %arg17[%swap3A_1010, %swap3A_1011] {strides = array<i32>} : memref<128x16xf32, #tpu.memory_space<vmem>>, vector<16xf32>,
        tpu.vector_store %arg17[%swap3A_1010, %swap3A_1011], %mul3A_1008 {strides = array<i32>} : memref<128x16xf32, #tpu.memory_space<vmem>>, vector<16xf32>,
        %get3A_1013 = arith.constant 9 : i32
        %get3A_1014 = arith.index_cast %get3A_1013 : i32 to index
        %get3A_1015 = arith.constant 0 : index
        %get3A_1016 = tpu.vector_load %arg16[%get3A_1014, %get3A_1015] {strides = array<i32>} : memref<128x16xf32, #tpu.memory_space<vmem>>, vector<16xf32>,
        %broadcast_in_dim3A_1017 = arith.constant 9 : i32
        %broadcast_in_dim3A_1018 = vector.broadcast %broadcast_in_dim3A_1017 : i32 to vector<16xi32>
        %broadcast_in_dim3A_1019 = vector.shape_cast %broadcast_in_dim3A_1018 : vector<16xi32> to vector<16x1xi32>
        %gather3A_1020 = vector.shape_cast %broadcast_in_dim3A_1019 : vector<16x1xi32> to vector<16xi32>
        %gather3A_1021 = tpu.dynamic_gather %mul3A_882[%gather3A_1020] in [0] : vector<16xf32>, vector<16xi32> -> vector<16xf32>
        %mul3A_1022 = arith.mulf %get3A_1016, %gather3A_1021 : vector<16xf32>
        %swap3A_1023 = arith.constant 9 : i32
        %swap3A_1024 = arith.index_cast %swap3A_1023 : i32 to index
        %swap3A_1025 = arith.constant 0 : index
        %swap3A_1026 = tpu.vector_load %arg17[%swap3A_1024, %swap3A_1025] {strides = array<i32>} : memref<128x16xf32, #tpu.memory_space<vmem>>, vector<16xf32>,
        tpu.vector_store %arg17[%swap3A_1024, %swap3A_1025], %mul3A_1022 {strides = array<i32>} : memref<128x16xf32, #tpu.memory_space<vmem>>, vector<16xf32>,
        %get3A_1027 = arith.constant 10 : i32
        %get3A_1028 = arith.index_cast %get3A_1027 : i32 to index
        %get3A_1029 = arith.constant 0 : index
        %get3A_1030 = tpu.vector_load %arg16[%get3A_1028, %get3A_1029] {strides = array<i32>} : memref<128x16xf32, #tpu.memory_space<vmem>>, vector<16xf32>,
        %broadcast_in_dim3A_1031 = arith.constant 10 : i32
        %broadcast_in_dim3A_1032 = vector.broadcast %broadcast_in_dim3A_1031 : i32 to vector<16xi32>
        %broadcast_in_dim3A_1033 = vector.shape_cast %broadcast_in_dim3A_1032 : vector<16xi32> to vector<16x1xi32>
        %gather3A_1034 = vector.shape_cast %broadcast_in_dim3A_1033 : vector<16x1xi32> to vector<16xi32>
        %gather3A_1035 = tpu.dynamic_gather %mul3A_882[%gather3A_1034] in [0] : vector<16xf32>, vector<16xi32> -> vector<16xf32>
        %mul3A_1036 = arith.mulf %get3A_1030, %gather3A_1035 : vector<16xf32>
        %swap3A_1037 = arith.constant 10 : i32
        %swap3A_1038 = arith.index_cast %swap3A_1037 : i32 to index
        %swap3A_1039 = arith.constant 0 : index
        %swap3A_1040 = tpu.vector_load %arg17[%swap3A_1038, %swap3A_1039] {strides = array<i32>} : memref<128x16xf32, #tpu.memory_space<vmem>>, vector<16xf32>,
        tpu.vector_store %arg17[%swap3A_1038, %swap3A_1039], %mul3A_1036 {strides = array<i32>} : memref<128x16xf32, #tpu.memory_space<vmem>>, vector<16xf32>,
        %get3A_1041 = arith.constant 11 : i32
        %get3A_1042 = arith.index_cast %get3A_1041 : i32 to index
        %get3A_1043 = arith.constant 0 : index
        %get3A_1044 = tpu.vector_load %arg16[%get3A_1042, %get3A_1043] {strides = array<i32>} : memref<128x16xf32, #tpu.memory_space<vmem>>, vector<16xf32>,
        %broadcast_in_dim3A_1045 = arith.constant 11 : i32
        %broadcast_in_dim3A_1046 = vector.broadcast %broadcast_in_dim3A_1045 : i32 to vector<16xi32>
        %broadcast_in_dim3A_1047 = vector.shape_cast %broadcast_in_dim3A_1046 : vector<16xi32> to vector<16x1xi32>
        %gather3A_1048 = vector.shape_cast %broadcast_in_dim3A_1047 : vector<16x1xi32> to vector<16xi32>
        %gather3A_1049 = tpu.dynamic_gather %mul3A_882[%gather3A_1048] in [0] : vector<16xf32>, vector<16xi32> -> vector<16xf32>
        %mul3A_1050 = arith.mulf %get3A_1044, %gather3A_1049 : vector<16xf32>
        %swap3A_1051 = arith.constant 11 : i32
        %swap3A_1052 = arith.index_cast %swap3A_1051 : i32 to index
        %swap3A_1053 = arith.constant 0 : index
        %swap3A_1054 = tpu.vector_load %arg17[%swap3A_1052, %swap3A_1053] {strides = array<i32>} : memref<128x16xf32, #tpu.memory_space<vmem>>, vector<16xf32>,
        tpu.vector_store %arg17[%swap3A_1052, %swap3A_1053], %mul3A_1050 {strides = array<i32>} : memref<128x16xf32, #tpu.memory_space<vmem>>, vector<16xf32>,
        %get3A_1055 = arith.constant 12 : i32
        %get3A_1056 = arith.index_cast %get3A_1055 : i32 to index
        %get3A_1057 = arith.constant 0 : index
        %get3A_1058 = tpu.vector_load %arg16[%get3A_1056, %get3A_1057] {strides = array<i32>} : memref<128x16xf32, #tpu.memory_space<vmem>>, vector<16xf32>,
        %broadcast_in_dim3A_1059 = arith.constant 12 : i32
        %broadcast_in_dim3A_1060 = vector.broadcast %broadcast_in_dim3A_1059 : i32 to vector<16xi32>
        %broadcast_in_dim3A_1061 = vector.shape_cast %broadcast_in_dim3A_1060 : vector<16xi32> to vector<16x1xi32>
        %gather3A_1062 = vector.shape_cast %broadcast_in_dim3A_1061 : vector<16x1xi32> to vector<16xi32>
        %gather3A_1063 = tpu.dynamic_gather %mul3A_882[%gather3A_1062] in [0] : vector<16xf32>, vector<16xi32> -> vector<16xf32>
        %mul3A_1064 = arith.mulf %get3A_1058, %gather3A_1063 : vector<16xf32>
        %swap3A_1065 = arith.constant 12 : i32
        %swap3A_1066 = arith.index_cast %swap3A_1065 : i32 to index
        %swap3A_1067 = arith.constant 0 : index
        %swap3A_1068 = tpu.vector_load %arg17[%swap3A_1066, %swap3A_1067] {strides = array<i32>} : memref<128x16xf32, #tpu.memory_space<vmem>>, vector<16xf32>,
        tpu.vector_store %arg17[%swap3A_1066, %swap3A_1067], %mul3A_1064 {strides = array<i32>} : memref<128x16xf32, #tpu.memory_space<vmem>>, vector<16xf32>,
        %get3A_1069 = arith.constant 13 : i32
        %get3A_1070 = arith.index_cast %get3A_1069 : i32 to index
        %get3A_1071 = arith.constant 0 : index
        %get3A_1072 = tpu.vector_load %arg16[%get3A_1070, %get3A_1071] {strides = array<i32>} : memref<128x16xf32, #tpu.memory_space<vmem>>, vector<16xf32>,
        %broadcast_in_dim3A_1073 = arith.constant 13 : i32
        %broadcast_in_dim3A_1074 = vector.broadcast %broadcast_in_dim3A_1073 : i32 to vector<16xi32>
        %broadcast_in_dim3A_1075 = vector.shape_cast %broadcast_in_dim3A_1074 : vector<16xi32> to vector<16x1xi32>
        %gather3A_1076 = vector.shape_cast %broadcast_in_dim3A_1075 : vector<16x1xi32> to vector<16xi32>
        %gather3A_1077 = tpu.dynamic_gather %mul3A_882[%gather3A_1076] in [0] : vector<16xf32>, vector<16xi32> -> vector<16xf32>
        %mul3A_1078 = arith.mulf %get3A_1072, %gather3A_1077 : vector<16xf32>
        %swap3A_1079 = arith.constant 13 : i32
        %swap3A_1080 = arith.index_cast %swap3A_1079 : i32 to index
        %swap3A_1081 = arith.constant 0 : index
        %swap3A_1082 = tpu.vector_load %arg17[%swap3A_1080, %swap3A_1081] {strides = array<i32>} : memref<128x16xf32, #tpu.memory_space<vmem>>, vector<16xf32>,
        tpu.vector_store %arg17[%swap3A_1080, %swap3A_1081], %mul3A_1078 {strides = array<i32>} : memref<128x16xf32, #tpu.memory_space<vmem>>, vector<16xf32>,
        %get3A_1083 = arith.constant 14 : i32
        %get3A_1084 = arith.index_cast %get3A_1083 : i32 to index
        %get3A_1085 = arith.constant 0 : index
        %get3A_1086 = tpu.vector_load %arg16[%get3A_1084, %get3A_1085] {strides = array<i32>} : memref<128x16xf32, #tpu.memory_space<vmem>>, vector<16xf32>,
        %broadcast_in_dim3A_1087 = arith.constant 14 : i32
        %broadcast_in_dim3A_1088 = vector.broadcast %broadcast_in_dim3A_1087 : i32 to vector<16xi32>
        %broadcast_in_dim3A_1089 = vector.shape_cast %broadcast_in_dim3A_1088 : vector<16xi32> to vector<16x1xi32>
        %gather3A_1090 = vector.shape_cast %broadcast_in_dim3A_1089 : vector<16x1xi32> to vector<16xi32>
        %gather3A_1091 = tpu.dynamic_gather %mul3A_882[%gather3A_1090] in [0] : vector<16xf32>, vector<16xi32> -> vector<16xf32>
        %mul3A_1092 = arith.mulf %get3A_1086, %gather3A_1091 : vector<16xf32>
        %swap3A_1093 = arith.constant 14 : i32
        %swap3A_1094 = arith.index_cast %swap3A_1093 : i32 to index
        %swap3A_1095 = arith.constant 0 : index
        %swap3A_1096 = tpu.vector_load %arg17[%swap3A_1094, %swap3A_1095] {strides = array<i32>} : memref<128x16xf32, #tpu.memory_space<vmem>>, vector<16xf32>,
        tpu.vector_store %arg17[%swap3A_1094, %swap3A_1095], %mul3A_1092 {strides = array<i32>} : memref<128x16xf32, #tpu.memory_space<vmem>>, vector<16xf32>,
        %get3A_1097 = arith.constant 15 : i32
        %get3A_1098 = arith.index_cast %get3A_1097 : i32 to index
        %get3A_1099 = arith.constant 0 : index
        %get3A_1100 = tpu.vector_load %arg16[%get3A_1098, %get3A_1099] {strides = array<i32>} : memref<128x16xf32, #tpu.memory_space<vmem>>, vector<16xf32>,
        %broadcast_in_dim3A_1101 = arith.constant 15 : i32
        %broadcast_in_dim3A_1102 = vector.broadcast %broadcast_in_dim3A_1101 : i32 to vector<16xi32>
        %broadcast_in_dim3A_1103 = vector.shape_cast %broadcast_in_dim3A_1102 : vector<16xi32> to vector<16x1xi32>
        %gather3A_1104 = vector.shape_cast %broadcast_in_dim3A_1103 : vector<16x1xi32> to vector<16xi32>
        %gather3A_1105 = tpu.dynamic_gather %mul3A_882[%gather3A_1104] in [0] : vector<16xf32>, vector<16xi32> -> vector<16xf32>
        %mul3A_1106 = arith.mulf %get3A_1100, %gather3A_1105 : vector<16xf32>
        %swap3A_1107 = arith.constant 15 : i32
        %swap3A_1108 = arith.index_cast %swap3A_1107 : i32 to index
        %swap3A_1109 = arith.constant 0 : index
        %swap3A_1110 = tpu.vector_load %arg17[%swap3A_1108, %swap3A_1109] {strides = array<i32>} : memref<128x16xf32, #tpu.memory_space<vmem>>, vector<16xf32>,
        tpu.vector_store %arg17[%swap3A_1108, %swap3A_1109], %mul3A_1106 {strides = array<i32>} : memref<128x16xf32, #tpu.memory_space<vmem>>, vector<16xf32>,
        %mul3A_1111 = arith.mulf %mul3A_828, %gather3A_781 : vector<16xf32>
        %mul3A_1112 = arith.mulf %mul3A_1111, %sub3A_843 : vector<16xf32>
        %add3A_1113 = arith.addi %mul3A_871, %mul3A_846 : vector<16xi32>
        %add3A_1114 = arith.addi %add3A_1113, %and3A_861 : vector<16xi32>
        %swap3A_1115 = arith.constant 16 : index
        %swap3A_1116 = tpu.vector_load %arg18[%swap3A_1115] {strides = array<i32>} : memref<128xi32, #tpu.memory_space<vmem>>, vector<16xi32>,
        tpu.vector_store %arg18[%swap3A_1115], %add3A_1114 {strides = array<i32>} : memref<128xi32, #tpu.memory_space<vmem>>, vector<16xi32>,
        %get3A_1117 = arith.constant 0 : i32
        %get3A_1118 = arith.index_cast %get3A_1117 : i32 to index
        %get3A_1119 = arith.constant 0 : index
        %get3A_1120 = tpu.vector_load %arg16[%get3A_1118, %get3A_1119] {strides = array<i32>} : memref<128x16xf32, #tpu.memory_space<vmem>>, vector<16xf32>,
        %broadcast_in_dim3A_1121 = arith.constant 0 : i32
        %broadcast_in_dim3A_1122 = vector.broadcast %broadcast_in_dim3A_1121 : i32 to vector<16xi32>
        %broadcast_in_dim3A_1123 = vector.shape_cast %broadcast_in_dim3A_1122 : vector<16xi32> to vector<16x1xi32>
        %gather3A_1124 = vector.shape_cast %broadcast_in_dim3A_1123 : vector<16x1xi32> to vector<16xi32>
        %gather3A_1125 = tpu.dynamic_gather %mul3A_1112[%gather3A_1124] in [0] : vector<16xf32>, vector<16xi32> -> vector<16xf32>
        %mul3A_1126 = arith.mulf %get3A_1120, %gather3A_1125 : vector<16xf32>
        %swap3A_1127 = arith.constant 16 : i32
        %swap3A_1128 = arith.index_cast %swap3A_1127 : i32 to index
        %swap3A_1129 = arith.constant 0 : index
        %swap3A_1130 = tpu.vector_load %arg17[%swap3A_1128, %swap3A_1129] {strides = array<i32>} : memref<128x16xf32, #tpu.memory_space<vmem>>, vector<16xf32>,
        tpu.vector_store %arg17[%swap3A_1128, %swap3A_1129], %mul3A_1126 {strides = array<i32>} : memref<128x16xf32, #tpu.memory_space<vmem>>, vector<16xf32>,
        %get3A_1131 = arith.constant 1 : i32
        %get3A_1132 = arith.index_cast %get3A_1131 : i32 to index
        %get3A_1133 = arith.constant 0 : index
        %get3A_1134 = tpu.vector_load %arg16[%get3A_1132, %get3A_1133] {strides = array<i32>} : memref<128x16xf32, #tpu.memory_space<vmem>>, vector<16xf32>,
        %broadcast_in_dim3A_1135 = arith.constant 1 : i32
        %broadcast_in_dim3A_1136 = vector.broadcast %broadcast_in_dim3A_1135 : i32 to vector<16xi32>
        %broadcast_in_dim3A_1137 = vector.shape_cast %broadcast_in_dim3A_1136 : vector<16xi32> to vector<16x1xi32>
        %gather3A_1138 = vector.shape_cast %broadcast_in_dim3A_1137 : vector<16x1xi32> to vector<16xi32>
        %gather3A_1139 = tpu.dynamic_gather %mul3A_1112[%gather3A_1138] in [0] : vector<16xf32>, vector<16xi32> -> vector<16xf32>
        %mul3A_1140 = arith.mulf %get3A_1134, %gather3A_1139 : vector<16xf32>
        %swap3A_1141 = arith.constant 17 : i32
        %swap3A_1142 = arith.index_cast %swap3A_1141 : i32 to index
        %swap3A_1143 = arith.constant 0 : index
        %swap3A_1144 = tpu.vector_load %arg17[%swap3A_1142, %swap3A_1143] {strides = array<i32>} : memref<128x16xf32, #tpu.memory_space<vmem>>, vector<16xf32>,
        tpu.vector_store %arg17[%swap3A_1142, %swap3A_1143], %mul3A_1140 {strides = array<i32>} : memref<128x16xf32, #tpu.memory_space<vmem>>, vector<16xf32>,
        %get3A_1145 = arith.constant 2 : i32
        %get3A_1146 = arith.index_cast %get3A_1145 : i32 to index
        %get3A_1147 = arith.constant 0 : index
        %get3A_1148 = tpu.vector_load %arg16[%get3A_1146, %get3A_1147] {strides = array<i32>} : memref<128x16xf32, #tpu.memory_space<vmem>>, vector<16xf32>,
        %broadcast_in_dim3A_1149 = arith.constant 2 : i32
        %broadcast_in_dim3A_1150 = vector.broadcast %broadcast_in_dim3A_1149 : i32 to vector<16xi32>
        %broadcast_in_dim3A_1151 = vector.shape_cast %broadcast_in_dim3A_1150 : vector<16xi32> to vector<16x1xi32>
        %gather3A_1152 = vector.shape_cast %broadcast_in_dim3A_1151 : vector<16x1xi32> to vector<16xi32>
        %gather3A_1153 = tpu.dynamic_gather %mul3A_1112[%gather3A_1152] in [0] : vector<16xf32>, vector<16xi32> -> vector<16xf32>
        %mul3A_1154 = arith.mulf %get3A_1148, %gather3A_1153 : vector<16xf32>
        %swap3A_1155 = arith.constant 18 : i32
        %swap3A_1156 = arith.index_cast %swap3A_1155 : i32 to index
        %swap3A_1157 = arith.constant 0 : index
        %swap3A_1158 = tpu.vector_load %arg17[%swap3A_1156, %swap3A_1157] {strides = array<i32>} : memref<128x16xf32, #tpu.memory_space<vmem>>, vector<16xf32>,
        tpu.vector_store %arg17[%swap3A_1156, %swap3A_1157], %mul3A_1154 {strides = array<i32>} : memref<128x16xf32, #tpu.memory_space<vmem>>, vector<16xf32>,
        %get3A_1159 = arith.constant 3 : i32
        %get3A_1160 = arith.index_cast %get3A_1159 : i32 to index
        %get3A_1161 = arith.constant 0 : index
        %get3A_1162 = tpu.vector_load %arg16[%get3A_1160, %get3A_1161] {strides = array<i32>} : memref<128x16xf32, #tpu.memory_space<vmem>>, vector<16xf32>,
        %broadcast_in_dim3A_1163 = arith.constant 3 : i32
        %broadcast_in_dim3A_1164 = vector.broadcast %broadcast_in_dim3A_1163 : i32 to vector<16xi32>
        %broadcast_in_dim3A_1165 = vector.shape_cast %broadcast_in_dim3A_1164 : vector<16xi32> to vector<16x1xi32>
        %gather3A_1166 = vector.shape_cast %broadcast_in_dim3A_1165 : vector<16x1xi32> to vector<16xi32>
        %gather3A_1167 = tpu.dynamic_gather %mul3A_1112[%gather3A_1166] in [0] : vector<16xf32>, vector<16xi32> -> vector<16xf32>
        %mul3A_1168 = arith.mulf %get3A_1162, %gather3A_1167 : vector<16xf32>
        %swap3A_1169 = arith.constant 19 : i32
        %swap3A_1170 = arith.index_cast %swap3A_1169 : i32 to index
        %swap3A_1171 = arith.constant 0 : index
        %swap3A_1172 = tpu.vector_load %arg17[%swap3A_1170, %swap3A_1171] {strides = array<i32>} : memref<128x16xf32, #tpu.memory_space<vmem>>, vector<16xf32>,
        tpu.vector_store %arg17[%swap3A_1170, %swap3A_1171], %mul3A_1168 {strides = array<i32>} : memref<128x16xf32, #tpu.memory_space<vmem>>, vector<16xf32>,
        %get3A_1173 = arith.constant 4 : i32
        %get3A_1174 = arith.index_cast %get3A_1173 : i32 to index
        %get3A_1175 = arith.constant 0 : index
        %get3A_1176 = tpu.vector_load %arg16[%get3A_1174, %get3A_1175] {strides = array<i32>} : memref<128x16xf32, #tpu.memory_space<vmem>>, vector<16xf32>,
        %broadcast_in_dim3A_1177 = arith.constant 4 : i32
        %broadcast_in_dim3A_1178 = vector.broadcast %broadcast_in_dim3A_1177 : i32 to vector<16xi32>
        %broadcast_in_dim3A_1179 = vector.shape_cast %broadcast_in_dim3A_1178 : vector<16xi32> to vector<16x1xi32>
        %gather3A_1180 = vector.shape_cast %broadcast_in_dim3A_1179 : vector<16x1xi32> to vector<16xi32>
        %gather3A_1181 = tpu.dynamic_gather %mul3A_1112[%gather3A_1180] in [0] : vector<16xf32>, vector<16xi32> -> vector<16xf32>
        %mul3A_1182 = arith.mulf %get3A_1176, %gather3A_1181 : vector<16xf32>
        %swap3A_1183 = arith.constant 20 : i32
        %swap3A_1184 = arith.index_cast %swap3A_1183 : i32 to index
        %swap3A_1185 = arith.constant 0 : index
        %swap3A_1186 = tpu.vector_load %arg17[%swap3A_1184, %swap3A_1185] {strides = array<i32>} : memref<128x16xf32, #tpu.memory_space<vmem>>, vector<16xf32>,
        tpu.vector_store %arg17[%swap3A_1184, %swap3A_1185], %mul3A_1182 {strides = array<i32>} : memref<128x16xf32, #tpu.memory_space<vmem>>, vector<16xf32>,
        %get3A_1187 = arith.constant 5 : i32
        %get3A_1188 = arith.index_cast %get3A_1187 : i32 to index
        %get3A_1189 = arith.constant 0 : index
        %get3A_1190 = tpu.vector_load %arg16[%get3A_1188, %get3A_1189] {strides = array<i32>} : memref<128x16xf32, #tpu.memory_space<vmem>>, vector<16xf32>,
        %broadcast_in_dim3A_1191 = arith.constant 5 : i32
        %broadcast_in_dim3A_1192 = vector.broadcast %broadcast_in_dim3A_1191 : i32 to vector<16xi32>
        %broadcast_in_dim3A_1193 = vector.shape_cast %broadcast_in_dim3A_1192 : vector<16xi32> to vector<16x1xi32>
        %gather3A_1194 = vector.shape_cast %broadcast_in_dim3A_1193 : vector<16x1xi32> to vector<16xi32>
        %gather3A_1195 = tpu.dynamic_gather %mul3A_1112[%gather3A_1194] in [0] : vector<16xf32>, vector<16xi32> -> vector<16xf32>
        %mul3A_1196 = arith.mulf %get3A_1190, %gather3A_1195 : vector<16xf32>
        %swap3A_1197 = arith.constant 21 : i32
        %swap3A_1198 = arith.index_cast %swap3A_1197 : i32 to index
        %swap3A_1199 = arith.constant 0 : index
        %swap3A_1200 = tpu.vector_load %arg17[%swap3A_1198, %swap3A_1199] {strides = array<i32>} : memref<128x16xf32, #tpu.memory_space<vmem>>, vector<16xf32>,
        tpu.vector_store %arg17[%swap3A_1198, %swap3A_1199], %mul3A_1196 {strides = array<i32>} : memref<128x16xf32, #tpu.memory_space<vmem>>, vector<16xf32>,
        %get3A_1201 = arith.constant 6 : i32
        %get3A_1202 = arith.index_cast %get3A_1201 : i32 to index
        %get3A_1203 = arith.constant 0 : index
        %get3A_1204 = tpu.vector_load %arg16[%get3A_1202, %get3A_1203] {strides = array<i32>} : memref<128x16xf32, #tpu.memory_space<vmem>>, vector<16xf32>,
        %broadcast_in_dim3A_1205 = arith.constant 6 : i32
        %broadcast_in_dim3A_1206 = vector.broadcast %broadcast_in_dim3A_1205 : i32 to vector<16xi32>
        %broadcast_in_dim3A_1207 = vector.shape_cast %broadcast_in_dim3A_1206 : vector<16xi32> to vector<16x1xi32>
        %gather3A_1208 = vector.shape_cast %broadcast_in_dim3A_1207 : vector<16x1xi32> to vector<16xi32>
        %gather3A_1209 = tpu.dynamic_gather %mul3A_1112[%gather3A_1208] in [0] : vector<16xf32>, vector<16xi32> -> vector<16xf32>
        %mul3A_1210 = arith.mulf %get3A_1204, %gather3A_1209 : vector<16xf32>
        %swap3A_1211 = arith.constant 22 : i32
        %swap3A_1212 = arith.index_cast %swap3A_1211 : i32 to index
        %swap3A_1213 = arith.constant 0 : index
        %swap3A_1214 = tpu.vector_load %arg17[%swap3A_1212, %swap3A_1213] {strides = array<i32>} : memref<128x16xf32, #tpu.memory_space<vmem>>, vector<16xf32>,
        tpu.vector_store %arg17[%swap3A_1212, %swap3A_1213], %mul3A_1210 {strides = array<i32>} : memref<128x16xf32, #tpu.memory_space<vmem>>, vector<16xf32>,
        %get3A_1215 = arith.constant 7 : i32
        %get3A_1216 = arith.index_cast %get3A_1215 : i32 to index
        %get3A_1217 = arith.constant 0 : index
        %get3A_1218 = tpu.vector_load %arg16[%get3A_1216, %get3A_1217] {strides = array<i32>} : memref<128x16xf32, #tpu.memory_space<vmem>>, vector<16xf32>,
        %broadcast_in_dim3A_1219 = arith.constant 7 : i32
        %broadcast_in_dim3A_1220 = vector.broadcast %broadcast_in_dim3A_1219 : i32 to vector<16xi32>
        %broadcast_in_dim3A_1221 = vector.shape_cast %broadcast_in_dim3A_1220 : vector<16xi32> to vector<16x1xi32>
        %gather3A_1222 = vector.shape_cast %broadcast_in_dim3A_1221 : vector<16x1xi32> to vector<16xi32>
        %gather3A_1223 = tpu.dynamic_gather %mul3A_1112[%gather3A_1222] in [0] : vector<16xf32>, vector<16xi32> -> vector<16xf32>
        %mul3A_1224 = arith.mulf %get3A_1218, %gather3A_1223 : vector<16xf32>
        %swap3A_1225 = arith.constant 23 : i32
        %swap3A_1226 = arith.index_cast %swap3A_1225 : i32 to index
        %swap3A_1227 = arith.constant 0 : index
        %swap3A_1228 = tpu.vector_load %arg17[%swap3A_1226, %swap3A_1227] {strides = array<i32>} : memref<128x16xf32, #tpu.memory_space<vmem>>, vector<16xf32>,
        tpu.vector_store %arg17[%swap3A_1226, %swap3A_1227], %mul3A_1224 {strides = array<i32>} : memref<128x16xf32, #tpu.memory_space<vmem>>, vector<16xf32>,
        %get3A_1229 = arith.constant 8 : i32
        %get3A_1230 = arith.index_cast %get3A_1229 : i32 to index
        %get3A_1231 = arith.constant 0 : index
        %get3A_1232 = tpu.vector_load %arg16[%get3A_1230, %get3A_1231] {strides = array<i32>} : memref<128x16xf32, #tpu.memory_space<vmem>>, vector<16xf32>,
        %broadcast_in_dim3A_1233 = arith.constant 8 : i32
        %broadcast_in_dim3A_1234 = vector.broadcast %broadcast_in_dim3A_1233 : i32 to vector<16xi32>
        %broadcast_in_dim3A_1235 = vector.shape_cast %broadcast_in_dim3A_1234 : vector<16xi32> to vector<16x1xi32>
        %gather3A_1236 = vector.shape_cast %broadcast_in_dim3A_1235 : vector<16x1xi32> to vector<16xi32>
        %gather3A_1237 = tpu.dynamic_gather %mul3A_1112[%gather3A_1236] in [0] : vector<16xf32>, vector<16xi32> -> vector<16xf32>
        %mul3A_1238 = arith.mulf %get3A_1232, %gather3A_1237 : vector<16xf32>
        %swap3A_1239 = arith.constant 24 : i32
        %swap3A_1240 = arith.index_cast %swap3A_1239 : i32 to index
        %swap3A_1241 = arith.constant 0 : index
        %swap3A_1242 = tpu.vector_load %arg17[%swap3A_1240, %swap3A_1241] {strides = array<i32>} : memref<128x16xf32, #tpu.memory_space<vmem>>, vector<16xf32>,
        tpu.vector_store %arg17[%swap3A_1240, %swap3A_1241], %mul3A_1238 {strides = array<i32>} : memref<128x16xf32, #tpu.memory_space<vmem>>, vector<16xf32>,
        %get3A_1243 = arith.constant 9 : i32
        %get3A_1244 = arith.index_cast %get3A_1243 : i32 to index
        %get3A_1245 = arith.constant 0 : index
        %get3A_1246 = tpu.vector_load %arg16[%get3A_1244, %get3A_1245] {strides = array<i32>} : memref<128x16xf32, #tpu.memory_space<vmem>>, vector<16xf32>,
        %broadcast_in_dim3A_1247 = arith.constant 9 : i32
        %broadcast_in_dim3A_1248 = vector.broadcast %broadcast_in_dim3A_1247 : i32 to vector<16xi32>
        %broadcast_in_dim3A_1249 = vector.shape_cast %broadcast_in_dim3A_1248 : vector<16xi32> to vector<16x1xi32>
        %gather3A_1250 = vector.shape_cast %broadcast_in_dim3A_1249 : vector<16x1xi32> to vector<16xi32>
        %gather3A_1251 = tpu.dynamic_gather %mul3A_1112[%gather3A_1250] in [0] : vector<16xf32>, vector<16xi32> -> vector<16xf32>
        %mul3A_1252 = arith.mulf %get3A_1246, %gather3A_1251 : vector<16xf32>
        %swap3A_1253 = arith.constant 25 : i32
        %swap3A_1254 = arith.index_cast %swap3A_1253 : i32 to index
        %swap3A_1255 = arith.constant 0 : index
        %swap3A_1256 = tpu.vector_load %arg17[%swap3A_1254, %swap3A_1255] {strides = array<i32>} : memref<128x16xf32, #tpu.memory_space<vmem>>, vector<16xf32>,
        tpu.vector_store %arg17[%swap3A_1254, %swap3A_1255], %mul3A_1252 {strides = array<i32>} : memref<128x16xf32, #tpu.memory_space<vmem>>, vector<16xf32>,
        %get3A_1257 = arith.constant 10 : i32
        %get3A_1258 = arith.index_cast %get3A_1257 : i32 to index
        %get3A_1259 = arith.constant 0 : index
        %get3A_1260 = tpu.vector_load %arg16[%get3A_1258, %get3A_1259] {strides = array<i32>} : memref<128x16xf32, #tpu.memory_space<vmem>>, vector<16xf32>,
        %broadcast_in_dim3A_1261 = arith.constant 10 : i32
        %broadcast_in_dim3A_1262 = vector.broadcast %broadcast_in_dim3A_1261 : i32 to vector<16xi32>
        %broadcast_in_dim3A_1263 = vector.shape_cast %broadcast_in_dim3A_1262 : vector<16xi32> to vector<16x1xi32>
        %gather3A_1264 = vector.shape_cast %broadcast_in_dim3A_1263 : vector<16x1xi32> to vector<16xi32>
        %gather3A_1265 = tpu.dynamic_gather %mul3A_1112[%gather3A_1264] in [0] : vector<16xf32>, vector<16xi32> -> vector<16xf32>
        %mul3A_1266 = arith.mulf %get3A_1260, %gather3A_1265 : vector<16xf32>
        %swap3A_1267 = arith.constant 26 : i32
        %swap3A_1268 = arith.index_cast %swap3A_1267 : i32 to index
        %swap3A_1269 = arith.constant 0 : index
        %swap3A_1270 = tpu.vector_load %arg17[%swap3A_1268, %swap3A_1269] {strides = array<i32>} : memref<128x16xf32, #tpu.memory_space<vmem>>, vector<16xf32>,
        tpu.vector_store %arg17[%swap3A_1268, %swap3A_1269], %mul3A_1266 {strides = array<i32>} : memref<128x16xf32, #tpu.memory_space<vmem>>, vector<16xf32>,
        %get3A_1271 = arith.constant 11 : i32
        %get3A_1272 = arith.index_cast %get3A_1271 : i32 to index
        %get3A_1273 = arith.constant 0 : index
        %get3A_1274 = tpu.vector_load %arg16[%get3A_1272, %get3A_1273] {strides = array<i32>} : memref<128x16xf32, #tpu.memory_space<vmem>>, vector<16xf32>,
        %broadcast_in_dim3A_1275 = arith.constant 11 : i32
        %broadcast_in_dim3A_1276 = vector.broadcast %broadcast_in_dim3A_1275 : i32 to vector<16xi32>
        %broadcast_in_dim3A_1277 = vector.shape_cast %broadcast_in_dim3A_1276 : vector<16xi32> to vector<16x1xi32>
        %gather3A_1278 = vector.shape_cast %broadcast_in_dim3A_1277 : vector<16x1xi32> to vector<16xi32>
        %gather3A_1279 = tpu.dynamic_gather %mul3A_1112[%gather3A_1278] in [0] : vector<16xf32>, vector<16xi32> -> vector<16xf32>
        %mul3A_1280 = arith.mulf %get3A_1274, %gather3A_1279 : vector<16xf32>
        %swap3A_1281 = arith.constant 27 : i32
        %swap3A_1282 = arith.index_cast %swap3A_1281 : i32 to index
        %swap3A_1283 = arith.constant 0 : index
        %swap3A_1284 = tpu.vector_load %arg17[%swap3A_1282, %swap3A_1283] {strides = array<i32>} : memref<128x16xf32, #tpu.memory_space<vmem>>, vector<16xf32>,
        tpu.vector_store %arg17[%swap3A_1282, %swap3A_1283], %mul3A_1280 {strides = array<i32>} : memref<128x16xf32, #tpu.memory_space<vmem>>, vector<16xf32>,
        %get3A_1285 = arith.constant 12 : i32
        %get3A_1286 = arith.index_cast %get3A_1285 : i32 to index
        %get3A_1287 = arith.constant 0 : index
        %get3A_1288 = tpu.vector_load %arg16[%get3A_1286, %get3A_1287] {strides = array<i32>} : memref<128x16xf32, #tpu.memory_space<vmem>>, vector<16xf32>,
        %broadcast_in_dim3A_1289 = arith.constant 12 : i32
        %broadcast_in_dim3A_1290 = vector.broadcast %broadcast_in_dim3A_1289 : i32 to vector<16xi32>
        %broadcast_in_dim3A_1291 = vector.shape_cast %broadcast_in_dim3A_1290 : vector<16xi32> to vector<16x1xi32>
        %gather3A_1292 = vector.shape_cast %broadcast_in_dim3A_1291 : vector<16x1xi32> to vector<16xi32>
        %gather3A_1293 = tpu.dynamic_gather %mul3A_1112[%gather3A_1292] in [0] : vector<16xf32>, vector<16xi32> -> vector<16xf32>
        %mul3A_1294 = arith.mulf %get3A_1288, %gather3A_1293 : vector<16xf32>
        %swap3A_1295 = arith.constant 28 : i32
        %swap3A_1296 = arith.index_cast %swap3A_1295 : i32 to index
        %swap3A_1297 = arith.constant 0 : index
        %swap3A_1298 = tpu.vector_load %arg17[%swap3A_1296, %swap3A_1297] {strides = array<i32>} : memref<128x16xf32, #tpu.memory_space<vmem>>, vector<16xf32>,
        tpu.vector_store %arg17[%swap3A_1296, %swap3A_1297], %mul3A_1294 {strides = array<i32>} : memref<128x16xf32, #tpu.memory_space<vmem>>, vector<16xf32>,
        %get3A_1299 = arith.constant 13 : i32
        %get3A_1300 = arith.index_cast %get3A_1299 : i32 to index
        %get3A_1301 = arith.constant 0 : index
        %get3A_1302 = tpu.vector_load %arg16[%get3A_1300, %get3A_1301] {strides = array<i32>} : memref<128x16xf32, #tpu.memory_space<vmem>>, vector<16xf32>,
        %broadcast_in_dim3A_1303 = arith.constant 13 : i32
        %broadcast_in_dim3A_1304 = vector.broadcast %broadcast_in_dim3A_1303 : i32 to vector<16xi32>
        %broadcast_in_dim3A_1305 = vector.shape_cast %broadcast_in_dim3A_1304 : vector<16xi32> to vector<16x1xi32>
        %gather3A_1306 = vector.shape_cast %broadcast_in_dim3A_1305 : vector<16x1xi32> to vector<16xi32>
        %gather3A_1307 = tpu.dynamic_gather %mul3A_1112[%gather3A_1306] in [0] : vector<16xf32>, vector<16xi32> -> vector<16xf32>
        %mul3A_1308 = arith.mulf %get3A_1302, %gather3A_1307 : vector<16xf32>
        %swap3A_1309 = arith.constant 29 : i32
        %swap3A_1310 = arith.index_cast %swap3A_1309 : i32 to index
        %swap3A_1311 = arith.constant 0 : index
        %swap3A_1312 = tpu.vector_load %arg17[%swap3A_1310, %swap3A_1311] {strides = array<i32>} : memref<128x16xf32, #tpu.memory_space<vmem>>, vector<16xf32>,
        tpu.vector_store %arg17[%swap3A_1310, %swap3A_1311], %mul3A_1308 {strides = array<i32>} : memref<128x16xf32, #tpu.memory_space<vmem>>, vector<16xf32>,
        %get3A_1313 = arith.constant 14 : i32
        %get3A_1314 = arith.index_cast %get3A_1313 : i32 to index
        %get3A_1315 = arith.constant 0 : index
        %get3A_1316 = tpu.vector_load %arg16[%get3A_1314, %get3A_1315] {strides = array<i32>} : memref<128x16xf32, #tpu.memory_space<vmem>>, vector<16xf32>,
        %broadcast_in_dim3A_1317 = arith.constant 14 : i32
        %broadcast_in_dim3A_1318 = vector.broadcast %broadcast_in_dim3A_1317 : i32 to vector<16xi32>
        %broadcast_in_dim3A_1319 = vector.shape_cast %broadcast_in_dim3A_1318 : vector<16xi32> to vector<16x1xi32>
        %gather3A_1320 = vector.shape_cast %broadcast_in_dim3A_1319 : vector<16x1xi32> to vector<16xi32>
        %gather3A_1321 = tpu.dynamic_gather %mul3A_1112[%gather3A_1320] in [0] : vector<16xf32>, vector<16xi32> -> vector<16xf32>
        %mul3A_1322 = arith.mulf %get3A_1316, %gather3A_1321 : vector<16xf32>
        %swap3A_1323 = arith.constant 30 : i32
        %swap3A_1324 = arith.index_cast %swap3A_1323 : i32 to index
        %swap3A_1325 = arith.constant 0 : index
        %swap3A_1326 = tpu.vector_load %arg17[%swap3A_1324, %swap3A_1325] {strides = array<i32>} : memref<128x16xf32, #tpu.memory_space<vmem>>, vector<16xf32>,
        tpu.vector_store %arg17[%swap3A_1324, %swap3A_1325], %mul3A_1322 {strides = array<i32>} : memref<128x16xf32, #tpu.memory_space<vmem>>, vector<16xf32>,
        %get3A_1327 = arith.constant 15 : i32
        %get3A_1328 = arith.index_cast %get3A_1327 : i32 to index
        %get3A_1329 = arith.constant 0 : index
        %get3A_1330 = tpu.vector_load %arg16[%get3A_1328, %get3A_1329] {strides = array<i32>} : memref<128x16xf32, #tpu.memory_space<vmem>>, vector<16xf32>,
        %broadcast_in_dim3A_1331 = arith.constant 15 : i32
        %broadcast_in_dim3A_1332 = vector.broadcast %broadcast_in_dim3A_1331 : i32 to vector<16xi32>
        %broadcast_in_dim3A_1333 = vector.shape_cast %broadcast_in_dim3A_1332 : vector<16xi32> to vector<16x1xi32>
        %gather3A_1334 = vector.shape_cast %broadcast_in_dim3A_1333 : vector<16x1xi32> to vector<16xi32>
        %gather3A_1335 = tpu.dynamic_gather %mul3A_1112[%gather3A_1334] in [0] : vector<16xf32>, vector<16xi32> -> vector<16xf32>
        %mul3A_1336 = arith.mulf %get3A_1330, %gather3A_1335 : vector<16xf32>
        %swap3A_1337 = arith.constant 31 : i32
        %swap3A_1338 = arith.index_cast %swap3A_1337 : i32 to index
        %swap3A_1339 = arith.constant 0 : index
        %swap3A_1340 = tpu.vector_load %arg17[%swap3A_1338, %swap3A_1339] {strides = array<i32>} : memref<128x16xf32, #tpu.memory_space<vmem>>, vector<16xf32>,
        tpu.vector_store %arg17[%swap3A_1338, %swap3A_1339], %mul3A_1336 {strides = array<i32>} : memref<128x16xf32, #tpu.memory_space<vmem>>, vector<16xf32>,
        %mul3A_1341 = arith.mulf %mul3A_828, %sub3A_840 : vector<16xf32>
        %mul3A_1342 = arith.mulf %mul3A_1341, %gather3A_782 : vector<16xf32>
        %add3A_1343 = arith.addi %mul3A_871, %mul3A_855 : vector<16xi32>
        %add3A_1344 = arith.addi %add3A_1343, %and3A_814 : vector<16xi32>
        %swap3A_1345 = arith.constant 32 : index
        %swap3A_1346 = tpu.vector_load %arg18[%swap3A_1345] {strides = array<i32>} : memref<128xi32, #tpu.memory_space<vmem>>, vector<16xi32>,
        tpu.vector_store %arg18[%swap3A_1345], %add3A_1344 {strides = array<i32>} : memref<128xi32, #tpu.memory_space<vmem>>, vector<16xi32>,
        %get3A_1347 = arith.constant 0 : i32
        %get3A_1348 = arith.index_cast %get3A_1347 : i32 to index
        %get3A_1349 = arith.constant 0 : index
        %get3A_1350 = tpu.vector_load %arg16[%get3A_1348, %get3A_1349] {strides = array<i32>} : memref<128x16xf32, #tpu.memory_space<vmem>>, vector<16xf32>,
        %broadcast_in_dim3A_1351 = arith.constant 0 : i32
        %broadcast_in_dim3A_1352 = vector.broadcast %broadcast_in_dim3A_1351 : i32 to vector<16xi32>
        %broadcast_in_dim3A_1353 = vector.shape_cast %broadcast_in_dim3A_1352 : vector<16xi32> to vector<16x1xi32>
        %gather3A_1354 = vector.shape_cast %broadcast_in_dim3A_1353 : vector<16x1xi32> to vector<16xi32>
        %gather3A_1355 = tpu.dynamic_gather %mul3A_1342[%gather3A_1354] in [0] : vector<16xf32>, vector<16xi32> -> vector<16xf32>
        %mul3A_1356 = arith.mulf %get3A_1350, %gather3A_1355 : vector<16xf32>
        %swap3A_1357 = arith.constant 32 : i32
        %swap3A_1358 = arith.index_cast %swap3A_1357 : i32 to index
        %swap3A_1359 = arith.constant 0 : index
        %swap3A_1360 = tpu.vector_load %arg17[%swap3A_1358, %swap3A_1359] {strides = array<i32>} : memref<128x16xf32, #tpu.memory_space<vmem>>, vector<16xf32>,
        tpu.vector_store %arg17[%swap3A_1358, %swap3A_1359], %mul3A_1356 {strides = array<i32>} : memref<128x16xf32, #tpu.memory_space<vmem>>, vector<16xf32>,
        %get3A_1361 = arith.constant 1 : i32
        %get3A_1362 = arith.index_cast %get3A_1361 : i32 to index
        %get3A_1363 = arith.constant 0 : index
        %get3A_1364 = tpu.vector_load %arg16[%get3A_1362, %get3A_1363] {strides = array<i32>} : memref<128x16xf32, #tpu.memory_space<vmem>>, vector<16xf32>,
        %broadcast_in_dim3A_1365 = arith.constant 1 : i32
        %broadcast_in_dim3A_1366 = vector.broadcast %broadcast_in_dim3A_1365 : i32 to vector<16xi32>
        %broadcast_in_dim3A_1367 = vector.shape_cast %broadcast_in_dim3A_1366 : vector<16xi32> to vector<16x1xi32>
        %gather3A_1368 = vector.shape_cast %broadcast_in_dim3A_1367 : vector<16x1xi32> to vector<16xi32>
        %gather3A_1369 = tpu.dynamic_gather %mul3A_1342[%gather3A_1368] in [0] : vector<16xf32>, vector<16xi32> -> vector<16xf32>
        %mul3A_1370 = arith.mulf %get3A_1364, %gather3A_1369 : vector<16xf32>
        %swap3A_1371 = arith.constant 33 : i32
        %swap3A_1372 = arith.index_cast %swap3A_1371 : i32 to index
        %swap3A_1373 = arith.constant 0 : index
        %swap3A_1374 = tpu.vector_load %arg17[%swap3A_1372, %swap3A_1373] {strides = array<i32>} : memref<128x16xf32, #tpu.memory_space<vmem>>, vector<16xf32>,
        tpu.vector_store %arg17[%swap3A_1372, %swap3A_1373], %mul3A_1370 {strides = array<i32>} : memref<128x16xf32, #tpu.memory_space<vmem>>, vector<16xf32>,
        %get3A_1375 = arith.constant 2 : i32
        %get3A_1376 = arith.index_cast %get3A_1375 : i32 to index
        %get3A_1377 = arith.constant 0 : index
        %get3A_1378 = tpu.vector_load %arg16[%get3A_1376, %get3A_1377] {strides = array<i32>} : memref<128x16xf32, #tpu.memory_space<vmem>>, vector<16xf32>,
        %broadcast_in_dim3A_1379 = arith.constant 2 : i32
        %broadcast_in_dim3A_1380 = vector.broadcast %broadcast_in_dim3A_1379 : i32 to vector<16xi32>
        %broadcast_in_dim3A_1381 = vector.shape_cast %broadcast_in_dim3A_1380 : vector<16xi32> to vector<16x1xi32>
        %gather3A_1382 = vector.shape_cast %broadcast_in_dim3A_1381 : vector<16x1xi32> to vector<16xi32>
        %gather3A_1383 = tpu.dynamic_gather %mul3A_1342[%gather3A_1382] in [0] : vector<16xf32>, vector<16xi32> -> vector<16xf32>
        %mul3A_1384 = arith.mulf %get3A_1378, %gather3A_1383 : vector<16xf32>
        %swap3A_1385 = arith.constant 34 : i32
        %swap3A_1386 = arith.index_cast %swap3A_1385 : i32 to index
        %swap3A_1387 = arith.constant 0 : index
        %swap3A_1388 = tpu.vector_load %arg17[%swap3A_1386, %swap3A_1387] {strides = array<i32>} : memref<128x16xf32, #tpu.memory_space<vmem>>, vector<16xf32>,
        tpu.vector_store %arg17[%swap3A_1386, %swap3A_1387], %mul3A_1384 {strides = array<i32>} : memref<128x16xf32, #tpu.memory_space<vmem>>, vector<16xf32>,
        %get3A_1389 = arith.constant 3 : i32
        %get3A_1390 = arith.index_cast %get3A_1389 : i32 to index
        %get3A_1391 = arith.constant 0 : index
        %get3A_1392 = tpu.vector_load %arg16[%get3A_1390, %get3A_1391] {strides = array<i32>} : memref<128x16xf32, #tpu.memory_space<vmem>>, vector<16xf32>,
        %broadcast_in_dim3A_1393 = arith.constant 3 : i32
        %broadcast_in_dim3A_1394 = vector.broadcast %broadcast_in_dim3A_1393 : i32 to vector<16xi32>
        %broadcast_in_dim3A_1395 = vector.shape_cast %broadcast_in_dim3A_1394 : vector<16xi32> to vector<16x1xi32>
        %gather3A_1396 = vector.shape_cast %broadcast_in_dim3A_1395 : vector<16x1xi32> to vector<16xi32>
        %gather3A_1397 = tpu.dynamic_gather %mul3A_1342[%gather3A_1396] in [0] : vector<16xf32>, vector<16xi32> -> vector<16xf32>
        %mul3A_1398 = arith.mulf %get3A_1392, %gather3A_1397 : vector<16xf32>
        %swap3A_1399 = arith.constant 35 : i32
        %swap3A_1400 = arith.index_cast %swap3A_1399 : i32 to index
        %swap3A_1401 = arith.constant 0 : index
        %swap3A_1402 = tpu.vector_load %arg17[%swap3A_1400, %swap3A_1401] {strides = array<i32>} : memref<128x16xf32, #tpu.memory_space<vmem>>, vector<16xf32>,
        tpu.vector_store %arg17[%swap3A_1400, %swap3A_1401], %mul3A_1398 {strides = array<i32>} : memref<128x16xf32, #tpu.memory_space<vmem>>, vector<16xf32>,
        %get3A_1403 = arith.constant 4 : i32
        %get3A_1404 = arith.index_cast %get3A_1403 : i32 to index
        %get3A_1405 = arith.constant 0 : index
        %get3A_1406 = tpu.vector_load %arg16[%get3A_1404, %get3A_1405] {strides = array<i32>} : memref<128x16xf32, #tpu.memory_space<vmem>>, vector<16xf32>,
        %broadcast_in_dim3A_1407 = arith.constant 4 : i32
        %broadcast_in_dim3A_1408 = vector.broadcast %broadcast_in_dim3A_1407 : i32 to vector<16xi32>
        %broadcast_in_dim3A_1409 = vector.shape_cast %broadcast_in_dim3A_1408 : vector<16xi32> to vector<16x1xi32>
        %gather3A_1410 = vector.shape_cast %broadcast_in_dim3A_1409 : vector<16x1xi32> to vector<16xi32>
        %gather3A_1411 = tpu.dynamic_gather %mul3A_1342[%gather3A_1410] in [0] : vector<16xf32>, vector<16xi32> -> vector<16xf32>
        %mul3A_1412 = arith.mulf %get3A_1406, %gather3A_1411 : vector<16xf32>
        %swap3A_1413 = arith.constant 36 : i32
        %swap3A_1414 = arith.index_cast %swap3A_1413 : i32 to index
        %swap3A_1415 = arith.constant 0 : index
        %swap3A_1416 = tpu.vector_load %arg17[%swap3A_1414, %swap3A_1415] {strides = array<i32>} : memref<128x16xf32, #tpu.memory_space<vmem>>, vector<16xf32>,
        tpu.vector_store %arg17[%swap3A_1414, %swap3A_1415], %mul3A_1412 {strides = array<i32>} : memref<128x16xf32, #tpu.memory_space<vmem>>, vector<16xf32>,
        %get3A_1417 = arith.constant 5 : i32
        %get3A_1418 = arith.index_cast %get3A_1417 : i32 to index
        %get3A_1419 = arith.constant 0 : index
        %get3A_1420 = tpu.vector_load %arg16[%get3A_1418, %get3A_1419] {strides = array<i32>} : memref<128x16xf32, #tpu.memory_space<vmem>>, vector<16xf32>,
        %broadcast_in_dim3A_1421 = arith.constant 5 : i32
        %broadcast_in_dim3A_1422 = vector.broadcast %broadcast_in_dim3A_1421 : i32 to vector<16xi32>
        %broadcast_in_dim3A_1423 = vector.shape_cast %broadcast_in_dim3A_1422 : vector<16xi32> to vector<16x1xi32>
        %gather3A_1424 = vector.shape_cast %broadcast_in_dim3A_1423 : vector<16x1xi32> to vector<16xi32>
        %gather3A_1425 = tpu.dynamic_gather %mul3A_1342[%gather3A_1424] in [0] : vector<16xf32>, vector<16xi32> -> vector<16xf32>
        %mul3A_1426 = arith.mulf %get3A_1420, %gather3A_1425 : vector<16xf32>
        %swap3A_1427 = arith.constant 37 : i32
        %swap3A_1428 = arith.index_cast %swap3A_1427 : i32 to index
        %swap3A_1429 = arith.constant 0 : index
        %swap3A_1430 = tpu.vector_load %arg17[%swap3A_1428, %swap3A_1429] {strides = array<i32>} : memref<128x16xf32, #tpu.memory_space<vmem>>, vector<16xf32>,
        tpu.vector_store %arg17[%swap3A_1428, %swap3A_1429], %mul3A_1426 {strides = array<i32>} : memref<128x16xf32, #tpu.memory_space<vmem>>, vector<16xf32>,
        %get3A_1431 = arith.constant 6 : i32
        %get3A_1432 = arith.index_cast %get3A_1431 : i32 to index
        %get3A_1433 = arith.constant 0 : index
        %get3A_1434 = tpu.vector_load %arg16[%get3A_1432, %get3A_1433] {strides = array<i32>} : memref<128x16xf32, #tpu.memory_space<vmem>>, vector<16xf32>,
        %broadcast_in_dim3A_1435 = arith.constant 6 : i32
        %broadcast_in_dim3A_1436 = vector.broadcast %broadcast_in_dim3A_1435 : i32 to vector<16xi32>
        %broadcast_in_dim3A_1437 = vector.shape_cast %broadcast_in_dim3A_1436 : vector<16xi32> to vector<16x1xi32>
        %gather3A_1438 = vector.shape_cast %broadcast_in_dim3A_1437 : vector<16x1xi32> to vector<16xi32>
        %gather3A_1439 = tpu.dynamic_gather %mul3A_1342[%gather3A_1438] in [0] : vector<16xf32>, vector<16xi32> -> vector<16xf32>
        %mul3A_1440 = arith.mulf %get3A_1434, %gather3A_1439 : vector<16xf32>
        %swap3A_1441 = arith.constant 38 : i32
        %swap3A_1442 = arith.index_cast %swap3A_1441 : i32 to index
        %swap3A_1443 = arith.constant 0 : index
        %swap3A_1444 = tpu.vector_load %arg17[%swap3A_1442, %swap3A_1443] {strides = array<i32>} : memref<128x16xf32, #tpu.memory_space<vmem>>, vector<16xf32>,
        tpu.vector_store %arg17[%swap3A_1442, %swap3A_1443], %mul3A_1440 {strides = array<i32>} : memref<128x16xf32, #tpu.memory_space<vmem>>, vector<16xf32>,
        %get3A_1445 = arith.constant 7 : i32
        %get3A_1446 = arith.index_cast %get3A_1445 : i32 to index
        %get3A_1447 = arith.constant 0 : index
        %get3A_1448 = tpu.vector_load %arg16[%get3A_1446, %get3A_1447] {strides = array<i32>} : memref<128x16xf32, #tpu.memory_space<vmem>>, vector<16xf32>,
        %broadcast_in_dim3A_1449 = arith.constant 7 : i32
        %broadcast_in_dim3A_1450 = vector.broadcast %broadcast_in_dim3A_1449 : i32 to vector<16xi32>
        %broadcast_in_dim3A_1451 = vector.shape_cast %broadcast_in_dim3A_1450 : vector<16xi32> to vector<16x1xi32>
        %gather3A_1452 = vector.shape_cast %broadcast_in_dim3A_1451 : vector<16x1xi32> to vector<16xi32>
        %gather3A_1453 = tpu.dynamic_gather %mul3A_1342[%gather3A_1452] in [0] : vector<16xf32>, vector<16xi32> -> vector<16xf32>
        %mul3A_1454 = arith.mulf %get3A_1448, %gather3A_1453 : vector<16xf32>
        %swap3A_1455 = arith.constant 39 : i32
        %swap3A_1456 = arith.index_cast %swap3A_1455 : i32 to index
        %swap3A_1457 = arith.constant 0 : index
        %swap3A_1458 = tpu.vector_load %arg17[%swap3A_1456, %swap3A_1457] {strides = array<i32>} : memref<128x16xf32, #tpu.memory_space<vmem>>, vector<16xf32>,
        tpu.vector_store %arg17[%swap3A_1456, %swap3A_1457], %mul3A_1454 {strides = array<i32>} : memref<128x16xf32, #tpu.memory_space<vmem>>, vector<16xf32>,
        %get3A_1459 = arith.constant 8 : i32
        %get3A_1460 = arith.index_cast %get3A_1459 : i32 to index
        %get3A_1461 = arith.constant 0 : index
        %get3A_1462 = tpu.vector_load %arg16[%get3A_1460, %get3A_1461] {strides = array<i32>} : memref<128x16xf32, #tpu.memory_space<vmem>>, vector<16xf32>,
        %broadcast_in_dim3A_1463 = arith.constant 8 : i32
        %broadcast_in_dim3A_1464 = vector.broadcast %broadcast_in_dim3A_1463 : i32 to vector<16xi32>
        %broadcast_in_dim3A_1465 = vector.shape_cast %broadcast_in_dim3A_1464 : vector<16xi32> to vector<16x1xi32>
        %gather3A_1466 = vector.shape_cast %broadcast_in_dim3A_1465 : vector<16x1xi32> to vector<16xi32>
        %gather3A_1467 = tpu.dynamic_gather %mul3A_1342[%gather3A_1466] in [0] : vector<16xf32>, vector<16xi32> -> vector<16xf32>
        %mul3A_1468 = arith.mulf %get3A_1462, %gather3A_1467 : vector<16xf32>
        %swap3A_1469 = arith.constant 40 : i32
        %swap3A_1470 = arith.index_cast %swap3A_1469 : i32 to index
        %swap3A_1471 = arith.constant 0 : index
        %swap3A_1472 = tpu.vector_load %arg17[%swap3A_1470, %swap3A_1471] {strides = array<i32>} : memref<128x16xf32, #tpu.memory_space<vmem>>, vector<16xf32>,
        tpu.vector_store %arg17[%swap3A_1470, %swap3A_1471], %mul3A_1468 {strides = array<i32>} : memref<128x16xf32, #tpu.memory_space<vmem>>, vector<16xf32>,
        %get3A_1473 = arith.constant 9 : i32
        %get3A_1474 = arith.index_cast %get3A_1473 : i32 to index
        %get3A_1475 = arith.constant 0 : index
        %get3A_1476 = tpu.vector_load %arg16[%get3A_1474, %get3A_1475] {strides = array<i32>} : memref<128x16xf32, #tpu.memory_space<vmem>>, vector<16xf32>,
        %broadcast_in_dim3A_1477 = arith.constant 9 : i32
        %broadcast_in_dim3A_1478 = vector.broadcast %broadcast_in_dim3A_1477 : i32 to vector<16xi32>
        %broadcast_in_dim3A_1479 = vector.shape_cast %broadcast_in_dim3A_1478 : vector<16xi32> to vector<16x1xi32>
        %gather3A_1480 = vector.shape_cast %broadcast_in_dim3A_1479 : vector<16x1xi32> to vector<16xi32>
        %gather3A_1481 = tpu.dynamic_gather %mul3A_1342[%gather3A_1480] in [0] : vector<16xf32>, vector<16xi32> -> vector<16xf32>
        %mul3A_1482 = arith.mulf %get3A_1476, %gather3A_1481 : vector<16xf32>
        %swap3A_1483 = arith.constant 41 : i32
        %swap3A_1484 = arith.index_cast %swap3A_1483 : i32 to index
        %swap3A_1485 = arith.constant 0 : index
        %swap3A_1486 = tpu.vector_load %arg17[%swap3A_1484, %swap3A_1485] {strides = array<i32>} : memref<128x16xf32, #tpu.memory_space<vmem>>, vector<16xf32>,
        tpu.vector_store %arg17[%swap3A_1484, %swap3A_1485], %mul3A_1482 {strides = array<i32>} : memref<128x16xf32, #tpu.memory_space<vmem>>, vector<16xf32>,
        %get3A_1487 = arith.constant 10 : i32
        %get3A_1488 = arith.index_cast %get3A_1487 : i32 to index
        %get3A_1489 = arith.constant 0 : index
        %get3A_1490 = tpu.vector_load %arg16[%get3A_1488, %get3A_1489] {strides = array<i32>} : memref<128x16xf32, #tpu.memory_space<vmem>>, vector<16xf32>,
        %broadcast_in_dim3A_1491 = arith.constant 10 : i32
        %broadcast_in_dim3A_1492 = vector.broadcast %broadcast_in_dim3A_1491 : i32 to vector<16xi32>
        %broadcast_in_dim3A_1493 = vector.shape_cast %broadcast_in_dim3A_1492 : vector<16xi32> to vector<16x1xi32>
        %gather3A_1494 = vector.shape_cast %broadcast_in_dim3A_1493 : vector<16x1xi32> to vector<16xi32>
        %gather3A_1495 = tpu.dynamic_gather %mul3A_1342[%gather3A_1494] in [0] : vector<16xf32>, vector<16xi32> -> vector<16xf32>
        %mul3A_1496 = arith.mulf %get3A_1490, %gather3A_1495 : vector<16xf32>
        %swap3A_1497 = arith.constant 42 : i32
        %swap3A_1498 = arith.index_cast %swap3A_1497 : i32 to index
        %swap3A_1499 = arith.constant 0 : index
        %swap3A_1500 = tpu.vector_load %arg17[%swap3A_1498, %swap3A_1499] {strides = array<i32>} : memref<128x16xf32, #tpu.memory_space<vmem>>, vector<16xf32>,
        tpu.vector_store %arg17[%swap3A_1498, %swap3A_1499], %mul3A_1496 {strides = array<i32>} : memref<128x16xf32, #tpu.memory_space<vmem>>, vector<16xf32>,
        %get3A_1501 = arith.constant 11 : i32
        %get3A_1502 = arith.index_cast %get3A_1501 : i32 to index
        %get3A_1503 = arith.constant 0 : index
        %get3A_1504 = tpu.vector_load %arg16[%get3A_1502, %get3A_1503] {strides = array<i32>} : memref<128x16xf32, #tpu.memory_space<vmem>>, vector<16xf32>,
        %broadcast_in_dim3A_1505 = arith.constant 11 : i32
        %broadcast_in_dim3A_1506 = vector.broadcast %broadcast_in_dim3A_1505 : i32 to vector<16xi32>
        %broadcast_in_dim3A_1507 = vector.shape_cast %broadcast_in_dim3A_1506 : vector<16xi32> to vector<16x1xi32>
        %gather3A_1508 = vector.shape_cast %broadcast_in_dim3A_1507 : vector<16x1xi32> to vector<16xi32>
        %gather3A_1509 = tpu.dynamic_gather %mul3A_1342[%gather3A_1508] in [0] : vector<16xf32>, vector<16xi32> -> vector<16xf32>
        %mul3A_1510 = arith.mulf %get3A_1504, %gather3A_1509 : vector<16xf32>
        %swap3A_1511 = arith.constant 43 : i32
        %swap3A_1512 = arith.index_cast %swap3A_1511 : i32 to index
        %swap3A_1513 = arith.constant 0 : index
        %swap3A_1514 = tpu.vector_load %arg17[%swap3A_1512, %swap3A_1513] {strides = array<i32>} : memref<128x16xf32, #tpu.memory_space<vmem>>, vector<16xf32>,
        tpu.vector_store %arg17[%swap3A_1512, %swap3A_1513], %mul3A_1510 {strides = array<i32>} : memref<128x16xf32, #tpu.memory_space<vmem>>, vector<16xf32>,
        %get3A_1515 = arith.constant 12 : i32
        %get3A_1516 = arith.index_cast %get3A_1515 : i32 to index
        %get3A_1517 = arith.constant 0 : index
        %get3A_1518 = tpu.vector_load %arg16[%get3A_1516, %get3A_1517] {strides = array<i32>} : memref<128x16xf32, #tpu.memory_space<vmem>>, vector<16xf32>,
        %broadcast_in_dim3A_1519 = arith.constant 12 : i32
        %broadcast_in_dim3A_1520 = vector.broadcast %broadcast_in_dim3A_1519 : i32 to vector<16xi32>
        %broadcast_in_dim3A_1521 = vector.shape_cast %broadcast_in_dim3A_1520 : vector<16xi32> to vector<16x1xi32>
        %gather3A_1522 = vector.shape_cast %broadcast_in_dim3A_1521 : vector<16x1xi32> to vector<16xi32>
        %gather3A_1523 = tpu.dynamic_gather %mul3A_1342[%gather3A_1522] in [0] : vector<16xf32>, vector<16xi32> -> vector<16xf32>
        %mul3A_1524 = arith.mulf %get3A_1518, %gather3A_1523 : vector<16xf32>
        %swap3A_1525 = arith.constant 44 : i32
        %swap3A_1526 = arith.index_cast %swap3A_1525 : i32 to index
        %swap3A_1527 = arith.constant 0 : index
        %swap3A_1528 = tpu.vector_load %arg17[%swap3A_1526, %swap3A_1527] {strides = array<i32>} : memref<128x16xf32, #tpu.memory_space<vmem>>, vector<16xf32>,
        tpu.vector_store %arg17[%swap3A_1526, %swap3A_1527], %mul3A_1524 {strides = array<i32>} : memref<128x16xf32, #tpu.memory_space<vmem>>, vector<16xf32>,
        %get3A_1529 = arith.constant 13 : i32
        %get3A_1530 = arith.index_cast %get3A_1529 : i32 to index
        %get3A_1531 = arith.constant 0 : index
        %get3A_1532 = tpu.vector_load %arg16[%get3A_1530, %get3A_1531] {strides = array<i32>} : memref<128x16xf32, #tpu.memory_space<vmem>>, vector<16xf32>,
        %broadcast_in_dim3A_1533 = arith.constant 13 : i32
        %broadcast_in_dim3A_1534 = vector.broadcast %broadcast_in_dim3A_1533 : i32 to vector<16xi32>
        %broadcast_in_dim3A_1535 = vector.shape_cast %broadcast_in_dim3A_1534 : vector<16xi32> to vector<16x1xi32>
        %gather3A_1536 = vector.shape_cast %broadcast_in_dim3A_1535 : vector<16x1xi32> to vector<16xi32>
        %gather3A_1537 = tpu.dynamic_gather %mul3A_1342[%gather3A_1536] in [0] : vector<16xf32>, vector<16xi32> -> vector<16xf32>
        %mul3A_1538 = arith.mulf %get3A_1532, %gather3A_1537 : vector<16xf32>
        %swap3A_1539 = arith.constant 45 : i32
        %swap3A_1540 = arith.index_cast %swap3A_1539 : i32 to index
        %swap3A_1541 = arith.constant 0 : index
        %swap3A_1542 = tpu.vector_load %arg17[%swap3A_1540, %swap3A_1541] {strides = array<i32>} : memref<128x16xf32, #tpu.memory_space<vmem>>, vector<16xf32>,
        tpu.vector_store %arg17[%swap3A_1540, %swap3A_1541], %mul3A_1538 {strides = array<i32>} : memref<128x16xf32, #tpu.memory_space<vmem>>, vector<16xf32>,
        %get3A_1543 = arith.constant 14 : i32
        %get3A_1544 = arith.index_cast %get3A_1543 : i32 to index
        %get3A_1545 = arith.constant 0 : index
        %get3A_1546 = tpu.vector_load %arg16[%get3A_1544, %get3A_1545] {strides = array<i32>} : memref<128x16xf32, #tpu.memory_space<vmem>>, vector<16xf32>,
        %broadcast_in_dim3A_1547 = arith.constant 14 : i32
        %broadcast_in_dim3A_1548 = vector.broadcast %broadcast_in_dim3A_1547 : i32 to vector<16xi32>
        %broadcast_in_dim3A_1549 = vector.shape_cast %broadcast_in_dim3A_1548 : vector<16xi32> to vector<16x1xi32>
        %gather3A_1550 = vector.shape_cast %broadcast_in_dim3A_1549 : vector<16x1xi32> to vector<16xi32>
        %gather3A_1551 = tpu.dynamic_gather %mul3A_1342[%gather3A_1550] in [0] : vector<16xf32>, vector<16xi32> -> vector<16xf32>
        %mul3A_1552 = arith.mulf %get3A_1546, %gather3A_1551 : vector<16xf32>
        %swap3A_1553 = arith.constant 46 : i32
        %swap3A_1554 = arith.index_cast %swap3A_1553 : i32 to index
        %swap3A_1555 = arith.constant 0 : index
        %swap3A_1556 = tpu.vector_load %arg17[%swap3A_1554, %swap3A_1555] {strides = array<i32>} : memref<128x16xf32, #tpu.memory_space<vmem>>, vector<16xf32>,
        tpu.vector_store %arg17[%swap3A_1554, %swap3A_1555], %mul3A_1552 {strides = array<i32>} : memref<128x16xf32, #tpu.memory_space<vmem>>, vector<16xf32>,
        %get3A_1557 = arith.constant 15 : i32
        %get3A_1558 = arith.index_cast %get3A_1557 : i32 to index
        %get3A_1559 = arith.constant 0 : index
        %get3A_1560 = tpu.vector_load %arg16[%get3A_1558, %get3A_1559] {strides = array<i32>} : memref<128x16xf32, #tpu.memory_space<vmem>>, vector<16xf32>,
        %broadcast_in_dim3A_1561 = arith.constant 15 : i32
        %broadcast_in_dim3A_1562 = vector.broadcast %broadcast_in_dim3A_1561 : i32 to vector<16xi32>
        %broadcast_in_dim3A_1563 = vector.shape_cast %broadcast_in_dim3A_1562 : vector<16xi32> to vector<16x1xi32>
        %gather3A_1564 = vector.shape_cast %broadcast_in_dim3A_1563 : vector<16x1xi32> to vector<16xi32>
        %gather3A_1565 = tpu.dynamic_gather %mul3A_1342[%gather3A_1564] in [0] : vector<16xf32>, vector<16xi32> -> vector<16xf32>
        %mul3A_1566 = arith.mulf %get3A_1560, %gather3A_1565 : vector<16xf32>
        %swap3A_1567 = arith.constant 47 : i32
        %swap3A_1568 = arith.index_cast %swap3A_1567 : i32 to index
        %swap3A_1569 = arith.constant 0 : index
        %swap3A_1570 = tpu.vector_load %arg17[%swap3A_1568, %swap3A_1569] {strides = array<i32>} : memref<128x16xf32, #tpu.memory_space<vmem>>, vector<16xf32>,
        tpu.vector_store %arg17[%swap3A_1568, %swap3A_1569], %mul3A_1566 {strides = array<i32>} : memref<128x16xf32, #tpu.memory_space<vmem>>, vector<16xf32>,
        %mul3A_1571 = arith.mulf %mul3A_828, %sub3A_840 : vector<16xf32>
        %mul3A_1572 = arith.mulf %mul3A_1571, %sub3A_843 : vector<16xf32>
        %add3A_1573 = arith.addi %mul3A_871, %mul3A_855 : vector<16xi32>
        %add3A_1574 = arith.addi %add3A_1573, %and3A_861 : vector<16xi32>
        %swap3A_1575 = arith.constant 48 : index
        %swap3A_1576 = tpu.vector_load %arg18[%swap3A_1575] {strides = array<i32>} : memref<128xi32, #tpu.memory_space<vmem>>, vector<16xi32>,
        tpu.vector_store %arg18[%swap3A_1575], %add3A_1574 {strides = array<i32>} : memref<128xi32, #tpu.memory_space<vmem>>, vector<16xi32>,
        %get3A_1577 = arith.constant 0 : i32
        %get3A_1578 = arith.index_cast %get3A_1577 : i32 to index
        %get3A_1579 = arith.constant 0 : index
        %get3A_1580 = tpu.vector_load %arg16[%get3A_1578, %get3A_1579] {strides = array<i32>} : memref<128x16xf32, #tpu.memory_space<vmem>>, vector<16xf32>,
        %broadcast_in_dim3A_1581 = arith.constant 0 : i32
        %broadcast_in_dim3A_1582 = vector.broadcast %broadcast_in_dim3A_1581 : i32 to vector<16xi32>
        %broadcast_in_dim3A_1583 = vector.shape_cast %broadcast_in_dim3A_1582 : vector<16xi32> to vector<16x1xi32>
        %gather3A_1584 = vector.shape_cast %broadcast_in_dim3A_1583 : vector<16x1xi32> to vector<16xi32>
        %gather3A_1585 = tpu.dynamic_gather %mul3A_1572[%gather3A_1584] in [0] : vector<16xf32>, vector<16xi32> -> vector<16xf32>
        %mul3A_1586 = arith.mulf %get3A_1580, %gather3A_1585 : vector<16xf32>
        %swap3A_1587 = arith.constant 48 : i32
        %swap3A_1588 = arith.index_cast %swap3A_1587 : i32 to index
        %swap3A_1589 = arith.constant 0 : index
        %swap3A_1590 = tpu.vector_load %arg17[%swap3A_1588, %swap3A_1589] {strides = array<i32>} : memref<128x16xf32, #tpu.memory_space<vmem>>, vector<16xf32>,
        tpu.vector_store %arg17[%swap3A_1588, %swap3A_1589], %mul3A_1586 {strides = array<i32>} : memref<128x16xf32, #tpu.memory_space<vmem>>, vector<16xf32>,
        %get3A_1591 = arith.constant 1 : i32
        %get3A_1592 = arith.index_cast %get3A_1591 : i32 to index
        %get3A_1593 = arith.constant 0 : index
        %get3A_1594 = tpu.vector_load %arg16[%get3A_1592, %get3A_1593] {strides = array<i32>} : memref<128x16xf32, #tpu.memory_space<vmem>>, vector<16xf32>,
        %broadcast_in_dim3A_1595 = arith.constant 1 : i32
        %broadcast_in_dim3A_1596 = vector.broadcast %broadcast_in_dim3A_1595 : i32 to vector<16xi32>
        %broadcast_in_dim3A_1597 = vector.shape_cast %broadcast_in_dim3A_1596 : vector<16xi32> to vector<16x1xi32>
        %gather3A_1598 = vector.shape_cast %broadcast_in_dim3A_1597 : vector<16x1xi32> to vector<16xi32>
        %gather3A_1599 = tpu.dynamic_gather %mul3A_1572[%gather3A_1598] in [0] : vector<16xf32>, vector<16xi32> -> vector<16xf32>
        %mul3A_1600 = arith.mulf %get3A_1594, %gather3A_1599 : vector<16xf32>
        %swap3A_1601 = arith.constant 49 : i32
        %swap3A_1602 = arith.index_cast %swap3A_1601 : i32 to index
        %swap3A_1603 = arith.constant 0 : index
        %swap3A_1604 = tpu.vector_load %arg17[%swap3A_1602, %swap3A_1603] {strides = array<i32>} : memref<128x16xf32, #tpu.memory_space<vmem>>, vector<16xf32>,
        tpu.vector_store %arg17[%swap3A_1602, %swap3A_1603], %mul3A_1600 {strides = array<i32>} : memref<128x16xf32, #tpu.memory_space<vmem>>, vector<16xf32>,
        %get3A_1605 = arith.constant 2 : i32
        %get3A_1606 = arith.index_cast %get3A_1605 : i32 to index
        %get3A_1607 = arith.constant 0 : index
        %get3A_1608 = tpu.vector_load %arg16[%get3A_1606, %get3A_1607] {strides = array<i32>} : memref<128x16xf32, #tpu.memory_space<vmem>>, vector<16xf32>,
        %broadcast_in_dim3A_1609 = arith.constant 2 : i32
        %broadcast_in_dim3A_1610 = vector.broadcast %broadcast_in_dim3A_1609 : i32 to vector<16xi32>
        %broadcast_in_dim3A_1611 = vector.shape_cast %broadcast_in_dim3A_1610 : vector<16xi32> to vector<16x1xi32>
        %gather3A_1612 = vector.shape_cast %broadcast_in_dim3A_1611 : vector<16x1xi32> to vector<16xi32>
        %gather3A_1613 = tpu.dynamic_gather %mul3A_1572[%gather3A_1612] in [0] : vector<16xf32>, vector<16xi32> -> vector<16xf32>
        %mul3A_1614 = arith.mulf %get3A_1608, %gather3A_1613 : vector<16xf32>
        %swap3A_1615 = arith.constant 50 : i32
        %swap3A_1616 = arith.index_cast %swap3A_1615 : i32 to index
        %swap3A_1617 = arith.constant 0 : index
        %swap3A_1618 = tpu.vector_load %arg17[%swap3A_1616, %swap3A_1617] {strides = array<i32>} : memref<128x16xf32, #tpu.memory_space<vmem>>, vector<16xf32>,
        tpu.vector_store %arg17[%swap3A_1616, %swap3A_1617], %mul3A_1614 {strides = array<i32>} : memref<128x16xf32, #tpu.memory_space<vmem>>, vector<16xf32>,
        %get3A_1619 = arith.constant 3 : i32
        %get3A_1620 = arith.index_cast %get3A_1619 : i32 to index
        %get3A_1621 = arith.constant 0 : index
        %get3A_1622 = tpu.vector_load %arg16[%get3A_1620, %get3A_1621] {strides = array<i32>} : memref<128x16xf32, #tpu.memory_space<vmem>>, vector<16xf32>,
        %broadcast_in_dim3A_1623 = arith.constant 3 : i32
        %broadcast_in_dim3A_1624 = vector.broadcast %broadcast_in_dim3A_1623 : i32 to vector<16xi32>
        %broadcast_in_dim3A_1625 = vector.shape_cast %broadcast_in_dim3A_1624 : vector<16xi32> to vector<16x1xi32>
        %gather3A_1626 = vector.shape_cast %broadcast_in_dim3A_1625 : vector<16x1xi32> to vector<16xi32>
        %gather3A_1627 = tpu.dynamic_gather %mul3A_1572[%gather3A_1626] in [0] : vector<16xf32>, vector<16xi32> -> vector<16xf32>
        %mul3A_1628 = arith.mulf %get3A_1622, %gather3A_1627 : vector<16xf32>
        %swap3A_1629 = arith.constant 51 : i32
        %swap3A_1630 = arith.index_cast %swap3A_1629 : i32 to index
        %swap3A_1631 = arith.constant 0 : index
        %swap3A_1632 = tpu.vector_load %arg17[%swap3A_1630, %swap3A_1631] {strides = array<i32>} : memref<128x16xf32, #tpu.memory_space<vmem>>, vector<16xf32>,
        tpu.vector_store %arg17[%swap3A_1630, %swap3A_1631], %mul3A_1628 {strides = array<i32>} : memref<128x16xf32, #tpu.memory_space<vmem>>, vector<16xf32>,
        %get3A_1633 = arith.constant 4 : i32
        %get3A_1634 = arith.index_cast %get3A_1633 : i32 to index
        %get3A_1635 = arith.constant 0 : index
        %get3A_1636 = tpu.vector_load %arg16[%get3A_1634, %get3A_1635] {strides = array<i32>} : memref<128x16xf32, #tpu.memory_space<vmem>>, vector<16xf32>,
        %broadcast_in_dim3A_1637 = arith.constant 4 : i32
        %broadcast_in_dim3A_1638 = vector.broadcast %broadcast_in_dim3A_1637 : i32 to vector<16xi32>
        %broadcast_in_dim3A_1639 = vector.shape_cast %broadcast_in_dim3A_1638 : vector<16xi32> to vector<16x1xi32>
        %gather3A_1640 = vector.shape_cast %broadcast_in_dim3A_1639 : vector<16x1xi32> to vector<16xi32>
        %gather3A_1641 = tpu.dynamic_gather %mul3A_1572[%gather3A_1640] in [0] : vector<16xf32>, vector<16xi32> -> vector<16xf32>
        %mul3A_1642 = arith.mulf %get3A_1636, %gather3A_1641 : vector<16xf32>
        %swap3A_1643 = arith.constant 52 : i32
        %swap3A_1644 = arith.index_cast %swap3A_1643 : i32 to index
        %swap3A_1645 = arith.constant 0 : index
        %swap3A_1646 = tpu.vector_load %arg17[%swap3A_1644, %swap3A_1645] {strides = array<i32>} : memref<128x16xf32, #tpu.memory_space<vmem>>, vector<16xf32>,
        tpu.vector_store %arg17[%swap3A_1644, %swap3A_1645], %mul3A_1642 {strides = array<i32>} : memref<128x16xf32, #tpu.memory_space<vmem>>, vector<16xf32>,
        %get3A_1647 = arith.constant 5 : i32
        %get3A_1648 = arith.index_cast %get3A_1647 : i32 to index
        %get3A_1649 = arith.constant 0 : index
        %get3A_1650 = tpu.vector_load %arg16[%get3A_1648, %get3A_1649] {strides = array<i32>} : memref<128x16xf32, #tpu.memory_space<vmem>>, vector<16xf32>,
        %broadcast_in_dim3A_1651 = arith.constant 5 : i32
        %broadcast_in_dim3A_1652 = vector.broadcast %broadcast_in_dim3A_1651 : i32 to vector<16xi32>
        %broadcast_in_dim3A_1653 = vector.shape_cast %broadcast_in_dim3A_1652 : vector<16xi32> to vector<16x1xi32>
        %gather3A_1654 = vector.shape_cast %broadcast_in_dim3A_1653 : vector<16x1xi32> to vector<16xi32>
        %gather3A_1655 = tpu.dynamic_gather %mul3A_1572[%gather3A_1654] in [0] : vector<16xf32>, vector<16xi32> -> vector<16xf32>
        %mul3A_1656 = arith.mulf %get3A_1650, %gather3A_1655 : vector<16xf32>
        %swap3A_1657 = arith.constant 53 : i32
        %swap3A_1658 = arith.index_cast %swap3A_1657 : i32 to index
        %swap3A_1659 = arith.constant 0 : index
        %swap3A_1660 = tpu.vector_load %arg17[%swap3A_1658, %swap3A_1659] {strides = array<i32>} : memref<128x16xf32, #tpu.memory_space<vmem>>, vector<16xf32>,
        tpu.vector_store %arg17[%swap3A_1658, %swap3A_1659], %mul3A_1656 {strides = array<i32>} : memref<128x16xf32, #tpu.memory_space<vmem>>, vector<16xf32>,
        %get3A_1661 = arith.constant 6 : i32
        %get3A_1662 = arith.index_cast %get3A_1661 : i32 to index
        %get3A_1663 = arith.constant 0 : index
        %get3A_1664 = tpu.vector_load %arg16[%get3A_1662, %get3A_1663] {strides = array<i32>} : memref<128x16xf32, #tpu.memory_space<vmem>>, vector<16xf32>,
        %broadcast_in_dim3A_1665 = arith.constant 6 : i32
        %broadcast_in_dim3A_1666 = vector.broadcast %broadcast_in_dim3A_1665 : i32 to vector<16xi32>
        %broadcast_in_dim3A_1667 = vector.shape_cast %broadcast_in_dim3A_1666 : vector<16xi32> to vector<16x1xi32>
        %gather3A_1668 = vector.shape_cast %broadcast_in_dim3A_1667 : vector<16x1xi32> to vector<16xi32>
        %gather3A_1669 = tpu.dynamic_gather %mul3A_1572[%gather3A_1668] in [0] : vector<16xf32>, vector<16xi32> -> vector<16xf32>
        %mul3A_1670 = arith.mulf %get3A_1664, %gather3A_1669 : vector<16xf32>
        %swap3A_1671 = arith.constant 54 : i32
        %swap3A_1672 = arith.index_cast %swap3A_1671 : i32 to index
        %swap3A_1673 = arith.constant 0 : index
        %swap3A_1674 = tpu.vector_load %arg17[%swap3A_1672, %swap3A_1673] {strides = array<i32>} : memref<128x16xf32, #tpu.memory_space<vmem>>, vector<16xf32>,
        tpu.vector_store %arg17[%swap3A_1672, %swap3A_1673], %mul3A_1670 {strides = array<i32>} : memref<128x16xf32, #tpu.memory_space<vmem>>, vector<16xf32>,
        %get3A_1675 = arith.constant 7 : i32
        %get3A_1676 = arith.index_cast %get3A_1675 : i32 to index
        %get3A_1677 = arith.constant 0 : index
        %get3A_1678 = tpu.vector_load %arg16[%get3A_1676, %get3A_1677] {strides = array<i32>} : memref<128x16xf32, #tpu.memory_space<vmem>>, vector<16xf32>,
        %broadcast_in_dim3A_1679 = arith.constant 7 : i32
        %broadcast_in_dim3A_1680 = vector.broadcast %broadcast_in_dim3A_1679 : i32 to vector<16xi32>
        %broadcast_in_dim3A_1681 = vector.shape_cast %broadcast_in_dim3A_1680 : vector<16xi32> to vector<16x1xi32>
        %gather3A_1682 = vector.shape_cast %broadcast_in_dim3A_1681 : vector<16x1xi32> to vector<16xi32>
        %gather3A_1683 = tpu.dynamic_gather %mul3A_1572[%gather3A_1682] in [0] : vector<16xf32>, vector<16xi32> -> vector<16xf32>
        %mul3A_1684 = arith.mulf %get3A_1678, %gather3A_1683 : vector<16xf32>
        %swap3A_1685 = arith.constant 55 : i32
        %swap3A_1686 = arith.index_cast %swap3A_1685 : i32 to index
        %swap3A_1687 = arith.constant 0 : index
        %swap3A_1688 = tpu.vector_load %arg17[%swap3A_1686, %swap3A_1687] {strides = array<i32>} : memref<128x16xf32, #tpu.memory_space<vmem>>, vector<16xf32>,
        tpu.vector_store %arg17[%swap3A_1686, %swap3A_1687], %mul3A_1684 {strides = array<i32>} : memref<128x16xf32, #tpu.memory_space<vmem>>, vector<16xf32>,
        %get3A_1689 = arith.constant 8 : i32
        %get3A_1690 = arith.index_cast %get3A_1689 : i32 to index
        %get3A_1691 = arith.constant 0 : index
        %get3A_1692 = tpu.vector_load %arg16[%get3A_1690, %get3A_1691] {strides = array<i32>} : memref<128x16xf32, #tpu.memory_space<vmem>>, vector<16xf32>,
        %broadcast_in_dim3A_1693 = arith.constant 8 : i32
        %broadcast_in_dim3A_1694 = vector.broadcast %broadcast_in_dim3A_1693 : i32 to vector<16xi32>
        %broadcast_in_dim3A_1695 = vector.shape_cast %broadcast_in_dim3A_1694 : vector<16xi32> to vector<16x1xi32>
        %gather3A_1696 = vector.shape_cast %broadcast_in_dim3A_1695 : vector<16x1xi32> to vector<16xi32>
        %gather3A_1697 = tpu.dynamic_gather %mul3A_1572[%gather3A_1696] in [0] : vector<16xf32>, vector<16xi32> -> vector<16xf32>
        %mul3A_1698 = arith.mulf %get3A_1692, %gather3A_1697 : vector<16xf32>
        %swap3A_1699 = arith.constant 56 : i32
        %swap3A_1700 = arith.index_cast %swap3A_1699 : i32 to index
        %swap3A_1701 = arith.constant 0 : index
        %swap3A_1702 = tpu.vector_load %arg17[%swap3A_1700, %swap3A_1701] {strides = array<i32>} : memref<128x16xf32, #tpu.memory_space<vmem>>, vector<16xf32>,
        tpu.vector_store %arg17[%swap3A_1700, %swap3A_1701], %mul3A_1698 {strides = array<i32>} : memref<128x16xf32, #tpu.memory_space<vmem>>, vector<16xf32>,
        %get3A_1703 = arith.constant 9 : i32
        %get3A_1704 = arith.index_cast %get3A_1703 : i32 to index
        %get3A_1705 = arith.constant 0 : index
        %get3A_1706 = tpu.vector_load %arg16[%get3A_1704, %get3A_1705] {strides = array<i32>} : memref<128x16xf32, #tpu.memory_space<vmem>>, vector<16xf32>,
        %broadcast_in_dim3A_1707 = arith.constant 9 : i32
        %broadcast_in_dim3A_1708 = vector.broadcast %broadcast_in_dim3A_1707 : i32 to vector<16xi32>
        %broadcast_in_dim3A_1709 = vector.shape_cast %broadcast_in_dim3A_1708 : vector<16xi32> to vector<16x1xi32>
        %gather3A_1710 = vector.shape_cast %broadcast_in_dim3A_1709 : vector<16x1xi32> to vector<16xi32>
        %gather3A_1711 = tpu.dynamic_gather %mul3A_1572[%gather3A_1710] in [0] : vector<16xf32>, vector<16xi32> -> vector<16xf32>
        %mul3A_1712 = arith.mulf %get3A_1706, %gather3A_1711 : vector<16xf32>
        %swap3A_1713 = arith.constant 57 : i32
        %swap3A_1714 = arith.index_cast %swap3A_1713 : i32 to index
        %swap3A_1715 = arith.constant 0 : index
        %swap3A_1716 = tpu.vector_load %arg17[%swap3A_1714, %swap3A_1715] {strides = array<i32>} : memref<128x16xf32, #tpu.memory_space<vmem>>, vector<16xf32>,
        tpu.vector_store %arg17[%swap3A_1714, %swap3A_1715], %mul3A_1712 {strides = array<i32>} : memref<128x16xf32, #tpu.memory_space<vmem>>, vector<16xf32>,
        %get3A_1717 = arith.constant 10 : i32
        %get3A_1718 = arith.index_cast %get3A_1717 : i32 to index
        %get3A_1719 = arith.constant 0 : index
        %get3A_1720 = tpu.vector_load %arg16[%get3A_1718, %get3A_1719] {strides = array<i32>} : memref<128x16xf32, #tpu.memory_space<vmem>>, vector<16xf32>,
        %broadcast_in_dim3A_1721 = arith.constant 10 : i32
        %broadcast_in_dim3A_1722 = vector.broadcast %broadcast_in_dim3A_1721 : i32 to vector<16xi32>
        %broadcast_in_dim3A_1723 = vector.shape_cast %broadcast_in_dim3A_1722 : vector<16xi32> to vector<16x1xi32>
        %gather3A_1724 = vector.shape_cast %broadcast_in_dim3A_1723 : vector<16x1xi32> to vector<16xi32>
        %gather3A_1725 = tpu.dynamic_gather %mul3A_1572[%gather3A_1724] in [0] : vector<16xf32>, vector<16xi32> -> vector<16xf32>
        %mul3A_1726 = arith.mulf %get3A_1720, %gather3A_1725 : vector<16xf32>
        %swap3A_1727 = arith.constant 58 : i32
        %swap3A_1728 = arith.index_cast %swap3A_1727 : i32 to index
        %swap3A_1729 = arith.constant 0 : index
        %swap3A_1730 = tpu.vector_load %arg17[%swap3A_1728, %swap3A_1729] {strides = array<i32>} : memref<128x16xf32, #tpu.memory_space<vmem>>, vector<16xf32>,
        tpu.vector_store %arg17[%swap3A_1728, %swap3A_1729], %mul3A_1726 {strides = array<i32>} : memref<128x16xf32, #tpu.memory_space<vmem>>, vector<16xf32>,
        %get3A_1731 = arith.constant 11 : i32
        %get3A_1732 = arith.index_cast %get3A_1731 : i32 to index
        %get3A_1733 = arith.constant 0 : index
        %get3A_1734 = tpu.vector_load %arg16[%get3A_1732, %get3A_1733] {strides = array<i32>} : memref<128x16xf32, #tpu.memory_space<vmem>>, vector<16xf32>,
        %broadcast_in_dim3A_1735 = arith.constant 11 : i32
        %broadcast_in_dim3A_1736 = vector.broadcast %broadcast_in_dim3A_1735 : i32 to vector<16xi32>
        %broadcast_in_dim3A_1737 = vector.shape_cast %broadcast_in_dim3A_1736 : vector<16xi32> to vector<16x1xi32>
        %gather3A_1738 = vector.shape_cast %broadcast_in_dim3A_1737 : vector<16x1xi32> to vector<16xi32>
        %gather3A_1739 = tpu.dynamic_gather %mul3A_1572[%gather3A_1738] in [0] : vector<16xf32>, vector<16xi32> -> vector<16xf32>
        %mul3A_1740 = arith.mulf %get3A_1734, %gather3A_1739 : vector<16xf32>
        %swap3A_1741 = arith.constant 59 : i32
        %swap3A_1742 = arith.index_cast %swap3A_1741 : i32 to index
        %swap3A_1743 = arith.constant 0 : index
        %swap3A_1744 = tpu.vector_load %arg17[%swap3A_1742, %swap3A_1743] {strides = array<i32>} : memref<128x16xf32, #tpu.memory_space<vmem>>, vector<16xf32>,
        tpu.vector_store %arg17[%swap3A_1742, %swap3A_1743], %mul3A_1740 {strides = array<i32>} : memref<128x16xf32, #tpu.memory_space<vmem>>, vector<16xf32>,
        %get3A_1745 = arith.constant 12 : i32
        %get3A_1746 = arith.index_cast %get3A_1745 : i32 to index
        %get3A_1747 = arith.constant 0 : index
        %get3A_1748 = tpu.vector_load %arg16[%get3A_1746, %get3A_1747] {strides = array<i32>} : memref<128x16xf32, #tpu.memory_space<vmem>>, vector<16xf32>,
        %broadcast_in_dim3A_1749 = arith.constant 12 : i32
        %broadcast_in_dim3A_1750 = vector.broadcast %broadcast_in_dim3A_1749 : i32 to vector<16xi32>
        %broadcast_in_dim3A_1751 = vector.shape_cast %broadcast_in_dim3A_1750 : vector<16xi32> to vector<16x1xi32>
        %gather3A_1752 = vector.shape_cast %broadcast_in_dim3A_1751 : vector<16x1xi32> to vector<16xi32>
        %gather3A_1753 = tpu.dynamic_gather %mul3A_1572[%gather3A_1752] in [0] : vector<16xf32>, vector<16xi32> -> vector<16xf32>
        %mul3A_1754 = arith.mulf %get3A_1748, %gather3A_1753 : vector<16xf32>
        %swap3A_1755 = arith.constant 60 : i32
        %swap3A_1756 = arith.index_cast %swap3A_1755 : i32 to index
        %swap3A_1757 = arith.constant 0 : index
        %swap3A_1758 = tpu.vector_load %arg17[%swap3A_1756, %swap3A_1757] {strides = array<i32>} : memref<128x16xf32, #tpu.memory_space<vmem>>, vector<16xf32>,
        tpu.vector_store %arg17[%swap3A_1756, %swap3A_1757], %mul3A_1754 {strides = array<i32>} : memref<128x16xf32, #tpu.memory_space<vmem>>, vector<16xf32>,
        %get3A_1759 = arith.constant 13 : i32
        %get3A_1760 = arith.index_cast %get3A_1759 : i32 to index
        %get3A_1761 = arith.constant 0 : index
        %get3A_1762 = tpu.vector_load %arg16[%get3A_1760, %get3A_1761] {strides = array<i32>} : memref<128x16xf32, #tpu.memory_space<vmem>>, vector<16xf32>,
        %broadcast_in_dim3A_1763 = arith.constant 13 : i32
        %broadcast_in_dim3A_1764 = vector.broadcast %broadcast_in_dim3A_1763 : i32 to vector<16xi32>
        %broadcast_in_dim3A_1765 = vector.shape_cast %broadcast_in_dim3A_1764 : vector<16xi32> to vector<16x1xi32>
        %gather3A_1766 = vector.shape_cast %broadcast_in_dim3A_1765 : vector<16x1xi32> to vector<16xi32>
        %gather3A_1767 = tpu.dynamic_gather %mul3A_1572[%gather3A_1766] in [0] : vector<16xf32>, vector<16xi32> -> vector<16xf32>
        %mul3A_1768 = arith.mulf %get3A_1762, %gather3A_1767 : vector<16xf32>
        %swap3A_1769 = arith.constant 61 : i32
        %swap3A_1770 = arith.index_cast %swap3A_1769 : i32 to index
        %swap3A_1771 = arith.constant 0 : index
        %swap3A_1772 = tpu.vector_load %arg17[%swap3A_1770, %swap3A_1771] {strides = array<i32>} : memref<128x16xf32, #tpu.memory_space<vmem>>, vector<16xf32>,
        tpu.vector_store %arg17[%swap3A_1770, %swap3A_1771], %mul3A_1768 {strides = array<i32>} : memref<128x16xf32, #tpu.memory_space<vmem>>, vector<16xf32>,
        %get3A_1773 = arith.constant 14 : i32
        %get3A_1774 = arith.index_cast %get3A_1773 : i32 to index
        %get3A_1775 = arith.constant 0 : index
        %get3A_1776 = tpu.vector_load %arg16[%get3A_1774, %get3A_1775] {strides = array<i32>} : memref<128x16xf32, #tpu.memory_space<vmem>>, vector<16xf32>,
        %broadcast_in_dim3A_1777 = arith.constant 14 : i32
        %broadcast_in_dim3A_1778 = vector.broadcast %broadcast_in_dim3A_1777 : i32 to vector<16xi32>
        %broadcast_in_dim3A_1779 = vector.shape_cast %broadcast_in_dim3A_1778 : vector<16xi32> to vector<16x1xi32>
        %gather3A_1780 = vector.shape_cast %broadcast_in_dim3A_1779 : vector<16x1xi32> to vector<16xi32>
        %gather3A_1781 = tpu.dynamic_gather %mul3A_1572[%gather3A_1780] in [0] : vector<16xf32>, vector<16xi32> -> vector<16xf32>
        %mul3A_1782 = arith.mulf %get3A_1776, %gather3A_1781 : vector<16xf32>
        %swap3A_1783 = arith.constant 62 : i32
        %swap3A_1784 = arith.index_cast %swap3A_1783 : i32 to index
        %swap3A_1785 = arith.constant 0 : index
        %swap3A_1786 = tpu.vector_load %arg17[%swap3A_1784, %swap3A_1785] {strides = array<i32>} : memref<128x16xf32, #tpu.memory_space<vmem>>, vector<16xf32>,
        tpu.vector_store %arg17[%swap3A_1784, %swap3A_1785], %mul3A_1782 {strides = array<i32>} : memref<128x16xf32, #tpu.memory_space<vmem>>, vector<16xf32>,
        %get3A_1787 = arith.constant 15 : i32
        %get3A_1788 = arith.index_cast %get3A_1787 : i32 to index
        %get3A_1789 = arith.constant 0 : index
        %get3A_1790 = tpu.vector_load %arg16[%get3A_1788, %get3A_1789] {strides = array<i32>} : memref<128x16xf32, #tpu.memory_space<vmem>>, vector<16xf32>,
        %broadcast_in_dim3A_1791 = arith.constant 15 : i32
        %broadcast_in_dim3A_1792 = vector.broadcast %broadcast_in_dim3A_1791 : i32 to vector<16xi32>
        %broadcast_in_dim3A_1793 = vector.shape_cast %broadcast_in_dim3A_1792 : vector<16xi32> to vector<16x1xi32>
        %gather3A_1794 = vector.shape_cast %broadcast_in_dim3A_1793 : vector<16x1xi32> to vector<16xi32>
        %gather3A_1795 = tpu.dynamic_gather %mul3A_1572[%gather3A_1794] in [0] : vector<16xf32>, vector<16xi32> -> vector<16xf32>
        %mul3A_1796 = arith.mulf %get3A_1790, %gather3A_1795 : vector<16xf32>
        %swap3A_1797 = arith.constant 63 : i32
        %swap3A_1798 = arith.index_cast %swap3A_1797 : i32 to index
        %swap3A_1799 = arith.constant 0 : index
        %swap3A_1800 = tpu.vector_load %arg17[%swap3A_1798, %swap3A_1799] {strides = array<i32>} : memref<128x16xf32, #tpu.memory_space<vmem>>, vector<16xf32>,
        tpu.vector_store %arg17[%swap3A_1798, %swap3A_1799], %mul3A_1796 {strides = array<i32>} : memref<128x16xf32, #tpu.memory_space<vmem>>, vector<16xf32>,
        %mul3A_1801 = arith.mulf %mul3A_837, %gather3A_781 : vector<16xf32>
        %mul3A_1802 = arith.mulf %mul3A_1801, %gather3A_782 : vector<16xf32>
        %add3A_1803 = arith.addi %mul3A_880, %mul3A_846 : vector<16xi32>
        %add3A_1804 = arith.addi %add3A_1803, %and3A_814 : vector<16xi32>
        %swap3A_1805 = arith.constant 64 : index
        %swap3A_1806 = tpu.vector_load %arg18[%swap3A_1805] {strides = array<i32>} : memref<128xi32, #tpu.memory_space<vmem>>, vector<16xi32>,
        tpu.vector_store %arg18[%swap3A_1805], %add3A_1804 {strides = array<i32>} : memref<128xi32, #tpu.memory_space<vmem>>, vector<16xi32>,
        %get3A_1807 = arith.constant 0 : i32
        %get3A_1808 = arith.index_cast %get3A_1807 : i32 to index
        %get3A_1809 = arith.constant 0 : index
        %get3A_1810 = tpu.vector_load %arg16[%get3A_1808, %get3A_1809] {strides = array<i32>} : memref<128x16xf32, #tpu.memory_space<vmem>>, vector<16xf32>,
        %broadcast_in_dim3A_1811 = arith.constant 0 : i32
        %broadcast_in_dim3A_1812 = vector.broadcast %broadcast_in_dim3A_1811 : i32 to vector<16xi32>
        %broadcast_in_dim3A_1813 = vector.shape_cast %broadcast_in_dim3A_1812 : vector<16xi32> to vector<16x1xi32>
        %gather3A_1814 = vector.shape_cast %broadcast_in_dim3A_1813 : vector<16x1xi32> to vector<16xi32>
        %gather3A_1815 = tpu.dynamic_gather %mul3A_1802[%gather3A_1814] in [0] : vector<16xf32>, vector<16xi32> -> vector<16xf32>
        %mul3A_1816 = arith.mulf %get3A_1810, %gather3A_1815 : vector<16xf32>
        %swap3A_1817 = arith.constant 64 : i32
        %swap3A_1818 = arith.index_cast %swap3A_1817 : i32 to index
        %swap3A_1819 = arith.constant 0 : index
        %swap3A_1820 = tpu.vector_load %arg17[%swap3A_1818, %swap3A_1819] {strides = array<i32>} : memref<128x16xf32, #tpu.memory_space<vmem>>, vector<16xf32>,
        tpu.vector_store %arg17[%swap3A_1818, %swap3A_1819], %mul3A_1816 {strides = array<i32>} : memref<128x16xf32, #tpu.memory_space<vmem>>, vector<16xf32>,
        %get3A_1821 = arith.constant 1 : i32
        %get3A_1822 = arith.index_cast %get3A_1821 : i32 to index
        %get3A_1823 = arith.constant 0 : index
        %get3A_1824 = tpu.vector_load %arg16[%get3A_1822, %get3A_1823] {strides = array<i32>} : memref<128x16xf32, #tpu.memory_space<vmem>>, vector<16xf32>,
        %broadcast_in_dim3A_1825 = arith.constant 1 : i32
        %broadcast_in_dim3A_1826 = vector.broadcast %broadcast_in_dim3A_1825 : i32 to vector<16xi32>
        %broadcast_in_dim3A_1827 = vector.shape_cast %broadcast_in_dim3A_1826 : vector<16xi32> to vector<16x1xi32>
        %gather3A_1828 = vector.shape_cast %broadcast_in_dim3A_1827 : vector<16x1xi32> to vector<16xi32>
        %gather3A_1829 = tpu.dynamic_gather %mul3A_1802[%gather3A_1828] in [0] : vector<16xf32>, vector<16xi32> -> vector<16xf32>
        %mul3A_1830 = arith.mulf %get3A_1824, %gather3A_1829 : vector<16xf32>
        %swap3A_1831 = arith.constant 65 : i32
        %swap3A_1832 = arith.index_cast %swap3A_1831 : i32 to index
        %swap3A_1833 = arith.constant 0 : index
        %swap3A_1834 = tpu.vector_load %arg17[%swap3A_1832, %swap3A_1833] {strides = array<i32>} : memref<128x16xf32, #tpu.memory_space<vmem>>, vector<16xf32>,
        tpu.vector_store %arg17[%swap3A_1832, %swap3A_1833], %mul3A_1830 {strides = array<i32>} : memref<128x16xf32, #tpu.memory_space<vmem>>, vector<16xf32>,
        %get3A_1835 = arith.constant 2 : i32
        %get3A_1836 = arith.index_cast %get3A_1835 : i32 to index
        %get3A_1837 = arith.constant 0 : index
        %get3A_1838 = tpu.vector_load %arg16[%get3A_1836, %get3A_1837] {strides = array<i32>} : memref<128x16xf32, #tpu.memory_space<vmem>>, vector<16xf32>,
        %broadcast_in_dim3A_1839 = arith.constant 2 : i32
        %broadcast_in_dim3A_1840 = vector.broadcast %broadcast_in_dim3A_1839 : i32 to vector<16xi32>
        %broadcast_in_dim3A_1841 = vector.shape_cast %broadcast_in_dim3A_1840 : vector<16xi32> to vector<16x1xi32>
        %gather3A_1842 = vector.shape_cast %broadcast_in_dim3A_1841 : vector<16x1xi32> to vector<16xi32>
        %gather3A_1843 = tpu.dynamic_gather %mul3A_1802[%gather3A_1842] in [0] : vector<16xf32>, vector<16xi32> -> vector<16xf32>
        %mul3A_1844 = arith.mulf %get3A_1838, %gather3A_1843 : vector<16xf32>
        %swap3A_1845 = arith.constant 66 : i32
        %swap3A_1846 = arith.index_cast %swap3A_1845 : i32 to index
        %swap3A_1847 = arith.constant 0 : index
        %swap3A_1848 = tpu.vector_load %arg17[%swap3A_1846, %swap3A_1847] {strides = array<i32>} : memref<128x16xf32, #tpu.memory_space<vmem>>, vector<16xf32>,
        tpu.vector_store %arg17[%swap3A_1846, %swap3A_1847], %mul3A_1844 {strides = array<i32>} : memref<128x16xf32, #tpu.memory_space<vmem>>, vector<16xf32>,
        %get3A_1849 = arith.constant 3 : i32
        %get3A_1850 = arith.index_cast %get3A_1849 : i32 to index
        %get3A_1851 = arith.constant 0 : index
        %get3A_1852 = tpu.vector_load %arg16[%get3A_1850, %get3A_1851] {strides = array<i32>} : memref<128x16xf32, #tpu.memory_space<vmem>>, vector<16xf32>,
        %broadcast_in_dim3A_1853 = arith.constant 3 : i32
        %broadcast_in_dim3A_1854 = vector.broadcast %broadcast_in_dim3A_1853 : i32 to vector<16xi32>
        %broadcast_in_dim3A_1855 = vector.shape_cast %broadcast_in_dim3A_1854 : vector<16xi32> to vector<16x1xi32>
        %gather3A_1856 = vector.shape_cast %broadcast_in_dim3A_1855 : vector<16x1xi32> to vector<16xi32>
        %gather3A_1857 = tpu.dynamic_gather %mul3A_1802[%gather3A_1856] in [0] : vector<16xf32>, vector<16xi32> -> vector<16xf32>
        %mul3A_1858 = arith.mulf %get3A_1852, %gather3A_1857 : vector<16xf32>
        %swap3A_1859 = arith.constant 67 : i32
        %swap3A_1860 = arith.index_cast %swap3A_1859 : i32 to index
        %swap3A_1861 = arith.constant 0 : index
        %swap3A_1862 = tpu.vector_load %arg17[%swap3A_1860, %swap3A_1861] {strides = array<i32>} : memref<128x16xf32, #tpu.memory_space<vmem>>, vector<16xf32>,
        tpu.vector_store %arg17[%swap3A_1860, %swap3A_1861], %mul3A_1858 {strides = array<i32>} : memref<128x16xf32, #tpu.memory_space<vmem>>, vector<16xf32>,
        %get3A_1863 = arith.constant 4 : i32
        %get3A_1864 = arith.index_cast %get3A_1863 : i32 to index
        %get3A_1865 = arith.constant 0 : index
        %get3A_1866 = tpu.vector_load %arg16[%get3A_1864, %get3A_1865] {strides = array<i32>} : memref<128x16xf32, #tpu.memory_space<vmem>>, vector<16xf32>,
        %broadcast_in_dim3A_1867 = arith.constant 4 : i32
        %broadcast_in_dim3A_1868 = vector.broadcast %broadcast_in_dim3A_1867 : i32 to vector<16xi32>
        %broadcast_in_dim3A_1869 = vector.shape_cast %broadcast_in_dim3A_1868 : vector<16xi32> to vector<16x1xi32>
        %gather3A_1870 = vector.shape_cast %broadcast_in_dim3A_1869 : vector<16x1xi32> to vector<16xi32>
        %gather3A_1871 = tpu.dynamic_gather %mul3A_1802[%gather3A_1870] in [0] : vector<16xf32>, vector<16xi32> -> vector<16xf32>
        %mul3A_1872 = arith.mulf %get3A_1866, %gather3A_1871 : vector<16xf32>
        %swap3A_1873 = arith.constant 68 : i32
        %swap3A_1874 = arith.index_cast %swap3A_1873 : i32 to index
        %swap3A_1875 = arith.constant 0 : index
        %swap3A_1876 = tpu.vector_load %arg17[%swap3A_1874, %swap3A_1875] {strides = array<i32>} : memref<128x16xf32, #tpu.memory_space<vmem>>, vector<16xf32>,
        tpu.vector_store %arg17[%swap3A_1874, %swap3A_1875], %mul3A_1872 {strides = array<i32>} : memref<128x16xf32, #tpu.memory_space<vmem>>, vector<16xf32>,
        %get3A_1877 = arith.constant 5 : i32
        %get3A_1878 = arith.index_cast %get3A_1877 : i32 to index
        %get3A_1879 = arith.constant 0 : index
        %get3A_1880 = tpu.vector_load %arg16[%get3A_1878, %get3A_1879] {strides = array<i32>} : memref<128x16xf32, #tpu.memory_space<vmem>>, vector<16xf32>,
        %broadcast_in_dim3A_1881 = arith.constant 5 : i32
        %broadcast_in_dim3A_1882 = vector.broadcast %broadcast_in_dim3A_1881 : i32 to vector<16xi32>
        %broadcast_in_dim3A_1883 = vector.shape_cast %broadcast_in_dim3A_1882 : vector<16xi32> to vector<16x1xi32>
        %gather3A_1884 = vector.shape_cast %broadcast_in_dim3A_1883 : vector<16x1xi32> to vector<16xi32>
        %gather3A_1885 = tpu.dynamic_gather %mul3A_1802[%gather3A_1884] in [0] : vector<16xf32>, vector<16xi32> -> vector<16xf32>
        %mul3A_1886 = arith.mulf %get3A_1880, %gather3A_1885 : vector<16xf32>
        %swap3A_1887 = arith.constant 69 : i32
        %swap3A_1888 = arith.index_cast %swap3A_1887 : i32 to index
        %swap3A_1889 = arith.constant 0 : index
        %swap3A_1890 = tpu.vector_load %arg17[%swap3A_1888, %swap3A_1889] {strides = array<i32>} : memref<128x16xf32, #tpu.memory_space<vmem>>, vector<16xf32>,
        tpu.vector_store %arg17[%swap3A_1888, %swap3A_1889], %mul3A_1886 {strides = array<i32>} : memref<128x16xf32, #tpu.memory_space<vmem>>, vector<16xf32>,
        %get3A_1891 = arith.constant 6 : i32
        %get3A_1892 = arith.index_cast %get3A_1891 : i32 to index
        %get3A_1893 = arith.constant 0 : index
        %get3A_1894 = tpu.vector_load %arg16[%get3A_1892, %get3A_1893] {strides = array<i32>} : memref<128x16xf32, #tpu.memory_space<vmem>>, vector<16xf32>,
        %broadcast_in_dim3A_1895 = arith.constant 6 : i32
        %broadcast_in_dim3A_1896 = vector.broadcast %broadcast_in_dim3A_1895 : i32 to vector<16xi32>
        %broadcast_in_dim3A_1897 = vector.shape_cast %broadcast_in_dim3A_1896 : vector<16xi32> to vector<16x1xi32>
        %gather3A_1898 = vector.shape_cast %broadcast_in_dim3A_1897 : vector<16x1xi32> to vector<16xi32>
        %gather3A_1899 = tpu.dynamic_gather %mul3A_1802[%gather3A_1898] in [0] : vector<16xf32>, vector<16xi32> -> vector<16xf32>
        %mul3A_1900 = arith.mulf %get3A_1894, %gather3A_1899 : vector<16xf32>
        %swap3A_1901 = arith.constant 70 : i32
        %swap3A_1902 = arith.index_cast %swap3A_1901 : i32 to index
        %swap3A_1903 = arith.constant 0 : index
        %swap3A_1904 = tpu.vector_load %arg17[%swap3A_1902, %swap3A_1903] {strides = array<i32>} : memref<128x16xf32, #tpu.memory_space<vmem>>, vector<16xf32>,
        tpu.vector_store %arg17[%swap3A_1902, %swap3A_1903], %mul3A_1900 {strides = array<i32>} : memref<128x16xf32, #tpu.memory_space<vmem>>, vector<16xf32>,
        %get3A_1905 = arith.constant 7 : i32
        %get3A_1906 = arith.index_cast %get3A_1905 : i32 to index
        %get3A_1907 = arith.constant 0 : index
        %get3A_1908 = tpu.vector_load %arg16[%get3A_1906, %get3A_1907] {strides = array<i32>} : memref<128x16xf32, #tpu.memory_space<vmem>>, vector<16xf32>,
        %broadcast_in_dim3A_1909 = arith.constant 7 : i32
        %broadcast_in_dim3A_1910 = vector.broadcast %broadcast_in_dim3A_1909 : i32 to vector<16xi32>
        %broadcast_in_dim3A_1911 = vector.shape_cast %broadcast_in_dim3A_1910 : vector<16xi32> to vector<16x1xi32>
        %gather3A_1912 = vector.shape_cast %broadcast_in_dim3A_1911 : vector<16x1xi32> to vector<16xi32>
        %gather3A_1913 = tpu.dynamic_gather %mul3A_1802[%gather3A_1912] in [0] : vector<16xf32>, vector<16xi32> -> vector<16xf32>
        %mul3A_1914 = arith.mulf %get3A_1908, %gather3A_1913 : vector<16xf32>
        %swap3A_1915 = arith.constant 71 : i32
        %swap3A_1916 = arith.index_cast %swap3A_1915 : i32 to index
        %swap3A_1917 = arith.constant 0 : index
        %swap3A_1918 = tpu.vector_load %arg17[%swap3A_1916, %swap3A_1917] {strides = array<i32>} : memref<128x16xf32, #tpu.memory_space<vmem>>, vector<16xf32>,
        tpu.vector_store %arg17[%swap3A_1916, %swap3A_1917], %mul3A_1914 {strides = array<i32>} : memref<128x16xf32, #tpu.memory_space<vmem>>, vector<16xf32>,
        %get3A_1919 = arith.constant 8 : i32
        %get3A_1920 = arith.index_cast %get3A_1919 : i32 to index
        %get3A_1921 = arith.constant 0 : index
        %get3A_1922 = tpu.vector_load %arg16[%get3A_1920, %get3A_1921] {strides = array<i32>} : memref<128x16xf32, #tpu.memory_space<vmem>>, vector<16xf32>,
        %broadcast_in_dim3A_1923 = arith.constant 8 : i32
        %broadcast_in_dim3A_1924 = vector.broadcast %broadcast_in_dim3A_1923 : i32 to vector<16xi32>
        %broadcast_in_dim3A_1925 = vector.shape_cast %broadcast_in_dim3A_1924 : vector<16xi32> to vector<16x1xi32>
        %gather3A_1926 = vector.shape_cast %broadcast_in_dim3A_1925 : vector<16x1xi32> to vector<16xi32>
        %gather3A_1927 = tpu.dynamic_gather %mul3A_1802[%gather3A_1926] in [0] : vector<16xf32>, vector<16xi32> -> vector<16xf32>
        %mul3A_1928 = arith.mulf %get3A_1922, %gather3A_1927 : vector<16xf32>
        %swap3A_1929 = arith.constant 72 : i32
        %swap3A_1930 = arith.index_cast %swap3A_1929 : i32 to index
        %swap3A_1931 = arith.constant 0 : index
        %swap3A_1932 = tpu.vector_load %arg17[%swap3A_1930, %swap3A_1931] {strides = array<i32>} : memref<128x16xf32, #tpu.memory_space<vmem>>, vector<16xf32>,
        tpu.vector_store %arg17[%swap3A_1930, %swap3A_1931], %mul3A_1928 {strides = array<i32>} : memref<128x16xf32, #tpu.memory_space<vmem>>, vector<16xf32>,
        %get3A_1933 = arith.constant 9 : i32
        %get3A_1934 = arith.index_cast %get3A_1933 : i32 to index
        %get3A_1935 = arith.constant 0 : index
        %get3A_1936 = tpu.vector_load %arg16[%get3A_1934, %get3A_1935] {strides = array<i32>} : memref<128x16xf32, #tpu.memory_space<vmem>>, vector<16xf32>,
        %broadcast_in_dim3A_1937 = arith.constant 9 : i32
        %broadcast_in_dim3A_1938 = vector.broadcast %broadcast_in_dim3A_1937 : i32 to vector<16xi32>
        %broadcast_in_dim3A_1939 = vector.shape_cast %broadcast_in_dim3A_1938 : vector<16xi32> to vector<16x1xi32>
        %gather3A_1940 = vector.shape_cast %broadcast_in_dim3A_1939 : vector<16x1xi32> to vector<16xi32>
        %gather3A_1941 = tpu.dynamic_gather %mul3A_1802[%gather3A_1940] in [0] : vector<16xf32>, vector<16xi32> -> vector<16xf32>
        %mul3A_1942 = arith.mulf %get3A_1936, %gather3A_1941 : vector<16xf32>
        %swap3A_1943 = arith.constant 73 : i32
        %swap3A_1944 = arith.index_cast %swap3A_1943 : i32 to index
        %swap3A_1945 = arith.constant 0 : index
        %swap3A_1946 = tpu.vector_load %arg17[%swap3A_1944, %swap3A_1945] {strides = array<i32>} : memref<128x16xf32, #tpu.memory_space<vmem>>, vector<16xf32>,
        tpu.vector_store %arg17[%swap3A_1944, %swap3A_1945], %mul3A_1942 {strides = array<i32>} : memref<128x16xf32, #tpu.memory_space<vmem>>, vector<16xf32>,
        %get3A_1947 = arith.constant 10 : i32
        %get3A_1948 = arith.index_cast %get3A_1947 : i32 to index
        %get3A_1949 = arith.constant 0 : index
        %get3A_1950 = tpu.vector_load %arg16[%get3A_1948, %get3A_1949] {strides = array<i32>} : memref<128x16xf32, #tpu.memory_space<vmem>>, vector<16xf32>,
        %broadcast_in_dim3A_1951 = arith.constant 10 : i32
        %broadcast_in_dim3A_1952 = vector.broadcast %broadcast_in_dim3A_1951 : i32 to vector<16xi32>
        %broadcast_in_dim3A_1953 = vector.shape_cast %broadcast_in_dim3A_1952 : vector<16xi32> to vector<16x1xi32>
        %gather3A_1954 = vector.shape_cast %broadcast_in_dim3A_1953 : vector<16x1xi32> to vector<16xi32>
        %gather3A_1955 = tpu.dynamic_gather %mul3A_1802[%gather3A_1954] in [0] : vector<16xf32>, vector<16xi32> -> vector<16xf32>
        %mul3A_1956 = arith.mulf %get3A_1950, %gather3A_1955 : vector<16xf32>
        %swap3A_1957 = arith.constant 74 : i32
        %swap3A_1958 = arith.index_cast %swap3A_1957 : i32 to index
        %swap3A_1959 = arith.constant 0 : index
        %swap3A_1960 = tpu.vector_load %arg17[%swap3A_1958, %swap3A_1959] {strides = array<i32>} : memref<128x16xf32, #tpu.memory_space<vmem>>, vector<16xf32>,
        tpu.vector_store %arg17[%swap3A_1958, %swap3A_1959], %mul3A_1956 {strides = array<i32>} : memref<128x16xf32, #tpu.memory_space<vmem>>, vector<16xf32>,
        %get3A_1961 = arith.constant 11 : i32
        %get3A_1962 = arith.index_cast %get3A_1961 : i32 to index
        %get3A_1963 = arith.constant 0 : index
        %get3A_1964 = tpu.vector_load %arg16[%get3A_1962, %get3A_1963] {strides = array<i32>} : memref<128x16xf32, #tpu.memory_space<vmem>>, vector<16xf32>,
        %broadcast_in_dim3A_1965 = arith.constant 11 : i32
        %broadcast_in_dim3A_1966 = vector.broadcast %broadcast_in_dim3A_1965 : i32 to vector<16xi32>
        %broadcast_in_dim3A_1967 = vector.shape_cast %broadcast_in_dim3A_1966 : vector<16xi32> to vector<16x1xi32>
        %gather3A_1968 = vector.shape_cast %broadcast_in_dim3A_1967 : vector<16x1xi32> to vector<16xi32>
        %gather3A_1969 = tpu.dynamic_gather %mul3A_1802[%gather3A_1968] in [0] : vector<16xf32>, vector<16xi32> -> vector<16xf32>
        %mul3A_1970 = arith.mulf %get3A_1964, %gather3A_1969 : vector<16xf32>
        %swap3A_1971 = arith.constant 75 : i32
        %swap3A_1972 = arith.index_cast %swap3A_1971 : i32 to index
        %swap3A_1973 = arith.constant 0 : index
        %swap3A_1974 = tpu.vector_load %arg17[%swap3A_1972, %swap3A_1973] {strides = array<i32>} : memref<128x16xf32, #tpu.memory_space<vmem>>, vector<16xf32>,
        tpu.vector_store %arg17[%swap3A_1972, %swap3A_1973], %mul3A_1970 {strides = array<i32>} : memref<128x16xf32, #tpu.memory_space<vmem>>, vector<16xf32>,
        %get3A_1975 = arith.constant 12 : i32
        %get3A_1976 = arith.index_cast %get3A_1975 : i32 to index
        %get3A_1977 = arith.constant 0 : index
        %get3A_1978 = tpu.vector_load %arg16[%get3A_1976, %get3A_1977] {strides = array<i32>} : memref<128x16xf32, #tpu.memory_space<vmem>>, vector<16xf32>,
        %broadcast_in_dim3A_1979 = arith.constant 12 : i32
        %broadcast_in_dim3A_1980 = vector.broadcast %broadcast_in_dim3A_1979 : i32 to vector<16xi32>
        %broadcast_in_dim3A_1981 = vector.shape_cast %broadcast_in_dim3A_1980 : vector<16xi32> to vector<16x1xi32>
        %gather3A_1982 = vector.shape_cast %broadcast_in_dim3A_1981 : vector<16x1xi32> to vector<16xi32>
        %gather3A_1983 = tpu.dynamic_gather %mul3A_1802[%gather3A_1982] in [0] : vector<16xf32>, vector<16xi32> -> vector<16xf32>
        %mul3A_1984 = arith.mulf %get3A_1978, %gather3A_1983 : vector<16xf32>
        %swap3A_1985 = arith.constant 76 : i32
        %swap3A_1986 = arith.index_cast %swap3A_1985 : i32 to index
        %swap3A_1987 = arith.constant 0 : index
        %swap3A_1988 = tpu.vector_load %arg17[%swap3A_1986, %swap3A_1987] {strides = array<i32>} : memref<128x16xf32, #tpu.memory_space<vmem>>, vector<16xf32>,
        tpu.vector_store %arg17[%swap3A_1986, %swap3A_1987], %mul3A_1984 {strides = array<i32>} : memref<128x16xf32, #tpu.memory_space<vmem>>, vector<16xf32>,
        %get3A_1989 = arith.constant 13 : i32
        %get3A_1990 = arith.index_cast %get3A_1989 : i32 to index
        %get3A_1991 = arith.constant 0 : index
        %get3A_1992 = tpu.vector_load %arg16[%get3A_1990, %get3A_1991] {strides = array<i32>} : memref<128x16xf32, #tpu.memory_space<vmem>>, vector<16xf32>,
        %broadcast_in_dim3A_1993 = arith.constant 13 : i32
        %broadcast_in_dim3A_1994 = vector.broadcast %broadcast_in_dim3A_1993 : i32 to vector<16xi32>
        %broadcast_in_dim3A_1995 = vector.shape_cast %broadcast_in_dim3A_1994 : vector<16xi32> to vector<16x1xi32>
        %gather3A_1996 = vector.shape_cast %broadcast_in_dim3A_1995 : vector<16x1xi32> to vector<16xi32>
        %gather3A_1997 = tpu.dynamic_gather %mul3A_1802[%gather3A_1996] in [0] : vector<16xf32>, vector<16xi32> -> vector<16xf32>
        %mul3A_1998 = arith.mulf %get3A_1992, %gather3A_1997 : vector<16xf32>
        %swap3A_1999 = arith.constant 77 : i32
        %swap3A_2000 = arith.index_cast %swap3A_1999 : i32 to index
        %swap3A_2001 = arith.constant 0 : index
        %swap3A_2002 = tpu.vector_load %arg17[%swap3A_2000, %swap3A_2001] {strides = array<i32>} : memref<128x16xf32, #tpu.memory_space<vmem>>, vector<16xf32>,
        tpu.vector_store %arg17[%swap3A_2000, %swap3A_2001], %mul3A_1998 {strides = array<i32>} : memref<128x16xf32, #tpu.memory_space<vmem>>, vector<16xf32>,
        %get3A_2003 = arith.constant 14 : i32
        %get3A_2004 = arith.index_cast %get3A_2003 : i32 to index
        %get3A_2005 = arith.constant 0 : index
        %get3A_2006 = tpu.vector_load %arg16[%get3A_2004, %get3A_2005] {strides = array<i32>} : memref<128x16xf32, #tpu.memory_space<vmem>>, vector<16xf32>,
        %broadcast_in_dim3A_2007 = arith.constant 14 : i32
        %broadcast_in_dim3A_2008 = vector.broadcast %broadcast_in_dim3A_2007 : i32 to vector<16xi32>
        %broadcast_in_dim3A_2009 = vector.shape_cast %broadcast_in_dim3A_2008 : vector<16xi32> to vector<16x1xi32>
        %gather3A_2010 = vector.shape_cast %broadcast_in_dim3A_2009 : vector<16x1xi32> to vector<16xi32>
        %gather3A_2011 = tpu.dynamic_gather %mul3A_1802[%gather3A_2010] in [0] : vector<16xf32>, vector<16xi32> -> vector<16xf32>
        %mul3A_2012 = arith.mulf %get3A_2006, %gather3A_2011 : vector<16xf32>
        %swap3A_2013 = arith.constant 78 : i32
        %swap3A_2014 = arith.index_cast %swap3A_2013 : i32 to index
        %swap3A_2015 = arith.constant 0 : index
        %swap3A_2016 = tpu.vector_load %arg17[%swap3A_2014, %swap3A_2015] {strides = array<i32>} : memref<128x16xf32, #tpu.memory_space<vmem>>, vector<16xf32>,
        tpu.vector_store %arg17[%swap3A_2014, %swap3A_2015], %mul3A_2012 {strides = array<i32>} : memref<128x16xf32, #tpu.memory_space<vmem>>, vector<16xf32>,
        %get3A_2017 = arith.constant 15 : i32
        %get3A_2018 = arith.index_cast %get3A_2017 : i32 to index
        %get3A_2019 = arith.constant 0 : index
        %get3A_2020 = tpu.vector_load %arg16[%get3A_2018, %get3A_2019] {strides = array<i32>} : memref<128x16xf32, #tpu.memory_space<vmem>>, vector<16xf32>,
        %broadcast_in_dim3A_2021 = arith.constant 15 : i32
        %broadcast_in_dim3A_2022 = vector.broadcast %broadcast_in_dim3A_2021 : i32 to vector<16xi32>
        %broadcast_in_dim3A_2023 = vector.shape_cast %broadcast_in_dim3A_2022 : vector<16xi32> to vector<16x1xi32>
        %gather3A_2024 = vector.shape_cast %broadcast_in_dim3A_2023 : vector<16x1xi32> to vector<16xi32>
        %gather3A_2025 = tpu.dynamic_gather %mul3A_1802[%gather3A_2024] in [0] : vector<16xf32>, vector<16xi32> -> vector<16xf32>
        %mul3A_2026 = arith.mulf %get3A_2020, %gather3A_2025 : vector<16xf32>
        %swap3A_2027 = arith.constant 79 : i32
        %swap3A_2028 = arith.index_cast %swap3A_2027 : i32 to index
        %swap3A_2029 = arith.constant 0 : index
        %swap3A_2030 = tpu.vector_load %arg17[%swap3A_2028, %swap3A_2029] {strides = array<i32>} : memref<128x16xf32, #tpu.memory_space<vmem>>, vector<16xf32>,
        tpu.vector_store %arg17[%swap3A_2028, %swap3A_2029], %mul3A_2026 {strides = array<i32>} : memref<128x16xf32, #tpu.memory_space<vmem>>, vector<16xf32>,
        %mul3A_2031 = arith.mulf %mul3A_837, %gather3A_781 : vector<16xf32>
        %mul3A_2032 = arith.mulf %mul3A_2031, %sub3A_843 : vector<16xf32>
        %add3A_2033 = arith.addi %mul3A_880, %mul3A_846 : vector<16xi32>
        %add3A_2034 = arith.addi %add3A_2033, %and3A_861 : vector<16xi32>
        %swap3A_2035 = arith.constant 80 : index
        %swap3A_2036 = tpu.vector_load %arg18[%swap3A_2035] {strides = array<i32>} : memref<128xi32, #tpu.memory_space<vmem>>, vector<16xi32>,
        tpu.vector_store %arg18[%swap3A_2035], %add3A_2034 {strides = array<i32>} : memref<128xi32, #tpu.memory_space<vmem>>, vector<16xi32>,
        %get3A_2037 = arith.constant 0 : i32
        %get3A_2038 = arith.index_cast %get3A_2037 : i32 to index
        %get3A_2039 = arith.constant 0 : index
        %get3A_2040 = tpu.vector_load %arg16[%get3A_2038, %get3A_2039] {strides = array<i32>} : memref<128x16xf32, #tpu.memory_space<vmem>>, vector<16xf32>,
        %broadcast_in_dim3A_2041 = arith.constant 0 : i32
        %broadcast_in_dim3A_2042 = vector.broadcast %broadcast_in_dim3A_2041 : i32 to vector<16xi32>
        %broadcast_in_dim3A_2043 = vector.shape_cast %broadcast_in_dim3A_2042 : vector<16xi32> to vector<16x1xi32>
        %gather3A_2044 = vector.shape_cast %broadcast_in_dim3A_2043 : vector<16x1xi32> to vector<16xi32>
        %gather3A_2045 = tpu.dynamic_gather %mul3A_2032[%gather3A_2044] in [0] : vector<16xf32>, vector<16xi32> -> vector<16xf32>
        %mul3A_2046 = arith.mulf %get3A_2040, %gather3A_2045 : vector<16xf32>
        %swap3A_2047 = arith.constant 80 : i32
        %swap3A_2048 = arith.index_cast %swap3A_2047 : i32 to index
        %swap3A_2049 = arith.constant 0 : index
        %swap3A_2050 = tpu.vector_load %arg17[%swap3A_2048, %swap3A_2049] {strides = array<i32>} : memref<128x16xf32, #tpu.memory_space<vmem>>, vector<16xf32>,
        tpu.vector_store %arg17[%swap3A_2048, %swap3A_2049], %mul3A_2046 {strides = array<i32>} : memref<128x16xf32, #tpu.memory_space<vmem>>, vector<16xf32>,
        %get3A_2051 = arith.constant 1 : i32
        %get3A_2052 = arith.index_cast %get3A_2051 : i32 to index
        %get3A_2053 = arith.constant 0 : index
        %get3A_2054 = tpu.vector_load %arg16[%get3A_2052, %get3A_2053] {strides = array<i32>} : memref<128x16xf32, #tpu.memory_space<vmem>>, vector<16xf32>,
        %broadcast_in_dim3A_2055 = arith.constant 1 : i32
        %broadcast_in_dim3A_2056 = vector.broadcast %broadcast_in_dim3A_2055 : i32 to vector<16xi32>
        %broadcast_in_dim3A_2057 = vector.shape_cast %broadcast_in_dim3A_2056 : vector<16xi32> to vector<16x1xi32>
        %gather3A_2058 = vector.shape_cast %broadcast_in_dim3A_2057 : vector<16x1xi32> to vector<16xi32>
        %gather3A_2059 = tpu.dynamic_gather %mul3A_2032[%gather3A_2058] in [0] : vector<16xf32>, vector<16xi32> -> vector<16xf32>
        %mul3A_2060 = arith.mulf %get3A_2054, %gather3A_2059 : vector<16xf32>
        %swap3A_2061 = arith.constant 81 : i32
        %swap3A_2062 = arith.index_cast %swap3A_2061 : i32 to index
        %swap3A_2063 = arith.constant 0 : index
        %swap3A_2064 = tpu.vector_load %arg17[%swap3A_2062, %swap3A_2063] {strides = array<i32>} : memref<128x16xf32, #tpu.memory_space<vmem>>, vector<16xf32>,
        tpu.vector_store %arg17[%swap3A_2062, %swap3A_2063], %mul3A_2060 {strides = array<i32>} : memref<128x16xf32, #tpu.memory_space<vmem>>, vector<16xf32>,
        %get3A_2065 = arith.constant 2 : i32
        %get3A_2066 = arith.index_cast %get3A_2065 : i32 to index
        %get3A_2067 = arith.constant 0 : index
        %get3A_2068 = tpu.vector_load %arg16[%get3A_2066, %get3A_2067] {strides = array<i32>} : memref<128x16xf32, #tpu.memory_space<vmem>>, vector<16xf32>,
        %broadcast_in_dim3A_2069 = arith.constant 2 : i32
        %broadcast_in_dim3A_2070 = vector.broadcast %broadcast_in_dim3A_2069 : i32 to vector<16xi32>
        %broadcast_in_dim3A_2071 = vector.shape_cast %broadcast_in_dim3A_2070 : vector<16xi32> to vector<16x1xi32>
        %gather3A_2072 = vector.shape_cast %broadcast_in_dim3A_2071 : vector<16x1xi32> to vector<16xi32>
        %gather3A_2073 = tpu.dynamic_gather %mul3A_2032[%gather3A_2072] in [0] : vector<16xf32>, vector<16xi32> -> vector<16xf32>
        %mul3A_2074 = arith.mulf %get3A_2068, %gather3A_2073 : vector<16xf32>
        %swap3A_2075 = arith.constant 82 : i32
        %swap3A_2076 = arith.index_cast %swap3A_2075 : i32 to index
        %swap3A_2077 = arith.constant 0 : index
        %swap3A_2078 = tpu.vector_load %arg17[%swap3A_2076, %swap3A_2077] {strides = array<i32>} : memref<128x16xf32, #tpu.memory_space<vmem>>, vector<16xf32>,
        tpu.vector_store %arg17[%swap3A_2076, %swap3A_2077], %mul3A_2074 {strides = array<i32>} : memref<128x16xf32, #tpu.memory_space<vmem>>, vector<16xf32>,
        %get3A_2079 = arith.constant 3 : i32
        %get3A_2080 = arith.index_cast %get3A_2079 : i32 to index
        %get3A_2081 = arith.constant 0 : index
        %get3A_2082 = tpu.vector_load %arg16[%get3A_2080, %get3A_2081] {strides = array<i32>} : memref<128x16xf32, #tpu.memory_space<vmem>>, vector<16xf32>,
        %broadcast_in_dim3A_2083 = arith.constant 3 : i32
        %broadcast_in_dim3A_2084 = vector.broadcast %broadcast_in_dim3A_2083 : i32 to vector<16xi32>
        %broadcast_in_dim3A_2085 = vector.shape_cast %broadcast_in_dim3A_2084 : vector<16xi32> to vector<16x1xi32>
        %gather3A_2086 = vector.shape_cast %broadcast_in_dim3A_2085 : vector<16x1xi32> to vector<16xi32>
        %gather3A_2087 = tpu.dynamic_gather %mul3A_2032[%gather3A_2086] in [0] : vector<16xf32>, vector<16xi32> -> vector<16xf32>
        %mul3A_2088 = arith.mulf %get3A_2082, %gather3A_2087 : vector<16xf32>
        %swap3A_2089 = arith.constant 83 : i32
        %swap3A_2090 = arith.index_cast %swap3A_2089 : i32 to index
        %swap3A_2091 = arith.constant 0 : index
        %swap3A_2092 = tpu.vector_load %arg17[%swap3A_2090, %swap3A_2091] {strides = array<i32>} : memref<128x16xf32, #tpu.memory_space<vmem>>, vector<16xf32>,
        tpu.vector_store %arg17[%swap3A_2090, %swap3A_2091], %mul3A_2088 {strides = array<i32>} : memref<128x16xf32, #tpu.memory_space<vmem>>, vector<16xf32>,
        %get3A_2093 = arith.constant 4 : i32
        %get3A_2094 = arith.index_cast %get3A_2093 : i32 to index
        %get3A_2095 = arith.constant 0 : index
        %get3A_2096 = tpu.vector_load %arg16[%get3A_2094, %get3A_2095] {strides = array<i32>} : memref<128x16xf32, #tpu.memory_space<vmem>>, vector<16xf32>,
        %broadcast_in_dim3A_2097 = arith.constant 4 : i32
        %broadcast_in_dim3A_2098 = vector.broadcast %broadcast_in_dim3A_2097 : i32 to vector<16xi32>
        %broadcast_in_dim3A_2099 = vector.shape_cast %broadcast_in_dim3A_2098 : vector<16xi32> to vector<16x1xi32>
        %gather3A_2100 = vector.shape_cast %broadcast_in_dim3A_2099 : vector<16x1xi32> to vector<16xi32>
        %gather3A_2101 = tpu.dynamic_gather %mul3A_2032[%gather3A_2100] in [0] : vector<16xf32>, vector<16xi32> -> vector<16xf32>
        %mul3A_2102 = arith.mulf %get3A_2096, %gather3A_2101 : vector<16xf32>
        %swap3A_2103 = arith.constant 84 : i32
        %swap3A_2104 = arith.index_cast %swap3A_2103 : i32 to index
        %swap3A_2105 = arith.constant 0 : index
        %swap3A_2106 = tpu.vector_load %arg17[%swap3A_2104, %swap3A_2105] {strides = array<i32>} : memref<128x16xf32, #tpu.memory_space<vmem>>, vector<16xf32>,
        tpu.vector_store %arg17[%swap3A_2104, %swap3A_2105], %mul3A_2102 {strides = array<i32>} : memref<128x16xf32, #tpu.memory_space<vmem>>, vector<16xf32>,
        %get3A_2107 = arith.constant 5 : i32
        %get3A_2108 = arith.index_cast %get3A_2107 : i32 to index
        %get3A_2109 = arith.constant 0 : index
        %get3A_2110 = tpu.vector_load %arg16[%get3A_2108, %get3A_2109] {strides = array<i32>} : memref<128x16xf32, #tpu.memory_space<vmem>>, vector<16xf32>,
        %broadcast_in_dim3A_2111 = arith.constant 5 : i32
        %broadcast_in_dim3A_2112 = vector.broadcast %broadcast_in_dim3A_2111 : i32 to vector<16xi32>
        %broadcast_in_dim3A_2113 = vector.shape_cast %broadcast_in_dim3A_2112 : vector<16xi32> to vector<16x1xi32>
        %gather3A_2114 = vector.shape_cast %broadcast_in_dim3A_2113 : vector<16x1xi32> to vector<16xi32>
        %gather3A_2115 = tpu.dynamic_gather %mul3A_2032[%gather3A_2114] in [0] : vector<16xf32>, vector<16xi32> -> vector<16xf32>
        %mul3A_2116 = arith.mulf %get3A_2110, %gather3A_2115 : vector<16xf32>
        %swap3A_2117 = arith.constant 85 : i32
        %swap3A_2118 = arith.index_cast %swap3A_2117 : i32 to index
        %swap3A_2119 = arith.constant 0 : index
        %swap3A_2120 = tpu.vector_load %arg17[%swap3A_2118, %swap3A_2119] {strides = array<i32>} : memref<128x16xf32, #tpu.memory_space<vmem>>, vector<16xf32>,
        tpu.vector_store %arg17[%swap3A_2118, %swap3A_2119], %mul3A_2116 {strides = array<i32>} : memref<128x16xf32, #tpu.memory_space<vmem>>, vector<16xf32>,
        %get3A_2121 = arith.constant 6 : i32
        %get3A_2122 = arith.index_cast %get3A_2121 : i32 to index
        %get3A_2123 = arith.constant 0 : index
        %get3A_2124 = tpu.vector_load %arg16[%get3A_2122, %get3A_2123] {strides = array<i32>} : memref<128x16xf32, #tpu.memory_space<vmem>>, vector<16xf32>,
        %broadcast_in_dim3A_2125 = arith.constant 6 : i32
        %broadcast_in_dim3A_2126 = vector.broadcast %broadcast_in_dim3A_2125 : i32 to vector<16xi32>
        %broadcast_in_dim3A_2127 = vector.shape_cast %broadcast_in_dim3A_2126 : vector<16xi32> to vector<16x1xi32>
        %gather3A_2128 = vector.shape_cast %broadcast_in_dim3A_2127 : vector<16x1xi32> to vector<16xi32>
        %gather3A_2129 = tpu.dynamic_gather %mul3A_2032[%gather3A_2128] in [0] : vector<16xf32>, vector<16xi32> -> vector<16xf32>
        %mul3A_2130 = arith.mulf %get3A_2124, %gather3A_2129 : vector<16xf32>
        %swap3A_2131 = arith.constant 86 : i32
        %swap3A_2132 = arith.index_cast %swap3A_2131 : i32 to index
        %swap3A_2133 = arith.constant 0 : index
        %swap3A_2134 = tpu.vector_load %arg17[%swap3A_2132, %swap3A_2133] {strides = array<i32>} : memref<128x16xf32, #tpu.memory_space<vmem>>, vector<16xf32>,
        tpu.vector_store %arg17[%swap3A_2132, %swap3A_2133], %mul3A_2130 {strides = array<i32>} : memref<128x16xf32, #tpu.memory_space<vmem>>, vector<16xf32>,
        %get3A_2135 = arith.constant 7 : i32
        %get3A_2136 = arith.index_cast %get3A_2135 : i32 to index
        %get3A_2137 = arith.constant 0 : index
        %get3A_2138 = tpu.vector_load %arg16[%get3A_2136, %get3A_2137] {strides = array<i32>} : memref<128x16xf32, #tpu.memory_space<vmem>>, vector<16xf32>,
        %broadcast_in_dim3A_2139 = arith.constant 7 : i32
        %broadcast_in_dim3A_2140 = vector.broadcast %broadcast_in_dim3A_2139 : i32 to vector<16xi32>
        %broadcast_in_dim3A_2141 = vector.shape_cast %broadcast_in_dim3A_2140 : vector<16xi32> to vector<16x1xi32>
        %gather3A_2142 = vector.shape_cast %broadcast_in_dim3A_2141 : vector<16x1xi32> to vector<16xi32>
        %gather3A_2143 = tpu.dynamic_gather %mul3A_2032[%gather3A_2142] in [0] : vector<16xf32>, vector<16xi32> -> vector<16xf32>
        %mul3A_2144 = arith.mulf %get3A_2138, %gather3A_2143 : vector<16xf32>
        %swap3A_2145 = arith.constant 87 : i32
        %swap3A_2146 = arith.index_cast %swap3A_2145 : i32 to index
        %swap3A_2147 = arith.constant 0 : index
        %swap3A_2148 = tpu.vector_load %arg17[%swap3A_2146, %swap3A_2147] {strides = array<i32>} : memref<128x16xf32, #tpu.memory_space<vmem>>, vector<16xf32>,
        tpu.vector_store %arg17[%swap3A_2146, %swap3A_2147], %mul3A_2144 {strides = array<i32>} : memref<128x16xf32, #tpu.memory_space<vmem>>, vector<16xf32>,
        %get3A_2149 = arith.constant 8 : i32
        %get3A_2150 = arith.index_cast %get3A_2149 : i32 to index
        %get3A_2151 = arith.constant 0 : index
        %get3A_2152 = tpu.vector_load %arg16[%get3A_2150, %get3A_2151] {strides = array<i32>} : memref<128x16xf32, #tpu.memory_space<vmem>>, vector<16xf32>,
        %broadcast_in_dim3A_2153 = arith.constant 8 : i32
        %broadcast_in_dim3A_2154 = vector.broadcast %broadcast_in_dim3A_2153 : i32 to vector<16xi32>
        %broadcast_in_dim3A_2155 = vector.shape_cast %broadcast_in_dim3A_2154 : vector<16xi32> to vector<16x1xi32>
        %gather3A_2156 = vector.shape_cast %broadcast_in_dim3A_2155 : vector<16x1xi32> to vector<16xi32>
        %gather3A_2157 = tpu.dynamic_gather %mul3A_2032[%gather3A_2156] in [0] : vector<16xf32>, vector<16xi32> -> vector<16xf32>
        %mul3A_2158 = arith.mulf %get3A_2152, %gather3A_2157 : vector<16xf32>
        %swap3A_2159 = arith.constant 88 : i32
        %swap3A_2160 = arith.index_cast %swap3A_2159 : i32 to index
        %swap3A_2161 = arith.constant 0 : index
        %swap3A_2162 = tpu.vector_load %arg17[%swap3A_2160, %swap3A_2161] {strides = array<i32>} : memref<128x16xf32, #tpu.memory_space<vmem>>, vector<16xf32>,
        tpu.vector_store %arg17[%swap3A_2160, %swap3A_2161], %mul3A_2158 {strides = array<i32>} : memref<128x16xf32, #tpu.memory_space<vmem>>, vector<16xf32>,
        %get3A_2163 = arith.constant 9 : i32
        %get3A_2164 = arith.index_cast %get3A_2163 : i32 to index
        %get3A_2165 = arith.constant 0 : index
        %get3A_2166 = tpu.vector_load %arg16[%get3A_2164, %get3A_2165] {strides = array<i32>} : memref<128x16xf32, #tpu.memory_space<vmem>>, vector<16xf32>,
        %broadcast_in_dim3A_2167 = arith.constant 9 : i32
        %broadcast_in_dim3A_2168 = vector.broadcast %broadcast_in_dim3A_2167 : i32 to vector<16xi32>
        %broadcast_in_dim3A_2169 = vector.shape_cast %broadcast_in_dim3A_2168 : vector<16xi32> to vector<16x1xi32>
        %gather3A_2170 = vector.shape_cast %broadcast_in_dim3A_2169 : vector<16x1xi32> to vector<16xi32>
        %gather3A_2171 = tpu.dynamic_gather %mul3A_2032[%gather3A_2170] in [0] : vector<16xf32>, vector<16xi32> -> vector<16xf32>
        %mul3A_2172 = arith.mulf %get3A_2166, %gather3A_2171 : vector<16xf32>
        %swap3A_2173 = arith.constant 89 : i32
        %swap3A_2174 = arith.index_cast %swap3A_2173 : i32 to index
        %swap3A_2175 = arith.constant 0 : index
        %swap3A_2176 = tpu.vector_load %arg17[%swap3A_2174, %swap3A_2175] {strides = array<i32>} : memref<128x16xf32, #tpu.memory_space<vmem>>, vector<16xf32>,
        tpu.vector_store %arg17[%swap3A_2174, %swap3A_2175], %mul3A_2172 {strides = array<i32>} : memref<128x16xf32, #tpu.memory_space<vmem>>, vector<16xf32>,
        %get3A_2177 = arith.constant 10 : i32
        %get3A_2178 = arith.index_cast %get3A_2177 : i32 to index
        %get3A_2179 = arith.constant 0 : index
        %get3A_2180 = tpu.vector_load %arg16[%get3A_2178, %get3A_2179] {strides = array<i32>} : memref<128x16xf32, #tpu.memory_space<vmem>>, vector<16xf32>,
        %broadcast_in_dim3A_2181 = arith.constant 10 : i32
        %broadcast_in_dim3A_2182 = vector.broadcast %broadcast_in_dim3A_2181 : i32 to vector<16xi32>
        %broadcast_in_dim3A_2183 = vector.shape_cast %broadcast_in_dim3A_2182 : vector<16xi32> to vector<16x1xi32>
        %gather3A_2184 = vector.shape_cast %broadcast_in_dim3A_2183 : vector<16x1xi32> to vector<16xi32>
        %gather3A_2185 = tpu.dynamic_gather %mul3A_2032[%gather3A_2184] in [0] : vector<16xf32>, vector<16xi32> -> vector<16xf32>
        %mul3A_2186 = arith.mulf %get3A_2180, %gather3A_2185 : vector<16xf32>
        %swap3A_2187 = arith.constant 90 : i32
        %swap3A_2188 = arith.index_cast %swap3A_2187 : i32 to index
        %swap3A_2189 = arith.constant 0 : index
        %swap3A_2190 = tpu.vector_load %arg17[%swap3A_2188, %swap3A_2189] {strides = array<i32>} : memref<128x16xf32, #tpu.memory_space<vmem>>, vector<16xf32>,
        tpu.vector_store %arg17[%swap3A_2188, %swap3A_2189], %mul3A_2186 {strides = array<i32>} : memref<128x16xf32, #tpu.memory_space<vmem>>, vector<16xf32>,
        %get3A_2191 = arith.constant 11 : i32
        %get3A_2192 = arith.index_cast %get3A_2191 : i32 to index
        %get3A_2193 = arith.constant 0 : index
        %get3A_2194 = tpu.vector_load %arg16[%get3A_2192, %get3A_2193] {strides = array<i32>} : memref<128x16xf32, #tpu.memory_space<vmem>>, vector<16xf32>,
        %broadcast_in_dim3A_2195 = arith.constant 11 : i32
        %broadcast_in_dim3A_2196 = vector.broadcast %broadcast_in_dim3A_2195 : i32 to vector<16xi32>
        %broadcast_in_dim3A_2197 = vector.shape_cast %broadcast_in_dim3A_2196 : vector<16xi32> to vector<16x1xi32>
        %gather3A_2198 = vector.shape_cast %broadcast_in_dim3A_2197 : vector<16x1xi32> to vector<16xi32>
        %gather3A_2199 = tpu.dynamic_gather %mul3A_2032[%gather3A_2198] in [0] : vector<16xf32>, vector<16xi32> -> vector<16xf32>
        %mul3A_2200 = arith.mulf %get3A_2194, %gather3A_2199 : vector<16xf32>
        %swap3A_2201 = arith.constant 91 : i32
        %swap3A_2202 = arith.index_cast %swap3A_2201 : i32 to index
        %swap3A_2203 = arith.constant 0 : index
        %swap3A_2204 = tpu.vector_load %arg17[%swap3A_2202, %swap3A_2203] {strides = array<i32>} : memref<128x16xf32, #tpu.memory_space<vmem>>, vector<16xf32>,
        tpu.vector_store %arg17[%swap3A_2202, %swap3A_2203], %mul3A_2200 {strides = array<i32>} : memref<128x16xf32, #tpu.memory_space<vmem>>, vector<16xf32>,
        %get3A_2205 = arith.constant 12 : i32
        %get3A_2206 = arith.index_cast %get3A_2205 : i32 to index
        %get3A_2207 = arith.constant 0 : index
        %get3A_2208 = tpu.vector_load %arg16[%get3A_2206, %get3A_2207] {strides = array<i32>} : memref<128x16xf32, #tpu.memory_space<vmem>>, vector<16xf32>,
        %broadcast_in_dim3A_2209 = arith.constant 12 : i32
        %broadcast_in_dim3A_2210 = vector.broadcast %broadcast_in_dim3A_2209 : i32 to vector<16xi32>
        %broadcast_in_dim3A_2211 = vector.shape_cast %broadcast_in_dim3A_2210 : vector<16xi32> to vector<16x1xi32>
        %gather3A_2212 = vector.shape_cast %broadcast_in_dim3A_2211 : vector<16x1xi32> to vector<16xi32>
        %gather3A_2213 = tpu.dynamic_gather %mul3A_2032[%gather3A_2212] in [0] : vector<16xf32>, vector<16xi32> -> vector<16xf32>
        %mul3A_2214 = arith.mulf %get3A_2208, %gather3A_2213 : vector<16xf32>
        %swap3A_2215 = arith.constant 92 : i32
        %swap3A_2216 = arith.index_cast %swap3A_2215 : i32 to index
        %swap3A_2217 = arith.constant 0 : index
        %swap3A_2218 = tpu.vector_load %arg17[%swap3A_2216, %swap3A_2217] {strides = array<i32>} : memref<128x16xf32, #tpu.memory_space<vmem>>, vector<16xf32>,
        tpu.vector_store %arg17[%swap3A_2216, %swap3A_2217], %mul3A_2214 {strides = array<i32>} : memref<128x16xf32, #tpu.memory_space<vmem>>, vector<16xf32>,
        %get3A_2219 = arith.constant 13 : i32
        %get3A_2220 = arith.index_cast %get3A_2219 : i32 to index
        %get3A_2221 = arith.constant 0 : index
        %get3A_2222 = tpu.vector_load %arg16[%get3A_2220, %get3A_2221] {strides = array<i32>} : memref<128x16xf32, #tpu.memory_space<vmem>>, vector<16xf32>,
        %broadcast_in_dim3A_2223 = arith.constant 13 : i32
        %broadcast_in_dim3A_2224 = vector.broadcast %broadcast_in_dim3A_2223 : i32 to vector<16xi32>
        %broadcast_in_dim3A_2225 = vector.shape_cast %broadcast_in_dim3A_2224 : vector<16xi32> to vector<16x1xi32>
        %gather3A_2226 = vector.shape_cast %broadcast_in_dim3A_2225 : vector<16x1xi32> to vector<16xi32>
        %gather3A_2227 = tpu.dynamic_gather %mul3A_2032[%gather3A_2226] in [0] : vector<16xf32>, vector<16xi32> -> vector<16xf32>
        %mul3A_2228 = arith.mulf %get3A_2222, %gather3A_2227 : vector<16xf32>
        %swap3A_2229 = arith.constant 93 : i32
        %swap3A_2230 = arith.index_cast %swap3A_2229 : i32 to index
        %swap3A_2231 = arith.constant 0 : index
        %swap3A_2232 = tpu.vector_load %arg17[%swap3A_2230, %swap3A_2231] {strides = array<i32>} : memref<128x16xf32, #tpu.memory_space<vmem>>, vector<16xf32>,
        tpu.vector_store %arg17[%swap3A_2230, %swap3A_2231], %mul3A_2228 {strides = array<i32>} : memref<128x16xf32, #tpu.memory_space<vmem>>, vector<16xf32>,
        %get3A_2233 = arith.constant 14 : i32
        %get3A_2234 = arith.index_cast %get3A_2233 : i32 to index
        %get3A_2235 = arith.constant 0 : index
        %get3A_2236 = tpu.vector_load %arg16[%get3A_2234, %get3A_2235] {strides = array<i32>} : memref<128x16xf32, #tpu.memory_space<vmem>>, vector<16xf32>,
        %broadcast_in_dim3A_2237 = arith.constant 14 : i32
        %broadcast_in_dim3A_2238 = vector.broadcast %broadcast_in_dim3A_2237 : i32 to vector<16xi32>
        %broadcast_in_dim3A_2239 = vector.shape_cast %broadcast_in_dim3A_2238 : vector<16xi32> to vector<16x1xi32>
        %gather3A_2240 = vector.shape_cast %broadcast_in_dim3A_2239 : vector<16x1xi32> to vector<16xi32>
        %gather3A_2241 = tpu.dynamic_gather %mul3A_2032[%gather3A_2240] in [0] : vector<16xf32>, vector<16xi32> -> vector<16xf32>
        %mul3A_2242 = arith.mulf %get3A_2236, %gather3A_2241 : vector<16xf32>
        %swap3A_2243 = arith.constant 94 : i32
        %swap3A_2244 = arith.index_cast %swap3A_2243 : i32 to index
        %swap3A_2245 = arith.constant 0 : index
        %swap3A_2246 = tpu.vector_load %arg17[%swap3A_2244, %swap3A_2245] {strides = array<i32>} : memref<128x16xf32, #tpu.memory_space<vmem>>, vector<16xf32>,
        tpu.vector_store %arg17[%swap3A_2244, %swap3A_2245], %mul3A_2242 {strides = array<i32>} : memref<128x16xf32, #tpu.memory_space<vmem>>, vector<16xf32>,
        %get3A_2247 = arith.constant 15 : i32
        %get3A_2248 = arith.index_cast %get3A_2247 : i32 to index
        %get3A_2249 = arith.constant 0 : index
        %get3A_2250 = tpu.vector_load %arg16[%get3A_2248, %get3A_2249] {strides = array<i32>} : memref<128x16xf32, #tpu.memory_space<vmem>>, vector<16xf32>,
        %broadcast_in_dim3A_2251 = arith.constant 15 : i32
        %broadcast_in_dim3A_2252 = vector.broadcast %broadcast_in_dim3A_2251 : i32 to vector<16xi32>
        %broadcast_in_dim3A_2253 = vector.shape_cast %broadcast_in_dim3A_2252 : vector<16xi32> to vector<16x1xi32>
        %gather3A_2254 = vector.shape_cast %broadcast_in_dim3A_2253 : vector<16x1xi32> to vector<16xi32>
        %gather3A_2255 = tpu.dynamic_gather %mul3A_2032[%gather3A_2254] in [0] : vector<16xf32>, vector<16xi32> -> vector<16xf32>
        %mul3A_2256 = arith.mulf %get3A_2250, %gather3A_2255 : vector<16xf32>
        %swap3A_2257 = arith.constant 95 : i32
        %swap3A_2258 = arith.index_cast %swap3A_2257 : i32 to index
        %swap3A_2259 = arith.constant 0 : index
        %swap3A_2260 = tpu.vector_load %arg17[%swap3A_2258, %swap3A_2259] {strides = array<i32>} : memref<128x16xf32, #tpu.memory_space<vmem>>, vector<16xf32>,
        tpu.vector_store %arg17[%swap3A_2258, %swap3A_2259], %mul3A_2256 {strides = array<i32>} : memref<128x16xf32, #tpu.memory_space<vmem>>, vector<16xf32>,
        %mul3A_2261 = arith.mulf %mul3A_837, %sub3A_840 : vector<16xf32>
        %mul3A_2262 = arith.mulf %mul3A_2261, %gather3A_782 : vector<16xf32>
        %add3A_2263 = arith.addi %mul3A_880, %mul3A_855 : vector<16xi32>
        %add3A_2264 = arith.addi %add3A_2263, %and3A_814 : vector<16xi32>
        %swap3A_2265 = arith.constant 96 : index
        %swap3A_2266 = tpu.vector_load %arg18[%swap3A_2265] {strides = array<i32>} : memref<128xi32, #tpu.memory_space<vmem>>, vector<16xi32>,
        tpu.vector_store %arg18[%swap3A_2265], %add3A_2264 {strides = array<i32>} : memref<128xi32, #tpu.memory_space<vmem>>, vector<16xi32>,
        %get3A_2267 = arith.constant 0 : i32
        %get3A_2268 = arith.index_cast %get3A_2267 : i32 to index
        %get3A_2269 = arith.constant 0 : index
        %get3A_2270 = tpu.vector_load %arg16[%get3A_2268, %get3A_2269] {strides = array<i32>} : memref<128x16xf32, #tpu.memory_space<vmem>>, vector<16xf32>,
        %broadcast_in_dim3A_2271 = arith.constant 0 : i32
        %broadcast_in_dim3A_2272 = vector.broadcast %broadcast_in_dim3A_2271 : i32 to vector<16xi32>
        %broadcast_in_dim3A_2273 = vector.shape_cast %broadcast_in_dim3A_2272 : vector<16xi32> to vector<16x1xi32>
        %gather3A_2274 = vector.shape_cast %broadcast_in_dim3A_2273 : vector<16x1xi32> to vector<16xi32>
        %gather3A_2275 = tpu.dynamic_gather %mul3A_2262[%gather3A_2274] in [0] : vector<16xf32>, vector<16xi32> -> vector<16xf32>
        %mul3A_2276 = arith.mulf %get3A_2270, %gather3A_2275 : vector<16xf32>
        %swap3A_2277 = arith.constant 96 : i32
        %swap3A_2278 = arith.index_cast %swap3A_2277 : i32 to index
        %swap3A_2279 = arith.constant 0 : index
        %swap3A_2280 = tpu.vector_load %arg17[%swap3A_2278, %swap3A_2279] {strides = array<i32>} : memref<128x16xf32, #tpu.memory_space<vmem>>, vector<16xf32>,
        tpu.vector_store %arg17[%swap3A_2278, %swap3A_2279], %mul3A_2276 {strides = array<i32>} : memref<128x16xf32, #tpu.memory_space<vmem>>, vector<16xf32>,
        %get3A_2281 = arith.constant 1 : i32
        %get3A_2282 = arith.index_cast %get3A_2281 : i32 to index
        %get3A_2283 = arith.constant 0 : index
        %get3A_2284 = tpu.vector_load %arg16[%get3A_2282, %get3A_2283] {strides = array<i32>} : memref<128x16xf32, #tpu.memory_space<vmem>>, vector<16xf32>,
        %broadcast_in_dim3A_2285 = arith.constant 1 : i32
        %broadcast_in_dim3A_2286 = vector.broadcast %broadcast_in_dim3A_2285 : i32 to vector<16xi32>
        %broadcast_in_dim3A_2287 = vector.shape_cast %broadcast_in_dim3A_2286 : vector<16xi32> to vector<16x1xi32>
        %gather3A_2288 = vector.shape_cast %broadcast_in_dim3A_2287 : vector<16x1xi32> to vector<16xi32>
        %gather3A_2289 = tpu.dynamic_gather %mul3A_2262[%gather3A_2288] in [0] : vector<16xf32>, vector<16xi32> -> vector<16xf32>
        %mul3A_2290 = arith.mulf %get3A_2284, %gather3A_2289 : vector<16xf32>
        %swap3A_2291 = arith.constant 97 : i32
        %swap3A_2292 = arith.index_cast %swap3A_2291 : i32 to index
        %swap3A_2293 = arith.constant 0 : index
        %swap3A_2294 = tpu.vector_load %arg17[%swap3A_2292, %swap3A_2293] {strides = array<i32>} : memref<128x16xf32, #tpu.memory_space<vmem>>, vector<16xf32>,
        tpu.vector_store %arg17[%swap3A_2292, %swap3A_2293], %mul3A_2290 {strides = array<i32>} : memref<128x16xf32, #tpu.memory_space<vmem>>, vector<16xf32>,
        %get3A_2295 = arith.constant 2 : i32
        %get3A_2296 = arith.index_cast %get3A_2295 : i32 to index
        %get3A_2297 = arith.constant 0 : index
        %get3A_2298 = tpu.vector_load %arg16[%get3A_2296, %get3A_2297] {strides = array<i32>} : memref<128x16xf32, #tpu.memory_space<vmem>>, vector<16xf32>,
        %broadcast_in_dim3A_2299 = arith.constant 2 : i32
        %broadcast_in_dim3A_2300 = vector.broadcast %broadcast_in_dim3A_2299 : i32 to vector<16xi32>
        %broadcast_in_dim3A_2301 = vector.shape_cast %broadcast_in_dim3A_2300 : vector<16xi32> to vector<16x1xi32>
        %gather3A_2302 = vector.shape_cast %broadcast_in_dim3A_2301 : vector<16x1xi32> to vector<16xi32>
        %gather3A_2303 = tpu.dynamic_gather %mul3A_2262[%gather3A_2302] in [0] : vector<16xf32>, vector<16xi32> -> vector<16xf32>
        %mul3A_2304 = arith.mulf %get3A_2298, %gather3A_2303 : vector<16xf32>
        %swap3A_2305 = arith.constant 98 : i32
        %swap3A_2306 = arith.index_cast %swap3A_2305 : i32 to index
        %swap3A_2307 = arith.constant 0 : index
        %swap3A_2308 = tpu.vector_load %arg17[%swap3A_2306, %swap3A_2307] {strides = array<i32>} : memref<128x16xf32, #tpu.memory_space<vmem>>, vector<16xf32>,
        tpu.vector_store %arg17[%swap3A_2306, %swap3A_2307], %mul3A_2304 {strides = array<i32>} : memref<128x16xf32, #tpu.memory_space<vmem>>, vector<16xf32>,
        %get3A_2309 = arith.constant 3 : i32
        %get3A_2310 = arith.index_cast %get3A_2309 : i32 to index
        %get3A_2311 = arith.constant 0 : index
        %get3A_2312 = tpu.vector_load %arg16[%get3A_2310, %get3A_2311] {strides = array<i32>} : memref<128x16xf32, #tpu.memory_space<vmem>>, vector<16xf32>,
        %broadcast_in_dim3A_2313 = arith.constant 3 : i32
        %broadcast_in_dim3A_2314 = vector.broadcast %broadcast_in_dim3A_2313 : i32 to vector<16xi32>
        %broadcast_in_dim3A_2315 = vector.shape_cast %broadcast_in_dim3A_2314 : vector<16xi32> to vector<16x1xi32>
        %gather3A_2316 = vector.shape_cast %broadcast_in_dim3A_2315 : vector<16x1xi32> to vector<16xi32>
        %gather3A_2317 = tpu.dynamic_gather %mul3A_2262[%gather3A_2316] in [0] : vector<16xf32>, vector<16xi32> -> vector<16xf32>
        %mul3A_2318 = arith.mulf %get3A_2312, %gather3A_2317 : vector<16xf32>
        %swap3A_2319 = arith.constant 99 : i32
        %swap3A_2320 = arith.index_cast %swap3A_2319 : i32 to index
        %swap3A_2321 = arith.constant 0 : index
        %swap3A_2322 = tpu.vector_load %arg17[%swap3A_2320, %swap3A_2321] {strides = array<i32>} : memref<128x16xf32, #tpu.memory_space<vmem>>, vector<16xf32>,
        tpu.vector_store %arg17[%swap3A_2320, %swap3A_2321], %mul3A_2318 {strides = array<i32>} : memref<128x16xf32, #tpu.memory_space<vmem>>, vector<16xf32>,
        %get3A_2323 = arith.constant 4 : i32
        %get3A_2324 = arith.index_cast %get3A_2323 : i32 to index
        %get3A_2325 = arith.constant 0 : index
        %get3A_2326 = tpu.vector_load %arg16[%get3A_2324, %get3A_2325] {strides = array<i32>} : memref<128x16xf32, #tpu.memory_space<vmem>>, vector<16xf32>,
        %broadcast_in_dim3A_2327 = arith.constant 4 : i32
        %broadcast_in_dim3A_2328 = vector.broadcast %broadcast_in_dim3A_2327 : i32 to vector<16xi32>
        %broadcast_in_dim3A_2329 = vector.shape_cast %broadcast_in_dim3A_2328 : vector<16xi32> to vector<16x1xi32>
        %gather3A_2330 = vector.shape_cast %broadcast_in_dim3A_2329 : vector<16x1xi32> to vector<16xi32>
        %gather3A_2331 = tpu.dynamic_gather %mul3A_2262[%gather3A_2330] in [0] : vector<16xf32>, vector<16xi32> -> vector<16xf32>
        %mul3A_2332 = arith.mulf %get3A_2326, %gather3A_2331 : vector<16xf32>
        %swap3A_2333 = arith.constant 100 : i32
        %swap3A_2334 = arith.index_cast %swap3A_2333 : i32 to index
        %swap3A_2335 = arith.constant 0 : index
        %swap3A_2336 = tpu.vector_load %arg17[%swap3A_2334, %swap3A_2335] {strides = array<i32>} : memref<128x16xf32, #tpu.memory_space<vmem>>, vector<16xf32>,
        tpu.vector_store %arg17[%swap3A_2334, %swap3A_2335], %mul3A_2332 {strides = array<i32>} : memref<128x16xf32, #tpu.memory_space<vmem>>, vector<16xf32>,
        %get3A_2337 = arith.constant 5 : i32
        %get3A_2338 = arith.index_cast %get3A_2337 : i32 to index
        %get3A_2339 = arith.constant 0 : index
        %get3A_2340 = tpu.vector_load %arg16[%get3A_2338, %get3A_2339] {strides = array<i32>} : memref<128x16xf32, #tpu.memory_space<vmem>>, vector<16xf32>,
        %broadcast_in_dim3A_2341 = arith.constant 5 : i32
        %broadcast_in_dim3A_2342 = vector.broadcast %broadcast_in_dim3A_2341 : i32 to vector<16xi32>
        %broadcast_in_dim3A_2343 = vector.shape_cast %broadcast_in_dim3A_2342 : vector<16xi32> to vector<16x1xi32>
        %gather3A_2344 = vector.shape_cast %broadcast_in_dim3A_2343 : vector<16x1xi32> to vector<16xi32>
        %gather3A_2345 = tpu.dynamic_gather %mul3A_2262[%gather3A_2344] in [0] : vector<16xf32>, vector<16xi32> -> vector<16xf32>
        %mul3A_2346 = arith.mulf %get3A_2340, %gather3A_2345 : vector<16xf32>
        %swap3A_2347 = arith.constant 101 : i32
        %swap3A_2348 = arith.index_cast %swap3A_2347 : i32 to index
        %swap3A_2349 = arith.constant 0 : index
        %swap3A_2350 = tpu.vector_load %arg17[%swap3A_2348, %swap3A_2349] {strides = array<i32>} : memref<128x16xf32, #tpu.memory_space<vmem>>, vector<16xf32>,
        tpu.vector_store %arg17[%swap3A_2348, %swap3A_2349], %mul3A_2346 {strides = array<i32>} : memref<128x16xf32, #tpu.memory_space<vmem>>, vector<16xf32>,
        %get3A_2351 = arith.constant 6 : i32
        %get3A_2352 = arith.index_cast %get3A_2351 : i32 to index
        %get3A_2353 = arith.constant 0 : index
        %get3A_2354 = tpu.vector_load %arg16[%get3A_2352, %get3A_2353] {strides = array<i32>} : memref<128x16xf32, #tpu.memory_space<vmem>>, vector<16xf32>,
        %broadcast_in_dim3A_2355 = arith.constant 6 : i32
        %broadcast_in_dim3A_2356 = vector.broadcast %broadcast_in_dim3A_2355 : i32 to vector<16xi32>
        %broadcast_in_dim3A_2357 = vector.shape_cast %broadcast_in_dim3A_2356 : vector<16xi32> to vector<16x1xi32>
        %gather3A_2358 = vector.shape_cast %broadcast_in_dim3A_2357 : vector<16x1xi32> to vector<16xi32>
        %gather3A_2359 = tpu.dynamic_gather %mul3A_2262[%gather3A_2358] in [0] : vector<16xf32>, vector<16xi32> -> vector<16xf32>
        %mul3A_2360 = arith.mulf %get3A_2354, %gather3A_2359 : vector<16xf32>
        %swap3A_2361 = arith.constant 102 : i32
        %swap3A_2362 = arith.index_cast %swap3A_2361 : i32 to index
        %swap3A_2363 = arith.constant 0 : index
        %swap3A_2364 = tpu.vector_load %arg17[%swap3A_2362, %swap3A_2363] {strides = array<i32>} : memref<128x16xf32, #tpu.memory_space<vmem>>, vector<16xf32>,
        tpu.vector_store %arg17[%swap3A_2362, %swap3A_2363], %mul3A_2360 {strides = array<i32>} : memref<128x16xf32, #tpu.memory_space<vmem>>, vector<16xf32>,
        %get3A_2365 = arith.constant 7 : i32
        %get3A_2366 = arith.index_cast %get3A_2365 : i32 to index
        %get3A_2367 = arith.constant 0 : index
        %get3A_2368 = tpu.vector_load %arg16[%get3A_2366, %get3A_2367] {strides = array<i32>} : memref<128x16xf32, #tpu.memory_space<vmem>>, vector<16xf32>,
        %broadcast_in_dim3A_2369 = arith.constant 7 : i32
        %broadcast_in_dim3A_2370 = vector.broadcast %broadcast_in_dim3A_2369 : i32 to vector<16xi32>
        %broadcast_in_dim3A_2371 = vector.shape_cast %broadcast_in_dim3A_2370 : vector<16xi32> to vector<16x1xi32>
        %gather3A_2372 = vector.shape_cast %broadcast_in_dim3A_2371 : vector<16x1xi32> to vector<16xi32>
        %gather3A_2373 = tpu.dynamic_gather %mul3A_2262[%gather3A_2372] in [0] : vector<16xf32>, vector<16xi32> -> vector<16xf32>
        %mul3A_2374 = arith.mulf %get3A_2368, %gather3A_2373 : vector<16xf32>
        %swap3A_2375 = arith.constant 103 : i32
        %swap3A_2376 = arith.index_cast %swap3A_2375 : i32 to index
        %swap3A_2377 = arith.constant 0 : index
        %swap3A_2378 = tpu.vector_load %arg17[%swap3A_2376, %swap3A_2377] {strides = array<i32>} : memref<128x16xf32, #tpu.memory_space<vmem>>, vector<16xf32>,
        tpu.vector_store %arg17[%swap3A_2376, %swap3A_2377], %mul3A_2374 {strides = array<i32>} : memref<128x16xf32, #tpu.memory_space<vmem>>, vector<16xf32>,
        %get3A_2379 = arith.constant 8 : i32
        %get3A_2380 = arith.index_cast %get3A_2379 : i32 to index
        %get3A_2381 = arith.constant 0 : index
        %get3A_2382 = tpu.vector_load %arg16[%get3A_2380, %get3A_2381] {strides = array<i32>} : memref<128x16xf32, #tpu.memory_space<vmem>>, vector<16xf32>,
        %broadcast_in_dim3A_2383 = arith.constant 8 : i32
        %broadcast_in_dim3A_2384 = vector.broadcast %broadcast_in_dim3A_2383 : i32 to vector<16xi32>
        %broadcast_in_dim3A_2385 = vector.shape_cast %broadcast_in_dim3A_2384 : vector<16xi32> to vector<16x1xi32>
        %gather3A_2386 = vector.shape_cast %broadcast_in_dim3A_2385 : vector<16x1xi32> to vector<16xi32>
        %gather3A_2387 = tpu.dynamic_gather %mul3A_2262[%gather3A_2386] in [0] : vector<16xf32>, vector<16xi32> -> vector<16xf32>
        %mul3A_2388 = arith.mulf %get3A_2382, %gather3A_2387 : vector<16xf32>
        %swap3A_2389 = arith.constant 104 : i32
        %swap3A_2390 = arith.index_cast %swap3A_2389 : i32 to index
        %swap3A_2391 = arith.constant 0 : index
        %swap3A_2392 = tpu.vector_load %arg17[%swap3A_2390, %swap3A_2391] {strides = array<i32>} : memref<128x16xf32, #tpu.memory_space<vmem>>, vector<16xf32>,
        tpu.vector_store %arg17[%swap3A_2390, %swap3A_2391], %mul3A_2388 {strides = array<i32>} : memref<128x16xf32, #tpu.memory_space<vmem>>, vector<16xf32>,
        %get3A_2393 = arith.constant 9 : i32
        %get3A_2394 = arith.index_cast %get3A_2393 : i32 to index
        %get3A_2395 = arith.constant 0 : index
        %get3A_2396 = tpu.vector_load %arg16[%get3A_2394, %get3A_2395] {strides = array<i32>} : memref<128x16xf32, #tpu.memory_space<vmem>>, vector<16xf32>,
        %broadcast_in_dim3A_2397 = arith.constant 9 : i32
        %broadcast_in_dim3A_2398 = vector.broadcast %broadcast_in_dim3A_2397 : i32 to vector<16xi32>
        %broadcast_in_dim3A_2399 = vector.shape_cast %broadcast_in_dim3A_2398 : vector<16xi32> to vector<16x1xi32>
        %gather3A_2400 = vector.shape_cast %broadcast_in_dim3A_2399 : vector<16x1xi32> to vector<16xi32>
        %gather3A_2401 = tpu.dynamic_gather %mul3A_2262[%gather3A_2400] in [0] : vector<16xf32>, vector<16xi32> -> vector<16xf32>
        %mul3A_2402 = arith.mulf %get3A_2396, %gather3A_2401 : vector<16xf32>
        %swap3A_2403 = arith.constant 105 : i32
        %swap3A_2404 = arith.index_cast %swap3A_2403 : i32 to index
        %swap3A_2405 = arith.constant 0 : index
        %swap3A_2406 = tpu.vector_load %arg17[%swap3A_2404, %swap3A_2405] {strides = array<i32>} : memref<128x16xf32, #tpu.memory_space<vmem>>, vector<16xf32>,
        tpu.vector_store %arg17[%swap3A_2404, %swap3A_2405], %mul3A_2402 {strides = array<i32>} : memref<128x16xf32, #tpu.memory_space<vmem>>, vector<16xf32>,
        %get3A_2407 = arith.constant 10 : i32
        %get3A_2408 = arith.index_cast %get3A_2407 : i32 to index
        %get3A_2409 = arith.constant 0 : index
        %get3A_2410 = tpu.vector_load %arg16[%get3A_2408, %get3A_2409] {strides = array<i32>} : memref<128x16xf32, #tpu.memory_space<vmem>>, vector<16xf32>,
        %broadcast_in_dim3A_2411 = arith.constant 10 : i32
        %broadcast_in_dim3A_2412 = vector.broadcast %broadcast_in_dim3A_2411 : i32 to vector<16xi32>
        %broadcast_in_dim3A_2413 = vector.shape_cast %broadcast_in_dim3A_2412 : vector<16xi32> to vector<16x1xi32>
        %gather3A_2414 = vector.shape_cast %broadcast_in_dim3A_2413 : vector<16x1xi32> to vector<16xi32>
        %gather3A_2415 = tpu.dynamic_gather %mul3A_2262[%gather3A_2414] in [0] : vector<16xf32>, vector<16xi32> -> vector<16xf32>
        %mul3A_2416 = arith.mulf %get3A_2410, %gather3A_2415 : vector<16xf32>
        %swap3A_2417 = arith.constant 106 : i32
        %swap3A_2418 = arith.index_cast %swap3A_2417 : i32 to index
        %swap3A_2419 = arith.constant 0 : index
        %swap3A_2420 = tpu.vector_load %arg17[%swap3A_2418, %swap3A_2419] {strides = array<i32>} : memref<128x16xf32, #tpu.memory_space<vmem>>, vector<16xf32>,
        tpu.vector_store %arg17[%swap3A_2418, %swap3A_2419], %mul3A_2416 {strides = array<i32>} : memref<128x16xf32, #tpu.memory_space<vmem>>, vector<16xf32>,
        %get3A_2421 = arith.constant 11 : i32
        %get3A_2422 = arith.index_cast %get3A_2421 : i32 to index
        %get3A_2423 = arith.constant 0 : index
        %get3A_2424 = tpu.vector_load %arg16[%get3A_2422, %get3A_2423] {strides = array<i32>} : memref<128x16xf32, #tpu.memory_space<vmem>>, vector<16xf32>,
        %broadcast_in_dim3A_2425 = arith.constant 11 : i32
        %broadcast_in_dim3A_2426 = vector.broadcast %broadcast_in_dim3A_2425 : i32 to vector<16xi32>
        %broadcast_in_dim3A_2427 = vector.shape_cast %broadcast_in_dim3A_2426 : vector<16xi32> to vector<16x1xi32>
        %gather3A_2428 = vector.shape_cast %broadcast_in_dim3A_2427 : vector<16x1xi32> to vector<16xi32>
        %gather3A_2429 = tpu.dynamic_gather %mul3A_2262[%gather3A_2428] in [0] : vector<16xf32>, vector<16xi32> -> vector<16xf32>
        %mul3A_2430 = arith.mulf %get3A_2424, %gather3A_2429 : vector<16xf32>
        %swap3A_2431 = arith.constant 107 : i32
        %swap3A_2432 = arith.index_cast %swap3A_2431 : i32 to index
        %swap3A_2433 = arith.constant 0 : index
        %swap3A_2434 = tpu.vector_load %arg17[%swap3A_2432, %swap3A_2433] {strides = array<i32>} : memref<128x16xf32, #tpu.memory_space<vmem>>, vector<16xf32>,
        tpu.vector_store %arg17[%swap3A_2432, %swap3A_2433], %mul3A_2430 {strides = array<i32>} : memref<128x16xf32, #tpu.memory_space<vmem>>, vector<16xf32>,
        %get3A_2435 = arith.constant 12 : i32
        %get3A_2436 = arith.index_cast %get3A_2435 : i32 to index
        %get3A_2437 = arith.constant 0 : index
        %get3A_2438 = tpu.vector_load %arg16[%get3A_2436, %get3A_2437] {strides = array<i32>} : memref<128x16xf32, #tpu.memory_space<vmem>>, vector<16xf32>,
        %broadcast_in_dim3A_2439 = arith.constant 12 : i32
        %broadcast_in_dim3A_2440 = vector.broadcast %broadcast_in_dim3A_2439 : i32 to vector<16xi32>
        %broadcast_in_dim3A_2441 = vector.shape_cast %broadcast_in_dim3A_2440 : vector<16xi32> to vector<16x1xi32>
        %gather3A_2442 = vector.shape_cast %broadcast_in_dim3A_2441 : vector<16x1xi32> to vector<16xi32>
        %gather3A_2443 = tpu.dynamic_gather %mul3A_2262[%gather3A_2442] in [0] : vector<16xf32>, vector<16xi32> -> vector<16xf32>
        %mul3A_2444 = arith.mulf %get3A_2438, %gather3A_2443 : vector<16xf32>
        %swap3A_2445 = arith.constant 108 : i32
        %swap3A_2446 = arith.index_cast %swap3A_2445 : i32 to index
        %swap3A_2447 = arith.constant 0 : index
        %swap3A_2448 = tpu.vector_load %arg17[%swap3A_2446, %swap3A_2447] {strides = array<i32>} : memref<128x16xf32, #tpu.memory_space<vmem>>, vector<16xf32>,
        tpu.vector_store %arg17[%swap3A_2446, %swap3A_2447], %mul3A_2444 {strides = array<i32>} : memref<128x16xf32, #tpu.memory_space<vmem>>, vector<16xf32>,
        %get3A_2449 = arith.constant 13 : i32
        %get3A_2450 = arith.index_cast %get3A_2449 : i32 to index
        %get3A_2451 = arith.constant 0 : index
        %get3A_2452 = tpu.vector_load %arg16[%get3A_2450, %get3A_2451] {strides = array<i32>} : memref<128x16xf32, #tpu.memory_space<vmem>>, vector<16xf32>,
        %broadcast_in_dim3A_2453 = arith.constant 13 : i32
        %broadcast_in_dim3A_2454 = vector.broadcast %broadcast_in_dim3A_2453 : i32 to vector<16xi32>
        %broadcast_in_dim3A_2455 = vector.shape_cast %broadcast_in_dim3A_2454 : vector<16xi32> to vector<16x1xi32>
        %gather3A_2456 = vector.shape_cast %broadcast_in_dim3A_2455 : vector<16x1xi32> to vector<16xi32>
        %gather3A_2457 = tpu.dynamic_gather %mul3A_2262[%gather3A_2456] in [0] : vector<16xf32>, vector<16xi32> -> vector<16xf32>
        %mul3A_2458 = arith.mulf %get3A_2452, %gather3A_2457 : vector<16xf32>
        %swap3A_2459 = arith.constant 109 : i32
        %swap3A_2460 = arith.index_cast %swap3A_2459 : i32 to index
        %swap3A_2461 = arith.constant 0 : index
        %swap3A_2462 = tpu.vector_load %arg17[%swap3A_2460, %swap3A_2461] {strides = array<i32>} : memref<128x16xf32, #tpu.memory_space<vmem>>, vector<16xf32>,
        tpu.vector_store %arg17[%swap3A_2460, %swap3A_2461], %mul3A_2458 {strides = array<i32>} : memref<128x16xf32, #tpu.memory_space<vmem>>, vector<16xf32>,
        %get3A_2463 = arith.constant 14 : i32
        %get3A_2464 = arith.index_cast %get3A_2463 : i32 to index
        %get3A_2465 = arith.constant 0 : index
        %get3A_2466 = tpu.vector_load %arg16[%get3A_2464, %get3A_2465] {strides = array<i32>} : memref<128x16xf32, #tpu.memory_space<vmem>>, vector<16xf32>,
        %broadcast_in_dim3A_2467 = arith.constant 14 : i32
        %broadcast_in_dim3A_2468 = vector.broadcast %broadcast_in_dim3A_2467 : i32 to vector<16xi32>
        %broadcast_in_dim3A_2469 = vector.shape_cast %broadcast_in_dim3A_2468 : vector<16xi32> to vector<16x1xi32>
        %gather3A_2470 = vector.shape_cast %broadcast_in_dim3A_2469 : vector<16x1xi32> to vector<16xi32>
        %gather3A_2471 = tpu.dynamic_gather %mul3A_2262[%gather3A_2470] in [0] : vector<16xf32>, vector<16xi32> -> vector<16xf32>
        %mul3A_2472 = arith.mulf %get3A_2466, %gather3A_2471 : vector<16xf32>
        %swap3A_2473 = arith.constant 110 : i32
        %swap3A_2474 = arith.index_cast %swap3A_2473 : i32 to index
        %swap3A_2475 = arith.constant 0 : index
        %swap3A_2476 = tpu.vector_load %arg17[%swap3A_2474, %swap3A_2475] {strides = array<i32>} : memref<128x16xf32, #tpu.memory_space<vmem>>, vector<16xf32>,
        tpu.vector_store %arg17[%swap3A_2474, %swap3A_2475], %mul3A_2472 {strides = array<i32>} : memref<128x16xf32, #tpu.memory_space<vmem>>, vector<16xf32>,
        %get3A_2477 = arith.constant 15 : i32
        %get3A_2478 = arith.index_cast %get3A_2477 : i32 to index
        %get3A_2479 = arith.constant 0 : index
        %get3A_2480 = tpu.vector_load %arg16[%get3A_2478, %get3A_2479] {strides = array<i32>} : memref<128x16xf32, #tpu.memory_space<vmem>>, vector<16xf32>,
        %broadcast_in_dim3A_2481 = arith.constant 15 : i32
        %broadcast_in_dim3A_2482 = vector.broadcast %broadcast_in_dim3A_2481 : i32 to vector<16xi32>
        %broadcast_in_dim3A_2483 = vector.shape_cast %broadcast_in_dim3A_2482 : vector<16xi32> to vector<16x1xi32>
        %gather3A_2484 = vector.shape_cast %broadcast_in_dim3A_2483 : vector<16x1xi32> to vector<16xi32>
        %gather3A_2485 = tpu.dynamic_gather %mul3A_2262[%gather3A_2484] in [0] : vector<16xf32>, vector<16xi32> -> vector<16xf32>
        %mul3A_2486 = arith.mulf %get3A_2480, %gather3A_2485 : vector<16xf32>
        %swap3A_2487 = arith.constant 111 : i32
        %swap3A_2488 = arith.index_cast %swap3A_2487 : i32 to index
        %swap3A_2489 = arith.constant 0 : index
        %swap3A_2490 = tpu.vector_load %arg17[%swap3A_2488, %swap3A_2489] {strides = array<i32>} : memref<128x16xf32, #tpu.memory_space<vmem>>, vector<16xf32>,
        tpu.vector_store %arg17[%swap3A_2488, %swap3A_2489], %mul3A_2486 {strides = array<i32>} : memref<128x16xf32, #tpu.memory_space<vmem>>, vector<16xf32>,
        %mul3A_2491 = arith.mulf %mul3A_837, %sub3A_840 : vector<16xf32>
        %mul3A_2492 = arith.mulf %mul3A_2491, %sub3A_843 : vector<16xf32>
        %add3A_2493 = arith.addi %mul3A_880, %mul3A_855 : vector<16xi32>
        %add3A_2494 = arith.addi %add3A_2493, %and3A_861 : vector<16xi32>
        %swap3A_2495 = arith.constant 112 : index
        %swap3A_2496 = tpu.vector_load %arg18[%swap3A_2495] {strides = array<i32>} : memref<128xi32, #tpu.memory_space<vmem>>, vector<16xi32>,
        tpu.vector_store %arg18[%swap3A_2495], %add3A_2494 {strides = array<i32>} : memref<128xi32, #tpu.memory_space<vmem>>, vector<16xi32>,
        %get3A_2497 = arith.constant 0 : i32
        %get3A_2498 = arith.index_cast %get3A_2497 : i32 to index
        %get3A_2499 = arith.constant 0 : index
        %get3A_2500 = tpu.vector_load %arg16[%get3A_2498, %get3A_2499] {strides = array<i32>} : memref<128x16xf32, #tpu.memory_space<vmem>>, vector<16xf32>,
        %broadcast_in_dim3A_2501 = arith.constant 0 : i32
        %broadcast_in_dim3A_2502 = vector.broadcast %broadcast_in_dim3A_2501 : i32 to vector<16xi32>
        %broadcast_in_dim3A_2503 = vector.shape_cast %broadcast_in_dim3A_2502 : vector<16xi32> to vector<16x1xi32>
        %gather3A_2504 = vector.shape_cast %broadcast_in_dim3A_2503 : vector<16x1xi32> to vector<16xi32>
        %gather3A_2505 = tpu.dynamic_gather %mul3A_2492[%gather3A_2504] in [0] : vector<16xf32>, vector<16xi32> -> vector<16xf32>
        %mul3A_2506 = arith.mulf %get3A_2500, %gather3A_2505 : vector<16xf32>
        %swap3A_2507 = arith.constant 112 : i32
        %swap3A_2508 = arith.index_cast %swap3A_2507 : i32 to index
        %swap3A_2509 = arith.constant 0 : index
        %swap3A_2510 = tpu.vector_load %arg17[%swap3A_2508, %swap3A_2509] {strides = array<i32>} : memref<128x16xf32, #tpu.memory_space<vmem>>, vector<16xf32>,
        tpu.vector_store %arg17[%swap3A_2508, %swap3A_2509], %mul3A_2506 {strides = array<i32>} : memref<128x16xf32, #tpu.memory_space<vmem>>, vector<16xf32>,
        %get3A_2511 = arith.constant 1 : i32
        %get3A_2512 = arith.index_cast %get3A_2511 : i32 to index
        %get3A_2513 = arith.constant 0 : index
        %get3A_2514 = tpu.vector_load %arg16[%get3A_2512, %get3A_2513] {strides = array<i32>} : memref<128x16xf32, #tpu.memory_space<vmem>>, vector<16xf32>,
        %broadcast_in_dim3A_2515 = arith.constant 1 : i32
        %broadcast_in_dim3A_2516 = vector.broadcast %broadcast_in_dim3A_2515 : i32 to vector<16xi32>
        %broadcast_in_dim3A_2517 = vector.shape_cast %broadcast_in_dim3A_2516 : vector<16xi32> to vector<16x1xi32>
        %gather3A_2518 = vector.shape_cast %broadcast_in_dim3A_2517 : vector<16x1xi32> to vector<16xi32>
        %gather3A_2519 = tpu.dynamic_gather %mul3A_2492[%gather3A_2518] in [0] : vector<16xf32>, vector<16xi32> -> vector<16xf32>
        %mul3A_2520 = arith.mulf %get3A_2514, %gather3A_2519 : vector<16xf32>
        %swap3A_2521 = arith.constant 113 : i32
        %swap3A_2522 = arith.index_cast %swap3A_2521 : i32 to index
        %swap3A_2523 = arith.constant 0 : index
        %swap3A_2524 = tpu.vector_load %arg17[%swap3A_2522, %swap3A_2523] {strides = array<i32>} : memref<128x16xf32, #tpu.memory_space<vmem>>, vector<16xf32>,
        tpu.vector_store %arg17[%swap3A_2522, %swap3A_2523], %mul3A_2520 {strides = array<i32>} : memref<128x16xf32, #tpu.memory_space<vmem>>, vector<16xf32>,
        %get3A_2525 = arith.constant 2 : i32
        %get3A_2526 = arith.index_cast %get3A_2525 : i32 to index
        %get3A_2527 = arith.constant 0 : index
        %get3A_2528 = tpu.vector_load %arg16[%get3A_2526, %get3A_2527] {strides = array<i32>} : memref<128x16xf32, #tpu.memory_space<vmem>>, vector<16xf32>,
        %broadcast_in_dim3A_2529 = arith.constant 2 : i32
        %broadcast_in_dim3A_2530 = vector.broadcast %broadcast_in_dim3A_2529 : i32 to vector<16xi32>
        %broadcast_in_dim3A_2531 = vector.shape_cast %broadcast_in_dim3A_2530 : vector<16xi32> to vector<16x1xi32>
        %gather3A_2532 = vector.shape_cast %broadcast_in_dim3A_2531 : vector<16x1xi32> to vector<16xi32>
        %gather3A_2533 = tpu.dynamic_gather %mul3A_2492[%gather3A_2532] in [0] : vector<16xf32>, vector<16xi32> -> vector<16xf32>
        %mul3A_2534 = arith.mulf %get3A_2528, %gather3A_2533 : vector<16xf32>
        %swap3A_2535 = arith.constant 114 : i32
        %swap3A_2536 = arith.index_cast %swap3A_2535 : i32 to index
        %swap3A_2537 = arith.constant 0 : index
        %swap3A_2538 = tpu.vector_load %arg17[%swap3A_2536, %swap3A_2537] {strides = array<i32>} : memref<128x16xf32, #tpu.memory_space<vmem>>, vector<16xf32>,
        tpu.vector_store %arg17[%swap3A_2536, %swap3A_2537], %mul3A_2534 {strides = array<i32>} : memref<128x16xf32, #tpu.memory_space<vmem>>, vector<16xf32>,
        %get3A_2539 = arith.constant 3 : i32
        %get3A_2540 = arith.index_cast %get3A_2539 : i32 to index
        %get3A_2541 = arith.constant 0 : index
        %get3A_2542 = tpu.vector_load %arg16[%get3A_2540, %get3A_2541] {strides = array<i32>} : memref<128x16xf32, #tpu.memory_space<vmem>>, vector<16xf32>,
        %broadcast_in_dim3A_2543 = arith.constant 3 : i32
        %broadcast_in_dim3A_2544 = vector.broadcast %broadcast_in_dim3A_2543 : i32 to vector<16xi32>
        %broadcast_in_dim3A_2545 = vector.shape_cast %broadcast_in_dim3A_2544 : vector<16xi32> to vector<16x1xi32>
        %gather3A_2546 = vector.shape_cast %broadcast_in_dim3A_2545 : vector<16x1xi32> to vector<16xi32>
        %gather3A_2547 = tpu.dynamic_gather %mul3A_2492[%gather3A_2546] in [0] : vector<16xf32>, vector<16xi32> -> vector<16xf32>
        %mul3A_2548 = arith.mulf %get3A_2542, %gather3A_2547 : vector<16xf32>
        %swap3A_2549 = arith.constant 115 : i32
        %swap3A_2550 = arith.index_cast %swap3A_2549 : i32 to index
        %swap3A_2551 = arith.constant 0 : index
        %swap3A_2552 = tpu.vector_load %arg17[%swap3A_2550, %swap3A_2551] {strides = array<i32>} : memref<128x16xf32, #tpu.memory_space<vmem>>, vector<16xf32>,
        tpu.vector_store %arg17[%swap3A_2550, %swap3A_2551], %mul3A_2548 {strides = array<i32>} : memref<128x16xf32, #tpu.memory_space<vmem>>, vector<16xf32>,
        %get3A_2553 = arith.constant 4 : i32
        %get3A_2554 = arith.index_cast %get3A_2553 : i32 to index
        %get3A_2555 = arith.constant 0 : index
        %get3A_2556 = tpu.vector_load %arg16[%get3A_2554, %get3A_2555] {strides = array<i32>} : memref<128x16xf32, #tpu.memory_space<vmem>>, vector<16xf32>,
        %broadcast_in_dim3A_2557 = arith.constant 4 : i32
        %broadcast_in_dim3A_2558 = vector.broadcast %broadcast_in_dim3A_2557 : i32 to vector<16xi32>
        %broadcast_in_dim3A_2559 = vector.shape_cast %broadcast_in_dim3A_2558 : vector<16xi32> to vector<16x1xi32>
        %gather3A_2560 = vector.shape_cast %broadcast_in_dim3A_2559 : vector<16x1xi32> to vector<16xi32>
        %gather3A_2561 = tpu.dynamic_gather %mul3A_2492[%gather3A_2560] in [0] : vector<16xf32>, vector<16xi32> -> vector<16xf32>
        %mul3A_2562 = arith.mulf %get3A_2556, %gather3A_2561 : vector<16xf32>
        %swap3A_2563 = arith.constant 116 : i32
        %swap3A_2564 = arith.index_cast %swap3A_2563 : i32 to index
        %swap3A_2565 = arith.constant 0 : index
        %swap3A_2566 = tpu.vector_load %arg17[%swap3A_2564, %swap3A_2565] {strides = array<i32>} : memref<128x16xf32, #tpu.memory_space<vmem>>, vector<16xf32>,
        tpu.vector_store %arg17[%swap3A_2564, %swap3A_2565], %mul3A_2562 {strides = array<i32>} : memref<128x16xf32, #tpu.memory_space<vmem>>, vector<16xf32>,
        %get3A_2567 = arith.constant 5 : i32
        %get3A_2568 = arith.index_cast %get3A_2567 : i32 to index
        %get3A_2569 = arith.constant 0 : index
        %get3A_2570 = tpu.vector_load %arg16[%get3A_2568, %get3A_2569] {strides = array<i32>} : memref<128x16xf32, #tpu.memory_space<vmem>>, vector<16xf32>,
        %broadcast_in_dim3A_2571 = arith.constant 5 : i32
        %broadcast_in_dim3A_2572 = vector.broadcast %broadcast_in_dim3A_2571 : i32 to vector<16xi32>
        %broadcast_in_dim3A_2573 = vector.shape_cast %broadcast_in_dim3A_2572 : vector<16xi32> to vector<16x1xi32>
        %gather3A_2574 = vector.shape_cast %broadcast_in_dim3A_2573 : vector<16x1xi32> to vector<16xi32>
        %gather3A_2575 = tpu.dynamic_gather %mul3A_2492[%gather3A_2574] in [0] : vector<16xf32>, vector<16xi32> -> vector<16xf32>
        %mul3A_2576 = arith.mulf %get3A_2570, %gather3A_2575 : vector<16xf32>
        %swap3A_2577 = arith.constant 117 : i32
        %swap3A_2578 = arith.index_cast %swap3A_2577 : i32 to index
        %swap3A_2579 = arith.constant 0 : index
        %swap3A_2580 = tpu.vector_load %arg17[%swap3A_2578, %swap3A_2579] {strides = array<i32>} : memref<128x16xf32, #tpu.memory_space<vmem>>, vector<16xf32>,
        tpu.vector_store %arg17[%swap3A_2578, %swap3A_2579], %mul3A_2576 {strides = array<i32>} : memref<128x16xf32, #tpu.memory_space<vmem>>, vector<16xf32>,
        %get3A_2581 = arith.constant 6 : i32
        %get3A_2582 = arith.index_cast %get3A_2581 : i32 to index
        %get3A_2583 = arith.constant 0 : index
        %get3A_2584 = tpu.vector_load %arg16[%get3A_2582, %get3A_2583] {strides = array<i32>} : memref<128x16xf32, #tpu.memory_space<vmem>>, vector<16xf32>,
        %broadcast_in_dim3A_2585 = arith.constant 6 : i32
        %broadcast_in_dim3A_2586 = vector.broadcast %broadcast_in_dim3A_2585 : i32 to vector<16xi32>
        %broadcast_in_dim3A_2587 = vector.shape_cast %broadcast_in_dim3A_2586 : vector<16xi32> to vector<16x1xi32>
        %gather3A_2588 = vector.shape_cast %broadcast_in_dim3A_2587 : vector<16x1xi32> to vector<16xi32>
        %gather3A_2589 = tpu.dynamic_gather %mul3A_2492[%gather3A_2588] in [0] : vector<16xf32>, vector<16xi32> -> vector<16xf32>
        %mul3A_2590 = arith.mulf %get3A_2584, %gather3A_2589 : vector<16xf32>
        %swap3A_2591 = arith.constant 118 : i32
        %swap3A_2592 = arith.index_cast %swap3A_2591 : i32 to index
        %swap3A_2593 = arith.constant 0 : index
        %swap3A_2594 = tpu.vector_load %arg17[%swap3A_2592, %swap3A_2593] {strides = array<i32>} : memref<128x16xf32, #tpu.memory_space<vmem>>, vector<16xf32>,
        tpu.vector_store %arg17[%swap3A_2592, %swap3A_2593], %mul3A_2590 {strides = array<i32>} : memref<128x16xf32, #tpu.memory_space<vmem>>, vector<16xf32>,
        %get3A_2595 = arith.constant 7 : i32
        %get3A_2596 = arith.index_cast %get3A_2595 : i32 to index
        %get3A_2597 = arith.constant 0 : index
        %get3A_2598 = tpu.vector_load %arg16[%get3A_2596, %get3A_2597] {strides = array<i32>} : memref<128x16xf32, #tpu.memory_space<vmem>>, vector<16xf32>,
        %broadcast_in_dim3A_2599 = arith.constant 7 : i32
        %broadcast_in_dim3A_2600 = vector.broadcast %broadcast_in_dim3A_2599 : i32 to vector<16xi32>
        %broadcast_in_dim3A_2601 = vector.shape_cast %broadcast_in_dim3A_2600 : vector<16xi32> to vector<16x1xi32>
        %gather3A_2602 = vector.shape_cast %broadcast_in_dim3A_2601 : vector<16x1xi32> to vector<16xi32>
        %gather3A_2603 = tpu.dynamic_gather %mul3A_2492[%gather3A_2602] in [0] : vector<16xf32>, vector<16xi32> -> vector<16xf32>
        %mul3A_2604 = arith.mulf %get3A_2598, %gather3A_2603 : vector<16xf32>
        %swap3A_2605 = arith.constant 119 : i32
        %swap3A_2606 = arith.index_cast %swap3A_2605 : i32 to index
        %swap3A_2607 = arith.constant 0 : index
        %swap3A_2608 = tpu.vector_load %arg17[%swap3A_2606, %swap3A_2607] {strides = array<i32>} : memref<128x16xf32, #tpu.memory_space<vmem>>, vector<16xf32>,
        tpu.vector_store %arg17[%swap3A_2606, %swap3A_2607], %mul3A_2604 {strides = array<i32>} : memref<128x16xf32, #tpu.memory_space<vmem>>, vector<16xf32>,
        %get3A_2609 = arith.constant 8 : i32
        %get3A_2610 = arith.index_cast %get3A_2609 : i32 to index
        %get3A_2611 = arith.constant 0 : index
        %get3A_2612 = tpu.vector_load %arg16[%get3A_2610, %get3A_2611] {strides = array<i32>} : memref<128x16xf32, #tpu.memory_space<vmem>>, vector<16xf32>,
        %broadcast_in_dim3A_2613 = arith.constant 8 : i32
        %broadcast_in_dim3A_2614 = vector.broadcast %broadcast_in_dim3A_2613 : i32 to vector<16xi32>
        %broadcast_in_dim3A_2615 = vector.shape_cast %broadcast_in_dim3A_2614 : vector<16xi32> to vector<16x1xi32>
        %gather3A_2616 = vector.shape_cast %broadcast_in_dim3A_2615 : vector<16x1xi32> to vector<16xi32>
        %gather3A_2617 = tpu.dynamic_gather %mul3A_2492[%gather3A_2616] in [0] : vector<16xf32>, vector<16xi32> -> vector<16xf32>
        %mul3A_2618 = arith.mulf %get3A_2612, %gather3A_2617 : vector<16xf32>
        %swap3A_2619 = arith.constant 120 : i32
        %swap3A_2620 = arith.index_cast %swap3A_2619 : i32 to index
        %swap3A_2621 = arith.constant 0 : index
        %swap3A_2622 = tpu.vector_load %arg17[%swap3A_2620, %swap3A_2621] {strides = array<i32>} : memref<128x16xf32, #tpu.memory_space<vmem>>, vector<16xf32>,
        tpu.vector_store %arg17[%swap3A_2620, %swap3A_2621], %mul3A_2618 {strides = array<i32>} : memref<128x16xf32, #tpu.memory_space<vmem>>, vector<16xf32>,
        %get3A_2623 = arith.constant 9 : i32
        %get3A_2624 = arith.index_cast %get3A_2623 : i32 to index
        %get3A_2625 = arith.constant 0 : index
        %get3A_2626 = tpu.vector_load %arg16[%get3A_2624, %get3A_2625] {strides = array<i32>} : memref<128x16xf32, #tpu.memory_space<vmem>>, vector<16xf32>,
        %broadcast_in_dim3A_2627 = arith.constant 9 : i32
        %broadcast_in_dim3A_2628 = vector.broadcast %broadcast_in_dim3A_2627 : i32 to vector<16xi32>
        %broadcast_in_dim3A_2629 = vector.shape_cast %broadcast_in_dim3A_2628 : vector<16xi32> to vector<16x1xi32>
        %gather3A_2630 = vector.shape_cast %broadcast_in_dim3A_2629 : vector<16x1xi32> to vector<16xi32>
        %gather3A_2631 = tpu.dynamic_gather %mul3A_2492[%gather3A_2630] in [0] : vector<16xf32>, vector<16xi32> -> vector<16xf32>
        %mul3A_2632 = arith.mulf %get3A_2626, %gather3A_2631 : vector<16xf32>
        %swap3A_2633 = arith.constant 121 : i32
        %swap3A_2634 = arith.index_cast %swap3A_2633 : i32 to index
        %swap3A_2635 = arith.constant 0 : index
        %swap3A_2636 = tpu.vector_load %arg17[%swap3A_2634, %swap3A_2635] {strides = array<i32>} : memref<128x16xf32, #tpu.memory_space<vmem>>, vector<16xf32>,
        tpu.vector_store %arg17[%swap3A_2634, %swap3A_2635], %mul3A_2632 {strides = array<i32>} : memref<128x16xf32, #tpu.memory_space<vmem>>, vector<16xf32>,
        %get3A_2637 = arith.constant 10 : i32
        %get3A_2638 = arith.index_cast %get3A_2637 : i32 to index
        %get3A_2639 = arith.constant 0 : index
        %get3A_2640 = tpu.vector_load %arg16[%get3A_2638, %get3A_2639] {strides = array<i32>} : memref<128x16xf32, #tpu.memory_space<vmem>>, vector<16xf32>,
        %broadcast_in_dim3A_2641 = arith.constant 10 : i32
        %broadcast_in_dim3A_2642 = vector.broadcast %broadcast_in_dim3A_2641 : i32 to vector<16xi32>
        %broadcast_in_dim3A_2643 = vector.shape_cast %broadcast_in_dim3A_2642 : vector<16xi32> to vector<16x1xi32>
        %gather3A_2644 = vector.shape_cast %broadcast_in_dim3A_2643 : vector<16x1xi32> to vector<16xi32>
        %gather3A_2645 = tpu.dynamic_gather %mul3A_2492[%gather3A_2644] in [0] : vector<16xf32>, vector<16xi32> -> vector<16xf32>
        %mul3A_2646 = arith.mulf %get3A_2640, %gather3A_2645 : vector<16xf32>
        %swap3A_2647 = arith.constant 122 : i32
        %swap3A_2648 = arith.index_cast %swap3A_2647 : i32 to index
        %swap3A_2649 = arith.constant 0 : index
        %swap3A_2650 = tpu.vector_load %arg17[%swap3A_2648, %swap3A_2649] {strides = array<i32>} : memref<128x16xf32, #tpu.memory_space<vmem>>, vector<16xf32>,
        tpu.vector_store %arg17[%swap3A_2648, %swap3A_2649], %mul3A_2646 {strides = array<i32>} : memref<128x16xf32, #tpu.memory_space<vmem>>, vector<16xf32>,
        %get3A_2651 = arith.constant 11 : i32
        %get3A_2652 = arith.index_cast %get3A_2651 : i32 to index
        %get3A_2653 = arith.constant 0 : index
        %get3A_2654 = tpu.vector_load %arg16[%get3A_2652, %get3A_2653] {strides = array<i32>} : memref<128x16xf32, #tpu.memory_space<vmem>>, vector<16xf32>,
        %broadcast_in_dim3A_2655 = arith.constant 11 : i32
        %broadcast_in_dim3A_2656 = vector.broadcast %broadcast_in_dim3A_2655 : i32 to vector<16xi32>
        %broadcast_in_dim3A_2657 = vector.shape_cast %broadcast_in_dim3A_2656 : vector<16xi32> to vector<16x1xi32>
        %gather3A_2658 = vector.shape_cast %broadcast_in_dim3A_2657 : vector<16x1xi32> to vector<16xi32>
        %gather3A_2659 = tpu.dynamic_gather %mul3A_2492[%gather3A_2658] in [0] : vector<16xf32>, vector<16xi32> -> vector<16xf32>
        %mul3A_2660 = arith.mulf %get3A_2654, %gather3A_2659 : vector<16xf32>
        %swap3A_2661 = arith.constant 123 : i32
        %swap3A_2662 = arith.index_cast %swap3A_2661 : i32 to index
        %swap3A_2663 = arith.constant 0 : index
        %swap3A_2664 = tpu.vector_load %arg17[%swap3A_2662, %swap3A_2663] {strides = array<i32>} : memref<128x16xf32, #tpu.memory_space<vmem>>, vector<16xf32>,
        tpu.vector_store %arg17[%swap3A_2662, %swap3A_2663], %mul3A_2660 {strides = array<i32>} : memref<128x16xf32, #tpu.memory_space<vmem>>, vector<16xf32>,
        %get3A_2665 = arith.constant 12 : i32
        %get3A_2666 = arith.index_cast %get3A_2665 : i32 to index
        %get3A_2667 = arith.constant 0 : index
        %get3A_2668 = tpu.vector_load %arg16[%get3A_2666, %get3A_2667] {strides = array<i32>} : memref<128x16xf32, #tpu.memory_space<vmem>>, vector<16xf32>,
        %broadcast_in_dim3A_2669 = arith.constant 12 : i32
        %broadcast_in_dim3A_2670 = vector.broadcast %broadcast_in_dim3A_2669 : i32 to vector<16xi32>
        %broadcast_in_dim3A_2671 = vector.shape_cast %broadcast_in_dim3A_2670 : vector<16xi32> to vector<16x1xi32>
        %gather3A_2672 = vector.shape_cast %broadcast_in_dim3A_2671 : vector<16x1xi32> to vector<16xi32>
        %gather3A_2673 = tpu.dynamic_gather %mul3A_2492[%gather3A_2672] in [0] : vector<16xf32>, vector<16xi32> -> vector<16xf32>
        %mul3A_2674 = arith.mulf %get3A_2668, %gather3A_2673 : vector<16xf32>
        %swap3A_2675 = arith.constant 124 : i32
        %swap3A_2676 = arith.index_cast %swap3A_2675 : i32 to index
        %swap3A_2677 = arith.constant 0 : index
        %swap3A_2678 = tpu.vector_load %arg17[%swap3A_2676, %swap3A_2677] {strides = array<i32>} : memref<128x16xf32, #tpu.memory_space<vmem>>, vector<16xf32>,
        tpu.vector_store %arg17[%swap3A_2676, %swap3A_2677], %mul3A_2674 {strides = array<i32>} : memref<128x16xf32, #tpu.memory_space<vmem>>, vector<16xf32>,
        %get3A_2679 = arith.constant 13 : i32
        %get3A_2680 = arith.index_cast %get3A_2679 : i32 to index
        %get3A_2681 = arith.constant 0 : index
        %get3A_2682 = tpu.vector_load %arg16[%get3A_2680, %get3A_2681] {strides = array<i32>} : memref<128x16xf32, #tpu.memory_space<vmem>>, vector<16xf32>,
        %broadcast_in_dim3A_2683 = arith.constant 13 : i32
        %broadcast_in_dim3A_2684 = vector.broadcast %broadcast_in_dim3A_2683 : i32 to vector<16xi32>
        %broadcast_in_dim3A_2685 = vector.shape_cast %broadcast_in_dim3A_2684 : vector<16xi32> to vector<16x1xi32>
        %gather3A_2686 = vector.shape_cast %broadcast_in_dim3A_2685 : vector<16x1xi32> to vector<16xi32>
        %gather3A_2687 = tpu.dynamic_gather %mul3A_2492[%gather3A_2686] in [0] : vector<16xf32>, vector<16xi32> -> vector<16xf32>
        %mul3A_2688 = arith.mulf %get3A_2682, %gather3A_2687 : vector<16xf32>
        %swap3A_2689 = arith.constant 125 : i32
        %swap3A_2690 = arith.index_cast %swap3A_2689 : i32 to index
        %swap3A_2691 = arith.constant 0 : index
        %swap3A_2692 = tpu.vector_load %arg17[%swap3A_2690, %swap3A_2691] {strides = array<i32>} : memref<128x16xf32, #tpu.memory_space<vmem>>, vector<16xf32>,
        tpu.vector_store %arg17[%swap3A_2690, %swap3A_2691], %mul3A_2688 {strides = array<i32>} : memref<128x16xf32, #tpu.memory_space<vmem>>, vector<16xf32>,
        %get3A_2693 = arith.constant 14 : i32
        %get3A_2694 = arith.index_cast %get3A_2693 : i32 to index
        %get3A_2695 = arith.constant 0 : index
        %get3A_2696 = tpu.vector_load %arg16[%get3A_2694, %get3A_2695] {strides = array<i32>} : memref<128x16xf32, #tpu.memory_space<vmem>>, vector<16xf32>,
        %broadcast_in_dim3A_2697 = arith.constant 14 : i32
        %broadcast_in_dim3A_2698 = vector.broadcast %broadcast_in_dim3A_2697 : i32 to vector<16xi32>
        %broadcast_in_dim3A_2699 = vector.shape_cast %broadcast_in_dim3A_2698 : vector<16xi32> to vector<16x1xi32>
        %gather3A_2700 = vector.shape_cast %broadcast_in_dim3A_2699 : vector<16x1xi32> to vector<16xi32>
        %gather3A_2701 = tpu.dynamic_gather %mul3A_2492[%gather3A_2700] in [0] : vector<16xf32>, vector<16xi32> -> vector<16xf32>
        %mul3A_2702 = arith.mulf %get3A_2696, %gather3A_2701 : vector<16xf32>
        %swap3A_2703 = arith.constant 126 : i32
        %swap3A_2704 = arith.index_cast %swap3A_2703 : i32 to index
        %swap3A_2705 = arith.constant 0 : index
        %swap3A_2706 = tpu.vector_load %arg17[%swap3A_2704, %swap3A_2705] {strides = array<i32>} : memref<128x16xf32, #tpu.memory_space<vmem>>, vector<16xf32>,
        tpu.vector_store %arg17[%swap3A_2704, %swap3A_2705], %mul3A_2702 {strides = array<i32>} : memref<128x16xf32, #tpu.memory_space<vmem>>, vector<16xf32>,
        %get3A_2707 = arith.constant 15 : i32
        %get3A_2708 = arith.index_cast %get3A_2707 : i32 to index
        %get3A_2709 = arith.constant 0 : index
        %get3A_2710 = tpu.vector_load %arg16[%get3A_2708, %get3A_2709] {strides = array<i32>} : memref<128x16xf32, #tpu.memory_space<vmem>>, vector<16xf32>,
        %broadcast_in_dim3A_2711 = arith.constant 15 : i32
        %broadcast_in_dim3A_2712 = vector.broadcast %broadcast_in_dim3A_2711 : i32 to vector<16xi32>
        %broadcast_in_dim3A_2713 = vector.shape_cast %broadcast_in_dim3A_2712 : vector<16xi32> to vector<16x1xi32>
        %gather3A_2714 = vector.shape_cast %broadcast_in_dim3A_2713 : vector<16x1xi32> to vector<16xi32>
        %gather3A_2715 = tpu.dynamic_gather %mul3A_2492[%gather3A_2714] in [0] : vector<16xf32>, vector<16xi32> -> vector<16xf32>
        %mul3A_2716 = arith.mulf %get3A_2710, %gather3A_2715 : vector<16xf32>
        %swap3A_2717 = arith.constant 127 : i32
        %swap3A_2718 = arith.index_cast %swap3A_2717 : i32 to index
        %swap3A_2719 = arith.constant 0 : index
        %swap3A_2720 = tpu.vector_load %arg17[%swap3A_2718, %swap3A_2719] {strides = array<i32>} : memref<128x16xf32, #tpu.memory_space<vmem>>, vector<16xf32>,
        tpu.vector_store %arg17[%swap3A_2718, %swap3A_2719], %mul3A_2716 {strides = array<i32>} : memref<128x16xf32, #tpu.memory_space<vmem>>, vector<16xf32>,
        "tpu.region"() ({
          %run_scoped3A = tpu.sem_alloc : memref<!tpu.dma_semaphore, #tpu.memory_space<semaphore_mem>>
          %dma_start3A_2723 = arith.constant 0 : i32
          %dma_start3A_2724 = arith.constant 0 : i32
          %dma_start3A_2725 = tpu.memref_slice %arg6[%dma_start3A_2723, %dma_start3A_2724] : memref<32768x16xf32, #tpu.memory_space<vmem_shared>> -> memref<32768x16xf32, #tpu.memory_space<vmem_shared>>
          tpu.enqueue_indirect_dma source(%arg17 : memref<128x16xf32, #tpu.memory_space<vmem>>) target(%dma_start3A_2725 : memref<32768x16xf32, #tpu.memory_space<vmem_shared>>) offsets(%arg18 : memref<128xi32, #tpu.memory_space<vmem>>) semaphore(%run_scoped3A : memref<!tpu.dma_semaphore, #tpu.memory_space<semaphore_mem>>) {add = true}
          %dma_wait3A_2726 = arith.constant 0 : i32
          %dma_wait3A_2727 = arith.constant 0 : i32
          %dma_wait3A_2728 = tpu.memref_slice %arg6[%dma_wait3A_2726, %dma_wait3A_2727] : memref<32768x16xf32, #tpu.memory_space<vmem_shared>> -> memref<32768x16xf32, #tpu.memory_space<vmem_shared>>
          tpu.wait_indirect_dma semaphore(%run_scoped3A : memref<!tpu.dma_semaphore, #tpu.memory_space<semaphore_mem>>) src(%arg17 : memref<128x16xf32, #tpu.memory_space<vmem>>) dst(%dma_wait3A_2728 : memref<32768x16xf32, #tpu.memory_space<vmem_shared>>)
          tpu.yield
        }) : () -> ()
        %add3A_2721 = arith.constant 1 : i32
        %add3A_2722 = arith.addi %while3A_772, %add3A_2721 : i32
        scf.yield %add3A_2722 : i32
      }
      %barrier3A_98 = arith.constant 0 : index
      tpu.barrier barrier_id(%barrier3A_98)
      %mul3A_99 = arith.constant 2048 : i32
      %mul3A_100 = arith.muli %arg1, %mul3A_99 : i32
      %add3A_101 = arith.constant 0 : i32
      %add3A_102 = arith.addi %mul3A_100, %add3A_101 : i32
      "tpu.region"() ({
        %run_scoped3A = tpu.sem_alloc : memref<!tpu.dma_semaphore, #tpu.memory_space<semaphore_mem>>
        %dma_start3A_772 = arith.constant 0 : i32
        %dma_start3A_773 = tpu.memref_slice %arg6[%add3A_102, %dma_start3A_772] : memref<32768x16xf32, #tpu.memory_space<vmem_shared>> -> memref<1024x16xf32, #tpu.memory_space<vmem_shared>>
        %dma_start3A_774 = arith.constant 0 : i32
        %dma_start3A_775 = tpu.memref_slice %arg6[%add3A_102, %dma_start3A_774] : memref<32768x16xf32, #tpu.memory_space<vmem_shared>> -> memref<1024x16xf32, #tpu.memory_space<vmem_shared>>
        tpu.enqueue_dma source(%dma_start3A_775 : memref<1024x16xf32, #tpu.memory_space<vmem_shared>>) target(%arg20 : memref<1024x16xf32, #tpu.memory_space<vmem>>) target_semaphore(%run_scoped3A : memref<!tpu.dma_semaphore, #tpu.memory_space<semaphore_mem>>)
        %dma_wait3A_776 = arith.constant 0 : i32
        %dma_wait3A_777 = tpu.memref_slice %arg6[%add3A_102, %dma_wait3A_776] : memref<32768x16xf32, #tpu.memory_space<vmem_shared>> -> memref<1024x16xf32, #tpu.memory_space<vmem_shared>>
        %dma_wait3A_778 = arith.constant 0 : i32
        %dma_wait3A_779 = tpu.memref_slice %arg6[%add3A_102, %dma_wait3A_778] : memref<32768x16xf32, #tpu.memory_space<vmem_shared>> -> memref<1024x16xf32, #tpu.memory_space<vmem_shared>>
        tpu.wait_dma2 semaphore(%run_scoped3A : memref<!tpu.dma_semaphore, #tpu.memory_space<semaphore_mem>>) src(%dma_wait3A_779 : memref<1024x16xf32, #tpu.memory_space<vmem_shared>>) dst(%arg20 : memref<1024x16xf32, #tpu.memory_space<vmem>>)
        tpu.yield
      }) : () -> ()
      %scan3A_103 = arith.constant 0 : i32
      %scan3A_104 = arith.constant 0 : i32
      %scan3A_105 = arith.constant 1024 : i32
      %scan3A_106 = arith.addi %scan3A_104, %scan3A_105 : i32
      %scan3A_107 = arith.constant 1 : i32
      scf.for %scan3A_772 = %scan3A_104 to %scan3A_106 step %scan3A_107  : i32 {
        %mul3A_773 = arith.constant 0 : i32
        %mul3A_774 = vector.broadcast %mul3A_773 : i32 to vector<16xi32>
        %mul3A_775 = arith.muli %iota3A, %mul3A_774 : vector<16xi32>
        %add3A_776 = vector.broadcast %scan3A_772 : i32 to vector<16xi32>
        %add3A_777 = arith.addi %mul3A_775, %add3A_776 : vector<16xi32>
        %get3A_778 = arith.index_cast %scan3A_772 : i32 to index
        %get3A_779 = arith.constant 0 : index
        %get3A_780 = tpu.vector_load %arg20[%get3A_778, %get3A_779] {strides = array<i32>} : memref<1024x16xf32, #tpu.memory_space<vmem>>, vector<16xf32>,
        tpu.vector_store_idx %arg21[%iota3A, %add3A_777], %get3A_780 : memref<16x1024xf32, #tpu.memory_space<vmem>>[vector<16xi32>, vector<16xi32>], vector<16xf32>,
      }
      %scan3A_108 = arith.constant 1024 : i32
      %mul3A_109 = arith.constant 16384 : i32
      %mul3A_110 = arith.muli %mul3A_25, %mul3A_109 : i32
      %mul3A_111 = arith.constant 2048 : i32
      %mul3A_112 = arith.muli %arg1, %mul3A_111 : i32
      %add3A_113 = arith.addi %mul3A_110, %mul3A_112 : i32
      %add3A_114 = arith.constant 0 : i32
      %add3A_115 = arith.addi %add3A_113, %add3A_114 : i32
      %add3A_116 = arith.constant 0 : i32
      %add3A_117 = arith.addi %add3A_116, %add3A_115 : i32
      %dma_start3A = arith.constant 0 : i32
      %dma_start3A_118 = arith.constant 0 : i32
      %dma_start3A_119 = tpu.memref_slice %arg21[%dma_start3A, %dma_start3A_118] : memref<16x1024xf32, #tpu.memory_space<vmem>> -> memref<1x1024xf32, #tpu.memory_space<vmem>>
      %dma_start3A_120 = tpu.memref_squeeze %dma_start3A_119 : memref<1x1024xf32, #tpu.memory_space<vmem>> -> memref<1024xf32, #tpu.memory_space<vmem>>
      %dma_start3A_121 = tpu.memref_slice %arg5[%add3A_117] : memref<33554432xf32, #tpu.memory_space<hbm>> -> memref<1024xf32, #tpu.memory_space<hbm>>
      %dma_start3A_122 = tpu.memref_slice %arg5[%add3A_117] : memref<33554432xf32, #tpu.memory_space<hbm>> -> memref<1024xf32, #tpu.memory_space<hbm>>
      %dma_start3A_123 = arith.constant 0 : i32
      %dma_start3A_124 = tpu.memref_slice %arg21[%dma_start3A, %dma_start3A_123] : memref<16x1024xf32, #tpu.memory_space<vmem>> -> memref<1x1024xf32, #tpu.memory_space<vmem>>
      %dma_start3A_125 = tpu.memref_squeeze %dma_start3A_124 : memref<1x1024xf32, #tpu.memory_space<vmem>> -> memref<1024xf32, #tpu.memory_space<vmem>>
      tpu.enqueue_dma source(%dma_start3A_125 : memref<1024xf32, #tpu.memory_space<vmem>>) target(%dma_start3A_122 : memref<1024xf32, #tpu.memory_space<hbm>>) target_semaphore(%arg22 : memref<!tpu.dma_semaphore, #tpu.memory_space<semaphore_mem>>)
      %add3A_126 = arith.constant 2097152 : i32
      %add3A_127 = arith.addi %add3A_126, %add3A_115 : i32
      %dma_start3A_128 = arith.constant 1 : i32
      %dma_start3A_129 = arith.constant 0 : i32
      %dma_start3A_130 = tpu.memref_slice %arg21[%dma_start3A_128, %dma_start3A_129] : memref<16x1024xf32, #tpu.memory_space<vmem>> -> memref<1x1024xf32, #tpu.memory_space<vmem>>
      %dma_start3A_131 = tpu.memref_squeeze %dma_start3A_130 : memref<1x1024xf32, #tpu.memory_space<vmem>> -> memref<1024xf32, #tpu.memory_space<vmem>>
      %dma_start3A_132 = tpu.memref_slice %arg5[%add3A_127] : memref<33554432xf32, #tpu.memory_space<hbm>> -> memref<1024xf32, #tpu.memory_space<hbm>>
      %dma_start3A_133 = tpu.memref_slice %arg5[%add3A_127] : memref<33554432xf32, #tpu.memory_space<hbm>> -> memref<1024xf32, #tpu.memory_space<hbm>>
      %dma_start3A_134 = arith.constant 0 : i32
      %dma_start3A_135 = tpu.memref_slice %arg21[%dma_start3A_128, %dma_start3A_134] : memref<16x1024xf32, #tpu.memory_space<vmem>> -> memref<1x1024xf32, #tpu.memory_space<vmem>>
      %dma_start3A_136 = tpu.memref_squeeze %dma_start3A_135 : memref<1x1024xf32, #tpu.memory_space<vmem>> -> memref<1024xf32, #tpu.memory_space<vmem>>
      tpu.enqueue_dma source(%dma_start3A_136 : memref<1024xf32, #tpu.memory_space<vmem>>) target(%dma_start3A_133 : memref<1024xf32, #tpu.memory_space<hbm>>) target_semaphore(%arg22 : memref<!tpu.dma_semaphore, #tpu.memory_space<semaphore_mem>>)
      %add3A_137 = arith.constant 4194304 : i32
      %add3A_138 = arith.addi %add3A_137, %add3A_115 : i32
      %dma_start3A_139 = arith.constant 2 : i32
      %dma_start3A_140 = arith.constant 0 : i32
      %dma_start3A_141 = tpu.memref_slice %arg21[%dma_start3A_139, %dma_start3A_140] : memref<16x1024xf32, #tpu.memory_space<vmem>> -> memref<1x1024xf32, #tpu.memory_space<vmem>>
      %dma_start3A_142 = tpu.memref_squeeze %dma_start3A_141 : memref<1x1024xf32, #tpu.memory_space<vmem>> -> memref<1024xf32, #tpu.memory_space<vmem>>
      %dma_start3A_143 = tpu.memref_slice %arg5[%add3A_138] : memref<33554432xf32, #tpu.memory_space<hbm>> -> memref<1024xf32, #tpu.memory_space<hbm>>
      %dma_start3A_144 = tpu.memref_slice %arg5[%add3A_138] : memref<33554432xf32, #tpu.memory_space<hbm>> -> memref<1024xf32, #tpu.memory_space<hbm>>
      %dma_start3A_145 = arith.constant 0 : i32
      %dma_start3A_146 = tpu.memref_slice %arg21[%dma_start3A_139, %dma_start3A_145] : memref<16x1024xf32, #tpu.memory_space<vmem>> -> memref<1x1024xf32, #tpu.memory_space<vmem>>
      %dma_start3A_147 = tpu.memref_squeeze %dma_start3A_146 : memref<1x1024xf32, #tpu.memory_space<vmem>> -> memref<1024xf32, #tpu.memory_space<vmem>>
      tpu.enqueue_dma source(%dma_start3A_147 : memref<1024xf32, #tpu.memory_space<vmem>>) target(%dma_start3A_144 : memref<1024xf32, #tpu.memory_space<hbm>>) target_semaphore(%arg22 : memref<!tpu.dma_semaphore, #tpu.memory_space<semaphore_mem>>)
      %add3A_148 = arith.constant 6291456 : i32
      %add3A_149 = arith.addi %add3A_148, %add3A_115 : i32
      %dma_start3A_150 = arith.constant 3 : i32
      %dma_start3A_151 = arith.constant 0 : i32
      %dma_start3A_152 = tpu.memref_slice %arg21[%dma_start3A_150, %dma_start3A_151] : memref<16x1024xf32, #tpu.memory_space<vmem>> -> memref<1x1024xf32, #tpu.memory_space<vmem>>
      %dma_start3A_153 = tpu.memref_squeeze %dma_start3A_152 : memref<1x1024xf32, #tpu.memory_space<vmem>> -> memref<1024xf32, #tpu.memory_space<vmem>>
      %dma_start3A_154 = tpu.memref_slice %arg5[%add3A_149] : memref<33554432xf32, #tpu.memory_space<hbm>> -> memref<1024xf32, #tpu.memory_space<hbm>>
      %dma_start3A_155 = tpu.memref_slice %arg5[%add3A_149] : memref<33554432xf32, #tpu.memory_space<hbm>> -> memref<1024xf32, #tpu.memory_space<hbm>>
      %dma_start3A_156 = arith.constant 0 : i32
      %dma_start3A_157 = tpu.memref_slice %arg21[%dma_start3A_150, %dma_start3A_156] : memref<16x1024xf32, #tpu.memory_space<vmem>> -> memref<1x1024xf32, #tpu.memory_space<vmem>>
      %dma_start3A_158 = tpu.memref_squeeze %dma_start3A_157 : memref<1x1024xf32, #tpu.memory_space<vmem>> -> memref<1024xf32, #tpu.memory_space<vmem>>
      tpu.enqueue_dma source(%dma_start3A_158 : memref<1024xf32, #tpu.memory_space<vmem>>) target(%dma_start3A_155 : memref<1024xf32, #tpu.memory_space<hbm>>) target_semaphore(%arg22 : memref<!tpu.dma_semaphore, #tpu.memory_space<semaphore_mem>>)
      %add3A_159 = arith.constant 8388608 : i32
      %add3A_160 = arith.addi %add3A_159, %add3A_115 : i32
      %dma_start3A_161 = arith.constant 4 : i32
      %dma_start3A_162 = arith.constant 0 : i32
      %dma_start3A_163 = tpu.memref_slice %arg21[%dma_start3A_161, %dma_start3A_162] : memref<16x1024xf32, #tpu.memory_space<vmem>> -> memref<1x1024xf32, #tpu.memory_space<vmem>>
      %dma_start3A_164 = tpu.memref_squeeze %dma_start3A_163 : memref<1x1024xf32, #tpu.memory_space<vmem>> -> memref<1024xf32, #tpu.memory_space<vmem>>
      %dma_start3A_165 = tpu.memref_slice %arg5[%add3A_160] : memref<33554432xf32, #tpu.memory_space<hbm>> -> memref<1024xf32, #tpu.memory_space<hbm>>
      %dma_start3A_166 = tpu.memref_slice %arg5[%add3A_160] : memref<33554432xf32, #tpu.memory_space<hbm>> -> memref<1024xf32, #tpu.memory_space<hbm>>
      %dma_start3A_167 = arith.constant 0 : i32
      %dma_start3A_168 = tpu.memref_slice %arg21[%dma_start3A_161, %dma_start3A_167] : memref<16x1024xf32, #tpu.memory_space<vmem>> -> memref<1x1024xf32, #tpu.memory_space<vmem>>
      %dma_start3A_169 = tpu.memref_squeeze %dma_start3A_168 : memref<1x1024xf32, #tpu.memory_space<vmem>> -> memref<1024xf32, #tpu.memory_space<vmem>>
      tpu.enqueue_dma source(%dma_start3A_169 : memref<1024xf32, #tpu.memory_space<vmem>>) target(%dma_start3A_166 : memref<1024xf32, #tpu.memory_space<hbm>>) target_semaphore(%arg22 : memref<!tpu.dma_semaphore, #tpu.memory_space<semaphore_mem>>)
      %add3A_170 = arith.constant 10485760 : i32
      %add3A_171 = arith.addi %add3A_170, %add3A_115 : i32
      %dma_start3A_172 = arith.constant 5 : i32
      %dma_start3A_173 = arith.constant 0 : i32
      %dma_start3A_174 = tpu.memref_slice %arg21[%dma_start3A_172, %dma_start3A_173] : memref<16x1024xf32, #tpu.memory_space<vmem>> -> memref<1x1024xf32, #tpu.memory_space<vmem>>
      %dma_start3A_175 = tpu.memref_squeeze %dma_start3A_174 : memref<1x1024xf32, #tpu.memory_space<vmem>> -> memref<1024xf32, #tpu.memory_space<vmem>>
      %dma_start3A_176 = tpu.memref_slice %arg5[%add3A_171] : memref<33554432xf32, #tpu.memory_space<hbm>> -> memref<1024xf32, #tpu.memory_space<hbm>>
      %dma_start3A_177 = tpu.memref_slice %arg5[%add3A_171] : memref<33554432xf32, #tpu.memory_space<hbm>> -> memref<1024xf32, #tpu.memory_space<hbm>>
      %dma_start3A_178 = arith.constant 0 : i32
      %dma_start3A_179 = tpu.memref_slice %arg21[%dma_start3A_172, %dma_start3A_178] : memref<16x1024xf32, #tpu.memory_space<vmem>> -> memref<1x1024xf32, #tpu.memory_space<vmem>>
      %dma_start3A_180 = tpu.memref_squeeze %dma_start3A_179 : memref<1x1024xf32, #tpu.memory_space<vmem>> -> memref<1024xf32, #tpu.memory_space<vmem>>
      tpu.enqueue_dma source(%dma_start3A_180 : memref<1024xf32, #tpu.memory_space<vmem>>) target(%dma_start3A_177 : memref<1024xf32, #tpu.memory_space<hbm>>) target_semaphore(%arg22 : memref<!tpu.dma_semaphore, #tpu.memory_space<semaphore_mem>>)
      %add3A_181 = arith.constant 12582912 : i32
      %add3A_182 = arith.addi %add3A_181, %add3A_115 : i32
      %dma_start3A_183 = arith.constant 6 : i32
      %dma_start3A_184 = arith.constant 0 : i32
      %dma_start3A_185 = tpu.memref_slice %arg21[%dma_start3A_183, %dma_start3A_184] : memref<16x1024xf32, #tpu.memory_space<vmem>> -> memref<1x1024xf32, #tpu.memory_space<vmem>>
      %dma_start3A_186 = tpu.memref_squeeze %dma_start3A_185 : memref<1x1024xf32, #tpu.memory_space<vmem>> -> memref<1024xf32, #tpu.memory_space<vmem>>
      %dma_start3A_187 = tpu.memref_slice %arg5[%add3A_182] : memref<33554432xf32, #tpu.memory_space<hbm>> -> memref<1024xf32, #tpu.memory_space<hbm>>
      %dma_start3A_188 = tpu.memref_slice %arg5[%add3A_182] : memref<33554432xf32, #tpu.memory_space<hbm>> -> memref<1024xf32, #tpu.memory_space<hbm>>
      %dma_start3A_189 = arith.constant 0 : i32
      %dma_start3A_190 = tpu.memref_slice %arg21[%dma_start3A_183, %dma_start3A_189] : memref<16x1024xf32, #tpu.memory_space<vmem>> -> memref<1x1024xf32, #tpu.memory_space<vmem>>
      %dma_start3A_191 = tpu.memref_squeeze %dma_start3A_190 : memref<1x1024xf32, #tpu.memory_space<vmem>> -> memref<1024xf32, #tpu.memory_space<vmem>>
      tpu.enqueue_dma source(%dma_start3A_191 : memref<1024xf32, #tpu.memory_space<vmem>>) target(%dma_start3A_188 : memref<1024xf32, #tpu.memory_space<hbm>>) target_semaphore(%arg22 : memref<!tpu.dma_semaphore, #tpu.memory_space<semaphore_mem>>)
      %add3A_192 = arith.constant 14680064 : i32
      %add3A_193 = arith.addi %add3A_192, %add3A_115 : i32
      %dma_start3A_194 = arith.constant 7 : i32
      %dma_start3A_195 = arith.constant 0 : i32
      %dma_start3A_196 = tpu.memref_slice %arg21[%dma_start3A_194, %dma_start3A_195] : memref<16x1024xf32, #tpu.memory_space<vmem>> -> memref<1x1024xf32, #tpu.memory_space<vmem>>
      %dma_start3A_197 = tpu.memref_squeeze %dma_start3A_196 : memref<1x1024xf32, #tpu.memory_space<vmem>> -> memref<1024xf32, #tpu.memory_space<vmem>>
      %dma_start3A_198 = tpu.memref_slice %arg5[%add3A_193] : memref<33554432xf32, #tpu.memory_space<hbm>> -> memref<1024xf32, #tpu.memory_space<hbm>>
      %dma_start3A_199 = tpu.memref_slice %arg5[%add3A_193] : memref<33554432xf32, #tpu.memory_space<hbm>> -> memref<1024xf32, #tpu.memory_space<hbm>>
      %dma_start3A_200 = arith.constant 0 : i32
      %dma_start3A_201 = tpu.memref_slice %arg21[%dma_start3A_194, %dma_start3A_200] : memref<16x1024xf32, #tpu.memory_space<vmem>> -> memref<1x1024xf32, #tpu.memory_space<vmem>>
      %dma_start3A_202 = tpu.memref_squeeze %dma_start3A_201 : memref<1x1024xf32, #tpu.memory_space<vmem>> -> memref<1024xf32, #tpu.memory_space<vmem>>
      tpu.enqueue_dma source(%dma_start3A_202 : memref<1024xf32, #tpu.memory_space<vmem>>) target(%dma_start3A_199 : memref<1024xf32, #tpu.memory_space<hbm>>) target_semaphore(%arg22 : memref<!tpu.dma_semaphore, #tpu.memory_space<semaphore_mem>>)
      %add3A_203 = arith.constant 16777216 : i32
      %add3A_204 = arith.addi %add3A_203, %add3A_115 : i32
      %dma_start3A_205 = arith.constant 8 : i32
      %dma_start3A_206 = arith.constant 0 : i32
      %dma_start3A_207 = tpu.memref_slice %arg21[%dma_start3A_205, %dma_start3A_206] : memref<16x1024xf32, #tpu.memory_space<vmem>> -> memref<1x1024xf32, #tpu.memory_space<vmem>>
      %dma_start3A_208 = tpu.memref_squeeze %dma_start3A_207 : memref<1x1024xf32, #tpu.memory_space<vmem>> -> memref<1024xf32, #tpu.memory_space<vmem>>
      %dma_start3A_209 = tpu.memref_slice %arg5[%add3A_204] : memref<33554432xf32, #tpu.memory_space<hbm>> -> memref<1024xf32, #tpu.memory_space<hbm>>
      %dma_start3A_210 = tpu.memref_slice %arg5[%add3A_204] : memref<33554432xf32, #tpu.memory_space<hbm>> -> memref<1024xf32, #tpu.memory_space<hbm>>
      %dma_start3A_211 = arith.constant 0 : i32
      %dma_start3A_212 = tpu.memref_slice %arg21[%dma_start3A_205, %dma_start3A_211] : memref<16x1024xf32, #tpu.memory_space<vmem>> -> memref<1x1024xf32, #tpu.memory_space<vmem>>
      %dma_start3A_213 = tpu.memref_squeeze %dma_start3A_212 : memref<1x1024xf32, #tpu.memory_space<vmem>> -> memref<1024xf32, #tpu.memory_space<vmem>>
      tpu.enqueue_dma source(%dma_start3A_213 : memref<1024xf32, #tpu.memory_space<vmem>>) target(%dma_start3A_210 : memref<1024xf32, #tpu.memory_space<hbm>>) target_semaphore(%arg22 : memref<!tpu.dma_semaphore, #tpu.memory_space<semaphore_mem>>)
      %add3A_214 = arith.constant 18874368 : i32
      %add3A_215 = arith.addi %add3A_214, %add3A_115 : i32
      %dma_start3A_216 = arith.constant 9 : i32
      %dma_start3A_217 = arith.constant 0 : i32
      %dma_start3A_218 = tpu.memref_slice %arg21[%dma_start3A_216, %dma_start3A_217] : memref<16x1024xf32, #tpu.memory_space<vmem>> -> memref<1x1024xf32, #tpu.memory_space<vmem>>
      %dma_start3A_219 = tpu.memref_squeeze %dma_start3A_218 : memref<1x1024xf32, #tpu.memory_space<vmem>> -> memref<1024xf32, #tpu.memory_space<vmem>>
      %dma_start3A_220 = tpu.memref_slice %arg5[%add3A_215] : memref<33554432xf32, #tpu.memory_space<hbm>> -> memref<1024xf32, #tpu.memory_space<hbm>>
      %dma_start3A_221 = tpu.memref_slice %arg5[%add3A_215] : memref<33554432xf32, #tpu.memory_space<hbm>> -> memref<1024xf32, #tpu.memory_space<hbm>>
      %dma_start3A_222 = arith.constant 0 : i32
      %dma_start3A_223 = tpu.memref_slice %arg21[%dma_start3A_216, %dma_start3A_222] : memref<16x1024xf32, #tpu.memory_space<vmem>> -> memref<1x1024xf32, #tpu.memory_space<vmem>>
      %dma_start3A_224 = tpu.memref_squeeze %dma_start3A_223 : memref<1x1024xf32, #tpu.memory_space<vmem>> -> memref<1024xf32, #tpu.memory_space<vmem>>
      tpu.enqueue_dma source(%dma_start3A_224 : memref<1024xf32, #tpu.memory_space<vmem>>) target(%dma_start3A_221 : memref<1024xf32, #tpu.memory_space<hbm>>) target_semaphore(%arg22 : memref<!tpu.dma_semaphore, #tpu.memory_space<semaphore_mem>>)
      %add3A_225 = arith.constant 20971520 : i32
      %add3A_226 = arith.addi %add3A_225, %add3A_115 : i32
      %dma_start3A_227 = arith.constant 10 : i32
      %dma_start3A_228 = arith.constant 0 : i32
      %dma_start3A_229 = tpu.memref_slice %arg21[%dma_start3A_227, %dma_start3A_228] : memref<16x1024xf32, #tpu.memory_space<vmem>> -> memref<1x1024xf32, #tpu.memory_space<vmem>>
      %dma_start3A_230 = tpu.memref_squeeze %dma_start3A_229 : memref<1x1024xf32, #tpu.memory_space<vmem>> -> memref<1024xf32, #tpu.memory_space<vmem>>
      %dma_start3A_231 = tpu.memref_slice %arg5[%add3A_226] : memref<33554432xf32, #tpu.memory_space<hbm>> -> memref<1024xf32, #tpu.memory_space<hbm>>
      %dma_start3A_232 = tpu.memref_slice %arg5[%add3A_226] : memref<33554432xf32, #tpu.memory_space<hbm>> -> memref<1024xf32, #tpu.memory_space<hbm>>
      %dma_start3A_233 = arith.constant 0 : i32
      %dma_start3A_234 = tpu.memref_slice %arg21[%dma_start3A_227, %dma_start3A_233] : memref<16x1024xf32, #tpu.memory_space<vmem>> -> memref<1x1024xf32, #tpu.memory_space<vmem>>
      %dma_start3A_235 = tpu.memref_squeeze %dma_start3A_234 : memref<1x1024xf32, #tpu.memory_space<vmem>> -> memref<1024xf32, #tpu.memory_space<vmem>>
      tpu.enqueue_dma source(%dma_start3A_235 : memref<1024xf32, #tpu.memory_space<vmem>>) target(%dma_start3A_232 : memref<1024xf32, #tpu.memory_space<hbm>>) target_semaphore(%arg22 : memref<!tpu.dma_semaphore, #tpu.memory_space<semaphore_mem>>)
      %add3A_236 = arith.constant 23068672 : i32
      %add3A_237 = arith.addi %add3A_236, %add3A_115 : i32
      %dma_start3A_238 = arith.constant 11 : i32
      %dma_start3A_239 = arith.constant 0 : i32
      %dma_start3A_240 = tpu.memref_slice %arg21[%dma_start3A_238, %dma_start3A_239] : memref<16x1024xf32, #tpu.memory_space<vmem>> -> memref<1x1024xf32, #tpu.memory_space<vmem>>
      %dma_start3A_241 = tpu.memref_squeeze %dma_start3A_240 : memref<1x1024xf32, #tpu.memory_space<vmem>> -> memref<1024xf32, #tpu.memory_space<vmem>>
      %dma_start3A_242 = tpu.memref_slice %arg5[%add3A_237] : memref<33554432xf32, #tpu.memory_space<hbm>> -> memref<1024xf32, #tpu.memory_space<hbm>>
      %dma_start3A_243 = tpu.memref_slice %arg5[%add3A_237] : memref<33554432xf32, #tpu.memory_space<hbm>> -> memref<1024xf32, #tpu.memory_space<hbm>>
      %dma_start3A_244 = arith.constant 0 : i32
      %dma_start3A_245 = tpu.memref_slice %arg21[%dma_start3A_238, %dma_start3A_244] : memref<16x1024xf32, #tpu.memory_space<vmem>> -> memref<1x1024xf32, #tpu.memory_space<vmem>>
      %dma_start3A_246 = tpu.memref_squeeze %dma_start3A_245 : memref<1x1024xf32, #tpu.memory_space<vmem>> -> memref<1024xf32, #tpu.memory_space<vmem>>
      tpu.enqueue_dma source(%dma_start3A_246 : memref<1024xf32, #tpu.memory_space<vmem>>) target(%dma_start3A_243 : memref<1024xf32, #tpu.memory_space<hbm>>) target_semaphore(%arg22 : memref<!tpu.dma_semaphore, #tpu.memory_space<semaphore_mem>>)
      %add3A_247 = arith.constant 25165824 : i32
      %add3A_248 = arith.addi %add3A_247, %add3A_115 : i32
      %dma_start3A_249 = arith.constant 12 : i32
      %dma_start3A_250 = arith.constant 0 : i32
      %dma_start3A_251 = tpu.memref_slice %arg21[%dma_start3A_249, %dma_start3A_250] : memref<16x1024xf32, #tpu.memory_space<vmem>> -> memref<1x1024xf32, #tpu.memory_space<vmem>>
      %dma_start3A_252 = tpu.memref_squeeze %dma_start3A_251 : memref<1x1024xf32, #tpu.memory_space<vmem>> -> memref<1024xf32, #tpu.memory_space<vmem>>
      %dma_start3A_253 = tpu.memref_slice %arg5[%add3A_248] : memref<33554432xf32, #tpu.memory_space<hbm>> -> memref<1024xf32, #tpu.memory_space<hbm>>
      %dma_start3A_254 = tpu.memref_slice %arg5[%add3A_248] : memref<33554432xf32, #tpu.memory_space<hbm>> -> memref<1024xf32, #tpu.memory_space<hbm>>
      %dma_start3A_255 = arith.constant 0 : i32
      %dma_start3A_256 = tpu.memref_slice %arg21[%dma_start3A_249, %dma_start3A_255] : memref<16x1024xf32, #tpu.memory_space<vmem>> -> memref<1x1024xf32, #tpu.memory_space<vmem>>
      %dma_start3A_257 = tpu.memref_squeeze %dma_start3A_256 : memref<1x1024xf32, #tpu.memory_space<vmem>> -> memref<1024xf32, #tpu.memory_space<vmem>>
      tpu.enqueue_dma source(%dma_start3A_257 : memref<1024xf32, #tpu.memory_space<vmem>>) target(%dma_start3A_254 : memref<1024xf32, #tpu.memory_space<hbm>>) target_semaphore(%arg22 : memref<!tpu.dma_semaphore, #tpu.memory_space<semaphore_mem>>)
      %add3A_258 = arith.constant 27262976 : i32
      %add3A_259 = arith.addi %add3A_258, %add3A_115 : i32
      %dma_start3A_260 = arith.constant 13 : i32
      %dma_start3A_261 = arith.constant 0 : i32
      %dma_start3A_262 = tpu.memref_slice %arg21[%dma_start3A_260, %dma_start3A_261] : memref<16x1024xf32, #tpu.memory_space<vmem>> -> memref<1x1024xf32, #tpu.memory_space<vmem>>
      %dma_start3A_263 = tpu.memref_squeeze %dma_start3A_262 : memref<1x1024xf32, #tpu.memory_space<vmem>> -> memref<1024xf32, #tpu.memory_space<vmem>>
      %dma_start3A_264 = tpu.memref_slice %arg5[%add3A_259] : memref<33554432xf32, #tpu.memory_space<hbm>> -> memref<1024xf32, #tpu.memory_space<hbm>>
      %dma_start3A_265 = tpu.memref_slice %arg5[%add3A_259] : memref<33554432xf32, #tpu.memory_space<hbm>> -> memref<1024xf32, #tpu.memory_space<hbm>>
      %dma_start3A_266 = arith.constant 0 : i32
      %dma_start3A_267 = tpu.memref_slice %arg21[%dma_start3A_260, %dma_start3A_266] : memref<16x1024xf32, #tpu.memory_space<vmem>> -> memref<1x1024xf32, #tpu.memory_space<vmem>>
      %dma_start3A_268 = tpu.memref_squeeze %dma_start3A_267 : memref<1x1024xf32, #tpu.memory_space<vmem>> -> memref<1024xf32, #tpu.memory_space<vmem>>
      tpu.enqueue_dma source(%dma_start3A_268 : memref<1024xf32, #tpu.memory_space<vmem>>) target(%dma_start3A_265 : memref<1024xf32, #tpu.memory_space<hbm>>) target_semaphore(%arg22 : memref<!tpu.dma_semaphore, #tpu.memory_space<semaphore_mem>>)
      %add3A_269 = arith.constant 29360128 : i32
      %add3A_270 = arith.addi %add3A_269, %add3A_115 : i32
      %dma_start3A_271 = arith.constant 14 : i32
      %dma_start3A_272 = arith.constant 0 : i32
      %dma_start3A_273 = tpu.memref_slice %arg21[%dma_start3A_271, %dma_start3A_272] : memref<16x1024xf32, #tpu.memory_space<vmem>> -> memref<1x1024xf32, #tpu.memory_space<vmem>>
      %dma_start3A_274 = tpu.memref_squeeze %dma_start3A_273 : memref<1x1024xf32, #tpu.memory_space<vmem>> -> memref<1024xf32, #tpu.memory_space<vmem>>
      %dma_start3A_275 = tpu.memref_slice %arg5[%add3A_270] : memref<33554432xf32, #tpu.memory_space<hbm>> -> memref<1024xf32, #tpu.memory_space<hbm>>
      %dma_start3A_276 = tpu.memref_slice %arg5[%add3A_270] : memref<33554432xf32, #tpu.memory_space<hbm>> -> memref<1024xf32, #tpu.memory_space<hbm>>
      %dma_start3A_277 = arith.constant 0 : i32
      %dma_start3A_278 = tpu.memref_slice %arg21[%dma_start3A_271, %dma_start3A_277] : memref<16x1024xf32, #tpu.memory_space<vmem>> -> memref<1x1024xf32, #tpu.memory_space<vmem>>
      %dma_start3A_279 = tpu.memref_squeeze %dma_start3A_278 : memref<1x1024xf32, #tpu.memory_space<vmem>> -> memref<1024xf32, #tpu.memory_space<vmem>>
      tpu.enqueue_dma source(%dma_start3A_279 : memref<1024xf32, #tpu.memory_space<vmem>>) target(%dma_start3A_276 : memref<1024xf32, #tpu.memory_space<hbm>>) target_semaphore(%arg22 : memref<!tpu.dma_semaphore, #tpu.memory_space<semaphore_mem>>)
      %add3A_280 = arith.constant 31457280 : i32
      %add3A_281 = arith.addi %add3A_280, %add3A_115 : i32
      %dma_start3A_282 = arith.constant 15 : i32
      %dma_start3A_283 = arith.constant 0 : i32
      %dma_start3A_284 = tpu.memref_slice %arg21[%dma_start3A_282, %dma_start3A_283] : memref<16x1024xf32, #tpu.memory_space<vmem>> -> memref<1x1024xf32, #tpu.memory_space<vmem>>
      %dma_start3A_285 = tpu.memref_squeeze %dma_start3A_284 : memref<1x1024xf32, #tpu.memory_space<vmem>> -> memref<1024xf32, #tpu.memory_space<vmem>>
      %dma_start3A_286 = tpu.memref_slice %arg5[%add3A_281] : memref<33554432xf32, #tpu.memory_space<hbm>> -> memref<1024xf32, #tpu.memory_space<hbm>>
      %dma_start3A_287 = tpu.memref_slice %arg5[%add3A_281] : memref<33554432xf32, #tpu.memory_space<hbm>> -> memref<1024xf32, #tpu.memory_space<hbm>>
      %dma_start3A_288 = arith.constant 0 : i32
      %dma_start3A_289 = tpu.memref_slice %arg21[%dma_start3A_282, %dma_start3A_288] : memref<16x1024xf32, #tpu.memory_space<vmem>> -> memref<1x1024xf32, #tpu.memory_space<vmem>>
      %dma_start3A_290 = tpu.memref_squeeze %dma_start3A_289 : memref<1x1024xf32, #tpu.memory_space<vmem>> -> memref<1024xf32, #tpu.memory_space<vmem>>
      tpu.enqueue_dma source(%dma_start3A_290 : memref<1024xf32, #tpu.memory_space<vmem>>) target(%dma_start3A_287 : memref<1024xf32, #tpu.memory_space<hbm>>) target_semaphore(%arg22 : memref<!tpu.dma_semaphore, #tpu.memory_space<semaphore_mem>>)
      %dma_wait3A = arith.constant 0 : i32
      %dma_wait3A_291 = arith.constant 0 : i32
      %dma_wait3A_292 = tpu.memref_slice %arg21[%dma_wait3A, %dma_wait3A_291] : memref<16x1024xf32, #tpu.memory_space<vmem>> -> memref<1x1024xf32, #tpu.memory_space<vmem>>
      %dma_wait3A_293 = tpu.memref_squeeze %dma_wait3A_292 : memref<1x1024xf32, #tpu.memory_space<vmem>> -> memref<1024xf32, #tpu.memory_space<vmem>>
      %dma_wait3A_294 = tpu.memref_slice %arg5[%add3A_117] : memref<33554432xf32, #tpu.memory_space<hbm>> -> memref<1024xf32, #tpu.memory_space<hbm>>
      %dma_wait3A_295 = tpu.memref_slice %arg5[%add3A_117] : memref<33554432xf32, #tpu.memory_space<hbm>> -> memref<1024xf32, #tpu.memory_space<hbm>>
      %dma_wait3A_296 = arith.constant 0 : i32
      %dma_wait3A_297 = tpu.memref_slice %arg21[%dma_wait3A, %dma_wait3A_296] : memref<16x1024xf32, #tpu.memory_space<vmem>> -> memref<1x1024xf32, #tpu.memory_space<vmem>>
      %dma_wait3A_298 = tpu.memref_squeeze %dma_wait3A_297 : memref<1x1024xf32, #tpu.memory_space<vmem>> -> memref<1024xf32, #tpu.memory_space<vmem>>
      tpu.wait_dma2 semaphore(%arg22 : memref<!tpu.dma_semaphore, #tpu.memory_space<semaphore_mem>>) src(%dma_wait3A_298 : memref<1024xf32, #tpu.memory_space<vmem>>) dst(%dma_wait3A_295 : memref<1024xf32, #tpu.memory_space<hbm>>)
      %dma_wait3A_299 = arith.constant 1 : i32
      %dma_wait3A_300 = arith.constant 0 : i32
      %dma_wait3A_301 = tpu.memref_slice %arg21[%dma_wait3A_299, %dma_wait3A_300] : memref<16x1024xf32, #tpu.memory_space<vmem>> -> memref<1x1024xf32, #tpu.memory_space<vmem>>
      %dma_wait3A_302 = tpu.memref_squeeze %dma_wait3A_301 : memref<1x1024xf32, #tpu.memory_space<vmem>> -> memref<1024xf32, #tpu.memory_space<vmem>>
      %dma_wait3A_303 = tpu.memref_slice %arg5[%add3A_127] : memref<33554432xf32, #tpu.memory_space<hbm>> -> memref<1024xf32, #tpu.memory_space<hbm>>
      %dma_wait3A_304 = tpu.memref_slice %arg5[%add3A_127] : memref<33554432xf32, #tpu.memory_space<hbm>> -> memref<1024xf32, #tpu.memory_space<hbm>>
      %dma_wait3A_305 = arith.constant 0 : i32
      %dma_wait3A_306 = tpu.memref_slice %arg21[%dma_wait3A_299, %dma_wait3A_305] : memref<16x1024xf32, #tpu.memory_space<vmem>> -> memref<1x1024xf32, #tpu.memory_space<vmem>>
      %dma_wait3A_307 = tpu.memref_squeeze %dma_wait3A_306 : memref<1x1024xf32, #tpu.memory_space<vmem>> -> memref<1024xf32, #tpu.memory_space<vmem>>
      tpu.wait_dma2 semaphore(%arg22 : memref<!tpu.dma_semaphore, #tpu.memory_space<semaphore_mem>>) src(%dma_wait3A_307 : memref<1024xf32, #tpu.memory_space<vmem>>) dst(%dma_wait3A_304 : memref<1024xf32, #tpu.memory_space<hbm>>)
      %dma_wait3A_308 = arith.constant 2 : i32
      %dma_wait3A_309 = arith.constant 0 : i32
      %dma_wait3A_310 = tpu.memref_slice %arg21[%dma_wait3A_308, %dma_wait3A_309] : memref<16x1024xf32, #tpu.memory_space<vmem>> -> memref<1x1024xf32, #tpu.memory_space<vmem>>
      %dma_wait3A_311 = tpu.memref_squeeze %dma_wait3A_310 : memref<1x1024xf32, #tpu.memory_space<vmem>> -> memref<1024xf32, #tpu.memory_space<vmem>>
      %dma_wait3A_312 = tpu.memref_slice %arg5[%add3A_138] : memref<33554432xf32, #tpu.memory_space<hbm>> -> memref<1024xf32, #tpu.memory_space<hbm>>
      %dma_wait3A_313 = tpu.memref_slice %arg5[%add3A_138] : memref<33554432xf32, #tpu.memory_space<hbm>> -> memref<1024xf32, #tpu.memory_space<hbm>>
      %dma_wait3A_314 = arith.constant 0 : i32
      %dma_wait3A_315 = tpu.memref_slice %arg21[%dma_wait3A_308, %dma_wait3A_314] : memref<16x1024xf32, #tpu.memory_space<vmem>> -> memref<1x1024xf32, #tpu.memory_space<vmem>>
      %dma_wait3A_316 = tpu.memref_squeeze %dma_wait3A_315 : memref<1x1024xf32, #tpu.memory_space<vmem>> -> memref<1024xf32, #tpu.memory_space<vmem>>
      tpu.wait_dma2 semaphore(%arg22 : memref<!tpu.dma_semaphore, #tpu.memory_space<semaphore_mem>>) src(%dma_wait3A_316 : memref<1024xf32, #tpu.memory_space<vmem>>) dst(%dma_wait3A_313 : memref<1024xf32, #tpu.memory_space<hbm>>)
      %dma_wait3A_317 = arith.constant 3 : i32
      %dma_wait3A_318 = arith.constant 0 : i32
      %dma_wait3A_319 = tpu.memref_slice %arg21[%dma_wait3A_317, %dma_wait3A_318] : memref<16x1024xf32, #tpu.memory_space<vmem>> -> memref<1x1024xf32, #tpu.memory_space<vmem>>
      %dma_wait3A_320 = tpu.memref_squeeze %dma_wait3A_319 : memref<1x1024xf32, #tpu.memory_space<vmem>> -> memref<1024xf32, #tpu.memory_space<vmem>>
      %dma_wait3A_321 = tpu.memref_slice %arg5[%add3A_149] : memref<33554432xf32, #tpu.memory_space<hbm>> -> memref<1024xf32, #tpu.memory_space<hbm>>
      %dma_wait3A_322 = tpu.memref_slice %arg5[%add3A_149] : memref<33554432xf32, #tpu.memory_space<hbm>> -> memref<1024xf32, #tpu.memory_space<hbm>>
      %dma_wait3A_323 = arith.constant 0 : i32
      %dma_wait3A_324 = tpu.memref_slice %arg21[%dma_wait3A_317, %dma_wait3A_323] : memref<16x1024xf32, #tpu.memory_space<vmem>> -> memref<1x1024xf32, #tpu.memory_space<vmem>>
      %dma_wait3A_325 = tpu.memref_squeeze %dma_wait3A_324 : memref<1x1024xf32, #tpu.memory_space<vmem>> -> memref<1024xf32, #tpu.memory_space<vmem>>
      tpu.wait_dma2 semaphore(%arg22 : memref<!tpu.dma_semaphore, #tpu.memory_space<semaphore_mem>>) src(%dma_wait3A_325 : memref<1024xf32, #tpu.memory_space<vmem>>) dst(%dma_wait3A_322 : memref<1024xf32, #tpu.memory_space<hbm>>)
      %dma_wait3A_326 = arith.constant 4 : i32
      %dma_wait3A_327 = arith.constant 0 : i32
      %dma_wait3A_328 = tpu.memref_slice %arg21[%dma_wait3A_326, %dma_wait3A_327] : memref<16x1024xf32, #tpu.memory_space<vmem>> -> memref<1x1024xf32, #tpu.memory_space<vmem>>
      %dma_wait3A_329 = tpu.memref_squeeze %dma_wait3A_328 : memref<1x1024xf32, #tpu.memory_space<vmem>> -> memref<1024xf32, #tpu.memory_space<vmem>>
      %dma_wait3A_330 = tpu.memref_slice %arg5[%add3A_160] : memref<33554432xf32, #tpu.memory_space<hbm>> -> memref<1024xf32, #tpu.memory_space<hbm>>
      %dma_wait3A_331 = tpu.memref_slice %arg5[%add3A_160] : memref<33554432xf32, #tpu.memory_space<hbm>> -> memref<1024xf32, #tpu.memory_space<hbm>>
      %dma_wait3A_332 = arith.constant 0 : i32
      %dma_wait3A_333 = tpu.memref_slice %arg21[%dma_wait3A_326, %dma_wait3A_332] : memref<16x1024xf32, #tpu.memory_space<vmem>> -> memref<1x1024xf32, #tpu.memory_space<vmem>>
      %dma_wait3A_334 = tpu.memref_squeeze %dma_wait3A_333 : memref<1x1024xf32, #tpu.memory_space<vmem>> -> memref<1024xf32, #tpu.memory_space<vmem>>
      tpu.wait_dma2 semaphore(%arg22 : memref<!tpu.dma_semaphore, #tpu.memory_space<semaphore_mem>>) src(%dma_wait3A_334 : memref<1024xf32, #tpu.memory_space<vmem>>) dst(%dma_wait3A_331 : memref<1024xf32, #tpu.memory_space<hbm>>)
      %dma_wait3A_335 = arith.constant 5 : i32
      %dma_wait3A_336 = arith.constant 0 : i32
      %dma_wait3A_337 = tpu.memref_slice %arg21[%dma_wait3A_335, %dma_wait3A_336] : memref<16x1024xf32, #tpu.memory_space<vmem>> -> memref<1x1024xf32, #tpu.memory_space<vmem>>
      %dma_wait3A_338 = tpu.memref_squeeze %dma_wait3A_337 : memref<1x1024xf32, #tpu.memory_space<vmem>> -> memref<1024xf32, #tpu.memory_space<vmem>>
      %dma_wait3A_339 = tpu.memref_slice %arg5[%add3A_171] : memref<33554432xf32, #tpu.memory_space<hbm>> -> memref<1024xf32, #tpu.memory_space<hbm>>
      %dma_wait3A_340 = tpu.memref_slice %arg5[%add3A_171] : memref<33554432xf32, #tpu.memory_space<hbm>> -> memref<1024xf32, #tpu.memory_space<hbm>>
      %dma_wait3A_341 = arith.constant 0 : i32
      %dma_wait3A_342 = tpu.memref_slice %arg21[%dma_wait3A_335, %dma_wait3A_341] : memref<16x1024xf32, #tpu.memory_space<vmem>> -> memref<1x1024xf32, #tpu.memory_space<vmem>>
      %dma_wait3A_343 = tpu.memref_squeeze %dma_wait3A_342 : memref<1x1024xf32, #tpu.memory_space<vmem>> -> memref<1024xf32, #tpu.memory_space<vmem>>
      tpu.wait_dma2 semaphore(%arg22 : memref<!tpu.dma_semaphore, #tpu.memory_space<semaphore_mem>>) src(%dma_wait3A_343 : memref<1024xf32, #tpu.memory_space<vmem>>) dst(%dma_wait3A_340 : memref<1024xf32, #tpu.memory_space<hbm>>)
      %dma_wait3A_344 = arith.constant 6 : i32
      %dma_wait3A_345 = arith.constant 0 : i32
      %dma_wait3A_346 = tpu.memref_slice %arg21[%dma_wait3A_344, %dma_wait3A_345] : memref<16x1024xf32, #tpu.memory_space<vmem>> -> memref<1x1024xf32, #tpu.memory_space<vmem>>
      %dma_wait3A_347 = tpu.memref_squeeze %dma_wait3A_346 : memref<1x1024xf32, #tpu.memory_space<vmem>> -> memref<1024xf32, #tpu.memory_space<vmem>>
      %dma_wait3A_348 = tpu.memref_slice %arg5[%add3A_182] : memref<33554432xf32, #tpu.memory_space<hbm>> -> memref<1024xf32, #tpu.memory_space<hbm>>
      %dma_wait3A_349 = tpu.memref_slice %arg5[%add3A_182] : memref<33554432xf32, #tpu.memory_space<hbm>> -> memref<1024xf32, #tpu.memory_space<hbm>>
      %dma_wait3A_350 = arith.constant 0 : i32
      %dma_wait3A_351 = tpu.memref_slice %arg21[%dma_wait3A_344, %dma_wait3A_350] : memref<16x1024xf32, #tpu.memory_space<vmem>> -> memref<1x1024xf32, #tpu.memory_space<vmem>>
      %dma_wait3A_352 = tpu.memref_squeeze %dma_wait3A_351 : memref<1x1024xf32, #tpu.memory_space<vmem>> -> memref<1024xf32, #tpu.memory_space<vmem>>
      tpu.wait_dma2 semaphore(%arg22 : memref<!tpu.dma_semaphore, #tpu.memory_space<semaphore_mem>>) src(%dma_wait3A_352 : memref<1024xf32, #tpu.memory_space<vmem>>) dst(%dma_wait3A_349 : memref<1024xf32, #tpu.memory_space<hbm>>)
      %dma_wait3A_353 = arith.constant 7 : i32
      %dma_wait3A_354 = arith.constant 0 : i32
      %dma_wait3A_355 = tpu.memref_slice %arg21[%dma_wait3A_353, %dma_wait3A_354] : memref<16x1024xf32, #tpu.memory_space<vmem>> -> memref<1x1024xf32, #tpu.memory_space<vmem>>
      %dma_wait3A_356 = tpu.memref_squeeze %dma_wait3A_355 : memref<1x1024xf32, #tpu.memory_space<vmem>> -> memref<1024xf32, #tpu.memory_space<vmem>>
      %dma_wait3A_357 = tpu.memref_slice %arg5[%add3A_193] : memref<33554432xf32, #tpu.memory_space<hbm>> -> memref<1024xf32, #tpu.memory_space<hbm>>
      %dma_wait3A_358 = tpu.memref_slice %arg5[%add3A_193] : memref<33554432xf32, #tpu.memory_space<hbm>> -> memref<1024xf32, #tpu.memory_space<hbm>>
      %dma_wait3A_359 = arith.constant 0 : i32
      %dma_wait3A_360 = tpu.memref_slice %arg21[%dma_wait3A_353, %dma_wait3A_359] : memref<16x1024xf32, #tpu.memory_space<vmem>> -> memref<1x1024xf32, #tpu.memory_space<vmem>>
      %dma_wait3A_361 = tpu.memref_squeeze %dma_wait3A_360 : memref<1x1024xf32, #tpu.memory_space<vmem>> -> memref<1024xf32, #tpu.memory_space<vmem>>
      tpu.wait_dma2 semaphore(%arg22 : memref<!tpu.dma_semaphore, #tpu.memory_space<semaphore_mem>>) src(%dma_wait3A_361 : memref<1024xf32, #tpu.memory_space<vmem>>) dst(%dma_wait3A_358 : memref<1024xf32, #tpu.memory_space<hbm>>)
      %dma_wait3A_362 = arith.constant 8 : i32
      %dma_wait3A_363 = arith.constant 0 : i32
      %dma_wait3A_364 = tpu.memref_slice %arg21[%dma_wait3A_362, %dma_wait3A_363] : memref<16x1024xf32, #tpu.memory_space<vmem>> -> memref<1x1024xf32, #tpu.memory_space<vmem>>
      %dma_wait3A_365 = tpu.memref_squeeze %dma_wait3A_364 : memref<1x1024xf32, #tpu.memory_space<vmem>> -> memref<1024xf32, #tpu.memory_space<vmem>>
      %dma_wait3A_366 = tpu.memref_slice %arg5[%add3A_204] : memref<33554432xf32, #tpu.memory_space<hbm>> -> memref<1024xf32, #tpu.memory_space<hbm>>
      %dma_wait3A_367 = tpu.memref_slice %arg5[%add3A_204] : memref<33554432xf32, #tpu.memory_space<hbm>> -> memref<1024xf32, #tpu.memory_space<hbm>>
      %dma_wait3A_368 = arith.constant 0 : i32
      %dma_wait3A_369 = tpu.memref_slice %arg21[%dma_wait3A_362, %dma_wait3A_368] : memref<16x1024xf32, #tpu.memory_space<vmem>> -> memref<1x1024xf32, #tpu.memory_space<vmem>>
      %dma_wait3A_370 = tpu.memref_squeeze %dma_wait3A_369 : memref<1x1024xf32, #tpu.memory_space<vmem>> -> memref<1024xf32, #tpu.memory_space<vmem>>
      tpu.wait_dma2 semaphore(%arg22 : memref<!tpu.dma_semaphore, #tpu.memory_space<semaphore_mem>>) src(%dma_wait3A_370 : memref<1024xf32, #tpu.memory_space<vmem>>) dst(%dma_wait3A_367 : memref<1024xf32, #tpu.memory_space<hbm>>)
      %dma_wait3A_371 = arith.constant 9 : i32
      %dma_wait3A_372 = arith.constant 0 : i32
      %dma_wait3A_373 = tpu.memref_slice %arg21[%dma_wait3A_371, %dma_wait3A_372] : memref<16x1024xf32, #tpu.memory_space<vmem>> -> memref<1x1024xf32, #tpu.memory_space<vmem>>
      %dma_wait3A_374 = tpu.memref_squeeze %dma_wait3A_373 : memref<1x1024xf32, #tpu.memory_space<vmem>> -> memref<1024xf32, #tpu.memory_space<vmem>>
      %dma_wait3A_375 = tpu.memref_slice %arg5[%add3A_215] : memref<33554432xf32, #tpu.memory_space<hbm>> -> memref<1024xf32, #tpu.memory_space<hbm>>
      %dma_wait3A_376 = tpu.memref_slice %arg5[%add3A_215] : memref<33554432xf32, #tpu.memory_space<hbm>> -> memref<1024xf32, #tpu.memory_space<hbm>>
      %dma_wait3A_377 = arith.constant 0 : i32
      %dma_wait3A_378 = tpu.memref_slice %arg21[%dma_wait3A_371, %dma_wait3A_377] : memref<16x1024xf32, #tpu.memory_space<vmem>> -> memref<1x1024xf32, #tpu.memory_space<vmem>>
      %dma_wait3A_379 = tpu.memref_squeeze %dma_wait3A_378 : memref<1x1024xf32, #tpu.memory_space<vmem>> -> memref<1024xf32, #tpu.memory_space<vmem>>
      tpu.wait_dma2 semaphore(%arg22 : memref<!tpu.dma_semaphore, #tpu.memory_space<semaphore_mem>>) src(%dma_wait3A_379 : memref<1024xf32, #tpu.memory_space<vmem>>) dst(%dma_wait3A_376 : memref<1024xf32, #tpu.memory_space<hbm>>)
      %dma_wait3A_380 = arith.constant 10 : i32
      %dma_wait3A_381 = arith.constant 0 : i32
      %dma_wait3A_382 = tpu.memref_slice %arg21[%dma_wait3A_380, %dma_wait3A_381] : memref<16x1024xf32, #tpu.memory_space<vmem>> -> memref<1x1024xf32, #tpu.memory_space<vmem>>
      %dma_wait3A_383 = tpu.memref_squeeze %dma_wait3A_382 : memref<1x1024xf32, #tpu.memory_space<vmem>> -> memref<1024xf32, #tpu.memory_space<vmem>>
      %dma_wait3A_384 = tpu.memref_slice %arg5[%add3A_226] : memref<33554432xf32, #tpu.memory_space<hbm>> -> memref<1024xf32, #tpu.memory_space<hbm>>
      %dma_wait3A_385 = tpu.memref_slice %arg5[%add3A_226] : memref<33554432xf32, #tpu.memory_space<hbm>> -> memref<1024xf32, #tpu.memory_space<hbm>>
      %dma_wait3A_386 = arith.constant 0 : i32
      %dma_wait3A_387 = tpu.memref_slice %arg21[%dma_wait3A_380, %dma_wait3A_386] : memref<16x1024xf32, #tpu.memory_space<vmem>> -> memref<1x1024xf32, #tpu.memory_space<vmem>>
      %dma_wait3A_388 = tpu.memref_squeeze %dma_wait3A_387 : memref<1x1024xf32, #tpu.memory_space<vmem>> -> memref<1024xf32, #tpu.memory_space<vmem>>
      tpu.wait_dma2 semaphore(%arg22 : memref<!tpu.dma_semaphore, #tpu.memory_space<semaphore_mem>>) src(%dma_wait3A_388 : memref<1024xf32, #tpu.memory_space<vmem>>) dst(%dma_wait3A_385 : memref<1024xf32, #tpu.memory_space<hbm>>)
      %dma_wait3A_389 = arith.constant 11 : i32
      %dma_wait3A_390 = arith.constant 0 : i32
      %dma_wait3A_391 = tpu.memref_slice %arg21[%dma_wait3A_389, %dma_wait3A_390] : memref<16x1024xf32, #tpu.memory_space<vmem>> -> memref<1x1024xf32, #tpu.memory_space<vmem>>
      %dma_wait3A_392 = tpu.memref_squeeze %dma_wait3A_391 : memref<1x1024xf32, #tpu.memory_space<vmem>> -> memref<1024xf32, #tpu.memory_space<vmem>>
      %dma_wait3A_393 = tpu.memref_slice %arg5[%add3A_237] : memref<33554432xf32, #tpu.memory_space<hbm>> -> memref<1024xf32, #tpu.memory_space<hbm>>
      %dma_wait3A_394 = tpu.memref_slice %arg5[%add3A_237] : memref<33554432xf32, #tpu.memory_space<hbm>> -> memref<1024xf32, #tpu.memory_space<hbm>>
      %dma_wait3A_395 = arith.constant 0 : i32
      %dma_wait3A_396 = tpu.memref_slice %arg21[%dma_wait3A_389, %dma_wait3A_395] : memref<16x1024xf32, #tpu.memory_space<vmem>> -> memref<1x1024xf32, #tpu.memory_space<vmem>>
      %dma_wait3A_397 = tpu.memref_squeeze %dma_wait3A_396 : memref<1x1024xf32, #tpu.memory_space<vmem>> -> memref<1024xf32, #tpu.memory_space<vmem>>
      tpu.wait_dma2 semaphore(%arg22 : memref<!tpu.dma_semaphore, #tpu.memory_space<semaphore_mem>>) src(%dma_wait3A_397 : memref<1024xf32, #tpu.memory_space<vmem>>) dst(%dma_wait3A_394 : memref<1024xf32, #tpu.memory_space<hbm>>)
      %dma_wait3A_398 = arith.constant 12 : i32
      %dma_wait3A_399 = arith.constant 0 : i32
      %dma_wait3A_400 = tpu.memref_slice %arg21[%dma_wait3A_398, %dma_wait3A_399] : memref<16x1024xf32, #tpu.memory_space<vmem>> -> memref<1x1024xf32, #tpu.memory_space<vmem>>
      %dma_wait3A_401 = tpu.memref_squeeze %dma_wait3A_400 : memref<1x1024xf32, #tpu.memory_space<vmem>> -> memref<1024xf32, #tpu.memory_space<vmem>>
      %dma_wait3A_402 = tpu.memref_slice %arg5[%add3A_248] : memref<33554432xf32, #tpu.memory_space<hbm>> -> memref<1024xf32, #tpu.memory_space<hbm>>
      %dma_wait3A_403 = tpu.memref_slice %arg5[%add3A_248] : memref<33554432xf32, #tpu.memory_space<hbm>> -> memref<1024xf32, #tpu.memory_space<hbm>>
      %dma_wait3A_404 = arith.constant 0 : i32
      %dma_wait3A_405 = tpu.memref_slice %arg21[%dma_wait3A_398, %dma_wait3A_404] : memref<16x1024xf32, #tpu.memory_space<vmem>> -> memref<1x1024xf32, #tpu.memory_space<vmem>>
      %dma_wait3A_406 = tpu.memref_squeeze %dma_wait3A_405 : memref<1x1024xf32, #tpu.memory_space<vmem>> -> memref<1024xf32, #tpu.memory_space<vmem>>
      tpu.wait_dma2 semaphore(%arg22 : memref<!tpu.dma_semaphore, #tpu.memory_space<semaphore_mem>>) src(%dma_wait3A_406 : memref<1024xf32, #tpu.memory_space<vmem>>) dst(%dma_wait3A_403 : memref<1024xf32, #tpu.memory_space<hbm>>)
      %dma_wait3A_407 = arith.constant 13 : i32
      %dma_wait3A_408 = arith.constant 0 : i32
      %dma_wait3A_409 = tpu.memref_slice %arg21[%dma_wait3A_407, %dma_wait3A_408] : memref<16x1024xf32, #tpu.memory_space<vmem>> -> memref<1x1024xf32, #tpu.memory_space<vmem>>
      %dma_wait3A_410 = tpu.memref_squeeze %dma_wait3A_409 : memref<1x1024xf32, #tpu.memory_space<vmem>> -> memref<1024xf32, #tpu.memory_space<vmem>>
      %dma_wait3A_411 = tpu.memref_slice %arg5[%add3A_259] : memref<33554432xf32, #tpu.memory_space<hbm>> -> memref<1024xf32, #tpu.memory_space<hbm>>
      %dma_wait3A_412 = tpu.memref_slice %arg5[%add3A_259] : memref<33554432xf32, #tpu.memory_space<hbm>> -> memref<1024xf32, #tpu.memory_space<hbm>>
      %dma_wait3A_413 = arith.constant 0 : i32
      %dma_wait3A_414 = tpu.memref_slice %arg21[%dma_wait3A_407, %dma_wait3A_413] : memref<16x1024xf32, #tpu.memory_space<vmem>> -> memref<1x1024xf32, #tpu.memory_space<vmem>>
      %dma_wait3A_415 = tpu.memref_squeeze %dma_wait3A_414 : memref<1x1024xf32, #tpu.memory_space<vmem>> -> memref<1024xf32, #tpu.memory_space<vmem>>
      tpu.wait_dma2 semaphore(%arg22 : memref<!tpu.dma_semaphore, #tpu.memory_space<semaphore_mem>>) src(%dma_wait3A_415 : memref<1024xf32, #tpu.memory_space<vmem>>) dst(%dma_wait3A_412 : memref<1024xf32, #tpu.memory_space<hbm>>)
      %dma_wait3A_416 = arith.constant 14 : i32
      %dma_wait3A_417 = arith.constant 0 : i32
      %dma_wait3A_418 = tpu.memref_slice %arg21[%dma_wait3A_416, %dma_wait3A_417] : memref<16x1024xf32, #tpu.memory_space<vmem>> -> memref<1x1024xf32, #tpu.memory_space<vmem>>
      %dma_wait3A_419 = tpu.memref_squeeze %dma_wait3A_418 : memref<1x1024xf32, #tpu.memory_space<vmem>> -> memref<1024xf32, #tpu.memory_space<vmem>>
      %dma_wait3A_420 = tpu.memref_slice %arg5[%add3A_270] : memref<33554432xf32, #tpu.memory_space<hbm>> -> memref<1024xf32, #tpu.memory_space<hbm>>
      %dma_wait3A_421 = tpu.memref_slice %arg5[%add3A_270] : memref<33554432xf32, #tpu.memory_space<hbm>> -> memref<1024xf32, #tpu.memory_space<hbm>>
      %dma_wait3A_422 = arith.constant 0 : i32
      %dma_wait3A_423 = tpu.memref_slice %arg21[%dma_wait3A_416, %dma_wait3A_422] : memref<16x1024xf32, #tpu.memory_space<vmem>> -> memref<1x1024xf32, #tpu.memory_space<vmem>>
      %dma_wait3A_424 = tpu.memref_squeeze %dma_wait3A_423 : memref<1x1024xf32, #tpu.memory_space<vmem>> -> memref<1024xf32, #tpu.memory_space<vmem>>
      tpu.wait_dma2 semaphore(%arg22 : memref<!tpu.dma_semaphore, #tpu.memory_space<semaphore_mem>>) src(%dma_wait3A_424 : memref<1024xf32, #tpu.memory_space<vmem>>) dst(%dma_wait3A_421 : memref<1024xf32, #tpu.memory_space<hbm>>)
      %dma_wait3A_425 = arith.constant 15 : i32
      %dma_wait3A_426 = arith.constant 0 : i32
      %dma_wait3A_427 = tpu.memref_slice %arg21[%dma_wait3A_425, %dma_wait3A_426] : memref<16x1024xf32, #tpu.memory_space<vmem>> -> memref<1x1024xf32, #tpu.memory_space<vmem>>
      %dma_wait3A_428 = tpu.memref_squeeze %dma_wait3A_427 : memref<1x1024xf32, #tpu.memory_space<vmem>> -> memref<1024xf32, #tpu.memory_space<vmem>>
      %dma_wait3A_429 = tpu.memref_slice %arg5[%add3A_281] : memref<33554432xf32, #tpu.memory_space<hbm>> -> memref<1024xf32, #tpu.memory_space<hbm>>
      %dma_wait3A_430 = tpu.memref_slice %arg5[%add3A_281] : memref<33554432xf32, #tpu.memory_space<hbm>> -> memref<1024xf32, #tpu.memory_space<hbm>>
      %dma_wait3A_431 = arith.constant 0 : i32
      %dma_wait3A_432 = tpu.memref_slice %arg21[%dma_wait3A_425, %dma_wait3A_431] : memref<16x1024xf32, #tpu.memory_space<vmem>> -> memref<1x1024xf32, #tpu.memory_space<vmem>>
      %dma_wait3A_433 = tpu.memref_squeeze %dma_wait3A_432 : memref<1x1024xf32, #tpu.memory_space<vmem>> -> memref<1024xf32, #tpu.memory_space<vmem>>
      tpu.wait_dma2 semaphore(%arg22 : memref<!tpu.dma_semaphore, #tpu.memory_space<semaphore_mem>>) src(%dma_wait3A_433 : memref<1024xf32, #tpu.memory_space<vmem>>) dst(%dma_wait3A_430 : memref<1024xf32, #tpu.memory_space<hbm>>)
      %mul3A_434 = arith.constant 2048 : i32
      %mul3A_435 = arith.muli %arg1, %mul3A_434 : i32
      %add3A_436 = arith.constant 1024 : i32
      %add3A_437 = arith.addi %mul3A_435, %add3A_436 : i32
      "tpu.region"() ({
        %run_scoped3A = tpu.sem_alloc : memref<!tpu.dma_semaphore, #tpu.memory_space<semaphore_mem>>
        %dma_start3A_772 = arith.constant 0 : i32
        %dma_start3A_773 = tpu.memref_slice %arg6[%add3A_437, %dma_start3A_772] : memref<32768x16xf32, #tpu.memory_space<vmem_shared>> -> memref<1024x16xf32, #tpu.memory_space<vmem_shared>>
        %dma_start3A_774 = arith.constant 0 : i32
        %dma_start3A_775 = tpu.memref_slice %arg6[%add3A_437, %dma_start3A_774] : memref<32768x16xf32, #tpu.memory_space<vmem_shared>> -> memref<1024x16xf32, #tpu.memory_space<vmem_shared>>
        tpu.enqueue_dma source(%dma_start3A_775 : memref<1024x16xf32, #tpu.memory_space<vmem_shared>>) target(%arg20 : memref<1024x16xf32, #tpu.memory_space<vmem>>) target_semaphore(%run_scoped3A : memref<!tpu.dma_semaphore, #tpu.memory_space<semaphore_mem>>)
        %dma_wait3A_776 = arith.constant 0 : i32
        %dma_wait3A_777 = tpu.memref_slice %arg6[%add3A_437, %dma_wait3A_776] : memref<32768x16xf32, #tpu.memory_space<vmem_shared>> -> memref<1024x16xf32, #tpu.memory_space<vmem_shared>>
        %dma_wait3A_778 = arith.constant 0 : i32
        %dma_wait3A_779 = tpu.memref_slice %arg6[%add3A_437, %dma_wait3A_778] : memref<32768x16xf32, #tpu.memory_space<vmem_shared>> -> memref<1024x16xf32, #tpu.memory_space<vmem_shared>>
        tpu.wait_dma2 semaphore(%run_scoped3A : memref<!tpu.dma_semaphore, #tpu.memory_space<semaphore_mem>>) src(%dma_wait3A_779 : memref<1024x16xf32, #tpu.memory_space<vmem_shared>>) dst(%arg20 : memref<1024x16xf32, #tpu.memory_space<vmem>>)
        tpu.yield
      }) : () -> ()
      %scan3A_438 = arith.constant 0 : i32
      %scan3A_439 = arith.constant 0 : i32
      %scan3A_440 = arith.constant 1024 : i32
      %scan3A_441 = arith.addi %scan3A_439, %scan3A_440 : i32
      %scan3A_442 = arith.constant 1 : i32
      scf.for %scan3A_772 = %scan3A_439 to %scan3A_441 step %scan3A_442  : i32 {
        %mul3A_773 = arith.constant 0 : i32
        %mul3A_774 = vector.broadcast %mul3A_773 : i32 to vector<16xi32>
        %mul3A_775 = arith.muli %iota3A, %mul3A_774 : vector<16xi32>
        %add3A_776 = vector.broadcast %scan3A_772 : i32 to vector<16xi32>
        %add3A_777 = arith.addi %mul3A_775, %add3A_776 : vector<16xi32>
        %get3A_778 = arith.index_cast %scan3A_772 : i32 to index
        %get3A_779 = arith.constant 0 : index
        %get3A_780 = tpu.vector_load %arg20[%get3A_778, %get3A_779] {strides = array<i32>} : memref<1024x16xf32, #tpu.memory_space<vmem>>, vector<16xf32>,
        tpu.vector_store_idx %arg21[%iota3A, %add3A_777], %get3A_780 : memref<16x1024xf32, #tpu.memory_space<vmem>>[vector<16xi32>, vector<16xi32>], vector<16xf32>,
      }
      %scan3A_443 = arith.constant 1024 : i32
      %mul3A_444 = arith.constant 16384 : i32
      %mul3A_445 = arith.muli %mul3A_25, %mul3A_444 : i32
      %mul3A_446 = arith.constant 2048 : i32
      %mul3A_447 = arith.muli %arg1, %mul3A_446 : i32
      %add3A_448 = arith.addi %mul3A_445, %mul3A_447 : i32
      %add3A_449 = arith.constant 1024 : i32
      %add3A_450 = arith.addi %add3A_448, %add3A_449 : i32
      %add3A_451 = arith.constant 0 : i32
      %add3A_452 = arith.addi %add3A_451, %add3A_450 : i32
      %dma_start3A_453 = arith.constant 0 : i32
      %dma_start3A_454 = arith.constant 0 : i32
      %dma_start3A_455 = tpu.memref_slice %arg21[%dma_start3A_453, %dma_start3A_454] : memref<16x1024xf32, #tpu.memory_space<vmem>> -> memref<1x1024xf32, #tpu.memory_space<vmem>>
      %dma_start3A_456 = tpu.memref_squeeze %dma_start3A_455 : memref<1x1024xf32, #tpu.memory_space<vmem>> -> memref<1024xf32, #tpu.memory_space<vmem>>
      %dma_start3A_457 = tpu.memref_slice %arg5[%add3A_452] : memref<33554432xf32, #tpu.memory_space<hbm>> -> memref<1024xf32, #tpu.memory_space<hbm>>
      %dma_start3A_458 = tpu.memref_slice %arg5[%add3A_452] : memref<33554432xf32, #tpu.memory_space<hbm>> -> memref<1024xf32, #tpu.memory_space<hbm>>
      %dma_start3A_459 = arith.constant 0 : i32
      %dma_start3A_460 = tpu.memref_slice %arg21[%dma_start3A_453, %dma_start3A_459] : memref<16x1024xf32, #tpu.memory_space<vmem>> -> memref<1x1024xf32, #tpu.memory_space<vmem>>
      %dma_start3A_461 = tpu.memref_squeeze %dma_start3A_460 : memref<1x1024xf32, #tpu.memory_space<vmem>> -> memref<1024xf32, #tpu.memory_space<vmem>>
      tpu.enqueue_dma source(%dma_start3A_461 : memref<1024xf32, #tpu.memory_space<vmem>>) target(%dma_start3A_458 : memref<1024xf32, #tpu.memory_space<hbm>>) target_semaphore(%arg22 : memref<!tpu.dma_semaphore, #tpu.memory_space<semaphore_mem>>)
      %add3A_462 = arith.constant 2097152 : i32
      %add3A_463 = arith.addi %add3A_462, %add3A_450 : i32
      %dma_start3A_464 = arith.constant 1 : i32
      %dma_start3A_465 = arith.constant 0 : i32
      %dma_start3A_466 = tpu.memref_slice %arg21[%dma_start3A_464, %dma_start3A_465] : memref<16x1024xf32, #tpu.memory_space<vmem>> -> memref<1x1024xf32, #tpu.memory_space<vmem>>
      %dma_start3A_467 = tpu.memref_squeeze %dma_start3A_466 : memref<1x1024xf32, #tpu.memory_space<vmem>> -> memref<1024xf32, #tpu.memory_space<vmem>>
      %dma_start3A_468 = tpu.memref_slice %arg5[%add3A_463] : memref<33554432xf32, #tpu.memory_space<hbm>> -> memref<1024xf32, #tpu.memory_space<hbm>>
      %dma_start3A_469 = tpu.memref_slice %arg5[%add3A_463] : memref<33554432xf32, #tpu.memory_space<hbm>> -> memref<1024xf32, #tpu.memory_space<hbm>>
      %dma_start3A_470 = arith.constant 0 : i32
      %dma_start3A_471 = tpu.memref_slice %arg21[%dma_start3A_464, %dma_start3A_470] : memref<16x1024xf32, #tpu.memory_space<vmem>> -> memref<1x1024xf32, #tpu.memory_space<vmem>>
      %dma_start3A_472 = tpu.memref_squeeze %dma_start3A_471 : memref<1x1024xf32, #tpu.memory_space<vmem>> -> memref<1024xf32, #tpu.memory_space<vmem>>
      tpu.enqueue_dma source(%dma_start3A_472 : memref<1024xf32, #tpu.memory_space<vmem>>) target(%dma_start3A_469 : memref<1024xf32, #tpu.memory_space<hbm>>) target_semaphore(%arg22 : memref<!tpu.dma_semaphore, #tpu.memory_space<semaphore_mem>>)
      %add3A_473 = arith.constant 4194304 : i32
      %add3A_474 = arith.addi %add3A_473, %add3A_450 : i32
      %dma_start3A_475 = arith.constant 2 : i32
      %dma_start3A_476 = arith.constant 0 : i32
      %dma_start3A_477 = tpu.memref_slice %arg21[%dma_start3A_475, %dma_start3A_476] : memref<16x1024xf32, #tpu.memory_space<vmem>> -> memref<1x1024xf32, #tpu.memory_space<vmem>>
      %dma_start3A_478 = tpu.memref_squeeze %dma_start3A_477 : memref<1x1024xf32, #tpu.memory_space<vmem>> -> memref<1024xf32, #tpu.memory_space<vmem>>
      %dma_start3A_479 = tpu.memref_slice %arg5[%add3A_474] : memref<33554432xf32, #tpu.memory_space<hbm>> -> memref<1024xf32, #tpu.memory_space<hbm>>
      %dma_start3A_480 = tpu.memref_slice %arg5[%add3A_474] : memref<33554432xf32, #tpu.memory_space<hbm>> -> memref<1024xf32, #tpu.memory_space<hbm>>
      %dma_start3A_481 = arith.constant 0 : i32
      %dma_start3A_482 = tpu.memref_slice %arg21[%dma_start3A_475, %dma_start3A_481] : memref<16x1024xf32, #tpu.memory_space<vmem>> -> memref<1x1024xf32, #tpu.memory_space<vmem>>
      %dma_start3A_483 = tpu.memref_squeeze %dma_start3A_482 : memref<1x1024xf32, #tpu.memory_space<vmem>> -> memref<1024xf32, #tpu.memory_space<vmem>>
      tpu.enqueue_dma source(%dma_start3A_483 : memref<1024xf32, #tpu.memory_space<vmem>>) target(%dma_start3A_480 : memref<1024xf32, #tpu.memory_space<hbm>>) target_semaphore(%arg22 : memref<!tpu.dma_semaphore, #tpu.memory_space<semaphore_mem>>)
      %add3A_484 = arith.constant 6291456 : i32
      %add3A_485 = arith.addi %add3A_484, %add3A_450 : i32
      %dma_start3A_486 = arith.constant 3 : i32
      %dma_start3A_487 = arith.constant 0 : i32
      %dma_start3A_488 = tpu.memref_slice %arg21[%dma_start3A_486, %dma_start3A_487] : memref<16x1024xf32, #tpu.memory_space<vmem>> -> memref<1x1024xf32, #tpu.memory_space<vmem>>
      %dma_start3A_489 = tpu.memref_squeeze %dma_start3A_488 : memref<1x1024xf32, #tpu.memory_space<vmem>> -> memref<1024xf32, #tpu.memory_space<vmem>>
      %dma_start3A_490 = tpu.memref_slice %arg5[%add3A_485] : memref<33554432xf32, #tpu.memory_space<hbm>> -> memref<1024xf32, #tpu.memory_space<hbm>>
      %dma_start3A_491 = tpu.memref_slice %arg5[%add3A_485] : memref<33554432xf32, #tpu.memory_space<hbm>> -> memref<1024xf32, #tpu.memory_space<hbm>>
      %dma_start3A_492 = arith.constant 0 : i32
      %dma_start3A_493 = tpu.memref_slice %arg21[%dma_start3A_486, %dma_start3A_492] : memref<16x1024xf32, #tpu.memory_space<vmem>> -> memref<1x1024xf32, #tpu.memory_space<vmem>>
      %dma_start3A_494 = tpu.memref_squeeze %dma_start3A_493 : memref<1x1024xf32, #tpu.memory_space<vmem>> -> memref<1024xf32, #tpu.memory_space<vmem>>
      tpu.enqueue_dma source(%dma_start3A_494 : memref<1024xf32, #tpu.memory_space<vmem>>) target(%dma_start3A_491 : memref<1024xf32, #tpu.memory_space<hbm>>) target_semaphore(%arg22 : memref<!tpu.dma_semaphore, #tpu.memory_space<semaphore_mem>>)
      %add3A_495 = arith.constant 8388608 : i32
      %add3A_496 = arith.addi %add3A_495, %add3A_450 : i32
      %dma_start3A_497 = arith.constant 4 : i32
      %dma_start3A_498 = arith.constant 0 : i32
      %dma_start3A_499 = tpu.memref_slice %arg21[%dma_start3A_497, %dma_start3A_498] : memref<16x1024xf32, #tpu.memory_space<vmem>> -> memref<1x1024xf32, #tpu.memory_space<vmem>>
      %dma_start3A_500 = tpu.memref_squeeze %dma_start3A_499 : memref<1x1024xf32, #tpu.memory_space<vmem>> -> memref<1024xf32, #tpu.memory_space<vmem>>
      %dma_start3A_501 = tpu.memref_slice %arg5[%add3A_496] : memref<33554432xf32, #tpu.memory_space<hbm>> -> memref<1024xf32, #tpu.memory_space<hbm>>
      %dma_start3A_502 = tpu.memref_slice %arg5[%add3A_496] : memref<33554432xf32, #tpu.memory_space<hbm>> -> memref<1024xf32, #tpu.memory_space<hbm>>
      %dma_start3A_503 = arith.constant 0 : i32
      %dma_start3A_504 = tpu.memref_slice %arg21[%dma_start3A_497, %dma_start3A_503] : memref<16x1024xf32, #tpu.memory_space<vmem>> -> memref<1x1024xf32, #tpu.memory_space<vmem>>
      %dma_start3A_505 = tpu.memref_squeeze %dma_start3A_504 : memref<1x1024xf32, #tpu.memory_space<vmem>> -> memref<1024xf32, #tpu.memory_space<vmem>>
      tpu.enqueue_dma source(%dma_start3A_505 : memref<1024xf32, #tpu.memory_space<vmem>>) target(%dma_start3A_502 : memref<1024xf32, #tpu.memory_space<hbm>>) target_semaphore(%arg22 : memref<!tpu.dma_semaphore, #tpu.memory_space<semaphore_mem>>)
      %add3A_506 = arith.constant 10485760 : i32
      %add3A_507 = arith.addi %add3A_506, %add3A_450 : i32
      %dma_start3A_508 = arith.constant 5 : i32
      %dma_start3A_509 = arith.constant 0 : i32
      %dma_start3A_510 = tpu.memref_slice %arg21[%dma_start3A_508, %dma_start3A_509] : memref<16x1024xf32, #tpu.memory_space<vmem>> -> memref<1x1024xf32, #tpu.memory_space<vmem>>
      %dma_start3A_511 = tpu.memref_squeeze %dma_start3A_510 : memref<1x1024xf32, #tpu.memory_space<vmem>> -> memref<1024xf32, #tpu.memory_space<vmem>>
      %dma_start3A_512 = tpu.memref_slice %arg5[%add3A_507] : memref<33554432xf32, #tpu.memory_space<hbm>> -> memref<1024xf32, #tpu.memory_space<hbm>>
      %dma_start3A_513 = tpu.memref_slice %arg5[%add3A_507] : memref<33554432xf32, #tpu.memory_space<hbm>> -> memref<1024xf32, #tpu.memory_space<hbm>>
      %dma_start3A_514 = arith.constant 0 : i32
      %dma_start3A_515 = tpu.memref_slice %arg21[%dma_start3A_508, %dma_start3A_514] : memref<16x1024xf32, #tpu.memory_space<vmem>> -> memref<1x1024xf32, #tpu.memory_space<vmem>>
      %dma_start3A_516 = tpu.memref_squeeze %dma_start3A_515 : memref<1x1024xf32, #tpu.memory_space<vmem>> -> memref<1024xf32, #tpu.memory_space<vmem>>
      tpu.enqueue_dma source(%dma_start3A_516 : memref<1024xf32, #tpu.memory_space<vmem>>) target(%dma_start3A_513 : memref<1024xf32, #tpu.memory_space<hbm>>) target_semaphore(%arg22 : memref<!tpu.dma_semaphore, #tpu.memory_space<semaphore_mem>>)
      %add3A_517 = arith.constant 12582912 : i32
      %add3A_518 = arith.addi %add3A_517, %add3A_450 : i32
      %dma_start3A_519 = arith.constant 6 : i32
      %dma_start3A_520 = arith.constant 0 : i32
      %dma_start3A_521 = tpu.memref_slice %arg21[%dma_start3A_519, %dma_start3A_520] : memref<16x1024xf32, #tpu.memory_space<vmem>> -> memref<1x1024xf32, #tpu.memory_space<vmem>>
      %dma_start3A_522 = tpu.memref_squeeze %dma_start3A_521 : memref<1x1024xf32, #tpu.memory_space<vmem>> -> memref<1024xf32, #tpu.memory_space<vmem>>
      %dma_start3A_523 = tpu.memref_slice %arg5[%add3A_518] : memref<33554432xf32, #tpu.memory_space<hbm>> -> memref<1024xf32, #tpu.memory_space<hbm>>
      %dma_start3A_524 = tpu.memref_slice %arg5[%add3A_518] : memref<33554432xf32, #tpu.memory_space<hbm>> -> memref<1024xf32, #tpu.memory_space<hbm>>
      %dma_start3A_525 = arith.constant 0 : i32
      %dma_start3A_526 = tpu.memref_slice %arg21[%dma_start3A_519, %dma_start3A_525] : memref<16x1024xf32, #tpu.memory_space<vmem>> -> memref<1x1024xf32, #tpu.memory_space<vmem>>
      %dma_start3A_527 = tpu.memref_squeeze %dma_start3A_526 : memref<1x1024xf32, #tpu.memory_space<vmem>> -> memref<1024xf32, #tpu.memory_space<vmem>>
      tpu.enqueue_dma source(%dma_start3A_527 : memref<1024xf32, #tpu.memory_space<vmem>>) target(%dma_start3A_524 : memref<1024xf32, #tpu.memory_space<hbm>>) target_semaphore(%arg22 : memref<!tpu.dma_semaphore, #tpu.memory_space<semaphore_mem>>)
      %add3A_528 = arith.constant 14680064 : i32
      %add3A_529 = arith.addi %add3A_528, %add3A_450 : i32
      %dma_start3A_530 = arith.constant 7 : i32
      %dma_start3A_531 = arith.constant 0 : i32
      %dma_start3A_532 = tpu.memref_slice %arg21[%dma_start3A_530, %dma_start3A_531] : memref<16x1024xf32, #tpu.memory_space<vmem>> -> memref<1x1024xf32, #tpu.memory_space<vmem>>
      %dma_start3A_533 = tpu.memref_squeeze %dma_start3A_532 : memref<1x1024xf32, #tpu.memory_space<vmem>> -> memref<1024xf32, #tpu.memory_space<vmem>>
      %dma_start3A_534 = tpu.memref_slice %arg5[%add3A_529] : memref<33554432xf32, #tpu.memory_space<hbm>> -> memref<1024xf32, #tpu.memory_space<hbm>>
      %dma_start3A_535 = tpu.memref_slice %arg5[%add3A_529] : memref<33554432xf32, #tpu.memory_space<hbm>> -> memref<1024xf32, #tpu.memory_space<hbm>>
      %dma_start3A_536 = arith.constant 0 : i32
      %dma_start3A_537 = tpu.memref_slice %arg21[%dma_start3A_530, %dma_start3A_536] : memref<16x1024xf32, #tpu.memory_space<vmem>> -> memref<1x1024xf32, #tpu.memory_space<vmem>>
      %dma_start3A_538 = tpu.memref_squeeze %dma_start3A_537 : memref<1x1024xf32, #tpu.memory_space<vmem>> -> memref<1024xf32, #tpu.memory_space<vmem>>
      tpu.enqueue_dma source(%dma_start3A_538 : memref<1024xf32, #tpu.memory_space<vmem>>) target(%dma_start3A_535 : memref<1024xf32, #tpu.memory_space<hbm>>) target_semaphore(%arg22 : memref<!tpu.dma_semaphore, #tpu.memory_space<semaphore_mem>>)
      %add3A_539 = arith.constant 16777216 : i32
      %add3A_540 = arith.addi %add3A_539, %add3A_450 : i32
      %dma_start3A_541 = arith.constant 8 : i32
      %dma_start3A_542 = arith.constant 0 : i32
      %dma_start3A_543 = tpu.memref_slice %arg21[%dma_start3A_541, %dma_start3A_542] : memref<16x1024xf32, #tpu.memory_space<vmem>> -> memref<1x1024xf32, #tpu.memory_space<vmem>>
      %dma_start3A_544 = tpu.memref_squeeze %dma_start3A_543 : memref<1x1024xf32, #tpu.memory_space<vmem>> -> memref<1024xf32, #tpu.memory_space<vmem>>
      %dma_start3A_545 = tpu.memref_slice %arg5[%add3A_540] : memref<33554432xf32, #tpu.memory_space<hbm>> -> memref<1024xf32, #tpu.memory_space<hbm>>
      %dma_start3A_546 = tpu.memref_slice %arg5[%add3A_540] : memref<33554432xf32, #tpu.memory_space<hbm>> -> memref<1024xf32, #tpu.memory_space<hbm>>
      %dma_start3A_547 = arith.constant 0 : i32
      %dma_start3A_548 = tpu.memref_slice %arg21[%dma_start3A_541, %dma_start3A_547] : memref<16x1024xf32, #tpu.memory_space<vmem>> -> memref<1x1024xf32, #tpu.memory_space<vmem>>
      %dma_start3A_549 = tpu.memref_squeeze %dma_start3A_548 : memref<1x1024xf32, #tpu.memory_space<vmem>> -> memref<1024xf32, #tpu.memory_space<vmem>>
      tpu.enqueue_dma source(%dma_start3A_549 : memref<1024xf32, #tpu.memory_space<vmem>>) target(%dma_start3A_546 : memref<1024xf32, #tpu.memory_space<hbm>>) target_semaphore(%arg22 : memref<!tpu.dma_semaphore, #tpu.memory_space<semaphore_mem>>)
      %add3A_550 = arith.constant 18874368 : i32
      %add3A_551 = arith.addi %add3A_550, %add3A_450 : i32
      %dma_start3A_552 = arith.constant 9 : i32
      %dma_start3A_553 = arith.constant 0 : i32
      %dma_start3A_554 = tpu.memref_slice %arg21[%dma_start3A_552, %dma_start3A_553] : memref<16x1024xf32, #tpu.memory_space<vmem>> -> memref<1x1024xf32, #tpu.memory_space<vmem>>
      %dma_start3A_555 = tpu.memref_squeeze %dma_start3A_554 : memref<1x1024xf32, #tpu.memory_space<vmem>> -> memref<1024xf32, #tpu.memory_space<vmem>>
      %dma_start3A_556 = tpu.memref_slice %arg5[%add3A_551] : memref<33554432xf32, #tpu.memory_space<hbm>> -> memref<1024xf32, #tpu.memory_space<hbm>>
      %dma_start3A_557 = tpu.memref_slice %arg5[%add3A_551] : memref<33554432xf32, #tpu.memory_space<hbm>> -> memref<1024xf32, #tpu.memory_space<hbm>>
      %dma_start3A_558 = arith.constant 0 : i32
      %dma_start3A_559 = tpu.memref_slice %arg21[%dma_start3A_552, %dma_start3A_558] : memref<16x1024xf32, #tpu.memory_space<vmem>> -> memref<1x1024xf32, #tpu.memory_space<vmem>>
      %dma_start3A_560 = tpu.memref_squeeze %dma_start3A_559 : memref<1x1024xf32, #tpu.memory_space<vmem>> -> memref<1024xf32, #tpu.memory_space<vmem>>
      tpu.enqueue_dma source(%dma_start3A_560 : memref<1024xf32, #tpu.memory_space<vmem>>) target(%dma_start3A_557 : memref<1024xf32, #tpu.memory_space<hbm>>) target_semaphore(%arg22 : memref<!tpu.dma_semaphore, #tpu.memory_space<semaphore_mem>>)
      %add3A_561 = arith.constant 20971520 : i32
      %add3A_562 = arith.addi %add3A_561, %add3A_450 : i32
      %dma_start3A_563 = arith.constant 10 : i32
      %dma_start3A_564 = arith.constant 0 : i32
      %dma_start3A_565 = tpu.memref_slice %arg21[%dma_start3A_563, %dma_start3A_564] : memref<16x1024xf32, #tpu.memory_space<vmem>> -> memref<1x1024xf32, #tpu.memory_space<vmem>>
      %dma_start3A_566 = tpu.memref_squeeze %dma_start3A_565 : memref<1x1024xf32, #tpu.memory_space<vmem>> -> memref<1024xf32, #tpu.memory_space<vmem>>
      %dma_start3A_567 = tpu.memref_slice %arg5[%add3A_562] : memref<33554432xf32, #tpu.memory_space<hbm>> -> memref<1024xf32, #tpu.memory_space<hbm>>
      %dma_start3A_568 = tpu.memref_slice %arg5[%add3A_562] : memref<33554432xf32, #tpu.memory_space<hbm>> -> memref<1024xf32, #tpu.memory_space<hbm>>
      %dma_start3A_569 = arith.constant 0 : i32
      %dma_start3A_570 = tpu.memref_slice %arg21[%dma_start3A_563, %dma_start3A_569] : memref<16x1024xf32, #tpu.memory_space<vmem>> -> memref<1x1024xf32, #tpu.memory_space<vmem>>
      %dma_start3A_571 = tpu.memref_squeeze %dma_start3A_570 : memref<1x1024xf32, #tpu.memory_space<vmem>> -> memref<1024xf32, #tpu.memory_space<vmem>>
      tpu.enqueue_dma source(%dma_start3A_571 : memref<1024xf32, #tpu.memory_space<vmem>>) target(%dma_start3A_568 : memref<1024xf32, #tpu.memory_space<hbm>>) target_semaphore(%arg22 : memref<!tpu.dma_semaphore, #tpu.memory_space<semaphore_mem>>)
      %add3A_572 = arith.constant 23068672 : i32
      %add3A_573 = arith.addi %add3A_572, %add3A_450 : i32
      %dma_start3A_574 = arith.constant 11 : i32
      %dma_start3A_575 = arith.constant 0 : i32
      %dma_start3A_576 = tpu.memref_slice %arg21[%dma_start3A_574, %dma_start3A_575] : memref<16x1024xf32, #tpu.memory_space<vmem>> -> memref<1x1024xf32, #tpu.memory_space<vmem>>
      %dma_start3A_577 = tpu.memref_squeeze %dma_start3A_576 : memref<1x1024xf32, #tpu.memory_space<vmem>> -> memref<1024xf32, #tpu.memory_space<vmem>>
      %dma_start3A_578 = tpu.memref_slice %arg5[%add3A_573] : memref<33554432xf32, #tpu.memory_space<hbm>> -> memref<1024xf32, #tpu.memory_space<hbm>>
      %dma_start3A_579 = tpu.memref_slice %arg5[%add3A_573] : memref<33554432xf32, #tpu.memory_space<hbm>> -> memref<1024xf32, #tpu.memory_space<hbm>>
      %dma_start3A_580 = arith.constant 0 : i32
      %dma_start3A_581 = tpu.memref_slice %arg21[%dma_start3A_574, %dma_start3A_580] : memref<16x1024xf32, #tpu.memory_space<vmem>> -> memref<1x1024xf32, #tpu.memory_space<vmem>>
      %dma_start3A_582 = tpu.memref_squeeze %dma_start3A_581 : memref<1x1024xf32, #tpu.memory_space<vmem>> -> memref<1024xf32, #tpu.memory_space<vmem>>
      tpu.enqueue_dma source(%dma_start3A_582 : memref<1024xf32, #tpu.memory_space<vmem>>) target(%dma_start3A_579 : memref<1024xf32, #tpu.memory_space<hbm>>) target_semaphore(%arg22 : memref<!tpu.dma_semaphore, #tpu.memory_space<semaphore_mem>>)
      %add3A_583 = arith.constant 25165824 : i32
      %add3A_584 = arith.addi %add3A_583, %add3A_450 : i32
      %dma_start3A_585 = arith.constant 12 : i32
      %dma_start3A_586 = arith.constant 0 : i32
      %dma_start3A_587 = tpu.memref_slice %arg21[%dma_start3A_585, %dma_start3A_586] : memref<16x1024xf32, #tpu.memory_space<vmem>> -> memref<1x1024xf32, #tpu.memory_space<vmem>>
      %dma_start3A_588 = tpu.memref_squeeze %dma_start3A_587 : memref<1x1024xf32, #tpu.memory_space<vmem>> -> memref<1024xf32, #tpu.memory_space<vmem>>
      %dma_start3A_589 = tpu.memref_slice %arg5[%add3A_584] : memref<33554432xf32, #tpu.memory_space<hbm>> -> memref<1024xf32, #tpu.memory_space<hbm>>
      %dma_start3A_590 = tpu.memref_slice %arg5[%add3A_584] : memref<33554432xf32, #tpu.memory_space<hbm>> -> memref<1024xf32, #tpu.memory_space<hbm>>
      %dma_start3A_591 = arith.constant 0 : i32
      %dma_start3A_592 = tpu.memref_slice %arg21[%dma_start3A_585, %dma_start3A_591] : memref<16x1024xf32, #tpu.memory_space<vmem>> -> memref<1x1024xf32, #tpu.memory_space<vmem>>
      %dma_start3A_593 = tpu.memref_squeeze %dma_start3A_592 : memref<1x1024xf32, #tpu.memory_space<vmem>> -> memref<1024xf32, #tpu.memory_space<vmem>>
      tpu.enqueue_dma source(%dma_start3A_593 : memref<1024xf32, #tpu.memory_space<vmem>>) target(%dma_start3A_590 : memref<1024xf32, #tpu.memory_space<hbm>>) target_semaphore(%arg22 : memref<!tpu.dma_semaphore, #tpu.memory_space<semaphore_mem>>)
      %add3A_594 = arith.constant 27262976 : i32
      %add3A_595 = arith.addi %add3A_594, %add3A_450 : i32
      %dma_start3A_596 = arith.constant 13 : i32
      %dma_start3A_597 = arith.constant 0 : i32
      %dma_start3A_598 = tpu.memref_slice %arg21[%dma_start3A_596, %dma_start3A_597] : memref<16x1024xf32, #tpu.memory_space<vmem>> -> memref<1x1024xf32, #tpu.memory_space<vmem>>
      %dma_start3A_599 = tpu.memref_squeeze %dma_start3A_598 : memref<1x1024xf32, #tpu.memory_space<vmem>> -> memref<1024xf32, #tpu.memory_space<vmem>>
      %dma_start3A_600 = tpu.memref_slice %arg5[%add3A_595] : memref<33554432xf32, #tpu.memory_space<hbm>> -> memref<1024xf32, #tpu.memory_space<hbm>>
      %dma_start3A_601 = tpu.memref_slice %arg5[%add3A_595] : memref<33554432xf32, #tpu.memory_space<hbm>> -> memref<1024xf32, #tpu.memory_space<hbm>>
      %dma_start3A_602 = arith.constant 0 : i32
      %dma_start3A_603 = tpu.memref_slice %arg21[%dma_start3A_596, %dma_start3A_602] : memref<16x1024xf32, #tpu.memory_space<vmem>> -> memref<1x1024xf32, #tpu.memory_space<vmem>>
      %dma_start3A_604 = tpu.memref_squeeze %dma_start3A_603 : memref<1x1024xf32, #tpu.memory_space<vmem>> -> memref<1024xf32, #tpu.memory_space<vmem>>
      tpu.enqueue_dma source(%dma_start3A_604 : memref<1024xf32, #tpu.memory_space<vmem>>) target(%dma_start3A_601 : memref<1024xf32, #tpu.memory_space<hbm>>) target_semaphore(%arg22 : memref<!tpu.dma_semaphore, #tpu.memory_space<semaphore_mem>>)
      %add3A_605 = arith.constant 29360128 : i32
      %add3A_606 = arith.addi %add3A_605, %add3A_450 : i32
      %dma_start3A_607 = arith.constant 14 : i32
      %dma_start3A_608 = arith.constant 0 : i32
      %dma_start3A_609 = tpu.memref_slice %arg21[%dma_start3A_607, %dma_start3A_608] : memref<16x1024xf32, #tpu.memory_space<vmem>> -> memref<1x1024xf32, #tpu.memory_space<vmem>>
      %dma_start3A_610 = tpu.memref_squeeze %dma_start3A_609 : memref<1x1024xf32, #tpu.memory_space<vmem>> -> memref<1024xf32, #tpu.memory_space<vmem>>
      %dma_start3A_611 = tpu.memref_slice %arg5[%add3A_606] : memref<33554432xf32, #tpu.memory_space<hbm>> -> memref<1024xf32, #tpu.memory_space<hbm>>
      %dma_start3A_612 = tpu.memref_slice %arg5[%add3A_606] : memref<33554432xf32, #tpu.memory_space<hbm>> -> memref<1024xf32, #tpu.memory_space<hbm>>
      %dma_start3A_613 = arith.constant 0 : i32
      %dma_start3A_614 = tpu.memref_slice %arg21[%dma_start3A_607, %dma_start3A_613] : memref<16x1024xf32, #tpu.memory_space<vmem>> -> memref<1x1024xf32, #tpu.memory_space<vmem>>
      %dma_start3A_615 = tpu.memref_squeeze %dma_start3A_614 : memref<1x1024xf32, #tpu.memory_space<vmem>> -> memref<1024xf32, #tpu.memory_space<vmem>>
      tpu.enqueue_dma source(%dma_start3A_615 : memref<1024xf32, #tpu.memory_space<vmem>>) target(%dma_start3A_612 : memref<1024xf32, #tpu.memory_space<hbm>>) target_semaphore(%arg22 : memref<!tpu.dma_semaphore, #tpu.memory_space<semaphore_mem>>)
      %add3A_616 = arith.constant 31457280 : i32
      %add3A_617 = arith.addi %add3A_616, %add3A_450 : i32
      %dma_start3A_618 = arith.constant 15 : i32
      %dma_start3A_619 = arith.constant 0 : i32
      %dma_start3A_620 = tpu.memref_slice %arg21[%dma_start3A_618, %dma_start3A_619] : memref<16x1024xf32, #tpu.memory_space<vmem>> -> memref<1x1024xf32, #tpu.memory_space<vmem>>
      %dma_start3A_621 = tpu.memref_squeeze %dma_start3A_620 : memref<1x1024xf32, #tpu.memory_space<vmem>> -> memref<1024xf32, #tpu.memory_space<vmem>>
      %dma_start3A_622 = tpu.memref_slice %arg5[%add3A_617] : memref<33554432xf32, #tpu.memory_space<hbm>> -> memref<1024xf32, #tpu.memory_space<hbm>>
      %dma_start3A_623 = tpu.memref_slice %arg5[%add3A_617] : memref<33554432xf32, #tpu.memory_space<hbm>> -> memref<1024xf32, #tpu.memory_space<hbm>>
      %dma_start3A_624 = arith.constant 0 : i32
      %dma_start3A_625 = tpu.memref_slice %arg21[%dma_start3A_618, %dma_start3A_624] : memref<16x1024xf32, #tpu.memory_space<vmem>> -> memref<1x1024xf32, #tpu.memory_space<vmem>>
      %dma_start3A_626 = tpu.memref_squeeze %dma_start3A_625 : memref<1x1024xf32, #tpu.memory_space<vmem>> -> memref<1024xf32, #tpu.memory_space<vmem>>
      tpu.enqueue_dma source(%dma_start3A_626 : memref<1024xf32, #tpu.memory_space<vmem>>) target(%dma_start3A_623 : memref<1024xf32, #tpu.memory_space<hbm>>) target_semaphore(%arg22 : memref<!tpu.dma_semaphore, #tpu.memory_space<semaphore_mem>>)
      %dma_wait3A_627 = arith.constant 0 : i32
      %dma_wait3A_628 = arith.constant 0 : i32
      %dma_wait3A_629 = tpu.memref_slice %arg21[%dma_wait3A_627, %dma_wait3A_628] : memref<16x1024xf32, #tpu.memory_space<vmem>> -> memref<1x1024xf32, #tpu.memory_space<vmem>>
      %dma_wait3A_630 = tpu.memref_squeeze %dma_wait3A_629 : memref<1x1024xf32, #tpu.memory_space<vmem>> -> memref<1024xf32, #tpu.memory_space<vmem>>
      %dma_wait3A_631 = tpu.memref_slice %arg5[%add3A_452] : memref<33554432xf32, #tpu.memory_space<hbm>> -> memref<1024xf32, #tpu.memory_space<hbm>>
      %dma_wait3A_632 = tpu.memref_slice %arg5[%add3A_452] : memref<33554432xf32, #tpu.memory_space<hbm>> -> memref<1024xf32, #tpu.memory_space<hbm>>
      %dma_wait3A_633 = arith.constant 0 : i32
      %dma_wait3A_634 = tpu.memref_slice %arg21[%dma_wait3A_627, %dma_wait3A_633] : memref<16x1024xf32, #tpu.memory_space<vmem>> -> memref<1x1024xf32, #tpu.memory_space<vmem>>
      %dma_wait3A_635 = tpu.memref_squeeze %dma_wait3A_634 : memref<1x1024xf32, #tpu.memory_space<vmem>> -> memref<1024xf32, #tpu.memory_space<vmem>>
      tpu.wait_dma2 semaphore(%arg22 : memref<!tpu.dma_semaphore, #tpu.memory_space<semaphore_mem>>) src(%dma_wait3A_635 : memref<1024xf32, #tpu.memory_space<vmem>>) dst(%dma_wait3A_632 : memref<1024xf32, #tpu.memory_space<hbm>>)
      %dma_wait3A_636 = arith.constant 1 : i32
      %dma_wait3A_637 = arith.constant 0 : i32
      %dma_wait3A_638 = tpu.memref_slice %arg21[%dma_wait3A_636, %dma_wait3A_637] : memref<16x1024xf32, #tpu.memory_space<vmem>> -> memref<1x1024xf32, #tpu.memory_space<vmem>>
      %dma_wait3A_639 = tpu.memref_squeeze %dma_wait3A_638 : memref<1x1024xf32, #tpu.memory_space<vmem>> -> memref<1024xf32, #tpu.memory_space<vmem>>
      %dma_wait3A_640 = tpu.memref_slice %arg5[%add3A_463] : memref<33554432xf32, #tpu.memory_space<hbm>> -> memref<1024xf32, #tpu.memory_space<hbm>>
      %dma_wait3A_641 = tpu.memref_slice %arg5[%add3A_463] : memref<33554432xf32, #tpu.memory_space<hbm>> -> memref<1024xf32, #tpu.memory_space<hbm>>
      %dma_wait3A_642 = arith.constant 0 : i32
      %dma_wait3A_643 = tpu.memref_slice %arg21[%dma_wait3A_636, %dma_wait3A_642] : memref<16x1024xf32, #tpu.memory_space<vmem>> -> memref<1x1024xf32, #tpu.memory_space<vmem>>
      %dma_wait3A_644 = tpu.memref_squeeze %dma_wait3A_643 : memref<1x1024xf32, #tpu.memory_space<vmem>> -> memref<1024xf32, #tpu.memory_space<vmem>>
      tpu.wait_dma2 semaphore(%arg22 : memref<!tpu.dma_semaphore, #tpu.memory_space<semaphore_mem>>) src(%dma_wait3A_644 : memref<1024xf32, #tpu.memory_space<vmem>>) dst(%dma_wait3A_641 : memref<1024xf32, #tpu.memory_space<hbm>>)
      %dma_wait3A_645 = arith.constant 2 : i32
      %dma_wait3A_646 = arith.constant 0 : i32
      %dma_wait3A_647 = tpu.memref_slice %arg21[%dma_wait3A_645, %dma_wait3A_646] : memref<16x1024xf32, #tpu.memory_space<vmem>> -> memref<1x1024xf32, #tpu.memory_space<vmem>>
      %dma_wait3A_648 = tpu.memref_squeeze %dma_wait3A_647 : memref<1x1024xf32, #tpu.memory_space<vmem>> -> memref<1024xf32, #tpu.memory_space<vmem>>
      %dma_wait3A_649 = tpu.memref_slice %arg5[%add3A_474] : memref<33554432xf32, #tpu.memory_space<hbm>> -> memref<1024xf32, #tpu.memory_space<hbm>>
      %dma_wait3A_650 = tpu.memref_slice %arg5[%add3A_474] : memref<33554432xf32, #tpu.memory_space<hbm>> -> memref<1024xf32, #tpu.memory_space<hbm>>
      %dma_wait3A_651 = arith.constant 0 : i32
      %dma_wait3A_652 = tpu.memref_slice %arg21[%dma_wait3A_645, %dma_wait3A_651] : memref<16x1024xf32, #tpu.memory_space<vmem>> -> memref<1x1024xf32, #tpu.memory_space<vmem>>
      %dma_wait3A_653 = tpu.memref_squeeze %dma_wait3A_652 : memref<1x1024xf32, #tpu.memory_space<vmem>> -> memref<1024xf32, #tpu.memory_space<vmem>>
      tpu.wait_dma2 semaphore(%arg22 : memref<!tpu.dma_semaphore, #tpu.memory_space<semaphore_mem>>) src(%dma_wait3A_653 : memref<1024xf32, #tpu.memory_space<vmem>>) dst(%dma_wait3A_650 : memref<1024xf32, #tpu.memory_space<hbm>>)
      %dma_wait3A_654 = arith.constant 3 : i32
      %dma_wait3A_655 = arith.constant 0 : i32
      %dma_wait3A_656 = tpu.memref_slice %arg21[%dma_wait3A_654, %dma_wait3A_655] : memref<16x1024xf32, #tpu.memory_space<vmem>> -> memref<1x1024xf32, #tpu.memory_space<vmem>>
      %dma_wait3A_657 = tpu.memref_squeeze %dma_wait3A_656 : memref<1x1024xf32, #tpu.memory_space<vmem>> -> memref<1024xf32, #tpu.memory_space<vmem>>
      %dma_wait3A_658 = tpu.memref_slice %arg5[%add3A_485] : memref<33554432xf32, #tpu.memory_space<hbm>> -> memref<1024xf32, #tpu.memory_space<hbm>>
      %dma_wait3A_659 = tpu.memref_slice %arg5[%add3A_485] : memref<33554432xf32, #tpu.memory_space<hbm>> -> memref<1024xf32, #tpu.memory_space<hbm>>
      %dma_wait3A_660 = arith.constant 0 : i32
      %dma_wait3A_661 = tpu.memref_slice %arg21[%dma_wait3A_654, %dma_wait3A_660] : memref<16x1024xf32, #tpu.memory_space<vmem>> -> memref<1x1024xf32, #tpu.memory_space<vmem>>
      %dma_wait3A_662 = tpu.memref_squeeze %dma_wait3A_661 : memref<1x1024xf32, #tpu.memory_space<vmem>> -> memref<1024xf32, #tpu.memory_space<vmem>>
      tpu.wait_dma2 semaphore(%arg22 : memref<!tpu.dma_semaphore, #tpu.memory_space<semaphore_mem>>) src(%dma_wait3A_662 : memref<1024xf32, #tpu.memory_space<vmem>>) dst(%dma_wait3A_659 : memref<1024xf32, #tpu.memory_space<hbm>>)
      %dma_wait3A_663 = arith.constant 4 : i32
      %dma_wait3A_664 = arith.constant 0 : i32
      %dma_wait3A_665 = tpu.memref_slice %arg21[%dma_wait3A_663, %dma_wait3A_664] : memref<16x1024xf32, #tpu.memory_space<vmem>> -> memref<1x1024xf32, #tpu.memory_space<vmem>>
      %dma_wait3A_666 = tpu.memref_squeeze %dma_wait3A_665 : memref<1x1024xf32, #tpu.memory_space<vmem>> -> memref<1024xf32, #tpu.memory_space<vmem>>
      %dma_wait3A_667 = tpu.memref_slice %arg5[%add3A_496] : memref<33554432xf32, #tpu.memory_space<hbm>> -> memref<1024xf32, #tpu.memory_space<hbm>>
      %dma_wait3A_668 = tpu.memref_slice %arg5[%add3A_496] : memref<33554432xf32, #tpu.memory_space<hbm>> -> memref<1024xf32, #tpu.memory_space<hbm>>
      %dma_wait3A_669 = arith.constant 0 : i32
      %dma_wait3A_670 = tpu.memref_slice %arg21[%dma_wait3A_663, %dma_wait3A_669] : memref<16x1024xf32, #tpu.memory_space<vmem>> -> memref<1x1024xf32, #tpu.memory_space<vmem>>
      %dma_wait3A_671 = tpu.memref_squeeze %dma_wait3A_670 : memref<1x1024xf32, #tpu.memory_space<vmem>> -> memref<1024xf32, #tpu.memory_space<vmem>>
      tpu.wait_dma2 semaphore(%arg22 : memref<!tpu.dma_semaphore, #tpu.memory_space<semaphore_mem>>) src(%dma_wait3A_671 : memref<1024xf32, #tpu.memory_space<vmem>>) dst(%dma_wait3A_668 : memref<1024xf32, #tpu.memory_space<hbm>>)
      %dma_wait3A_672 = arith.constant 5 : i32
      %dma_wait3A_673 = arith.constant 0 : i32
      %dma_wait3A_674 = tpu.memref_slice %arg21[%dma_wait3A_672, %dma_wait3A_673] : memref<16x1024xf32, #tpu.memory_space<vmem>> -> memref<1x1024xf32, #tpu.memory_space<vmem>>
      %dma_wait3A_675 = tpu.memref_squeeze %dma_wait3A_674 : memref<1x1024xf32, #tpu.memory_space<vmem>> -> memref<1024xf32, #tpu.memory_space<vmem>>
      %dma_wait3A_676 = tpu.memref_slice %arg5[%add3A_507] : memref<33554432xf32, #tpu.memory_space<hbm>> -> memref<1024xf32, #tpu.memory_space<hbm>>
      %dma_wait3A_677 = tpu.memref_slice %arg5[%add3A_507] : memref<33554432xf32, #tpu.memory_space<hbm>> -> memref<1024xf32, #tpu.memory_space<hbm>>
      %dma_wait3A_678 = arith.constant 0 : i32
      %dma_wait3A_679 = tpu.memref_slice %arg21[%dma_wait3A_672, %dma_wait3A_678] : memref<16x1024xf32, #tpu.memory_space<vmem>> -> memref<1x1024xf32, #tpu.memory_space<vmem>>
      %dma_wait3A_680 = tpu.memref_squeeze %dma_wait3A_679 : memref<1x1024xf32, #tpu.memory_space<vmem>> -> memref<1024xf32, #tpu.memory_space<vmem>>
      tpu.wait_dma2 semaphore(%arg22 : memref<!tpu.dma_semaphore, #tpu.memory_space<semaphore_mem>>) src(%dma_wait3A_680 : memref<1024xf32, #tpu.memory_space<vmem>>) dst(%dma_wait3A_677 : memref<1024xf32, #tpu.memory_space<hbm>>)
      %dma_wait3A_681 = arith.constant 6 : i32
      %dma_wait3A_682 = arith.constant 0 : i32
      %dma_wait3A_683 = tpu.memref_slice %arg21[%dma_wait3A_681, %dma_wait3A_682] : memref<16x1024xf32, #tpu.memory_space<vmem>> -> memref<1x1024xf32, #tpu.memory_space<vmem>>
      %dma_wait3A_684 = tpu.memref_squeeze %dma_wait3A_683 : memref<1x1024xf32, #tpu.memory_space<vmem>> -> memref<1024xf32, #tpu.memory_space<vmem>>
      %dma_wait3A_685 = tpu.memref_slice %arg5[%add3A_518] : memref<33554432xf32, #tpu.memory_space<hbm>> -> memref<1024xf32, #tpu.memory_space<hbm>>
      %dma_wait3A_686 = tpu.memref_slice %arg5[%add3A_518] : memref<33554432xf32, #tpu.memory_space<hbm>> -> memref<1024xf32, #tpu.memory_space<hbm>>
      %dma_wait3A_687 = arith.constant 0 : i32
      %dma_wait3A_688 = tpu.memref_slice %arg21[%dma_wait3A_681, %dma_wait3A_687] : memref<16x1024xf32, #tpu.memory_space<vmem>> -> memref<1x1024xf32, #tpu.memory_space<vmem>>
      %dma_wait3A_689 = tpu.memref_squeeze %dma_wait3A_688 : memref<1x1024xf32, #tpu.memory_space<vmem>> -> memref<1024xf32, #tpu.memory_space<vmem>>
      tpu.wait_dma2 semaphore(%arg22 : memref<!tpu.dma_semaphore, #tpu.memory_space<semaphore_mem>>) src(%dma_wait3A_689 : memref<1024xf32, #tpu.memory_space<vmem>>) dst(%dma_wait3A_686 : memref<1024xf32, #tpu.memory_space<hbm>>)
      %dma_wait3A_690 = arith.constant 7 : i32
      %dma_wait3A_691 = arith.constant 0 : i32
      %dma_wait3A_692 = tpu.memref_slice %arg21[%dma_wait3A_690, %dma_wait3A_691] : memref<16x1024xf32, #tpu.memory_space<vmem>> -> memref<1x1024xf32, #tpu.memory_space<vmem>>
      %dma_wait3A_693 = tpu.memref_squeeze %dma_wait3A_692 : memref<1x1024xf32, #tpu.memory_space<vmem>> -> memref<1024xf32, #tpu.memory_space<vmem>>
      %dma_wait3A_694 = tpu.memref_slice %arg5[%add3A_529] : memref<33554432xf32, #tpu.memory_space<hbm>> -> memref<1024xf32, #tpu.memory_space<hbm>>
      %dma_wait3A_695 = tpu.memref_slice %arg5[%add3A_529] : memref<33554432xf32, #tpu.memory_space<hbm>> -> memref<1024xf32, #tpu.memory_space<hbm>>
      %dma_wait3A_696 = arith.constant 0 : i32
      %dma_wait3A_697 = tpu.memref_slice %arg21[%dma_wait3A_690, %dma_wait3A_696] : memref<16x1024xf32, #tpu.memory_space<vmem>> -> memref<1x1024xf32, #tpu.memory_space<vmem>>
      %dma_wait3A_698 = tpu.memref_squeeze %dma_wait3A_697 : memref<1x1024xf32, #tpu.memory_space<vmem>> -> memref<1024xf32, #tpu.memory_space<vmem>>
      tpu.wait_dma2 semaphore(%arg22 : memref<!tpu.dma_semaphore, #tpu.memory_space<semaphore_mem>>) src(%dma_wait3A_698 : memref<1024xf32, #tpu.memory_space<vmem>>) dst(%dma_wait3A_695 : memref<1024xf32, #tpu.memory_space<hbm>>)
      %dma_wait3A_699 = arith.constant 8 : i32
      %dma_wait3A_700 = arith.constant 0 : i32
      %dma_wait3A_701 = tpu.memref_slice %arg21[%dma_wait3A_699, %dma_wait3A_700] : memref<16x1024xf32, #tpu.memory_space<vmem>> -> memref<1x1024xf32, #tpu.memory_space<vmem>>
      %dma_wait3A_702 = tpu.memref_squeeze %dma_wait3A_701 : memref<1x1024xf32, #tpu.memory_space<vmem>> -> memref<1024xf32, #tpu.memory_space<vmem>>
      %dma_wait3A_703 = tpu.memref_slice %arg5[%add3A_540] : memref<33554432xf32, #tpu.memory_space<hbm>> -> memref<1024xf32, #tpu.memory_space<hbm>>
      %dma_wait3A_704 = tpu.memref_slice %arg5[%add3A_540] : memref<33554432xf32, #tpu.memory_space<hbm>> -> memref<1024xf32, #tpu.memory_space<hbm>>
      %dma_wait3A_705 = arith.constant 0 : i32
      %dma_wait3A_706 = tpu.memref_slice %arg21[%dma_wait3A_699, %dma_wait3A_705] : memref<16x1024xf32, #tpu.memory_space<vmem>> -> memref<1x1024xf32, #tpu.memory_space<vmem>>
      %dma_wait3A_707 = tpu.memref_squeeze %dma_wait3A_706 : memref<1x1024xf32, #tpu.memory_space<vmem>> -> memref<1024xf32, #tpu.memory_space<vmem>>
      tpu.wait_dma2 semaphore(%arg22 : memref<!tpu.dma_semaphore, #tpu.memory_space<semaphore_mem>>) src(%dma_wait3A_707 : memref<1024xf32, #tpu.memory_space<vmem>>) dst(%dma_wait3A_704 : memref<1024xf32, #tpu.memory_space<hbm>>)
      %dma_wait3A_708 = arith.constant 9 : i32
      %dma_wait3A_709 = arith.constant 0 : i32
      %dma_wait3A_710 = tpu.memref_slice %arg21[%dma_wait3A_708, %dma_wait3A_709] : memref<16x1024xf32, #tpu.memory_space<vmem>> -> memref<1x1024xf32, #tpu.memory_space<vmem>>
      %dma_wait3A_711 = tpu.memref_squeeze %dma_wait3A_710 : memref<1x1024xf32, #tpu.memory_space<vmem>> -> memref<1024xf32, #tpu.memory_space<vmem>>
      %dma_wait3A_712 = tpu.memref_slice %arg5[%add3A_551] : memref<33554432xf32, #tpu.memory_space<hbm>> -> memref<1024xf32, #tpu.memory_space<hbm>>
      %dma_wait3A_713 = tpu.memref_slice %arg5[%add3A_551] : memref<33554432xf32, #tpu.memory_space<hbm>> -> memref<1024xf32, #tpu.memory_space<hbm>>
      %dma_wait3A_714 = arith.constant 0 : i32
      %dma_wait3A_715 = tpu.memref_slice %arg21[%dma_wait3A_708, %dma_wait3A_714] : memref<16x1024xf32, #tpu.memory_space<vmem>> -> memref<1x1024xf32, #tpu.memory_space<vmem>>
      %dma_wait3A_716 = tpu.memref_squeeze %dma_wait3A_715 : memref<1x1024xf32, #tpu.memory_space<vmem>> -> memref<1024xf32, #tpu.memory_space<vmem>>
      tpu.wait_dma2 semaphore(%arg22 : memref<!tpu.dma_semaphore, #tpu.memory_space<semaphore_mem>>) src(%dma_wait3A_716 : memref<1024xf32, #tpu.memory_space<vmem>>) dst(%dma_wait3A_713 : memref<1024xf32, #tpu.memory_space<hbm>>)
      %dma_wait3A_717 = arith.constant 10 : i32
      %dma_wait3A_718 = arith.constant 0 : i32
      %dma_wait3A_719 = tpu.memref_slice %arg21[%dma_wait3A_717, %dma_wait3A_718] : memref<16x1024xf32, #tpu.memory_space<vmem>> -> memref<1x1024xf32, #tpu.memory_space<vmem>>
      %dma_wait3A_720 = tpu.memref_squeeze %dma_wait3A_719 : memref<1x1024xf32, #tpu.memory_space<vmem>> -> memref<1024xf32, #tpu.memory_space<vmem>>
      %dma_wait3A_721 = tpu.memref_slice %arg5[%add3A_562] : memref<33554432xf32, #tpu.memory_space<hbm>> -> memref<1024xf32, #tpu.memory_space<hbm>>
      %dma_wait3A_722 = tpu.memref_slice %arg5[%add3A_562] : memref<33554432xf32, #tpu.memory_space<hbm>> -> memref<1024xf32, #tpu.memory_space<hbm>>
      %dma_wait3A_723 = arith.constant 0 : i32
      %dma_wait3A_724 = tpu.memref_slice %arg21[%dma_wait3A_717, %dma_wait3A_723] : memref<16x1024xf32, #tpu.memory_space<vmem>> -> memref<1x1024xf32, #tpu.memory_space<vmem>>
      %dma_wait3A_725 = tpu.memref_squeeze %dma_wait3A_724 : memref<1x1024xf32, #tpu.memory_space<vmem>> -> memref<1024xf32, #tpu.memory_space<vmem>>
      tpu.wait_dma2 semaphore(%arg22 : memref<!tpu.dma_semaphore, #tpu.memory_space<semaphore_mem>>) src(%dma_wait3A_725 : memref<1024xf32, #tpu.memory_space<vmem>>) dst(%dma_wait3A_722 : memref<1024xf32, #tpu.memory_space<hbm>>)
      %dma_wait3A_726 = arith.constant 11 : i32
      %dma_wait3A_727 = arith.constant 0 : i32
      %dma_wait3A_728 = tpu.memref_slice %arg21[%dma_wait3A_726, %dma_wait3A_727] : memref<16x1024xf32, #tpu.memory_space<vmem>> -> memref<1x1024xf32, #tpu.memory_space<vmem>>
      %dma_wait3A_729 = tpu.memref_squeeze %dma_wait3A_728 : memref<1x1024xf32, #tpu.memory_space<vmem>> -> memref<1024xf32, #tpu.memory_space<vmem>>
      %dma_wait3A_730 = tpu.memref_slice %arg5[%add3A_573] : memref<33554432xf32, #tpu.memory_space<hbm>> -> memref<1024xf32, #tpu.memory_space<hbm>>
      %dma_wait3A_731 = tpu.memref_slice %arg5[%add3A_573] : memref<33554432xf32, #tpu.memory_space<hbm>> -> memref<1024xf32, #tpu.memory_space<hbm>>
      %dma_wait3A_732 = arith.constant 0 : i32
      %dma_wait3A_733 = tpu.memref_slice %arg21[%dma_wait3A_726, %dma_wait3A_732] : memref<16x1024xf32, #tpu.memory_space<vmem>> -> memref<1x1024xf32, #tpu.memory_space<vmem>>
      %dma_wait3A_734 = tpu.memref_squeeze %dma_wait3A_733 : memref<1x1024xf32, #tpu.memory_space<vmem>> -> memref<1024xf32, #tpu.memory_space<vmem>>
      tpu.wait_dma2 semaphore(%arg22 : memref<!tpu.dma_semaphore, #tpu.memory_space<semaphore_mem>>) src(%dma_wait3A_734 : memref<1024xf32, #tpu.memory_space<vmem>>) dst(%dma_wait3A_731 : memref<1024xf32, #tpu.memory_space<hbm>>)
      %dma_wait3A_735 = arith.constant 12 : i32
      %dma_wait3A_736 = arith.constant 0 : i32
      %dma_wait3A_737 = tpu.memref_slice %arg21[%dma_wait3A_735, %dma_wait3A_736] : memref<16x1024xf32, #tpu.memory_space<vmem>> -> memref<1x1024xf32, #tpu.memory_space<vmem>>
      %dma_wait3A_738 = tpu.memref_squeeze %dma_wait3A_737 : memref<1x1024xf32, #tpu.memory_space<vmem>> -> memref<1024xf32, #tpu.memory_space<vmem>>
      %dma_wait3A_739 = tpu.memref_slice %arg5[%add3A_584] : memref<33554432xf32, #tpu.memory_space<hbm>> -> memref<1024xf32, #tpu.memory_space<hbm>>
      %dma_wait3A_740 = tpu.memref_slice %arg5[%add3A_584] : memref<33554432xf32, #tpu.memory_space<hbm>> -> memref<1024xf32, #tpu.memory_space<hbm>>
      %dma_wait3A_741 = arith.constant 0 : i32
      %dma_wait3A_742 = tpu.memref_slice %arg21[%dma_wait3A_735, %dma_wait3A_741] : memref<16x1024xf32, #tpu.memory_space<vmem>> -> memref<1x1024xf32, #tpu.memory_space<vmem>>
      %dma_wait3A_743 = tpu.memref_squeeze %dma_wait3A_742 : memref<1x1024xf32, #tpu.memory_space<vmem>> -> memref<1024xf32, #tpu.memory_space<vmem>>
      tpu.wait_dma2 semaphore(%arg22 : memref<!tpu.dma_semaphore, #tpu.memory_space<semaphore_mem>>) src(%dma_wait3A_743 : memref<1024xf32, #tpu.memory_space<vmem>>) dst(%dma_wait3A_740 : memref<1024xf32, #tpu.memory_space<hbm>>)
      %dma_wait3A_744 = arith.constant 13 : i32
      %dma_wait3A_745 = arith.constant 0 : i32
      %dma_wait3A_746 = tpu.memref_slice %arg21[%dma_wait3A_744, %dma_wait3A_745] : memref<16x1024xf32, #tpu.memory_space<vmem>> -> memref<1x1024xf32, #tpu.memory_space<vmem>>
      %dma_wait3A_747 = tpu.memref_squeeze %dma_wait3A_746 : memref<1x1024xf32, #tpu.memory_space<vmem>> -> memref<1024xf32, #tpu.memory_space<vmem>>
      %dma_wait3A_748 = tpu.memref_slice %arg5[%add3A_595] : memref<33554432xf32, #tpu.memory_space<hbm>> -> memref<1024xf32, #tpu.memory_space<hbm>>
      %dma_wait3A_749 = tpu.memref_slice %arg5[%add3A_595] : memref<33554432xf32, #tpu.memory_space<hbm>> -> memref<1024xf32, #tpu.memory_space<hbm>>
      %dma_wait3A_750 = arith.constant 0 : i32
      %dma_wait3A_751 = tpu.memref_slice %arg21[%dma_wait3A_744, %dma_wait3A_750] : memref<16x1024xf32, #tpu.memory_space<vmem>> -> memref<1x1024xf32, #tpu.memory_space<vmem>>
      %dma_wait3A_752 = tpu.memref_squeeze %dma_wait3A_751 : memref<1x1024xf32, #tpu.memory_space<vmem>> -> memref<1024xf32, #tpu.memory_space<vmem>>
      tpu.wait_dma2 semaphore(%arg22 : memref<!tpu.dma_semaphore, #tpu.memory_space<semaphore_mem>>) src(%dma_wait3A_752 : memref<1024xf32, #tpu.memory_space<vmem>>) dst(%dma_wait3A_749 : memref<1024xf32, #tpu.memory_space<hbm>>)
      %dma_wait3A_753 = arith.constant 14 : i32
      %dma_wait3A_754 = arith.constant 0 : i32
      %dma_wait3A_755 = tpu.memref_slice %arg21[%dma_wait3A_753, %dma_wait3A_754] : memref<16x1024xf32, #tpu.memory_space<vmem>> -> memref<1x1024xf32, #tpu.memory_space<vmem>>
      %dma_wait3A_756 = tpu.memref_squeeze %dma_wait3A_755 : memref<1x1024xf32, #tpu.memory_space<vmem>> -> memref<1024xf32, #tpu.memory_space<vmem>>
      %dma_wait3A_757 = tpu.memref_slice %arg5[%add3A_606] : memref<33554432xf32, #tpu.memory_space<hbm>> -> memref<1024xf32, #tpu.memory_space<hbm>>
      %dma_wait3A_758 = tpu.memref_slice %arg5[%add3A_606] : memref<33554432xf32, #tpu.memory_space<hbm>> -> memref<1024xf32, #tpu.memory_space<hbm>>
      %dma_wait3A_759 = arith.constant 0 : i32
      %dma_wait3A_760 = tpu.memref_slice %arg21[%dma_wait3A_753, %dma_wait3A_759] : memref<16x1024xf32, #tpu.memory_space<vmem>> -> memref<1x1024xf32, #tpu.memory_space<vmem>>
      %dma_wait3A_761 = tpu.memref_squeeze %dma_wait3A_760 : memref<1x1024xf32, #tpu.memory_space<vmem>> -> memref<1024xf32, #tpu.memory_space<vmem>>
      tpu.wait_dma2 semaphore(%arg22 : memref<!tpu.dma_semaphore, #tpu.memory_space<semaphore_mem>>) src(%dma_wait3A_761 : memref<1024xf32, #tpu.memory_space<vmem>>) dst(%dma_wait3A_758 : memref<1024xf32, #tpu.memory_space<hbm>>)
      %dma_wait3A_762 = arith.constant 15 : i32
      %dma_wait3A_763 = arith.constant 0 : i32
      %dma_wait3A_764 = tpu.memref_slice %arg21[%dma_wait3A_762, %dma_wait3A_763] : memref<16x1024xf32, #tpu.memory_space<vmem>> -> memref<1x1024xf32, #tpu.memory_space<vmem>>
      %dma_wait3A_765 = tpu.memref_squeeze %dma_wait3A_764 : memref<1x1024xf32, #tpu.memory_space<vmem>> -> memref<1024xf32, #tpu.memory_space<vmem>>
      %dma_wait3A_766 = tpu.memref_slice %arg5[%add3A_617] : memref<33554432xf32, #tpu.memory_space<hbm>> -> memref<1024xf32, #tpu.memory_space<hbm>>
      %dma_wait3A_767 = tpu.memref_slice %arg5[%add3A_617] : memref<33554432xf32, #tpu.memory_space<hbm>> -> memref<1024xf32, #tpu.memory_space<hbm>>
      %dma_wait3A_768 = arith.constant 0 : i32
      %dma_wait3A_769 = tpu.memref_slice %arg21[%dma_wait3A_762, %dma_wait3A_768] : memref<16x1024xf32, #tpu.memory_space<vmem>> -> memref<1x1024xf32, #tpu.memory_space<vmem>>
      %dma_wait3A_770 = tpu.memref_squeeze %dma_wait3A_769 : memref<1x1024xf32, #tpu.memory_space<vmem>> -> memref<1024xf32, #tpu.memory_space<vmem>>
      tpu.wait_dma2 semaphore(%arg22 : memref<!tpu.dma_semaphore, #tpu.memory_space<semaphore_mem>>) src(%dma_wait3A_770 : memref<1024xf32, #tpu.memory_space<vmem>>) dst(%dma_wait3A_767 : memref<1024xf32, #tpu.memory_space<hbm>>)
      %barrier3A_771 = arith.constant 0 : index
      tpu.barrier barrier_id(%barrier3A_771)
    }
    %scan3A_20 = arith.constant 32 : i32
    return
  }
}

</mosaic_0001>

<sc_bundles>
// kernel: kernel.3.cloned.1.call-start
scs
__scs_entry_jumppad:
0x0: {  	(pc) =	sbr.rel $0x88, $3  }
0x1: {  	(tag) =	ssettag $0x0;
	lr =	simm.s32 $0x1  }
0x2: {  	[smem:$0x3F9E] =	sst lr;
	_ =	strace $0xD0000000  }
0x3: {  	_ = 	snop  }
0x4: {  	_ = 	snop  }
0x5: {  	_ = 	snop  }
0x6: {  	_ = 	snop  }
0x7: {  	_ = 	snop  }
__scs_overlays_trampoline_lowered:
0x8: {  	[smem:$0x3FAD] =	sst s0  }
0x9: {  	[smem:$0x3FAE] =	sst s1  }
0xa: {  	[smem:$0x3FAF] =	sst s2  }
0xb: {  	[smem:$0x3FB0] =	sst s3  }
0xc: {  	[smem:$0x3FB1] =	sst s4  }
0xd: {  	[smem:$0x3FB2] =	sst s5  }
0xe: {  	[smem:$0x3FB3] =	sst s6  }
0xf: {  	[smem:$0x3FB4] =	sst s7  }
0x10: {  	[smem:$0x3FB5] =	sst s8  }
0x11: {  	[smem:$0x3FB6] =	sst s9;
	s0 =	simm.s32 @!p0 $0x0  }
0x12: {  	s1 =	sld [smem:$0x3F9C];
	s0 =	simm.s32 @p0 $0x1  }
0x13: {  	[smem:$0x3FB7] =	sst s0;
	s0 =	simm.s32 @!p1 $0x0  }
0x14: {  	s2 =	sld [smem:$0x3F9B];
	s0 =	simm.s32 @p1 $0x1  }
0x15: {  	[smem:$0x3FB8] =	sst s0;
	s0 =	simm.s32 @!p2 $0x0  }
0x16: {  	s3 =	sld [smem:$0x3FDB];
	s0 =	simm.s32 @p2 $0x1  }
0x17: {  	s4 =	simm.s32 $0x1BF5;
	[smem:$0x3FBA] =	sst s0  }
0x18: {  	s0 =	sld [smem:$0x3F9D];
	_ =	swait.ge [sflag:s4], $0x0  }
0x19: {  	s7 =	sld [smem:$0x3F9E]  }
0x1a: {  	s8 =	sadd.s32 $0xFFFFE003, lr  }
0x1b: {  	s9 =	sadd.s32 $0xFFFFFEF7, lr;
	s5 =	simm.s32 $0xFFFFFFFF;
	p2 =	slt.u32 s8, $0xFFFFF086  }
0x1c: {  	p1 =	slt.u32 s9, $0xF7A;
	s5 =	simm.s32 @!p2 $0x0  }
0x1d: {  	s5 =	simm.s32 @p1 $0x1;
	p0 =	seq.s32 s7, s2  }
0x1e: {  	s7 =	smul.u32 @!p0 $0xF7A, s2;
	p2 =	seq.s32 @!p0 s5, $0x0  }
0x1f: {  	s9 =	smul.u32 $0xF7A, s1;
	s8 =	simm.s32 @!p0 $0x1BF5;
	p2 =	por !p2, p0  }
0x20: {  	[sflag:s8] =	ssyncset.s32 @!p0 $0xFFFFF086;
	s6 =	sadd.s32 @!p0 s3, s7;
	s7 =	simm.s32 @!p0 $0x108  }
0x21: {  	s3 =	sadd.s32 s3, s9;
	s6 =	sadd.s32 @!p0 $0x88, s6;
	s7 =	simm.s32 @p2 $0x1082  }
0x22: {  	[simem:s7], [sflag:s8] =	dma.local @!p0 [hbm:s6], $0xF7A  }
0x23: {  	s9 =	sor.u32 $0xD0000000, s2;
	s6 =	simm.s32 $0x108;
	_ =	swait.ge @!p0 [sflag:s8], $0x0  }
0x24: {  	s3 =	sadd.s32 $0x88, s3;
	s6 =	simm.s32 @!p1 $0x1082;
	[sflag:s4] =	ssyncset.s32 $0xFFFFF086  }
0x25: {  	[simem:s6], [sflag:s4] =	dma.local [hbm:s3], $0xF7A  }
0x26: {  	[smem:$0x3F9E] =	sst s1;
	(tag) =	ssettag s2;
	_ =	strace s9  }
0x27: {  	s1 =	sld [smem:$0x3FAE]  }
0x28: {  	s2 =	sld [smem:$0x3FAF]  }
0x29: {  	s4 =	sld [smem:$0x3FB1]  }
0x2a: {  	p0 =	seq.s32 s5, $0x0;
	s5 =	sld [smem:$0x3FB2]  }
0x2b: {  	s6 =	sld [smem:$0x3FB3]  }
0x2c: {  	s7 =	sld [smem:$0x3FB4]  }
0x2d: {  	s3 =	simm.s32 $0x108;
	s8 =	sld [smem:$0x3FB5]  }
0x2e: {  	s3 =	simm.s32 @!p0 $0x1082;
	s9 =	sld [smem:$0x3FB6]  }
0x2f: {  	lr =	sadd.s32 s0, s3;
	s0 =	sld [smem:$0x3FAD]  }
0x30: {  	s3 =	sld [smem:$0x3FB0]  }
0x31: {  	[smem:$0x3FB9] =	sst s10  }
0x32: {  	s10 =	sld [smem:$0x3FB7];
	_ =	sdelay $0x3  }
0x33: {  	p0 =	seq.s32 s10, $0x1;
	s10 =	sld [smem:$0x3FB9];
	_ =	sdelay $0x3  }
0x34: {  	[smem:$0x3FB9] =	sst s10  }
0x35: {  	s10 =	sld [smem:$0x3FB8];
	_ =	sdelay $0x3  }
0x36: {  	p1 =	seq.s32 s10, $0x1;
	s10 =	sld [smem:$0x3FB9];
	_ =	sdelay $0x3  }
0x37: {  	[smem:$0x3FB9] =	sst s10  }
0x38: {  	s10 =	sld [smem:$0x3FBA]  }
0x39: {  	_ = 	snop;
	(pc) =	sbr.ind lr, $3  }
0x3a: {  	_ = 	snop  }
0x3b: {  	_ = 	snop  }
0x3c: {  	p2 =	seq.s32 s10, $0x1;
	s10 =	sld [smem:$0x3FB9]  }
0x3d: {  	_ =	shalt  }
0x3e: {  	_ =	shalt  }
0x3f: {  	_ =	shalt  }
0x40: {  	_ =	shalt  }
0x41: {  	_ =	shalt  }
0x42: {  	_ =	shalt  }
0x43: {  	_ =	shalt  }
0x44: {  	_ =	shalt  }
0x45: {  	_ =	shalt  }
0x46: {  	_ =	shalt  }
0x47: {  	_ =	shalt  }
0x48: {  	_ =	shalt  }
0x49: {  	_ =	shalt  }
0x4a: {  	_ =	shalt  }
0x4b: {  	_ =	shalt  }
0x4c: {  	_ =	shalt  }
0x4d: {  	_ =	shalt  }
0x4e: {  	_ =	shalt  }
0x4f: {  	_ =	shalt  }
0x50: {  	_ =	shalt  }
0x51: {  	_ =	shalt  }
0x52: {  	_ =	shalt  }
0x53: {  	_ =	shalt  }
0x54: {  	_ =	shalt  }
0x55: {  	_ =	shalt  }
0x56: {  	_ =	shalt  }
0x57: {  	_ =	shalt  }
0x58: {  	_ =	shalt  }
0x59: {  	_ =	shalt  }
0x5a: {  	_ =	shalt  }
0x5b: {  	_ =	shalt  }
0x5c: {  	_ =	shalt  }
0x5d: {  	_ =	shalt  }
0x5e: {  	_ =	shalt  }
0x5f: {  	_ =	shalt  }
0x60: {  	_ =	shalt  }
0x61: {  	_ =	shalt  }
0x62: {  	_ =	shalt  }
0x63: {  	_ =	shalt  }
0x64: {  	_ =	shalt  }
0x65: {  	_ =	shalt  }
0x66: {  	_ =	shalt  }
0x67: {  	_ =	shalt  }
0x68: {  	_ =	shalt  }
0x69: {  	_ =	shalt  }
0x6a: {  	_ =	shalt  }
0x6b: {  	_ =	shalt  }
0x6c: {  	_ =	shalt  }
0x6d: {  	_ =	shalt  }
0x6e: {  	_ =	shalt  }
0x6f: {  	_ =	shalt  }
0x70: {  	_ =	shalt  }
0x71: {  	_ =	shalt  }
0x72: {  	_ =	shalt  }
0x73: {  	_ =	shalt  }
0x74: {  	_ =	shalt  }
0x75: {  	_ =	shalt  }
0x76: {  	_ =	shalt  }
0x77: {  	_ =	shalt  }
0x78: {  	_ =	shalt  }
0x79: {  	_ =	shalt  }
0x7a: {  	_ =	shalt  }
0x7b: {  	_ =	shalt  }
0x7c: {  	_ =	shalt  }
0x7d: {  	_ =	shalt  }
0x7e: {  	_ =	shalt  }
0x7f: {  	_ =	shalt  }
0x80: {  	_ =	shalt  }
0x81: {  	_ =	shalt  }
0x82: {  	_ =	shalt  }
0x83: {  	_ =	shalt  }
0x84: {  	_ =	shalt  }
0x85: {  	_ =	shalt  }
0x86: {  	_ =	shalt  }
0x87: {  	_ =	shalt  }
.Lfunc_end0:
.L_simem_size_0:
called_computation_lowered:
.L_overlay_start_0:
0x88: {  	s2 =	sld [smem:$0x3FD9]  }
0x89: {  	s3 =	sld [smem:$0x3FFE];
	_ =	sdelay $0x1  }
0x8a: {  	s1 =	srdreg.scid  }
0x8b: {  	s0 =	sand.u32 $0x1, s1  }
0x8c: {  	s17 =	sshll.u32 s0, $0xA;
	s2 =	sadd.s32 s3, s2  }
0x8d: {  	s2 =	sadd.s32 s2, s17  }
0x8e: {  	[smem:$0x3FC5] =	sst s2  }
0x8f: {  	_ = 	snop  }
0x90: {  	s2 =	sld [smem:$0x3FD0];
	(tm) =	ssettm $0x1  }
0x91: {  	s18 =	sld [smem:$0x3FFB];
	_ =	sdelay $0x3  }
0x92: {  	_ =	strace s18  }
0x93: {  	s3 =	sld [smem:$0x3FFC];
	_ =	sdelay $0x3  }
0x94: {  	_ =	strace s3  }
0x95: {  	s3 =	sld [smem:$0x3FFD];
	_ =	sdelay $0x3  }
0x96: {  	_ =	strace s3  }
0x97: {  	_ =	strace $0x8FFFFFFF  }
0x98: {  	s19 =	sld [smem:$0x3FDB];
	_ =	sdelay $0x1  }
0x99: {  	s4 =	simm.s32 $_scs_section_size  }
0x9a: {  	s5 =	simm.s32 $_size__tile_overlayer_lowered;
	s6 =	simm.s32 $_tile_overlayer_lowered  }
0x9b: {  	s22 =	simm.s32 $0x1BFF;
	s21 =	sshll.u32 s6, $0x1;
	s3 =	sadd.s32 s4, s19  }
0x9c: {  	s7 =	simm.s32 $0x0;
	s20 =	sshll.u32 s5, $0x1;
	s5 =	sadd.s32 s21, s3  }
0x9d: {  	[timem:s7], [sflag:s22] =	dma.local [hbm:s5], s20  }
0x9e: {  	_ =	swait.ge [sflag:s22], s20  }
0x9f: {  	s4 =	ssub.s32 $0x0, s20;
	[sflag:s22] =	ssyncset.done $0x0  }
0xa0: {  	[sflag:s22] =	ssyncadd.s32 s4;
	_ =	sdelay $0x1  }
0xa1: {  	s23 =	simm.s32 $0x1B8B  }
0xa2: {  	_ =	swait.ge [sflag:s23], $0x1  }
0xa3: {  	[sflag:s23] =	ssyncset.done $0x0  }
0xa4: {  	s25 =	simm.s32 $0x1B8E;
	s24 =	sld [smem:$0x3FFE];
	[sflag:s23] =	ssyncadd.s32 $0xFFFFFFFF  }
0xa5: {  	s26 =	simm.s32 $execute0_lowered;
	[smem:$0x3FD2] =	sst s25  }
0xa6: {  	s5 =	sshll.u32 s26, $0x1;
	_ =	strace $0x80000046;
	[dreg:$0x1] =	wrdreg $0xFFFFFFFF  }
0xa7: {  	s28 =	simm.s32 $_size_execute0_lowered;
	s3 =	sadd.s32 s3, s5;
	[dreg:$0x0] =	wrdreg $0x0  }
0xa8: {  	s5 =	sshll.u32 s28, $0x1;
	[dreg:$0x2] =	wrdreg s3  }
0xa9: {  	[dreg:$0x3] =	wrdreg s5  }
0xaa: {  	[dreg:$0x4] =	wrdreg $0xC0  }
0xab: {  	_ =	task [dreg:s7], $0x5FFFF  }
0xac: {  	[dreg:$0x1] =	wrdreg $0xFFFFFFFF  }
0xad: {  	[dreg:$0x0] =	wrdreg $0x60  }
0xae: {  	[dreg:$0x2] =	wrdreg s24  }
0xaf: {  	[dreg:$0x3] =	wrdreg s2  }
0xb0: {  	[dreg:$0x4] =	wrdreg $0x0  }
0xb1: {  	[dreg:$0x5] =	wrdreg $0x9  }
0xb2: {  	_ =	task.clear_ibuf [dreg:s7], $0x6FFFF;
	_ =	strace $0x90000046  }
0xb3: {  	s29 =	simm.s32 $0x9;
	_ =	strace $0x80000048  }
0xb4: {  	_ =	swait.ge [sflag:s29], $0x1  }
0xb5: {  	[sflag:s29] =	ssyncadd.s32 $0xFFFFFFFF  }
0xb6: {  	_ =	strace $0x90000048  }
0xb7: {  	_ =	sfence  }
0xb8: {  	s30 =	sld [smem:$0x0];
	_ =	sdelay $0x2  }
0xb9: {  	s31 =	sshll.u32 s1, $0xD;
	s1 =	sshrl.u32 s1, $0x2  }
0xba: {  	s3 =	sand.u32 $0x4000, s31;
	s1 =	sadd.s32 s1, s30  }
0xbb: {  	s0 =	sor.u32 s3, s0;
	s1 =	sshll.u32 s1, $0x11  }
0xbc: {  	s0 =	sor.u32 s1, s0  }
0xbd: {  	s0 =	sadd.s32 $0x8F2B, s0  }
0xbe: {  	[sflag:s0] =	ssyncadd.remote.s32 $0x1  }
0xbf: {  	_ =	sfence.sel $0xFFFF  }
0xc0: {  	[dreg:$0x0] =	wrdreg $0xFFFFFFFF;
	(pc) =	sbr.abs _section_cstart, $3  }
0xc1: {  	[dreg:$0x1] =	wrdreg $0xFFFFFFFF  }
0xc2: {  	_ =	task.clear_ibuf [dreg:s7], $0x2FFFF;
	_ =	strace $0x9FFFFFFF  }
0xc3: {  	(tm) =	ssettm $0x7FFFFFFF  }
tec
execute0_lowered:
.L_overlay_start_1:
0x0: {  	(tag) =	ssettag $0x1  }
0x1: {  	s0 =	rddreg [dreg:$0x0]  }
0x2: {  	s6 =	rddreg [dreg:$0x1]  }
0x3: {  	s3 =	rddreg [dreg:$0x2];
	s22 =	simm.s32 $0x0  }
0x4: {  	[smem:$0x7FF] =	sst s22;
	s13 =	sadd.s32 $0x40000, s6  }
0x5: {  	s14 =	sadd.s32 $0x80000, s6;
	_ =	strace $0x80000047;
	[dreg:$0x17] =	wrdreg s13  }
0x6: {  	s15 =	sadd.s32 $0xC0000, s6;
	[dreg:$0x18] =	wrdreg s14  }
0x7: {  	s16 =	sadd.s32 $0x100000, s6;
	[dreg:$0x19] =	wrdreg s15  }
0x8: {  	s4 =	stileid.u32;
	s17 =	sadd.s32 $0x140000, s6;
	[dreg:$0x1a] =	wrdreg s16  }
0x9: {  	s2 =	srdreg.scid;
	s18 =	sadd.s32 $0x180000, s6;
	[dreg:$0x1b] =	wrdreg s17  }
0xa: {  	s23 =	sand.u32 $0x1, s2;
	s2 =	sadd.s32 $0x3C0000, s6;
	[dreg:$0x1c] =	wrdreg s18  }
0xb: {  	s19 =	sshll.u32 s4, $0xF;
	[smem:$0x7EB] =	sst s2  }
0xc: {  	s24 =	sadd.s32 s19, s3;
	s19 =	sadd.s32 $0x1C0000, s6;
	[dreg:$0x5] =	wrdreg s23  }
0xd: {  	s14 =	sadd.s32 $0x180080, s6;
	[dreg:$0x1d] =	wrdreg s19  }
0xe: {  	s15 =	sadd.s32 $0x1C0080, s6;
	[smem:$0x7F1] =	sst s14  }
0xf: {  	s16 =	sadd.s32 $0x200080, s6;
	[smem:$0x7F2] =	sst s15  }
0x10: {  	s17 =	sadd.s32 $0x240080, s6;
	[smem:$0x7F3] =	sst s16  }
0x11: {  	s1 =	smul.u32 $0x930, s4;
	s18 =	sadd.s32 $0x280080, s6;
	[smem:$0x7F4] =	sst s17  }
0x12: {  	s5 =	sadd.s32 $0x9E00, s0;
	[smem:$0x7F6] =	sst s18  }
0x13: {  	s1 =	sadd.s32 s1, s0;
	s0 =	sadd.s32 $0x800, s0;
	[dreg:$0x7] =	wrdreg s24  }
0x14: {  	s21 =	sadd.s32 $0x2000, s24;
	[dreg:$0x4] =	wrdreg s0  }
0x15: {  	s26 =	sadd.s32 $0x2800, s24;
	[dreg:$0xb] =	wrdreg s21  }
0x16: {  	s28 =	sadd.s32 $0x3000, s24;
	[dreg:$0xc] =	wrdreg s26  }
0x17: {  	s29 =	sadd.s32 $0x3800, s24;
	[dreg:$0xd] =	wrdreg s28  }
0x18: {  	s30 =	sadd.s32 $0x4000, s24;
	[dreg:$0xe] =	wrdreg s29  }
0x19: {  	s7 =	sadd.s32 $0x5000, s24;
	[dreg:$0xf] =	wrdreg s30  }
0x1a: {  	s8 =	sadd.s32 $0x5800, s24;
	[dreg:$0x11] =	wrdreg s7  }
0x1b: {  	s9 =	sadd.s32 $0x6000, s24;
	[dreg:$0x12] =	wrdreg s8  }
0x1c: {  	s10 =	sadd.s32 $0x6800, s24;
	[dreg:$0x13] =	wrdreg s9  }
0x1d: {  	s20 =	smul.u32 $0x1880, s4;
	s11 =	sadd.s32 $0x7000, s24;
	[dreg:$0x14] =	wrdreg s10  }
0x1e: {  	s12 =	sadd.s32 $0x7800, s24;
	[dreg:$0x15] =	wrdreg s11  }
0x1f: {  	v1 =	vmov s20;
	s20 =	sadd.s32 $0x200000, s6;
	[dreg:$0x16] =	wrdreg s12  }
0x20: {  	s19 =	sadd.s32 $0x2C0080, s6;
	[dreg:$0x1e] =	wrdreg s20  }
0x21: {  	s25 =	sadd.s32 $0x800, s24;
	[smem:$0x7F7] =	sst s19  }
0x22: {  	v3 =	vimm.s32 $0x52741630;
	s31 =	sadd.s32 $0x1000, s24;
	[dreg:$0x8] =	wrdreg s25  }
0x23: {  	v4 =	vimm.s32 $0x63052741;
	v6 =	vimm.s32 $0x74163052;
	s1 =	sadd.s32 $0xA00, s1;
	[dreg:$0x9] =	wrdreg s31  }
0x24: {  	v10 =	vimm.s32 $0x65432100;
	v11 =	vimm.s32 $0xEDCBA987;
	s0 =	sadd.s32 $0x1800, s24;
	[dreg:$0x6] =	wrdreg s1  }
0x25: {  	v2 =	vlaneseq.u32;
	v13 =	vimm.s32 $0xDCBA9876;
	v14 =	vimm.s32 $0x54321000;
	s21 =	sadd.s32 $0x240000, s6;
	[dreg:$0xa] =	wrdreg s0  }
0x26: {  	v15 =	vimm.s32 $0xBA987654;
	v16 =	vimm.s32 $0xE40000;
	v17 =	vimm.s32 $0x32100000;
	s26 =	sadd.s32 $0x280000, s6;
	[dreg:$0x1f] =	wrdreg s21  }
0x27: {  	vm0 =	vmmov $0x3;
	vm1 =	vmmov $0xf;
	vm2 =	vcmask $0x3F30;
	s28 =	sadd.s32 $0x2C0000, s6;
	[smem:$0x7E6] =	sst s26  }
0x28: {  	v18 =	vimm.s32 $0x1;
	v19 =	vimm.s32 $0x4000;
	v20 =	vimm.s32 $0x3;
	s29 =	sadd.s32 $0x300000, s6;
	[smem:$0x7E7] =	sst s28  }
0x29: {  	v21 =	vimm.s32 $0x4;
	v22 =	vimm.s32 $0x5;
	v23 =	vimm.s32 $0x6;
	s30 =	sadd.s32 $0x340000, s6;
	[smem:$0x7E8] =	sst s29  }
0x2a: {  	v24 =	vimm.s32 $0x7;
	v25 =	vimm.s32 $0x8;
	v26 =	vimm.s32 $0x9;
	s2 =	simm.s32 $0xC990;
	s7 =	sadd.s32 $0x40080, s6;
	[smem:$0x7E9] =	sst s30  }
0x2b: {  	v27 =	vimm.s32 $0xA;
	v28 =	vimm.s32 $0xB;
	v29 =	vimm.s32 $0xC;
	s14 =	simm.s32 $0x15D20;
	s8 =	sadd.s32 $0x80080, s6;
	[smem:$0x7EC] =	sst s7  }
0x2c: {  	v30 =	vimm.s32 $0xD;
	v5 =	vunpack.c.l.s4.s8 v3;
	v3 =	vmul.u32 $0x3, v2;
	s15 =	simm.s32 $0x1;
	s9 =	sadd.s32 $0xC0080, s6;
	[smem:$0x7ED] =	sst s8  }
0x2d: {  	v7 =	vunpack.c.l.s4.s8 v4;
	v4 =	vimm.f32 $0.0e+00;
	v9 =	vunpack.c.l.s4.s8 v6;
	s16 =	simm.s32 $0x80;
	s11 =	sadd.s32 $0x100080, s6;
	[smem:$0x7EE] =	sst s9  }
0x2e: {  	v12 =	vunpack.c.l.s4.s8 v10;
	v11 =	vunpack.c.l.s4.s8 v11;
	v10 =	vimm.s32 $0x0;
	s18 =	simm.s32 $0x16D20;
	s12 =	sadd.s32 $0x140080, s6;
	[smem:$0x7EF] =	sst s11  }
0x2f: {  	v13 =	vunpack.c.l.s4.s8 v13;
	v14 =	vunpack.c.l.s4.s8 v14;
	v15 =	vunpack.c.l.s4.s8 v15;
	s10 =	ssub.s32 $0x2, s23;
	s20 =	sshll.u32 s4, $0x8;
	[smem:$0x7F0] =	sst s12  }
0x30: {  	v16 =	vunpack.c.l.s2.s4 v16;
	v17 =	vunpack.c.l.s4.s8 v17;
	v0 =	vmov s23;
	s19 =	simm.s32 $0x16520;
	s1 =	sadd.s32 $0x4800, s24;
	[smem:$0x7F8] =	sst s20  }
0x31: {  	v5 =	vunpack.c.0.s8.s32 v5;
	v6 =	vadd.s32 $0x1, v3;
	v7 =	vunpack.c.0.s8.s32 v7;
	s13 =	sshrl.u32 s10, $0x1;
	s21 =	sadd.s32 $0x300080, s6;
	s26 =	sadd.s32 $0x340080, s6  }
0x32: {  	v8 =	vadd.s32 $0x2, v3;
	v11 =	vunpack.c.0.s8.s32 v11;
	v13 =	vunpack.c.0.s8.s32 v13;
	s28 =	sadd.s32 $0x80, s6;
	s29 =	sadd.s32 $0x380080, s6;
	[dreg:$0x10] =	wrdreg s1  }
0x33: {  	v12 =	vunpack.c.0.s8.s32 v12;
	v14 =	vunpack.c.0.s8.s32 v14;
	v15 =	vunpack.c.0.s8.s32 v15;
	s30 =	sadd.s32 $0x3C0080, s6;
	s8 =	simm.s32 $0x14410;
	[smem:$0x7F9] =	sst s21  }
0x34: {  	v16 =	vunpack.c.l.s4.s8 v16;
	v11 =	vand.u32 $0xF, v11;
	v13 =	vand.u32 $0xF, v13;
	s7 =	simm.s32 $0xFA90;
	s11 =	simm.s32 $0x12B90;
	[smem:$0x7FA] =	sst s26  }
0x35: {  	s12 =	simm.s32 $0x10;
	s20 =	simm.s32 $0x1B5A0;
	[smem:$0x7FB] =	sst s28;
	v11 =	vcombine.low v12, v11;
	v12 =	vcombine.low v14, v13;
	v13 =	vunpack.c.0.s8.s32 v17  }
0x36: {  	v16 =	vunpack.c.0.s8.s32 v16;
	s1 =	sadd.s32 $0x380000, s6;
	s0 =	ssub.s32 s10, s13;
	[smem:$0x7FC] =	sst s29;
	v14 =	vand.u32 $0xF, v15;
	v15 =	vimm.s32 $0x7060504  }
0x37: {  	v9 =	vunpack.c.0.s8.s32 v9;
	[smem:$0x7FD] =	sst s30;
	s10 =	simm.s32 $0x11310;
	s13 =	simm.s32 $0x15CA0;
	v13 =	vcombine.low v13, v14;
	v14 =	vunpack.c.0.s8.s32 v15  }
0x38: {  	v17 =	vimm.s32 $0x2;
	s6 =	simm.s32 $0x0;
	[smem:$0x7EA] =	sst s1;
	s0 =	smax.u32 s0, $0x1;
	v15 =	vand.u32 $0x3, v16;
	v16 =	vimm.s32 $0xE  }
0x39: {  	s1 =	simm.s32 $0x2;
	[smem:$0x7F5] =	sst s0;
	s0 =	simm.s32 $0x8000;
	v14 =	vsel vm2, v14, v15;
	vm2 =	vmmov $0xff;
	v15 =	vimm.s32 $0xF  }
.LBB2_1:
0x3a: {  	[smem:$0x7E5] =	sst s6  }
0x3b: {  	s4 =	rddreg [dreg:$0x6]  }
0x3c: {  	[tilespmem:s0], [sflag:$0x2] =	stream.linear.gather [hbm4b:s4+s22], $0x4980, $0x38;
	[tilespmem:$0x1F5A0] =	vst v63  }
0x3d: {  	_ =	swait.ge [sflag:s1], $0x4980  }
0x3e: {  	[sflag:s1] =	ssyncset.done $0x0  }
0x3f: {  	s31 =	simm.s32 $0xC980;
	s30 =	rddreg [dreg:$0x4];
	[sflag:s1] =	ssyncadd.s32 $0xFFFFB680  }
0x40: {  	[tilespmem:s31], [sflag:$0x2] =	stream.linear.gather [hbm4b:s30+s22], $0x10, $0x38;
	[tilespmem:$0x1F5A0] =	vst v63  }
0x41: {  	_ =	swait.ge [sflag:s1], $0x10  }
0x42: {  	[sflag:s1] =	ssyncset.done $0x0  }
0x43: {  	s9 =	simm.s32 $0x0;
	s4 =	simm.s32 $0x40;
	[sflag:s1] =	ssyncadd.s32 $0xFFFFFFF0  }
.LBB2_2:
0x44: {  	p0 =	sne.s32 s4, $0x1FC0;
	[tilespmem:s9+$0x16DA0] =	vst v4;
	s9 =	smov.u32 s4;
	s4 =	sadd.s32 $0x40, s4  }
.Ltmp0:
0x45: {  	(pc) =	sbr.rel @p0 .LBB2_2-.Ltmp0, $2  }
0x46: {  	_ =	sdelay $0x2  }
0x47: {  	s9 =	sshra.s32 s9, $0x2  }
0x48: {  	s26 =	simm.s32 $0x0  }
0x49: {  	v31 =	vmov s26  }
0x4a: {  	[tilespmem:s9+$0x16DA0] =	vst v4;
	v31 =	vmul.u32 $0x3, v31  }
0x4b: {  	v32 =	vld [tilespmem:$0xC980]  }
0x4c: {  	v31 =	vbroadcast v31, $0x0;
	_ =	sdelay $0x1  }
0x4d: {  	v33 =	vadd.s32 v3, v31  }
0x4e: {  	v33 =	vand.u32 $0xFFFFFFF8, v33  }
0x4f: {  	(erf) = vrcp.f32 v32;
	v61 =	vadd.s32 v6, v31;
	v60 =	vor.u32 v5, v33  }
0x50: {  	s4 =	simm.s32 $0x10;
	v31 =	vadd.s32 v8, v31;
	v33 =	vand.u32 $0xFFFFFFF8, v61  }
0x51: {  	v34 =	vmov s4;
	v31 =	vand.u32 $0xFFFFFFF8, v31;
	v33 =	vor.u32 v7, v33  }
0x52: {  	v34 =	vmul.u32 $0x3, v34;
	v35 =	vor.u32 v9, v31;
	_ =	sdelay $0x1  }
0x53: {  	v31 =	vbroadcast v34, $0x0;
	v38 =	vld.idx.msk [tilespmem:v60+s0+$0x0], $0xffff;
	_ =	sdelay $0x1  }
0x54: {  	s30 =	simm.s32 $0xFA90;
	s28 =	simm.s32 $0x11310;
	v62 =	vadd.s32 v3, v31;
	v37 =	vadd.s32 v6, v31;
	v36 =	vld.idx.msk [tilespmem:v33+s0+$0x0], $0xffff  }
0x55: {  	s24 =	simm.s32 $0x12B90;
	s22 =	simm.s32 $0xC990;
	s23 =	simm.s32 $0xE210;
	v34 =	vadd.s32 v8, v31;
	v32 =	vand.u32 $0xFFFFFFF8, v62;
	v63 =	vand.u32 $0xFFFFFFF8, v37;
	v37 =	vld.idx.msk [tilespmem:v35+s0+$0x0], $0xffff  }
0x56: {  	s9 =	simm.s32 $0x20;
	s31 =	simm.s32 $0x12BA0;
	s29 =	simm.s32 $0xC9A0;
	v39 =	vand.u32 $0xFFFFFFF8, v34;
	v32 =	vor.u32 v5, v32;
	v31 =	vpop (erf)  }
0x57: {  	s21 =	simm.s32 $0xE220;
	s17 =	simm.s32 $0xFA90;
	s25 =	simm.s32 $0x11310;
	v34 =	vor.u32 v7, v63;
	v33 =	vor.u32 v9, v39;
	v35 =	vmul.f32 v38, v31  }
.LBB2_4:
0x58: {  	s30 =	sadd.s32 $0x10, s30  }
0x59: {  	v36 =	vmul.f32 v36, v31;
	s28 =	sadd.s32 $0x10, s28;
	s6 =	smov.u32 s9;
	s4 =	sadd.s32 $0x10, s9  }
0x5a: {  	p0 =	sne.s32 s9, $0x1870;
	v37 =	vmul.f32 v37, v31;
	v38 =	vadd.f32 $8.388608000e+06, v35  }
0x5b: {  	v39 =	vadd.f32 $8.388608000e+06, v36  }
0x5c: {  	v40 =	vadd.f32 $8.388608000e+06, v37;
	v38 =	vadd.f32 $-8.388608000e+06, v38  }
0x5d: {  	v39 =	vadd.f32 $-8.388608000e+06, v39  }
0x5e: {  	v40 =	vadd.f32 $-8.388608000e+06, v40;
	v41 =	vtrunc.f32 v38;
	v35 =	vsub.f32 v35, v38  }
0x5f: {  	v38 =	vcvt.f32.s32 v41;
	v41 =	vtrunc.f32 v39;
	v36 =	vsub.f32 v36, v39  }
0x60: {  	v39 =	vcvt.f32.s32 v41;
	v41 =	vtrunc.f32 v40;
	[tilespmem:s17+$0x0] =	vst v35;
	v35 =	vsub.f32 v37, v40;
	s17 =	smov.u32 s30  }
0x61: {  	v37 =	vand.u32 $0x7F, v38;
	v40 =	vcvt.f32.s32 v41;
	[tilespmem:s25+$0x0] =	vst v36;
	v36 =	vand.u32 $0x1, v38;
	s25 =	smov.u32 s28  }
0x62: {  	[tilespmem:s24+$0x0] =	vst v35;
	v35 =	vshll.u32 v39, $0x7;
	v38 =	vshrl.u32 v37, $0x1;
	vm3 =	veq.s32 v36, $0x0;
	s24 =	smov.u32 s31  }
0x63: {  	v36 =	vshll.u32 v40, $0xE;
	v39 =	vadd.s32 $0x1, v38;
	v40 =	vand.u32 $0x1, v38  }
0x64: {  	v36 =	vand.u32 $0x1FC000, v36;
	v39 =	vand.u32 $0x3E, v39;
	vm4 =	veq.s32 v40, v0  }
0x65: {  	v35 =	vand.u32 $0x3F80, v35;
	v38 =	vsel vm4, v38, v39;
	v39 =	vshrl.u32 v37, $0x2  }
0x66: {  	v35 =	vor.u32 v36, v35;
	v36 =	vshrl.u32 v38, $0x1;
	v38 =	vnsel vm4, $0x3F, v39  }
0x67: {  	v39 =	vmov s6;
	v35 =	vor.u32 v37, v35;
	v36 =	vsel vm3, v38, v36  }
0x68: {  	v37 =	vmul.u32 $0x3, v39;
	[tilespmem:s22+$0x0] =	vst v35;
	s22 =	smov.u32 s29  }
0x69: {  	[tilespmem:s23+$0x0] =	vst v36;
	s23 =	smov.u32 s21  }
0x6a: {  	v35 =	vbroadcast v37, $0x0;
	v38 =	vld.idx.msk [tilespmem:v32+s0+$0x0], $0xffff  }
0x6b: {  	v36 =	vld.idx.msk [tilespmem:v34+s0+$0x0], $0xffff  }
.Ltmp1:
0x6c: {  	v32 =	vadd.s32 v3, v35;
	v34 =	vadd.s32 v8, v35;
	v37 =	vld.idx.msk [tilespmem:v33+s0+$0x0], $0xffff;
	(pc) =	sbr.rel @p0 .LBB2_4-.Ltmp1, $4  }
0x6d: {  	v32 =	vand.u32 $0xFFFFFFF8, v32  }
0x6e: {  	v33 =	vadd.s32 v6, v35;
	v32 =	vor.u32 v5, v32  }
0x6f: {  	s9 =	smov.u32 s4;
	v35 =	vand.u32 $0xFFFFFFF8, v34;
	v33 =	vand.u32 $0xFFFFFFF8, v33  }
0x70: {  	s31 =	sadd.s32 $0x10, s31;
	s29 =	sadd.s32 $0x10, s29;
	s21 =	sadd.s32 $0x10, s21;
	v34 =	vor.u32 v7, v33;
	v33 =	vor.u32 v9, v35;
	v35 =	vmul.f32 v38, v31  }
0x71: {  	v36 =	vmul.f32 v36, v31  }
0x72: {  	v37 =	vmul.f32 v37, v31;
	v38 =	vadd.f32 $8.388608000e+06, v35  }
0x73: {  	v39 =	vadd.f32 $8.388608000e+06, v36  }
0x74: {  	v40 =	vadd.f32 $8.388608000e+06, v37;
	v38 =	vadd.f32 $-8.388608000e+06, v38  }
0x75: {  	v39 =	vadd.f32 $-8.388608000e+06, v39  }
0x76: {  	v40 =	vadd.f32 $-8.388608000e+06, v40;
	v41 =	vtrunc.f32 v38  }
0x77: {  	v41 =	vcvt.f32.s32 v41;
	v61 =	vtrunc.f32 v39  }
0x78: {  	v60 =	vsub.f32 v35, v38;
	v42 =	vtrunc.f32 v40;
	v38 =	vcvt.f32.s32 v61  }
0x79: {  	v36 =	vsub.f32 v36, v39;
	v42 =	vcvt.f32.s32 v42;
	v62 =	vand.u32 $0x7F, v41  }
0x7a: {  	v37 =	vsub.f32 v37, v40;
	v43 =	vshrl.u32 v62, $0x1;
	v38 =	vshll.u32 v38, $0x7  }
0x7b: {  	v42 =	vshll.u32 v42, $0xE;
	v47 =	vshrl.u32 v62, $0x2;
	v45 =	vand.u32 $0x1, v43  }
0x7c: {  	v44 =	vadd.s32 $0x1, v43;
	v38 =	vand.u32 $0x3F80, v38;
	vm3 =	veq.s32 v45, v0  }
0x7d: {  	[tilespmem:s17+$0x0] =	vst v60;
	v63 =	vand.u32 $0x3E, v44;
	v44 =	vand.u32 $0x1, v41;
	v45 =	vand.u32 $0x1FC000, v42  }
0x7e: {  	[tilespmem:s25+$0x0] =	vst v36;
	v40 =	vsel vm3, v43, v63;
	vm4 =	veq.s32 v44, $0x0;
	v46 =	vor.u32 v45, v38  }
0x7f: {  	[tilespmem:s24+$0x0] =	vst v37;
	v36 =	vnsel vm3, $0x3F, v47;
	v48 =	vshrl.u32 v40, $0x1;
	v35 =	vor.u32 v62, v46  }
0x80: {  	v36 =	vsel vm4, v36, v48;
	[tilespmem:s22+$0x0] =	vst v35  }
0x81: {  	[tilespmem:s23+$0x0] =	vst v36  }
0x82: {  	v32 =	vld.idx.msk [tilespmem:v32+s0+$0x0], $0xffff  }
0x83: {  	v34 =	vld.idx.msk [tilespmem:v34+s0+$0x0], $0xffff  }
0x84: {  	v33 =	vld.idx.msk [tilespmem:v33+s0+$0x0], $0xffff;
	_ =	sdelay $0x3  }
0x85: {  	v32 =	vmul.f32 v32, v31  }
0x86: {  	v34 =	vmul.f32 v34, v31;
	v31 =	vmul.f32 v33, v31  }
0x87: {  	v49 =	vadd.f32 $8.388608000e+06, v32  }
0x88: {  	v50 =	vadd.f32 $8.388608000e+06, v34;
	v51 =	vadd.f32 $8.388608000e+06, v31  }
0x89: {  	v33 =	vadd.f32 $-8.388608000e+06, v49  }
0x8a: {  	v35 =	vadd.f32 $-8.388608000e+06, v50;
	v36 =	vadd.f32 $-8.388608000e+06, v51  }
0x8b: {  	v52 =	vtrunc.f32 v33  }
0x8c: {  	v53 =	vtrunc.f32 v35;
	v55 =	vtrunc.f32 v36  }
0x8d: {  	v32 =	vsub.f32 v32, v33;
	v37 =	vcvt.f32.s32 v52;
	v54 =	vcvt.f32.s32 v53  }
0x8e: {  	v34 =	vsub.f32 v34, v35;
	v31 =	vsub.f32 v31, v36;
	v56 =	vcvt.f32.s32 v55  }
0x8f: {  	v57 =	vand.u32 $0x7F, v37;
	v37 =	vand.u32 $0x1, v37;
	v33 =	vshll.u32 v54, $0x7  }
0x90: {  	v35 =	vshll.u32 v56, $0xE;
	v58 =	vshrl.u32 v57, $0x1;
	vm3 =	veq.s32 v37, $0x0  }
0x91: {  	s4 =	sadd.s32 $0x10, s30;
	v35 =	vand.u32 $0x1FC000, v35;
	v59 =	vadd.s32 $0x1, v58;
	v60 =	vand.u32 $0x1, v58  }
0x92: {  	s6 =	sadd.s32 $0x10, s28;
	s25 =	rddreg [dreg:$0x8];
	[tilespmem:s4+$0x0] =	vst v32;
	v33 =	vand.u32 $0x3F80, v33;
	v61 =	vand.u32 $0x3E, v59;
	vm15 =	veq.s32 v60, v0  }
0x93: {  	s24 =	rddreg [dreg:$0x7];
	[tilespmem:s6+$0x0] =	vst v34;
	v62 =	vshrl.u32 v57, $0x2;
	v33 =	vor.u32 v35, v33;
	v32 =	vsel vm15, v58, v61  }
0x94: {  	s23 =	rddreg [dreg:$0x5];
	[tilespmem:s31+$0x0] =	vst v31;
	v33 =	vor.u32 v57, v33;
	v63 =	vnsel vm15, $0x3F, v62;
	v31 =	vshrl.u32 v32, $0x1  }
0x95: {  	s6 =	rddreg [dreg:$0x1];
	[tilespmem:s29+$0x0] =	vst v33;
	v31 =	vsel vm3, v63, v31  }
0x96: {  	s22 =	simm.s32 $0x0;
	s31 =	rddreg [dreg:$0x9];
	[tilespmem:s21+$0x0] =	vst v31  }
.LBB2_6:
0x97: {  	s9 =	simm.s32 $0x16DA0  }
0x98: {  	[spmem:s24] =	stream.linear.scatter [tilespmem:s9], [sflag:$0x2], $0x800, $0x38;
	[tilespmem:$0x1F5A0] =	vst v63  }
0x99: {  	_ =	swait.ge [sflag:s1], $0x800  }
0x9a: {  	[sflag:s1] =	ssyncset.done $0x0  }
0x9b: {  	[sflag:s1] =	ssyncadd.s32 $0xFFFFF800  }
0x9c: {  	[spmem:s25] =	stream.linear.scatter [tilespmem:s9], [sflag:$0x2], $0x800, $0x38;
	[tilespmem:$0x1F5A0] =	vst v63  }
0x9d: {  	_ =	swait.ge [sflag:s1], $0x800  }
0x9e: {  	[sflag:s1] =	ssyncset.done $0x0  }
0x9f: {  	[sflag:s1] =	ssyncadd.s32 $0xFFFFF800  }
0xa0: {  	[spmem:s31] =	stream.linear.scatter [tilespmem:s9], [sflag:$0x2], $0x800, $0x38;
	[tilespmem:$0x1F5A0] =	vst v63  }
0xa1: {  	_ =	swait.ge [sflag:s1], $0x800  }
0xa2: {  	[sflag:s1] =	ssyncset.done $0x0  }
0xa3: {  	s4 =	rddreg [dreg:$0xa];
	[sflag:s1] =	ssyncadd.s32 $0xFFFFF800  }
0xa4: {  	[spmem:s4] =	stream.linear.scatter [tilespmem:s9], [sflag:$0x2], $0x800, $0x38;
	[tilespmem:$0x1F5A0] =	vst v63  }
0xa5: {  	_ =	swait.ge [sflag:s1], $0x800  }
0xa6: {  	[sflag:s1] =	ssyncset.done $0x0  }
0xa7: {  	s29 =	rddreg [dreg:$0xb];
	[sflag:s1] =	ssyncadd.s32 $0xFFFFF800  }
0xa8: {  	[spmem:s29] =	stream.linear.scatter [tilespmem:s9], [sflag:$0x2], $0x800, $0x38;
	[tilespmem:$0x1F5A0] =	vst v63  }
0xa9: {  	_ =	swait.ge [sflag:s1], $0x800  }
0xaa: {  	[sflag:s1] =	ssyncset.done $0x0  }
0xab: {  	s30 =	rddreg [dreg:$0xc];
	[sflag:s1] =	ssyncadd.s32 $0xFFFFF800  }
0xac: {  	[spmem:s30] =	stream.linear.scatter [tilespmem:s9], [sflag:$0x2], $0x800, $0x38;
	[tilespmem:$0x1F5A0] =	vst v63  }
0xad: {  	_ =	swait.ge [sflag:s1], $0x800  }
0xae: {  	[sflag:s1] =	ssyncset.done $0x0  }
0xaf: {  	s17 =	rddreg [dreg:$0xd];
	[sflag:s1] =	ssyncadd.s32 $0xFFFFF800  }
0xb0: {  	[spmem:s17] =	stream.linear.scatter [tilespmem:s9], [sflag:$0x2], $0x800, $0x38;
	[tilespmem:$0x1F5A0] =	vst v63  }
0xb1: {  	_ =	swait.ge [sflag:s1], $0x800  }
0xb2: {  	[sflag:s1] =	ssyncset.done $0x0  }
0xb3: {  	s21 =	rddreg [dreg:$0xe];
	[sflag:s1] =	ssyncadd.s32 $0xFFFFF800  }
0xb4: {  	[spmem:s21] =	stream.linear.scatter [tilespmem:s9], [sflag:$0x2], $0x800, $0x38;
	[tilespmem:$0x1F5A0] =	vst v63  }
0xb5: {  	_ =	swait.ge [sflag:s1], $0x800  }
0xb6: {  	[sflag:s1] =	ssyncset.done $0x0  }
0xb7: {  	s28 =	rddreg [dreg:$0xf];
	[sflag:s1] =	ssyncadd.s32 $0xFFFFF800  }
0xb8: {  	[spmem:s28] =	stream.linear.scatter [tilespmem:s9], [sflag:$0x2], $0x800, $0x38;
	[tilespmem:$0x1F5A0] =	vst v63  }
0xb9: {  	_ =	swait.ge [sflag:s1], $0x800  }
0xba: {  	[sflag:s1] =	ssyncset.done $0x0  }
0xbb: {  	s29 =	rddreg [dreg:$0x10];
	[sflag:s1] =	ssyncadd.s32 $0xFFFFF800  }
0xbc: {  	[spmem:s29] =	stream.linear.scatter [tilespmem:s9], [sflag:$0x2], $0x800, $0x38;
	[tilespmem:$0x1F5A0] =	vst v63  }
0xbd: {  	_ =	swait.ge [sflag:s1], $0x800  }
0xbe: {  	[sflag:s1] =	ssyncset.done $0x0  }
0xbf: {  	s30 =	rddreg [dreg:$0x11];
	[sflag:s1] =	ssyncadd.s32 $0xFFFFF800  }
0xc0: {  	[spmem:s30] =	stream.linear.scatter [tilespmem:s9], [sflag:$0x2], $0x800, $0x38;
	[tilespmem:$0x1F5A0] =	vst v63  }
0xc1: {  	_ =	swait.ge [sflag:s1], $0x800  }
0xc2: {  	[sflag:s1] =	ssyncset.done $0x0  }
0xc3: {  	s17 =	rddreg [dreg:$0x12];
	[sflag:s1] =	ssyncadd.s32 $0xFFFFF800  }
0xc4: {  	[spmem:s17] =	stream.linear.scatter [tilespmem:s9], [sflag:$0x2], $0x800, $0x38;
	[tilespmem:$0x1F5A0] =	vst v63  }
0xc5: {  	_ =	swait.ge [sflag:s1], $0x800  }
0xc6: {  	[sflag:s1] =	ssyncset.done $0x0  }
0xc7: {  	s21 =	rddreg [dreg:$0x13];
	[sflag:s1] =	ssyncadd.s32 $0xFFFFF800  }
0xc8: {  	[spmem:s21] =	stream.linear.scatter [tilespmem:s9], [sflag:$0x2], $0x800, $0x38;
	[tilespmem:$0x1F5A0] =	vst v63  }
0xc9: {  	_ =	swait.ge [sflag:s1], $0x800  }
0xca: {  	[sflag:s1] =	ssyncset.done $0x0  }
0xcb: {  	s28 =	rddreg [dreg:$0x14];
	[sflag:s1] =	ssyncadd.s32 $0xFFFFF800  }
0xcc: {  	[spmem:s28] =	stream.linear.scatter [tilespmem:s9], [sflag:$0x2], $0x800, $0x38;
	[tilespmem:$0x1F5A0] =	vst v63  }
0xcd: {  	_ =	swait.ge [sflag:s1], $0x800  }
0xce: {  	[sflag:s1] =	ssyncset.done $0x0  }
0xcf: {  	s29 =	rddreg [dreg:$0x15];
	[sflag:s1] =	ssyncadd.s32 $0xFFFFF800  }
0xd0: {  	[spmem:s29] =	stream.linear.scatter [tilespmem:s9], [sflag:$0x2], $0x800, $0x38;
	[tilespmem:$0x1F5A0] =	vst v63  }
0xd1: {  	_ =	swait.ge [sflag:s1], $0x800  }
0xd2: {  	[sflag:s1] =	ssyncset.done $0x0  }
0xd3: {  	s30 =	rddreg [dreg:$0x16];
	[sflag:s1] =	ssyncadd.s32 $0xFFFFF800  }
0xd4: {  	[spmem:s30] =	stream.linear.scatter [tilespmem:s9], [sflag:$0x2], $0x800, $0x38;
	[tilespmem:$0x1F5A0] =	vst v63  }
0xd5: {  	_ =	swait.ge [sflag:s1], $0x800  }
0xd6: {  	[sflag:s1] =	ssyncset.done $0x0  }
0xd7: {  	[sflag:s1] =	ssyncadd.s32 $0xFFFFF800  }
0xd8: {  	s9 =	simm.s32 $0xE210;
	[bflag:$0x0] =	sbarrier.arrive $0xFFFF  }
0xd9: {  	v32 =	vmov s26;
	v31 =	vimm.s32 $0x0;
	s17 =	simm.s32 $0x0;
	s21 =	simm.s32 $0x10;
	v33 =	vld [tilespmem:s9+$0x0]  }
.LBB2_7:
0xda: {  	p0 =	seq.s32 s21, $0x1870;
	_ =	sdelay $0x3  }
0xdb: {  	vm4 =	veq.s32 v33, v32  }
0xdc: {  	v33 =	vsel vm4, $0x1, v10  }
0xdd: {  	v34 =	vperm.xlane v33, v11  }
0xde: {  	vm3 =	veq.s32 v2, $0x0  }
0xdf: {  	v34 =	vsel vm3, $0x0, v34  }
0xe0: {  	v33 =	vadd.s32 v33, v34  }
0xe1: {  	v34 =	vperm.xlane v33, v12;
	_ =	sdelay $0x1  }
0xe2: {  	v34 =	vsel vm0, $0x0, v34  }
0xe3: {  	v33 =	vadd.s32 v34, v33  }
0xe4: {  	v34 =	vperm.xlane v33, v13;
	_ =	sdelay $0x1  }
0xe5: {  	v34 =	vsel vm1, $0x0, v34  }
0xe6: {  	v33 =	vadd.s32 v34, v33  }
0xe7: {  	v34 =	vperm.xlane v33, v14;
	_ =	sdelay $0x1  }
0xe8: {  	v34 =	vsel vm2, $0x0, v34  }
0xe9: {  	v33 =	vadd.s32 v34, v33  }
0xea: {  	v34 =	vadd.s32 v33, v31;
	v33 =	vperm.xlane v33, v15  }
0xeb: {  	v34 =	vadd.s32 $0xFFFFFFFF, v34  }
0xec: {  	vm5 =	vgt.s32 v34, $0x0;
	v31 =	vadd.s32 v31, v33  }
0xed: {  	v33 =	vnsel vm5, $0x0, v34  }
0xee: {  	v33 =	vnsel vm4, $0x1880, v33;
	_ =	sdelay $0x1  }
.Ltmp2:
0xef: {  	(pc) =	sbr.rel @!p0 .LBB2_7-.Ltmp2, $4  }
0xf0: {  	_ = 	snop  }
0xf1: {  	v34 =	vor.u32 s17, v2;
	s17 =	smov.u32 s21  }
0xf2: {  	s9 =	sadd.s32 $0x10, s9;
	[tilespmem:v33+s8+$0x0] =	vst.idx.msk $0xffff, v34  }
0xf3: {  	s21 =	sadd.s32 $0x10, s21;
	v33 =	vld [tilespmem:s9+$0x0]  }
0xf4: {  	_ =	sdelay $0x3  }
0xf5: {  	vm4 =	veq.s32 v33, v32  }
0xf6: {  	v32 =	vsel vm4, $0x1, v10  }
0xf7: {  	v62 =	vperm.xlane v32, v11;
	_ =	sdelay $0x1  }
0xf8: {  	v33 =	vsel vm3, $0x0, v62  }
0xf9: {  	v32 =	vadd.s32 v32, v33  }
0xfa: {  	v33 =	vperm.xlane v32, v12;
	_ =	sdelay $0x1  }
0xfb: {  	v33 =	vsel vm0, $0x0, v33  }
0xfc: {  	v32 =	vadd.s32 v33, v32  }
0xfd: {  	v33 =	vperm.xlane v32, v13;
	_ =	sdelay $0x1  }
0xfe: {  	v33 =	vsel vm1, $0x0, v33  }
0xff: {  	v32 =	vadd.s32 v33, v32  }
0x100: {  	v33 =	vperm.xlane v32, v14;
	_ =	sdelay $0x1  }
0x101: {  	v33 =	vsel vm2, $0x0, v33  }
0x102: {  	v32 =	vadd.s32 v33, v32  }
0x103: {  	v33 =	vadd.s32 v32, v31  }
0x104: {  	v33 =	vadd.s32 $0xFFFFFFFF, v33  }
0x105: {  	vm3 =	vgt.s32 v33, $0x0  }
0x106: {  	s4 =	sshll.u32 s26, $0x1;
	v33 =	vnsel vm3, $0x0, v33  }
0x107: {  	s28 =	sor.u32 s23, s4;
	v33 =	vnsel vm4, $0x1880, v33  }
0x108: {  	s4 =	sshll.u32 s28, $0x1  }
0x109: {  	s4 =	ssub.s32 $0x0, s4;
	v32 =	vperm.xlane v32, v15  }
0x10a: {  	v63 =	vmov s4  }
0x10b: {  	v34 =	vor.u32 s17, v2;
	v31 =	vadd.s32 v31, v32;
	v32 =	vor.u32 $0x1, v63  }
0x10c: {  	s29 =	simm.s32 $0x14410;
	s30 =	simm.s32 $0x0;
	v32 =	vbroadcast v32, $0x0;
	[tilespmem:v33+s8+$0x0] =	vst.idx.msk $0xffff, v34  }
.LBB2_9:
0x10d: {  	v33 =	vor.u32 s30, v2  }
0x10e: {  	vm4 =	vlt.s32 v33, v31  }
0x10f: {  	v33 =	vsel vm4, $0x3F800000, v4  }
0x110: {  	(xrf0) =	vmax.scan.msk.f32 $0xffff, v33;
	_ =	sdelay $0x5  }
0x111: {  	v33, _, _ =	vpop (xrf0)  }
0x112: {  	(v2sf) =	vpush v33, $0xF;
	_ =	sdelay $0xe  }
0x113: {  	s4 =	spop (v2sf)  }
0x114: {  	p0 =	sgt.f32 s4, $0.0e+00  }
.Ltmp3:
0x115: {  	_ = 	snop;
	(pc) =	sbr.rel @!p0 .LBB2_11-.Ltmp3, $1  }
0x116: {  	_ =	sdelay $0x3  }
0x117: {  	v33 =	vld [tilespmem:s29+$0x0];
	_ =	sdelay $0x4  }
0x118: {  	v33 =	vnsel vm4, $0x0, v33;
	_ =	sdelay $0x4  }
0x119: {  	v40 =	vld.idx.msk [tilespmem:v33+s2+$0x0], $0xffff;
	_ =	sdelay $0x2  }
0x11a: {  	v42 =	vld.idx.msk [tilespmem:v33+s7+$0x0], $0xffff  }
0x11b: {  	v38 =	vld.idx.msk [tilespmem:v33+s10+$0x0], $0xffff  }
0x11c: {  	v34 =	vld.idx.msk [tilespmem:v33+s11+$0x0], $0xffff;
	v33 =	vadd.s32 v1, v33;
	v35 =	vadd.s32 v40, v32  }
0x11d: {  	[tilespmem:$0x15CA0] =	vst v33;
	v43 =	vand.u32 $0x7F, v35  }
0x11e: {  	[tilespmem:s14], [sflag:$0x1] =	stream.indirect.gather [hbm4b:s5+s12], $0x10, s13, s12, $0xb8;
	vm3 =	veq.s32 v43, $0x0;
	[tilespmem:$0x1F5A0] =	vst v63  }
0x11f: {  	v41 =	vsel vm4, $0x3F800000, v10;
	_ =	swait.ge [sflag:s15], $0x100;
	v61 =	vsel vm3, $0x0, v42  }
0x120: {  	[sflag:s15] =	ssyncset.done $0x0;
	v45 =	vmul.f32 v41, v61  }
0x121: {  	[sflag:s15] =	ssyncadd.s32 $0xFFFFFF00  }
0x122: {  	v62 =	vld [tilespmem:$0x15D20];
	v36 =	vmul.f32 v45, v38  }
0x123: {  	v46 =	vld [tilespmem:$0x15D30]  }
0x124: {  	v47 =	vld [tilespmem:$0x15D40];
	v37 =	vmul.f32 v36, v34  }
0x125: {  	v48 =	vshrl.u32 v40, $0xE;
	v39 =	vand.u32 $0x3F80, v40;
	v50 =	vld [tilespmem:$0x15D50];
	vm14 =	vgt.u32 v43, $0x1  }
0x126: {  	v35 =	vand.u32 $0x7F, v48;
	v51 =	vld [tilespmem:$0x15D60];
	v44 =	vsel vm14, $0x4000, v10;
	v49 =	vperm.xlane v37, v10  }
0x127: {  	v53 =	vld [tilespmem:$0x15D70];
	v52 =	vor.u32 v39, v44;
	v63 =	vperm.xlane v37, v18;
	v55 =	vperm.xlane v37, v17  }
0x128: {  	v57 =	vld [tilespmem:$0x15D80];
	v54 =	vor.u32 v35, v52;
	v56 =	vperm.xlane v37, v20;
	v33 =	vmul.f32 v49, v62  }
0x129: {  	[tilespmem:$0x16D20] =	vst v54;
	v54 =	vld [tilespmem:$0x15D90];
	v58 =	vperm.xlane v37, v21;
	v46 =	vmul.f32 v63, v46  }
0x12a: {  	v59 =	vmul.f32 v55, v47;
	v47 =	vmul.f32 v56, v50;
	v50 =	vld [tilespmem:$0x15DA0];
	[tilespmem:$0x16520] =	vst v33  }
0x12b: {  	v61 =	vperm.xlane v37, v22;
	v60 =	vmul.f32 v58, v51;
	v51 =	vld [tilespmem:$0x15DB0];
	[tilespmem:$0x16530] =	vst v46  }
0x12c: {  	v62 =	vperm.xlane v37, v23;
	v63 =	vperm.xlane v37, v24;
	v56 =	vld [tilespmem:$0x15DC0];
	[tilespmem:$0x16540] =	vst v59  }
0x12d: {  	v58 =	vmul.f32 v61, v53;
	v53 =	vld [tilespmem:$0x15DD0];
	[tilespmem:$0x16550] =	vst v47;
	v59 =	vperm.xlane v37, v25  }
0x12e: {  	[tilespmem:$0x16560] =	vst v60;
	v33 =	vmul.f32 v62, v57;
	v46 =	vmul.f32 v63, v54;
	v54 =	vld [tilespmem:$0x15DE0]  }
0x12f: {  	v61 =	vperm.xlane v37, v26;
	[tilespmem:$0x16570] =	vst v58;
	v62 =	vperm.xlane v37, v27;
	v57 =	vld [tilespmem:$0x15DF0]  }
0x130: {  	v63 =	vperm.xlane v37, v28;
	[tilespmem:$0x16580] =	vst v33;
	v60 =	vmul.f32 v59, v50  }
0x131: {  	v49 =	vld [tilespmem:$0x15D40];
	[tilespmem:$0x16590] =	vst v46;
	v33 =	vsub.f32 $1.000000000e+00, v34;
	v58 =	vmul.f32 v61, v51;
	v59 =	vperm.xlane v37, v29  }
0x132: {  	v51 =	vld [tilespmem:$0x15E00];
	v61 =	vmul.f32 v63, v53;
	v63 =	vperm.xlane v37, v30;
	[tilespmem:$0x165A0] =	vst v60  }
0x133: {  	v53 =	vld [tilespmem:$0x15E10];
	v55 =	vmul.f32 v36, v33;
	v60 =	vmul.f32 v62, v56;
	[tilespmem:$0x165B0] =	vst v58  }
0x134: {  	v62 =	vmul.f32 v59, v54;
	v54 =	vld [tilespmem:$0x15D20];
	[tilespmem:$0x165D0] =	vst v61;
	v61 =	vmul.f32 v63, v57  }
0x135: {  	v48 =	vadd.s32 $0x1, v48;
	v56 =	vld [tilespmem:$0x15D30];
	v63 =	vperm.xlane v55, v10;
	[tilespmem:$0x165C0] =	vst v60;
	v60 =	vperm.xlane v37, v16  }
0x136: {  	v50 =	vld [tilespmem:$0x15D50];
	v36 =	vand.u32 $0x7F, v48;
	v57 =	vperm.xlane v55, v18;
	v37 =	vperm.xlane v37, v15;
	[tilespmem:$0x165E0] =	vst v62  }
0x137: {  	v48 =	vld [tilespmem:$0x15D70];
	v59 =	vperm.xlane v55, v17;
	[tilespmem:$0x165F0] =	vst v61;
	v62 =	vmul.f32 v60, v51;
	v60 =	vor.u32 v36, v52  }
0x138: {  	v61 =	vperm.xlane v55, v20;
	v37 =	vmul.f32 v37, v53;
	v53 =	vld [tilespmem:$0x15D60];
	[tilespmem:$0x16D30] =	vst v60  }
0x139: {  	v58 =	vmul.f32 v63, v54;
	v63 =	vmul.f32 v59, v49;
	v49 =	vld [tilespmem:$0x15D90];
	[tilespmem:$0x16600] =	vst v62  }
0x13a: {  	v51 =	vmul.f32 v57, v56;
	v56 =	vperm.xlane v55, v21;
	[tilespmem:$0x16610] =	vst v37;
	v62 =	vld [tilespmem:$0x15D80]  }
0x13b: {  	v52 =	vld [tilespmem:$0x15DA0];
	v57 =	vmul.f32 v61, v50;
	[tilespmem:$0x16620] =	vst v58;
	v58 =	vperm.xlane v55, v22  }
0x13c: {  	v59 =	vperm.xlane v55, v23;
	v61 =	vperm.xlane v55, v24;
	v50 =	vld [tilespmem:$0x15DC0];
	[tilespmem:$0x16630] =	vst v51  }
0x13d: {  	v37 =	vsub.f32 $1.000000000e+00, v38;
	[tilespmem:$0x16640] =	vst v63;
	v47 =	vmul.f32 v56, v53;
	v53 =	vld [tilespmem:$0x15DB0];
	v60 =	vmul.f32 v58, v48  }
0x13e: {  	[tilespmem:$0x16650] =	vst v57;
	v63 =	vperm.xlane v55, v25;
	v57 =	vmul.f32 v61, v49  }
0x13f: {  	v54 =	vld [tilespmem:$0x15DD0];
	v45 =	vmul.f32 v45, v37;
	v62 =	vmul.f32 v59, v62;
	[tilespmem:$0x16670] =	vst v60  }
0x140: {  	v58 =	vperm.xlane v55, v26;
	v59 =	vld [tilespmem:$0x15DE0];
	v60 =	vperm.xlane v55, v27;
	[tilespmem:$0x16690] =	vst v57  }
0x141: {  	v51 =	vmul.f32 v63, v52;
	v57 =	vld [tilespmem:$0x15E00];
	[tilespmem:$0x16680] =	vst v62;
	v62 =	vperm.xlane v55, v28  }
0x142: {  	[tilespmem:$0x16660] =	vst v47;
	v63 =	vmul.f32 v60, v50;
	v61 =	vmul.f32 v58, v53;
	v53 =	vld [tilespmem:$0x15DF0]  }
0x143: {  	v56 =	vperm.xlane v55, v29;
	[tilespmem:$0x166A0] =	vst v51;
	v47 =	vmul.f32 v45, v34;
	v58 =	vld [tilespmem:$0x15E10]  }
0x144: {  	v42 =	vsub.f32 $1.000000000e+00, v42;
	v48 =	vmul.f32 v62, v54;
	[tilespmem:$0x166C0] =	vst v63;
	v62 =	vperm.xlane v55, v16  }
0x145: {  	vm15 =	vlt.u32 v43, $0x2;
	v60 =	vperm.xlane v55, v30;
	[tilespmem:$0x166B0] =	vst v61;
	v59 =	vmul.f32 v56, v59;
	v61 =	vld [tilespmem:$0x15D20]  }
0x146: {  	v42 =	vnsel vm15, $0x0, v42;
	v52 =	vld [tilespmem:$0x15D50];
	v56 =	vperm.xlane v55, v15;
	[tilespmem:$0x166D0] =	vst v48;
	v43 =	vmul.f32 v62, v57  }
0x147: {  	v40 =	vadd.s32 $0x80, v40;
	v41 =	vmul.f32 v41, v42;
	v54 =	vld [tilespmem:$0x15D30];
	[tilespmem:$0x166E0] =	vst v59;
	v63 =	vmul.f32 v60, v53  }
0x148: {  	v40 =	vand.u32 $0x3F80, v40;
	v49 =	vld [tilespmem:$0x15D70];
	v57 =	vperm.xlane v47, v10;
	v58 =	vmul.f32 v56, v58;
	[tilespmem:$0x16700] =	vst v43  }
0x149: {  	v45 =	vmul.f32 v45, v33;
	v51 =	vmul.f32 v41, v38;
	v53 =	vld [tilespmem:$0x15D40];
	v43 =	vor.u32 v40, v44;
	[tilespmem:$0x166F0] =	vst v63  }
0x14a: {  	v48 =	vld [tilespmem:$0x15D60];
	v60 =	vperm.xlane v47, v18;
	v59 =	vmul.f32 v57, v61;
	[tilespmem:$0x16710] =	vst v58;
	v61 =	vor.u32 v35, v43  }
0x14b: {  	v50 =	vld [tilespmem:$0x15DD0];
	v62 =	vperm.xlane v47, v17;
	v63 =	vperm.xlane v47, v20;
	v43 =	vor.u32 v36, v43;
	[tilespmem:$0x16D40] =	vst v61  }
0x14c: {  	v55 =	vld [tilespmem:$0x15D80];
	v56 =	vperm.xlane v47, v23;
	v57 =	vmul.f32 v60, v54;
	[tilespmem:$0x16D50] =	vst v43  }
0x14d: {  	v58 =	vperm.xlane v47, v21;
	v54 =	vld [tilespmem:$0x15D90];
	[tilespmem:$0x16720] =	vst v59;
	v60 =	vmul.f32 v63, v52  }
0x14e: {  	v61 =	vld [tilespmem:$0x15DA0];
	[tilespmem:$0x16730] =	vst v57;
	v63 =	vperm.xlane v47, v22;
	v59 =	vmul.f32 v62, v53  }
0x14f: {  	v57 =	vperm.xlane v47, v24;
	v52 =	vld [tilespmem:$0x15DE0];
	v62 =	vmul.f32 v58, v48;
	[tilespmem:$0x16750] =	vst v60  }
0x150: {  	v48 =	vld [tilespmem:$0x15DB0];
	v58 =	vperm.xlane v47, v25;
	v46 =	vmul.f32 v63, v49;
	[tilespmem:$0x16740] =	vst v59  }
0x151: {  	v53 =	vld [tilespmem:$0x15DC0];
	v63 =	vperm.xlane v47, v27;
	[tilespmem:$0x16760] =	vst v62;
	v59 =	vmul.f32 v56, v55  }
0x152: {  	v49 =	vld [tilespmem:$0x15E00];
	v60 =	vmul.f32 v57, v54;
	v57 =	vperm.xlane v47, v28;
	[tilespmem:$0x16770] =	vst v46  }
0x153: {  	v62 =	vperm.xlane v47, v26;
	v54 =	vld [tilespmem:$0x15DF0];
	v61 =	vmul.f32 v58, v61;
	[tilespmem:$0x16780] =	vst v59  }
0x154: {  	v56 =	vld [tilespmem:$0x15D20];
	[tilespmem:$0x16790] =	vst v60;
	v59 =	vperm.xlane v47, v29;
	v60 =	vmul.f32 v57, v50  }
0x155: {  	v57 =	vperm.xlane v47, v16;
	v58 =	vmul.f32 v62, v48;
	[tilespmem:$0x167A0] =	vst v61;
	v61 =	vld [tilespmem:$0x15E10]  }
0x156: {  	v42 =	vmul.f32 v63, v53;
	v63 =	vperm.xlane v47, v30;
	v48 =	vld [tilespmem:$0x15D40];
	[tilespmem:$0x167D0] =	vst v60  }
0x157: {  	v47 =	vperm.xlane v47, v15;
	v62 =	vmul.f32 v59, v52;
	[tilespmem:$0x167B0] =	vst v58;
	v58 =	vld [tilespmem:$0x15D30]  }
0x158: {  	v60 =	vperm.xlane v45, v10;
	[tilespmem:$0x167C0] =	vst v42;
	v42 =	vmul.f32 v57, v49  }
0x159: {  	v59 =	vmul.f32 v63, v54;
	v49 =	vld [tilespmem:$0x15D50];
	v63 =	vperm.xlane v45, v17;
	[tilespmem:$0x167E0] =	vst v62  }
0x15a: {  	v50 =	vld [tilespmem:$0x15D60];
	v62 =	vperm.xlane v45, v18;
	[tilespmem:$0x16800] =	vst v42;
	v42 =	vmul.f32 v60, v56  }
0x15b: {  	[tilespmem:$0x167F0] =	vst v59;
	v56 =	vld [tilespmem:$0x15D70];
	v61 =	vmul.f32 v47, v61;
	v60 =	vmul.f32 v63, v48  }
0x15c: {  	v59 =	vld [tilespmem:$0x15D80];
	[tilespmem:$0x16820] =	vst v42;
	v57 =	vmul.f32 v62, v58;
	v58 =	vperm.xlane v45, v20  }
0x15d: {  	v55 =	vperm.xlane v45, v23;
	[tilespmem:$0x16810] =	vst v61;
	v61 =	vperm.xlane v45, v21;
	v62 =	vld [tilespmem:$0x15D90]  }
0x15e: {  	v54 =	vperm.xlane v45, v22;
	[tilespmem:$0x16840] =	vst v60;
	v63 =	vmul.f32 v58, v49;
	v49 =	vld [tilespmem:$0x15DA0]  }
0x15f: {  	v48 =	vmul.f32 v51, v34;
	[tilespmem:$0x16830] =	vst v57;
	v44 =	vmul.f32 v61, v50;
	v50 =	vld [tilespmem:$0x15DB0]  }
0x160: {  	v56 =	vmul.f32 v54, v56;
	v57 =	vperm.xlane v45, v24;
	v58 =	vld [tilespmem:$0x15DC0];
	[tilespmem:$0x16850] =	vst v63  }
0x161: {  	v52 =	vld [tilespmem:$0x15DD0];
	v60 =	vperm.xlane v45, v25;
	v59 =	vmul.f32 v55, v59;
	[tilespmem:$0x16860] =	vst v44  }
0x162: {  	v63 =	vld [tilespmem:$0x15DE0];
	[tilespmem:$0x16870] =	vst v56;
	v61 =	vmul.f32 v57, v62;
	v62 =	vperm.xlane v45, v26  }
0x163: {  	v55 =	vperm.xlane v45, v27;
	[tilespmem:$0x16880] =	vst v59;
	v54 =	vmul.f32 v60, v49;
	v49 =	vld [tilespmem:$0x15DF0]  }
0x164: {  	v57 =	vperm.xlane v45, v28;
	v56 =	vmul.f32 v62, v50;
	[tilespmem:$0x16890] =	vst v61;
	v60 =	vld [tilespmem:$0x15E00]  }
0x165: {  	v59 =	vperm.xlane v45, v29;
	v58 =	vmul.f32 v55, v58;
	v62 =	vld [tilespmem:$0x15E10];
	[tilespmem:$0x168A0] =	vst v54  }
0x166: {  	v61 =	vmul.f32 v57, v52;
	[tilespmem:$0x168B0] =	vst v56;
	v56 =	vperm.xlane v45, v30  }
0x167: {  	v57 =	vld [tilespmem:$0x15D20];
	v63 =	vmul.f32 v59, v63;
	[tilespmem:$0x168C0] =	vst v58;
	v58 =	vperm.xlane v45, v16  }
0x168: {  	[tilespmem:$0x168D0] =	vst v61;
	v59 =	vperm.xlane v45, v15;
	v42 =	vmul.f32 v56, v49  }
0x169: {  	v43 =	vld [tilespmem:$0x15D60];
	[tilespmem:$0x168E0] =	vst v63;
	v44 =	vmul.f32 v58, v60  }
0x16a: {  	v38 =	vsel vm3, $0x0, v19;
	v52 =	vld [tilespmem:$0x15D30];
	v60 =	vperm.xlane v48, v10;
	v61 =	vmul.f32 v59, v62;
	[tilespmem:$0x168F0] =	vst v42  }
0x16b: {  	v39 =	vor.u32 v39, v38;
	v50 =	vld [tilespmem:$0x15D50];
	[tilespmem:$0x16900] =	vst v44  }
0x16c: {  	v37 =	vmul.f32 v41, v37;
	v45 =	vld [tilespmem:$0x15D40];
	v62 =	vmul.f32 v60, v57;
	[tilespmem:$0x16910] =	vst v61;
	v57 =	vor.u32 v35, v39  }
0x16d: {  	v38 =	vor.u32 v40, v38;
	v47 =	vld [tilespmem:$0x15D70];
	v63 =	vperm.xlane v48, v18;
	v39 =	vor.u32 v36, v39;
	[tilespmem:$0x16D60] =	vst v57  }
0x16e: {  	v54 =	vld [tilespmem:$0x15D80];
	v58 =	vperm.xlane v48, v17;
	v59 =	vperm.xlane v48, v20;
	v35 =	vor.u32 v35, v38;
	[tilespmem:$0x16D70] =	vst v39  }
0x16f: {  	v56 =	vld [tilespmem:$0x15DA0];
	v60 =	vmul.f32 v63, v52;
	v61 =	vperm.xlane v48, v21;
	[tilespmem:$0x16D80] =	vst v35  }
0x170: {  	v63 =	vmul.f32 v59, v50;
	v59 =	vperm.xlane v48, v23;
	[tilespmem:$0x16920] =	vst v62  }
0x171: {  	v52 =	vld [tilespmem:$0x15D90];
	v62 =	vmul.f32 v58, v45;
	[tilespmem:$0x16930] =	vst v60;
	v58 =	vperm.xlane v48, v22  }
0x172: {  	v46 =	vld [tilespmem:$0x15DB0];
	v57 =	vmul.f32 v61, v43;
	[tilespmem:$0x16950] =	vst v63;
	v61 =	vperm.xlane v48, v25;
	v45 =	vor.u32 v36, v38  }
0x173: {  	v53 =	vld [tilespmem:$0x15DC0];
	v60 =	vperm.xlane v48, v24;
	[tilespmem:$0x16D90] =	vst v45;
	v43 =	vmul.f32 v58, v47  }
0x174: {  	v50 =	vld [tilespmem:$0x15DE0];
	[tilespmem:$0x16940] =	vst v62;
	v62 =	vmul.f32 v59, v54;
	v56 =	vmul.f32 v61, v56  }
0x175: {  	v47 =	vld [tilespmem:$0x15DD0];
	[tilespmem:$0x16960] =	vst v57;
	v57 =	vperm.xlane v48, v26;
	v58 =	vperm.xlane v48, v27  }
0x176: {  	v59 =	vperm.xlane v48, v28;
	v63 =	vmul.f32 v60, v52;
	v60 =	vld [tilespmem:$0x15DF0];
	[tilespmem:$0x16970] =	vst v43  }
0x177: {  	v54 =	vld [tilespmem:$0x15E10];
	[tilespmem:$0x16980] =	vst v62;
	v61 =	vmul.f32 v57, v46;
	v62 =	vperm.xlane v48, v29  }
0x178: {  	v46 =	vld [tilespmem:$0x15E00];
	[tilespmem:$0x169A0] =	vst v56;
	v42 =	vmul.f32 v58, v53;
	v56 =	vperm.xlane v48, v30  }
0x179: {  	v57 =	vld [tilespmem:$0x15D20];
	v58 =	vperm.xlane v48, v16;
	[tilespmem:$0x16990] =	vst v63;
	v55 =	vmul.f32 v62, v50  }
0x17a: {  	[tilespmem:$0x169B0] =	vst v61;
	v50 =	vmul.f32 v51, v33;
	v61 =	vperm.xlane v48, v15;
	v62 =	vld [tilespmem:$0x15D40]  }
0x17b: {  	[tilespmem:$0x169C0] =	vst v42;
	v63 =	vmul.f32 v59, v47;
	v59 =	vld [tilespmem:$0x15D30];
	v60 =	vmul.f32 v56, v60  }
0x17c: {  	[tilespmem:$0x169E0] =	vst v55;
	v52 =	vmul.f32 v61, v54;
	v54 =	vld [tilespmem:$0x15D60];
	v56 =	vperm.xlane v50, v17  }
0x17d: {  	[tilespmem:$0x169D0] =	vst v63;
	v42 =	vmul.f32 v58, v46;
	v63 =	vperm.xlane v50, v10;
	v46 =	vld [tilespmem:$0x15D50]  }
0x17e: {  	v34 =	vmul.f32 v37, v34;
	v53 =	vperm.xlane v50, v18;
	[tilespmem:$0x169F0] =	vst v60;
	v60 =	vld [tilespmem:$0x15D80]  }
0x17f: {  	[tilespmem:$0x16A10] =	vst v52;
	v55 =	vmul.f32 v63, v57;
	v57 =	vld [tilespmem:$0x15D70];
	v61 =	vmul.f32 v56, v62  }
0x180: {  	[tilespmem:$0x16A00] =	vst v42;
	v62 =	vperm.xlane v50, v21;
	v63 =	vld [tilespmem:$0x15D90];
	v58 =	vmul.f32 v53, v59  }
0x181: {  	v56 =	vld [tilespmem:$0x15DB0];
	v59 =	vperm.xlane v50, v20;
	v53 =	vperm.xlane v50, v22;
	[tilespmem:$0x16A20] =	vst v55  }
0x182: {  	v54 =	vmul.f32 v62, v54;
	v55 =	vperm.xlane v50, v23;
	[tilespmem:$0x16A40] =	vst v61;
	v62 =	vld [tilespmem:$0x15DD0]  }
0x183: {  	v61 =	vperm.xlane v50, v25;
	v52 =	vmul.f32 v59, v46;
	v46 =	vld [tilespmem:$0x15DA0];
	[tilespmem:$0x16A30] =	vst v58  }
0x184: {  	v58 =	vperm.xlane v50, v24;
	v59 =	vld [tilespmem:$0x15DC0];
	v60 =	vmul.f32 v55, v60;
	[tilespmem:$0x16A60] =	vst v54  }
0x185: {  	v57 =	vmul.f32 v53, v57;
	[tilespmem:$0x16A50] =	vst v52;
	v52 =	vperm.xlane v50, v26;
	v53 =	vld [tilespmem:$0x15DE0]  }
0x186: {  	v49 =	vld [tilespmem:$0x15DB0];
	v55 =	vperm.xlane v50, v27;
	v63 =	vmul.f32 v58, v63;
	[tilespmem:$0x16A80] =	vst v60  }
0x187: {  	v58 =	vld [tilespmem:$0x15DF0];
	[tilespmem:$0x16A70] =	vst v57;
	v56 =	vmul.f32 v52, v56;
	v57 =	vperm.xlane v50, v28  }
0x188: {  	v60 =	vperm.xlane v50, v29;
	[tilespmem:$0x16A90] =	vst v63;
	v54 =	vmul.f32 v61, v46;
	v61 =	vld [tilespmem:$0x15E00]  }
0x189: {  	v63 =	vld [tilespmem:$0x15E10];
	v59 =	vmul.f32 v55, v59;
	v62 =	vmul.f32 v57, v62;
	[tilespmem:$0x16AB0] =	vst v56  }
0x18a: {  	[tilespmem:$0x16AA0] =	vst v54;
	v52 =	vmul.f32 v60, v53;
	v53 =	vperm.xlane v50, v30;
	v54 =	vld [tilespmem:$0x15D20]  }
0x18b: {  	v51 =	vperm.xlane v34, v23;
	v55 =	vperm.xlane v50, v16;
	v56 =	vld [tilespmem:$0x15D30];
	[tilespmem:$0x16AC0] =	vst v59  }
0x18c: {  	v46 =	vld [tilespmem:$0x15D40];
	[tilespmem:$0x16AD0] =	vst v62;
	v57 =	vmul.f32 v53, v58;
	v58 =	vperm.xlane v50, v15  }
0x18d: {  	v47 =	vld [tilespmem:$0x15D50];
	v60 =	vperm.xlane v34, v10;
	[tilespmem:$0x16AE0] =	vst v52;
	v59 =	vmul.f32 v55, v61  }
0x18e: {  	v62 =	vperm.xlane v34, v18;
	v53 =	vld [tilespmem:$0x15D70];
	[tilespmem:$0x16AF0] =	vst v57;
	v61 =	vmul.f32 v58, v63  }
0x18f: {  	v55 =	vperm.xlane v34, v17;
	v63 =	vld [tilespmem:$0x15D60];
	[tilespmem:$0x16B00] =	vst v59;
	v52 =	vmul.f32 v60, v54  }
0x190: {  	v57 =	vperm.xlane v34, v20;
	v54 =	vmul.f32 v62, v56;
	v56 =	vld [tilespmem:$0x15D80];
	[tilespmem:$0x16B10] =	vst v61  }
0x191: {  	v59 =	vld [tilespmem:$0x15D90];
	v60 =	vmul.f32 v55, v46;
	v61 =	vperm.xlane v34, v22;
	[tilespmem:$0x16B20] =	vst v52  }
0x192: {  	v62 =	vld [tilespmem:$0x15DA0];
	v35 =	vmul.f32 v57, v47;
	v57 =	vperm.xlane v34, v26;
	[tilespmem:$0x16B30] =	vst v54  }
0x193: {  	v58 =	vperm.xlane v34, v21;
	[tilespmem:$0x16B40] =	vst v60;
	v50 =	vmul.f32 v61, v53  }
0x194: {  	v52 =	vld [tilespmem:$0x15DC0];
	[tilespmem:$0x16B50] =	vst v35;
	v53 =	vperm.xlane v34, v24;
	v61 =	vmul.f32 v57, v49  }
0x195: {  	v54 =	vperm.xlane v34, v25;
	v60 =	vld [tilespmem:$0x15DF0];
	v63 =	vmul.f32 v58, v63;
	[tilespmem:$0x16B70] =	vst v50  }
0x196: {  	v55 =	vld [tilespmem:$0x15DD0];
	v56 =	vmul.f32 v51, v56;
	v35 =	vmul.f32 v53, v59;
	[tilespmem:$0x16BB0] =	vst v61  }
0x197: {  	v58 =	vld [tilespmem:$0x15DE0];
	v59 =	vmul.f32 v54, v62;
	v62 =	vperm.xlane v34, v27;
	[tilespmem:$0x16B60] =	vst v63  }
0x198: {  	v48 =	vperm.xlane v34, v29;
	v49 =	vld [tilespmem:$0x15E00];
	v51 =	vperm.xlane v34, v30;
	[tilespmem:$0x16B80] =	vst v56  }
0x199: {  	v57 =	vld [tilespmem:$0x15D30];
	v63 =	vperm.xlane v34, v28;
	[tilespmem:$0x16B90] =	vst v35;
	v50 =	vmul.f32 v62, v52  }
0x19a: {  	v33 =	vmul.f32 v37, v33;
	v61 =	vld [tilespmem:$0x15D50];
	[tilespmem:$0x16BA0] =	vst v59;
	v54 =	vmul.f32 v51, v60  }
0x19b: {  	v52 =	vld [tilespmem:$0x15E10];
	v35 =	vmul.f32 v63, v55;
	v55 =	vperm.xlane v34, v16;
	[tilespmem:$0x16BC0] =	vst v50  }
0x19c: {  	v56 =	vld [tilespmem:$0x15D20];
	v62 =	vperm.xlane v33, v18;
	v53 =	vmul.f32 v48, v58;
	[tilespmem:$0x16BF0] =	vst v54  }
0x19d: {  	v59 =	vld [tilespmem:$0x15D40];
	v50 =	vperm.xlane v33, v20;
	[tilespmem:$0x16BD0] =	vst v35;
	v58 =	vmul.f32 v55, v49  }
0x19e: {  	v34 =	vperm.xlane v34, v15;
	v63 =	vld [tilespmem:$0x15D60];
	v49 =	vmul.f32 v62, v57;
	[tilespmem:$0x16BE0] =	vst v53  }
0x19f: {  	v60 =	vperm.xlane v33, v10;
	v48 =	vld [tilespmem:$0x15D70];
	v55 =	vmul.f32 v50, v61;
	[tilespmem:$0x16C00] =	vst v58  }
0x1a0: {  	v47 =	vperm.xlane v33, v17;
	v51 =	vld [tilespmem:$0x15D80];
	v34 =	vmul.f32 v34, v52;
	[tilespmem:$0x16C30] =	vst v49  }
0x1a1: {  	v54 =	vld [tilespmem:$0x15D90];
	v53 =	vperm.xlane v33, v21;
	v46 =	vmul.f32 v60, v56;
	[tilespmem:$0x16C50] =	vst v55  }
0x1a2: {  	v57 =	vld [tilespmem:$0x15DA0];
	v52 =	vmul.f32 v47, v59;
	v56 =	vperm.xlane v33, v22;
	[tilespmem:$0x16C10] =	vst v34  }
0x1a3: {  	v45 =	vld [tilespmem:$0x15DD0];
	v59 =	vperm.xlane v33, v23;
	v58 =	vmul.f32 v53, v63;
	[tilespmem:$0x16C20] =	vst v46  }
0x1a4: {  	v62 =	vperm.xlane v33, v24;
	v60 =	vld [tilespmem:$0x15DB0];
	[tilespmem:$0x16C40] =	vst v52;
	v61 =	vmul.f32 v56, v48  }
0x1a5: {  	v44 =	vperm.xlane v33, v25;
	v63 =	vld [tilespmem:$0x15DC0];
	v43 =	vmul.f32 v59, v51;
	[tilespmem:$0x16C60] =	vst v58  }
0x1a6: {  	v53 =	vperm.xlane v33, v28;
	v46 =	vmul.f32 v62, v54;
	v48 =	vld [tilespmem:$0x15DE0];
	[tilespmem:$0x16C70] =	vst v61  }
0x1a7: {  	v47 =	vperm.xlane v33, v26;
	v51 =	vld [tilespmem:$0x15DF0];
	v49 =	vmul.f32 v44, v57;
	[tilespmem:$0x16C80] =	vst v43  }
0x1a8: {  	v50 =	vperm.xlane v33, v27;
	v54 =	vld [tilespmem:$0x15E00];
	v58 =	vmul.f32 v53, v45;
	[tilespmem:$0x16C90] =	vst v46  }
0x1a9: {  	v56 =	vperm.xlane v33, v29;
	v57 =	vld [tilespmem:$0x15E10];
	v52 =	vmul.f32 v47, v60;
	[tilespmem:$0x16CA0] =	vst v49  }
0x1aa: {  	v59 =	vperm.xlane v33, v30;
	[tilespmem:$0x16CD0] =	vst v58;
	v55 =	vmul.f32 v50, v63  }
0x1ab: {  	v61 =	vperm.xlane v33, v16;
	[tilespmem:$0x16CB0] =	vst v52;
	v60 =	vmul.f32 v56, v48  }
0x1ac: {  	v33 =	vperm.xlane v33, v15;
	v62 =	vmul.f32 v59, v51;
	[tilespmem:$0x16CC0] =	vst v55  }
0x1ad: {  	v63 =	vmul.f32 v61, v54;
	[tilespmem:$0x16CE0] =	vst v60  }
0x1ae: {  	v33 =	vmul.f32 v33, v57;
	[tilespmem:$0x16CF0] =	vst v62  }
0x1af: {  	[tilespmem:$0x16D00] =	vst v63  }
.Ltmp4:
0x1b0: {  	[tilespmem:$0x16D10] =	vst v33;
	(pc) =	sbr.rel .LBB2_9-.Ltmp4, $4  }
0x1b1: {  	[spmem:s3] =	stream.indirect.scatter.add.f32 [tilespmem:s19], [sflag:$0x2], $0x10, s18, s16, $0xb8;
	[tilespmem:$0x1F5A0] =	vst v63  }
0x1b2: {  	_ =	swait.ge [sflag:s1], $0x800  }
0x1b3: {  	[sflag:s1] =	ssyncset.done $0x0  }
0x1b4: {  	s29 =	sadd.s32 $0x10, s29;
	s30 =	sadd.s32 $0x10, s30;
	[sflag:s1] =	ssyncadd.s32 $0xFFFFF800  }
.LBB2_11:
0x1b5: {  	[bflag:$0x0] =	sbarrier.arrive $0xFFFF;
	s9 =	simm.s32 $0x175A0;
	s4 =	simm.s32 $0x0  }
0x1b6: {  	[tilespmem:s9], [sflag:$0x2] =	stream.linear.gather [spmem:s24], $0x4000, $0x38;
	v31 =	vmov s4;
	[tilespmem:$0x1F5A0] =	vst v63  }
0x1b7: {  	_ =	swait.ge [sflag:s1], $0x4000;
	v31 =	vand.u32 $0x3FF, v31  }
0x1b8: {  	[sflag:s1] =	ssyncset.done $0x0;
	v33 =	vbroadcast v31, $0x0;
	v31 =	vmul.u32 $0x400, v2  }
0x1b9: {  	[sflag:s1] =	ssyncadd.s32 $0xFFFFC000  }
0x1ba: {  	s4 =	simm.s32 $0x1;
	v32 =	vld [tilespmem:s9+$0x0];
	v33 =	vor.u32 v31, v33  }
.LBB2_12:
0x1bb: {  	p0 =	sne.s32 s4, $0x3FF  }
.Ltmp5:
0x1bc: {  	v34 =	vmov s4;
	s4 =	sadd.s32 $0x1, s4;
	(pc) =	sbr.rel @p0 .LBB2_12-.Ltmp5, $4  }
0x1bd: {  	v34 =	vand.u32 $0x3FF, v34  }
0x1be: {  	v34 =	vbroadcast v34, $0x0  }
0x1bf: {  	s9 =	sadd.s32 $0x10, s9;
	[tilespmem:v33+s20+$0x0] =	vst.idx.msk $0xffff, v32  }
0x1c0: {  	v33 =	vor.u32 v31, v34;
	v32 =	vld [tilespmem:s9+$0x0]  }
0x1c1: {  	s9 =	sld [smem:$0x7F8];
	_ =	sdelay $0x1  }
0x1c2: {  	s4 =	sshll.u32 s28, $0xC  }
0x1c3: {  	s21 =	sor.u32 s9, s4  }
0x1c4: {  	s28 =	rddreg [dreg:$0x17];
	s9 =	simm.s32 $0x0;
	[tilespmem:v33+s20+$0x0] =	vst.idx.msk $0xffff, v32;
	s4 =	sadd.s32 s6, s21  }
0x1c5: {  	[hbm4b:s4+s9] =	stream.linear.scatter [tilespmem:s20], [sflag:$0x1], $0x400, $0x38;
	[tilespmem:$0x1F5A0] =	vst v63  }
0x1c6: {  	s17 =	simm.s32 $0x1B9A0;
	s29 =	rddreg [dreg:$0x18];
	s4 =	sadd.s32 s21, s28  }
0x1c7: {  	[hbm4b:s4+s9] =	stream.linear.scatter [tilespmem:s17], [sflag:$0x1], $0x400, $0x38;
	[tilespmem:$0x1F5A0] =	vst v63  }
0x1c8: {  	s17 =	rddreg [dreg:$0x19]  }
0x1c9: {  	s30 =	simm.s32 $0x1BDA0;
	s4 =	sadd.s32 s21, s29;
	s29 =	rddreg [dreg:$0x1a]  }
0x1ca: {  	[hbm4b:s4+s9] =	stream.linear.scatter [tilespmem:s30], [sflag:$0x1], $0x400, $0x38;
	[tilespmem:$0x1F5A0] =	vst v63  }
0x1cb: {  	s28 =	simm.s32 $0x1C1A0;
	s4 =	sadd.s32 s21, s17;
	s17 =	rddreg [dreg:$0x1b]  }
0x1cc: {  	[hbm4b:s4+s9] =	stream.linear.scatter [tilespmem:s28], [sflag:$0x1], $0x400, $0x38;
	[tilespmem:$0x1F5A0] =	vst v63  }
0x1cd: {  	s30 =	simm.s32 $0x1C5A0;
	s4 =	sadd.s32 s21, s29;
	s29 =	rddreg [dreg:$0x1c]  }
0x1ce: {  	[hbm4b:s4+s9] =	stream.linear.scatter [tilespmem:s30], [sflag:$0x1], $0x400, $0x38;
	[tilespmem:$0x1F5A0] =	vst v63  }
0x1cf: {  	s28 =	simm.s32 $0x1C9A0;
	s4 =	sadd.s32 s21, s17;
	s17 =	rddreg [dreg:$0x1d]  }
0x1d0: {  	[hbm4b:s4+s9] =	stream.linear.scatter [tilespmem:s28], [sflag:$0x1], $0x400, $0x38;
	[tilespmem:$0x1F5A0] =	vst v63  }
0x1d1: {  	s30 =	simm.s32 $0x1CDA0;
	s4 =	sadd.s32 s21, s29;
	s29 =	rddreg [dreg:$0x1e]  }
0x1d2: {  	[hbm4b:s4+s9] =	stream.linear.scatter [tilespmem:s30], [sflag:$0x1], $0x400, $0x38;
	[tilespmem:$0x1F5A0] =	vst v63  }
0x1d3: {  	s28 =	simm.s32 $0x1D1A0;
	s4 =	sadd.s32 s21, s17;
	s17 =	rddreg [dreg:$0x1f]  }
0x1d4: {  	[hbm4b:s4+s9] =	stream.linear.scatter [tilespmem:s28], [sflag:$0x1], $0x400, $0x38;
	[tilespmem:$0x1F5A0] =	vst v63  }
0x1d5: {  	s30 =	simm.s32 $0x1D5A0;
	s4 =	sadd.s32 s21, s29;
	s29 =	sld [smem:$0x7E6]  }
0x1d6: {  	[hbm4b:s4+s9] =	stream.linear.scatter [tilespmem:s30], [sflag:$0x1], $0x400, $0x38;
	[tilespmem:$0x1F5A0] =	vst v63  }
0x1d7: {  	s28 =	simm.s32 $0x1D9A0;
	s4 =	sadd.s32 s21, s17;
	s17 =	sld [smem:$0x7E7]  }
0x1d8: {  	[hbm4b:s4+s9] =	stream.linear.scatter [tilespmem:s28], [sflag:$0x1], $0x400, $0x38;
	[tilespmem:$0x1F5A0] =	vst v63  }
0x1d9: {  	s30 =	simm.s32 $0x1DDA0;
	s4 =	sadd.s32 s21, s29;
	s29 =	sld [smem:$0x7E8]  }
0x1da: {  	[hbm4b:s4+s9] =	stream.linear.scatter [tilespmem:s30], [sflag:$0x1], $0x400, $0x38;
	[tilespmem:$0x1F5A0] =	vst v63  }
0x1db: {  	s28 =	simm.s32 $0x1E1A0;
	s4 =	sadd.s32 s21, s17;
	s17 =	sld [smem:$0x7E9]  }
0x1dc: {  	[hbm4b:s4+s9] =	stream.linear.scatter [tilespmem:s28], [sflag:$0x1], $0x400, $0x38;
	[tilespmem:$0x1F5A0] =	vst v63  }
0x1dd: {  	s30 =	simm.s32 $0x1E5A0;
	s4 =	sadd.s32 s21, s29  }
0x1de: {  	[hbm4b:s4+s9] =	stream.linear.scatter [tilespmem:s30], [sflag:$0x1], $0x400, $0x38;
	[tilespmem:$0x1F5A0] =	vst v63  }
0x1df: {  	s28 =	simm.s32 $0x1E9A0;
	s29 =	sld [smem:$0x7EA];
	s4 =	sadd.s32 s21, s17  }
0x1e0: {  	[hbm4b:s4+s9] =	stream.linear.scatter [tilespmem:s28], [sflag:$0x1], $0x400, $0x38;
	[tilespmem:$0x1F5A0] =	vst v63  }
0x1e1: {  	s28 =	sld [smem:$0x7EB]  }
0x1e2: {  	s30 =	simm.s32 $0x1EDA0;
	s4 =	sadd.s32 s21, s29  }
0x1e3: {  	[hbm4b:s4+s9] =	stream.linear.scatter [tilespmem:s30], [sflag:$0x1], $0x400, $0x38;
	[tilespmem:$0x1F5A0] =	vst v63  }
0x1e4: {  	s29 =	simm.s32 $0x1F1A0;
	s4 =	sadd.s32 s21, s28  }
0x1e5: {  	[hbm4b:s4+s9] =	stream.linear.scatter [tilespmem:s29], [sflag:$0x1], $0x400, $0x38;
	[tilespmem:$0x1F5A0] =	vst v63  }
0x1e6: {  	_ =	swait.ge [sflag:s15], $0x400  }
0x1e7: {  	[sflag:s15] =	ssyncset.done $0x0  }
0x1e8: {  	[sflag:s15] =	ssyncadd.s32 $0xFFFFFC00  }
0x1e9: {  	_ =	swait.ge [sflag:s15], $0x400  }
0x1ea: {  	[sflag:s15] =	ssyncset.done $0x0  }
0x1eb: {  	[sflag:s15] =	ssyncadd.s32 $0xFFFFFC00  }
0x1ec: {  	_ =	swait.ge [sflag:s15], $0x400  }
0x1ed: {  	[sflag:s15] =	ssyncset.done $0x0  }
0x1ee: {  	[sflag:s15] =	ssyncadd.s32 $0xFFFFFC00  }
0x1ef: {  	_ =	swait.ge [sflag:s15], $0x400  }
0x1f0: {  	[sflag:s15] =	ssyncset.done $0x0  }
0x1f1: {  	[sflag:s15] =	ssyncadd.s32 $0xFFFFFC00  }
0x1f2: {  	_ =	swait.ge [sflag:s15], $0x400  }
0x1f3: {  	[sflag:s15] =	ssyncset.done $0x0  }
0x1f4: {  	[sflag:s15] =	ssyncadd.s32 $0xFFFFFC00  }
0x1f5: {  	_ =	swait.ge [sflag:s15], $0x400  }
0x1f6: {  	[sflag:s15] =	ssyncset.done $0x0  }
0x1f7: {  	[sflag:s15] =	ssyncadd.s32 $0xFFFFFC00  }
0x1f8: {  	_ =	swait.ge [sflag:s15], $0x400  }
0x1f9: {  	[sflag:s15] =	ssyncset.done $0x0  }
0x1fa: {  	[sflag:s15] =	ssyncadd.s32 $0xFFFFFC00  }
0x1fb: {  	_ =	swait.ge [sflag:s15], $0x400  }
0x1fc: {  	[sflag:s15] =	ssyncset.done $0x0  }
0x1fd: {  	[sflag:s15] =	ssyncadd.s32 $0xFFFFFC00  }
0x1fe: {  	_ =	swait.ge [sflag:s15], $0x400  }
0x1ff: {  	[sflag:s15] =	ssyncset.done $0x0  }
0x200: {  	[sflag:s15] =	ssyncadd.s32 $0xFFFFFC00  }
0x201: {  	_ =	swait.ge [sflag:s15], $0x400  }
0x202: {  	[sflag:s15] =	ssyncset.done $0x0  }
0x203: {  	[sflag:s15] =	ssyncadd.s32 $0xFFFFFC00  }
0x204: {  	_ =	swait.ge [sflag:s15], $0x400  }
0x205: {  	[sflag:s15] =	ssyncset.done $0x0  }
0x206: {  	[sflag:s15] =	ssyncadd.s32 $0xFFFFFC00  }
0x207: {  	_ =	swait.ge [sflag:s15], $0x400  }
0x208: {  	[sflag:s15] =	ssyncset.done $0x0  }
0x209: {  	[sflag:s15] =	ssyncadd.s32 $0xFFFFFC00  }
0x20a: {  	_ =	swait.ge [sflag:s15], $0x400  }
0x20b: {  	[sflag:s15] =	ssyncset.done $0x0  }
0x20c: {  	[sflag:s15] =	ssyncadd.s32 $0xFFFFFC00  }
0x20d: {  	_ =	swait.ge [sflag:s15], $0x400  }
0x20e: {  	[sflag:s15] =	ssyncset.done $0x0  }
0x20f: {  	[sflag:s15] =	ssyncadd.s32 $0xFFFFFC00  }
0x210: {  	_ =	swait.ge [sflag:s15], $0x400  }
0x211: {  	[sflag:s15] =	ssyncset.done $0x0  }
0x212: {  	[sflag:s15] =	ssyncadd.s32 $0xFFFFFC00  }
0x213: {  	_ =	swait.ge [sflag:s15], $0x400  }
0x214: {  	[sflag:s15] =	ssyncset.done $0x0  }
0x215: {  	s17 =	simm.s32 $0x175A0;
	s30 =	rddreg [dreg:$0xf];
	[sflag:s15] =	ssyncadd.s32 $0xFFFFFC00  }
0x216: {  	v62 =	vmov s9;
	[tilespmem:s17], [sflag:$0x2] =	stream.linear.gather [spmem:s30], $0x4000, $0x38;
	[tilespmem:$0x1F5A0] =	vst v63  }
0x217: {  	v32 =	vand.u32 $0x3FF, v62;
	_ =	swait.ge [sflag:s1], $0x4000  }
0x218: {  	v63 =	vbroadcast v32, $0x0;
	[sflag:s1] =	ssyncset.done $0x0  }
0x219: {  	[sflag:s1] =	ssyncadd.s32 $0xFFFFC000  }
0x21a: {  	v33 =	vor.u32 v31, v63;
	s4 =	simm.s32 $0x1;
	v32 =	vld [tilespmem:s17+$0x0]  }
.LBB2_14:
0x21b: {  	p0 =	sne.s32 s4, $0x3FF  }
.Ltmp6:
0x21c: {  	v34 =	vmov s4;
	s4 =	sadd.s32 $0x1, s4;
	(pc) =	sbr.rel @p0 .LBB2_14-.Ltmp6, $4  }
0x21d: {  	v34 =	vand.u32 $0x3FF, v34  }
0x21e: {  	v34 =	vbroadcast v34, $0x0  }
0x21f: {  	s17 =	sadd.s32 $0x10, s17;
	[tilespmem:v33+s20+$0x0] =	vst.idx.msk $0xffff, v32  }
0x220: {  	v33 =	vor.u32 v31, v34;
	v32 =	vld [tilespmem:s17+$0x0]  }
0x221: {  	_ = 	snop  }
0x222: {  	s4 =	sld [smem:$0x7FB];
	_ =	sdelay $0x1  }
0x223: {  	s9 =	sld [smem:$0x7EC]  }
0x224: {  	s17 =	sld [smem:$0x7ED];
	s4 =	sadd.s32 s21, s4;
	[tilespmem:v33+s20+$0x0] =	vst.idx.msk $0xffff, v32  }
0x225: {  	[hbm4b:s4+s22] =	stream.linear.scatter [tilespmem:s20], [sflag:$0x1], $0x400, $0x38;
	[tilespmem:$0x1F5A0] =	vst v63  }
0x226: {  	s29 =	sld [smem:$0x7EE];
	s4 =	sadd.s32 s21, s9;
	s9 =	simm.s32 $0x1B9A0  }
0x227: {  	[hbm4b:s4+s22] =	stream.linear.scatter [tilespmem:s9], [sflag:$0x1], $0x400, $0x38;
	[tilespmem:$0x1F5A0] =	vst v63  }
0x228: {  	s28 =	simm.s32 $0x1BDA0;
	s4 =	sadd.s32 s21, s17;
	s17 =	sld [smem:$0x7EF]  }
0x229: {  	[hbm4b:s4+s22] =	stream.linear.scatter [tilespmem:s28], [sflag:$0x1], $0x400, $0x38;
	[tilespmem:$0x1F5A0] =	vst v63  }
0x22a: {  	s30 =	simm.s32 $0x1C1A0;
	s4 =	sadd.s32 s21, s29;
	s29 =	sld [smem:$0x7F0]  }
0x22b: {  	[hbm4b:s4+s22] =	stream.linear.scatter [tilespmem:s30], [sflag:$0x1], $0x400, $0x38;
	[tilespmem:$0x1F5A0] =	vst v63  }
0x22c: {  	s28 =	simm.s32 $0x1C5A0;
	s4 =	sadd.s32 s21, s17;
	s17 =	sld [smem:$0x7F1]  }
0x22d: {  	[hbm4b:s4+s22] =	stream.linear.scatter [tilespmem:s28], [sflag:$0x1], $0x400, $0x38;
	[tilespmem:$0x1F5A0] =	vst v63  }
0x22e: {  	s30 =	simm.s32 $0x1C9A0;
	s4 =	sadd.s32 s21, s29;
	s29 =	sld [smem:$0x7F2]  }
0x22f: {  	[hbm4b:s4+s22] =	stream.linear.scatter [tilespmem:s30], [sflag:$0x1], $0x400, $0x38;
	[tilespmem:$0x1F5A0] =	vst v63  }
0x230: {  	s28 =	simm.s32 $0x1CDA0;
	s4 =	sadd.s32 s21, s17;
	s17 =	sld [smem:$0x7F3]  }
0x231: {  	[hbm4b:s4+s22] =	stream.linear.scatter [tilespmem:s28], [sflag:$0x1], $0x400, $0x38;
	[tilespmem:$0x1F5A0] =	vst v63  }
0x232: {  	s30 =	simm.s32 $0x1D1A0;
	s4 =	sadd.s32 s21, s29;
	s29 =	sld [smem:$0x7F4]  }
0x233: {  	[hbm4b:s4+s22] =	stream.linear.scatter [tilespmem:s30], [sflag:$0x1], $0x400, $0x38;
	[tilespmem:$0x1F5A0] =	vst v63  }
0x234: {  	s28 =	simm.s32 $0x1D5A0;
	s4 =	sadd.s32 s21, s17;
	s17 =	sld [smem:$0x7F6]  }
0x235: {  	[hbm4b:s4+s22] =	stream.linear.scatter [tilespmem:s28], [sflag:$0x1], $0x400, $0x38;
	[tilespmem:$0x1F5A0] =	vst v63  }
0x236: {  	s30 =	simm.s32 $0x1D9A0;
	s4 =	sadd.s32 s21, s29;
	s29 =	sld [smem:$0x7F7]  }
0x237: {  	[hbm4b:s4+s22] =	stream.linear.scatter [tilespmem:s30], [sflag:$0x1], $0x400, $0x38;
	[tilespmem:$0x1F5A0] =	vst v63  }
0x238: {  	s28 =	simm.s32 $0x1DDA0;
	s4 =	sadd.s32 s21, s17;
	s17 =	sld [smem:$0x7F9]  }
0x239: {  	[hbm4b:s4+s22] =	stream.linear.scatter [tilespmem:s28], [sflag:$0x1], $0x400, $0x38;
	[tilespmem:$0x1F5A0] =	vst v63  }
0x23a: {  	s30 =	simm.s32 $0x1E1A0;
	s4 =	sadd.s32 s21, s29;
	s29 =	sld [smem:$0x7FA]  }
0x23b: {  	[hbm4b:s4+s22] =	stream.linear.scatter [tilespmem:s30], [sflag:$0x1], $0x400, $0x38;
	[tilespmem:$0x1F5A0] =	vst v63  }
0x23c: {  	s28 =	simm.s32 $0x1E5A0;
	s4 =	sadd.s32 s21, s17;
	s17 =	sld [smem:$0x7FC]  }
0x23d: {  	[hbm4b:s4+s22] =	stream.linear.scatter [tilespmem:s28], [sflag:$0x1], $0x400, $0x38;
	[tilespmem:$0x1F5A0] =	vst v63  }
0x23e: {  	s30 =	simm.s32 $0x1E9A0;
	s4 =	sadd.s32 s21, s29;
	s29 =	sld [smem:$0x7FD]  }
0x23f: {  	[hbm4b:s4+s22] =	stream.linear.scatter [tilespmem:s30], [sflag:$0x1], $0x400, $0x38;
	[tilespmem:$0x1F5A0] =	vst v63  }
0x240: {  	s28 =	simm.s32 $0x1EDA0;
	s4 =	sadd.s32 s21, s17  }
0x241: {  	[hbm4b:s4+s22] =	stream.linear.scatter [tilespmem:s28], [sflag:$0x1], $0x400, $0x38;
	[tilespmem:$0x1F5A0] =	vst v63  }
0x242: {  	s30 =	simm.s32 $0x1F1A0;
	s4 =	sadd.s32 s21, s29  }
0x243: {  	[hbm4b:s4+s22] =	stream.linear.scatter [tilespmem:s30], [sflag:$0x1], $0x400, $0x38;
	[tilespmem:$0x1F5A0] =	vst v63  }
0x244: {  	_ =	swait.ge [sflag:s15], $0x400  }
0x245: {  	[sflag:s15] =	ssyncset.done $0x0  }
0x246: {  	[sflag:s15] =	ssyncadd.s32 $0xFFFFFC00  }
0x247: {  	_ =	swait.ge [sflag:s15], $0x400  }
0x248: {  	[sflag:s15] =	ssyncset.done $0x0  }
0x249: {  	[sflag:s15] =	ssyncadd.s32 $0xFFFFFC00  }
0x24a: {  	_ =	swait.ge [sflag:s15], $0x400  }
0x24b: {  	[sflag:s15] =	ssyncset.done $0x0  }
0x24c: {  	[sflag:s15] =	ssyncadd.s32 $0xFFFFFC00  }
0x24d: {  	_ =	swait.ge [sflag:s15], $0x400  }
0x24e: {  	[sflag:s15] =	ssyncset.done $0x0  }
0x24f: {  	[sflag:s15] =	ssyncadd.s32 $0xFFFFFC00  }
0x250: {  	_ =	swait.ge [sflag:s15], $0x400  }
0x251: {  	[sflag:s15] =	ssyncset.done $0x0  }
0x252: {  	[sflag:s15] =	ssyncadd.s32 $0xFFFFFC00  }
0x253: {  	_ =	swait.ge [sflag:s15], $0x400  }
0x254: {  	[sflag:s15] =	ssyncset.done $0x0  }
0x255: {  	[sflag:s15] =	ssyncadd.s32 $0xFFFFFC00  }
0x256: {  	_ =	swait.ge [sflag:s15], $0x400  }
0x257: {  	[sflag:s15] =	ssyncset.done $0x0  }
0x258: {  	[sflag:s15] =	ssyncadd.s32 $0xFFFFFC00  }
0x259: {  	_ =	swait.ge [sflag:s15], $0x400  }
0x25a: {  	[sflag:s15] =	ssyncset.done $0x0  }
0x25b: {  	[sflag:s15] =	ssyncadd.s32 $0xFFFFFC00  }
0x25c: {  	_ =	swait.ge [sflag:s15], $0x400  }
0x25d: {  	[sflag:s15] =	ssyncset.done $0x0  }
0x25e: {  	[sflag:s15] =	ssyncadd.s32 $0xFFFFFC00  }
0x25f: {  	_ =	swait.ge [sflag:s15], $0x400  }
0x260: {  	[sflag:s15] =	ssyncset.done $0x0  }
0x261: {  	[sflag:s15] =	ssyncadd.s32 $0xFFFFFC00  }
0x262: {  	_ =	swait.ge [sflag:s15], $0x400  }
0x263: {  	[sflag:s15] =	ssyncset.done $0x0  }
0x264: {  	[sflag:s15] =	ssyncadd.s32 $0xFFFFFC00  }
0x265: {  	_ =	swait.ge [sflag:s15], $0x400  }
0x266: {  	[sflag:s15] =	ssyncset.done $0x0  }
0x267: {  	[sflag:s15] =	ssyncadd.s32 $0xFFFFFC00  }
0x268: {  	_ =	swait.ge [sflag:s15], $0x400  }
0x269: {  	[sflag:s15] =	ssyncset.done $0x0  }
0x26a: {  	[sflag:s15] =	ssyncadd.s32 $0xFFFFFC00  }
0x26b: {  	_ =	swait.ge [sflag:s15], $0x400  }
0x26c: {  	[sflag:s15] =	ssyncset.done $0x0  }
0x26d: {  	[sflag:s15] =	ssyncadd.s32 $0xFFFFFC00  }
0x26e: {  	_ =	swait.ge [sflag:s15], $0x400  }
0x26f: {  	s26 =	sadd.s32 $0x1, s26;
	[sflag:s15] =	ssyncset.done $0x0  }
0x270: {  	p0 =	sne.s32 s26, $0x20;
	[sflag:s15] =	ssyncadd.s32 $0xFFFFFC00  }
.Ltmp7:
0x271: {  	_ =	swait.ge [sflag:s15], $0x400;
	(pc) =	sbr.rel @p0 .LBB2_6-.Ltmp7, $3  }
0x272: {  	[sflag:s15] =	ssyncset.done $0x0  }
0x273: {  	[sflag:s15] =	ssyncadd.s32 $0xFFFFFC00  }
0x274: {  	[bflag:$0x0] =	sbarrier.arrive $0xFFFF;
	_ =	sdelay $0x1  }
0x275: {  	s6 =	sld [smem:$0x7E5]  }
0x276: {  	s4 =	sld [smem:$0x7F5];
	_ =	sdelay $0x1  }
0x277: {  	s6 =	sadd.s32 $0x1, s6  }
0x278: {  	p0 =	sne.s32 s6, s4  }
.Ltmp8:
0x279: {  	_ = 	snop;
	(pc) =	sbr.rel @p0 .LBB2_1-.Ltmp8, $1  }
0x27a: {  	_ =	sdelay $0x3  }
0x27b: {  	_ =	sfence.sel $0x180000  }
0x27c: {  	[bflag:$0x0] =	sbarrier.arrive $0xFFFF  }
0x27d: {  	_ =	strace $0x90000047  }
0x27e: {  	s0 =	stileid.u32;
	[bflag:$0x2] =	sbarrier.arrive $0xFFFF  }
0x27f: {  	p0 =	sne.s32 s0, $0x0;
	s0 =	rddreg [dreg:$0x3]  }
0x280: {  	s0 =	sadd.s32 @!p0 $0x100000, s0  }
0x281: {  	[sflag:s0] =	ssyncadd.tile.s32 @!p0 $0x1;
	_ =	shalt  }
.Lfunc_end2:
_tile_overlayer_lowered:
.L_overlay_start_2:
0x282: {  	(tag) =	ssettag $0x2  }
0x283: {  	s0 =	rddreg [dreg:$0x0];
	s2 =	stileid.u32  }
0x284: {  	s1 =	rddreg [dreg:$0x1];
	p0 =	sne.s32 s2, $0x0  }
0x285: {  	s3 =	rddreg [dreg:$0x2];
	[bflag:$0x3] =	sbarrier.arrive $0xFFFF;
	s2 =	simm.s32 @!p0 $0x1C02  }
0x286: {  	[timem:s3], [sflag:s2] =	dma.local @!p0 [hbm:s0], s1  }
0x287: {  	s0 =	simm.s32 @!p0 $0x2  }
0x288: {  	_ =	swait.ge @!p0 [sflag:s0], s1  }
0x289: {  	s1 =	ssub.s32 @!p0 $0x0, s1;
	[sflag:s0] =	ssyncset.done @!p0 $0x0  }
0x28a: {  	[sflag:s0] =	ssyncadd.s32 @!p0 s1  }
0x28b: {  	[bflag:$0x3] =	sbarrier.arrive $0xFFFF  }
0x28c: {  	_ =	shalt  }

</sc_bundles>
